<compile_context>
chip_gen: v7x
topology: tpu7x:2x2x1
jax: 0.10.2.dev20260603
libtpu: 0.0.44.dev20260713+nightly
codegen_flags: <defaults>
</compile_context>

<pallas_src>
import jax
import jax.numpy as jnp
from jax import lax
from jax.experimental import pallas as pl
from jax.experimental.pallas import tpu as pltpu
from jax.experimental.pallas import tpu_sc as plsc

N_NODES = 10000
N_EDGES = 320000
D = 128
N_ETYPES = 8

NUM_WORKERS = 32
EPW = N_EDGES // NUM_WORKERS
CHUNK = 80
NUM_CHUNKS = EPW // CHUNK
GROUPS = CHUNK // 16

TC_ROWS = 2000


def _pack_block(x):
    bits = lax.bitcast_convert_type(x, jnp.uint32)
    h16 = (bits + 0x7FFF + ((bits >> 16) & 1)) >> 16
    packed = lax.bitcast_convert_type(
        h16[:, :64] | (h16[:, 64:] << 16), jnp.int32)
    return jnp.concatenate([packed, jnp.zeros_like(packed)], axis=1)


def _tc_premul_body(h_ref, rel_ref, out_ref):
    r = pl.program_id(0)
    out_ref[...] = _pack_block(h_ref[...] * rel_ref[pl.ds(r, 1), :])


def _build_tables(h, rel_weight):
    nb = N_NODES // TC_ROWS
    relx = jnp.concatenate(
        [rel_weight, jnp.ones((1, D), jnp.float32)], axis=0)
    return pl.pallas_call(
        _tc_premul_body,
        out_shape=jax.ShapeDtypeStruct(((N_ETYPES + 1) * N_NODES, D), jnp.int32),
        grid=(N_ETYPES + 1, nb),
        in_specs=[
            pl.BlockSpec((TC_ROWS, D), lambda r, b: (b, 0)),
            pl.BlockSpec((N_ETYPES + 1, D), lambda r, b: (0, 0)),
        ],
        out_specs=pl.BlockSpec((TC_ROWS, D), lambda r, b, _nb=nb: (r * _nb + b, 0)),
    )(h, relx)


W32 = D // 2


def _sc_body(ht_hbm, u_hbm, v_hbm, et_hbm, out_hbm,
             idx_u, idx_v, et_v, rows_u, rows_v, out_v,
             sem_u, sem_v):
    cid = lax.axis_index("c")
    sid = lax.axis_index("s")
    wid = sid * 2 + cid
    wbase = wid * EPW

    pltpu.sync_copy(u_hbm.at[pl.ds(wbase, EPW)], idx_u)
    pltpu.sync_copy(v_hbm.at[pl.ds(wbase, EPW)], idx_v)
    pltpu.sync_copy(et_hbm.at[pl.ds(wbase, EPW)], et_v)

    def idx_body(g, carry):
        sl = pl.ds(g * 16, 16)
        idx_u[sl] = et_v[sl] * N_NODES + idx_u[sl]
        idx_v[sl] = idx_v[sl] + N_ETYPES * N_NODES
        return carry

    lax.fori_loop(0, EPW // 16, idx_body, 0)

    def issue(i, b):
        pltpu.async_copy(ht_hbm.at[idx_u.at[pl.ds(i * CHUNK, CHUNK)]],
                         rows_u.at[b], sem_u.at[b])
        pltpu.async_copy(ht_hbm.at[idx_v.at[pl.ds(i * CHUNK, CHUNK)]],
                         rows_v.at[b], sem_v.at[b])

    def wait(b):
        dummy = ht_hbm.at[pl.ds(0, CHUNK)]
        pltpu.make_async_copy(dummy, rows_u.at[b], sem_u.at[b]).wait()
        pltpu.make_async_copy(dummy, rows_v.at[b], sem_v.at[b]).wait()

    zeros16 = jnp.zeros((16,), jnp.float32)
    zeros16i = jnp.zeros((16,), jnp.int32)

    def compute(i, b):

        @plsc.parallel_loop(0, GROUPS)
        def group_body(g):
            base = i * CHUNK + g * 16
            out_v[pl.ds(base, 16)] = zeros16
            gb = zeros16i + base
            for k in range(16):
                e = g * 16 + k
                acc = None
                for j in range(D // 32):
                    sl = pl.ds(j * 16, 16)
                    pu = plsc.bitcast(rows_u[b, e, sl], jnp.bfloat16)
                    pv = plsc.bitcast(rows_v[b, e, sl], jnp.bfloat16)
                    pr = pu * pv
                    acc = pr if acc is None else acc + pr
                pa, pb = plsc.unpack(acc, format=plsc.PackFormat.INTERLEAVED)
                plsc.addupdate_scatter(out_v, [gb + k], pa + pb)

    issue(0, 0)

    def pair_body(p, carry):
        i = p * 2
        wait(0)
        issue(i + 1, 1)
        compute(i, 0)
        wait(1)

        @pl.when(i + 2 < NUM_CHUNKS)
        def _():
            issue(i + 2, 0)

        compute(i + 1, 1)
        return carry

    lax.fori_loop(0, NUM_CHUNKS // 2, pair_body, 0)
    wait(0)
    compute(NUM_CHUNKS - 1, 0)

    @plsc.parallel_loop(0, EPW // 16)
    def sig_body(g):
        x = out_v[pl.ds(g * 16, 16)]
        out_v[pl.ds(g * 16, 16)] = 1.0 / (1.0 + jnp.exp(-x))
    pltpu.sync_copy(out_v, out_hbm.at[pl.ds(wbase, EPW)])


@jax.jit
def _dist_mul_sc(h, u, v, etype, rel_weight):
    ht = _build_tables(h, rel_weight)
    mesh = plsc.VectorSubcoreMesh(core_axis_name="c", subcore_axis_name="s")
    return pl.kernel(
        _sc_body,
        out_type=jax.ShapeDtypeStruct((N_EDGES,), jnp.float32),
        mesh=mesh,
        scratch_types=[
            pltpu.VMEM((EPW,), jnp.int32),
            pltpu.VMEM((EPW,), jnp.int32),
            pltpu.VMEM((EPW,), jnp.int32),
            pltpu.VMEM((2, CHUNK, D), jnp.int32),
            pltpu.VMEM((2, CHUNK, D), jnp.int32),
            pltpu.VMEM((EPW,), jnp.float32),
            pltpu.SemaphoreType.DMA((2,)),
            pltpu.SemaphoreType.DMA((2,)),
        ],
        compiler_params=pltpu.CompilerParams(needs_layout_passes=False),
    )(ht, u, v, etype)


def kernel(h, u, v, etype, rel_weight):
    u = u.astype(jnp.int32)
    v = v.astype(jnp.int32)
    etype = etype.astype(jnp.int32)
    return _dist_mul_sc(h, u, v, etype, rel_weight)

# --- scband reference (transcript-rebuilt; emitter-appended) ---
"""Pipeline reference for scband-dist-mul-17815524343862 (READ-ONLY COPY).

The authoritative reference and input builder live on the scoring server;
editing this copy changes nothing except your own understanding.
"""

import jax, jax.numpy as jnp
import numpy as np

N_NODES = 10000
N_EDGES = 320000
D = 128
N_ETYPES = 8


def setup_inputs(seed: int = 0) -> dict:
    key = jax.random.key(seed)
    k1, k2, k3, k4, k5 = jax.random.split(key, 5)
    h = jax.random.normal(k1, (N_NODES, D), dtype=jnp.float32)
    u = jax.random.randint(k2, (N_EDGES,), 0, N_NODES, dtype=jnp.int64) if jax.config.jax_enable_x64 else jax.random.randint(k2, (N_EDGES,), 0, N_NODES).astype(jnp.int32)
    v = jax.random.randint(k3, (N_EDGES,), 0, N_NODES).astype(u.dtype)
    etype = jax.random.randint(k4, (N_EDGES,), 0, N_ETYPES).astype(u.dtype)
    # xavier_normal_ with gain=calculate_gain('relu')=sqrt(2)
    gain = np.sqrt(2.0)
    std = gain * np.sqrt(2.0 / (N_ETYPES + D))
    rel_weight = jax.random.normal(k5, (N_ETYPES, D), dtype=jnp.float32) * std
    return {"h": h, "u": u, "v": v, "etype": etype, "rel_weight": rel_weight}


def reference(h, u, v, etype, rel_weight):
    # DistMul decoder: score(u, r, v) = sigmoid( sum_d h[u,d] * W[r,d] * h[v,d] )
    emb_u = jnp.take(h, u, axis=0)              # gather [E, D]
    emb_v = jnp.take(h, v, axis=0)              # gather [E, D]
    rel = jnp.take(rel_weight, etype, axis=0)   # gather [E, D]
    res = jnp.sum(emb_u * rel * emb_v, axis=1)  # [E]
    res = jax.nn.sigmoid(res)
    return res

if __name__ == "__main__":
    import jax
    _d = setup_inputs()
    print(jax.jit(kernel)(*tuple(_d.values())))

</pallas_src>

<mosaic_0001>
#map = affine_map<(d0, d1) -> (0, 0)>
#map1 = affine_map<(d0, d1) -> (0)>
module attributes {stable_mosaic.version = 14 : i64} {
  func.func @_sc_body(%arg0: i32, %arg1: i32, %arg2: memref<90000x128xi32, #tpu.memory_space<hbm>>, %arg3: memref<320000xi32, #tpu.memory_space<hbm>>, %arg4: memref<320000xi32, #tpu.memory_space<hbm>>, %arg5: memref<320000xi32, #tpu.memory_space<hbm>>, %arg6: memref<320000xf32, #tpu.memory_space<hbm>>, %arg7: memref<10000xi32, #tpu.memory_space<vmem>>, %arg8: memref<10000xi32, #tpu.memory_space<vmem>>, %arg9: memref<10000xi32, #tpu.memory_space<vmem>>, %arg10: memref<2x80x128xi32, #tpu.memory_space<vmem>>, %arg11: memref<2x80x128xi32, #tpu.memory_space<vmem>>, %arg12: memref<10000xf32, #tpu.memory_space<vmem>>, %arg13: memref<2x!tpu.dma_semaphore, #tpu.memory_space<semaphore_mem>>, %arg14: memref<2x!tpu.dma_semaphore, #tpu.memory_space<semaphore_mem>>) attributes {dimension_semantics = [#tpu.dimension_semantics<core_parallel>, #tpu.dimension_semantics<subcore_parallel>], iteration_bounds = array<i64: 2, 16>, scalar_prefetch = 0 : i64, scratch_operands = 8 : i64, tpu.core_type = #tpu.core_type<sc_vector_subcore>, window_params = [{transform_indices = #map}, {transform_indices = #map1}, {transform_indices = #map1}, {transform_indices = #map1}, {transform_indices = #map1}]} {
    %mul3A = arith.constant 2 : i32
    %mul3A_0 = arith.muli %arg1, %mul3A : i32
    %add3A = arith.addi %mul3A_0, %arg0 : i32
    %mul3A_1 = arith.constant 10000 : i32
    %mul3A_2 = arith.muli %add3A, %mul3A_1 : i32
    "tpu.region"() ({
      %run_scoped3A = tpu.sem_alloc : memref<!tpu.dma_semaphore, #tpu.memory_space<semaphore_mem>>
      %dma_start3A_82 = tpu.memref_slice %arg3[%mul3A_2] : memref<320000xi32, #tpu.memory_space<hbm>> -> memref<10000xi32, #tpu.memory_space<hbm>>
      %dma_start3A_83 = tpu.memref_slice %arg3[%mul3A_2] : memref<320000xi32, #tpu.memory_space<hbm>> -> memref<10000xi32, #tpu.memory_space<hbm>>
      tpu.enqueue_dma source(%dma_start3A_83 : memref<10000xi32, #tpu.memory_space<hbm>>) target(%arg7 : memref<10000xi32, #tpu.memory_space<vmem>>) target_semaphore(%run_scoped3A : memref<!tpu.dma_semaphore, #tpu.memory_space<semaphore_mem>>)
      %dma_wait3A_84 = tpu.memref_slice %arg3[%mul3A_2] : memref<320000xi32, #tpu.memory_space<hbm>> -> memref<10000xi32, #tpu.memory_space<hbm>>
      %dma_wait3A_85 = tpu.memref_slice %arg3[%mul3A_2] : memref<320000xi32, #tpu.memory_space<hbm>> -> memref<10000xi32, #tpu.memory_space<hbm>>
      tpu.wait_dma2 semaphore(%run_scoped3A : memref<!tpu.dma_semaphore, #tpu.memory_space<semaphore_mem>>) src(%dma_wait3A_85 : memref<10000xi32, #tpu.memory_space<hbm>>) dst(%arg7 : memref<10000xi32, #tpu.memory_space<vmem>>)
      tpu.yield
    }) : () -> ()
    "tpu.region"() ({
      %run_scoped3A = tpu.sem_alloc : memref<!tpu.dma_semaphore, #tpu.memory_space<semaphore_mem>>
      %dma_start3A_82 = tpu.memref_slice %arg4[%mul3A_2] : memref<320000xi32, #tpu.memory_space<hbm>> -> memref<10000xi32, #tpu.memory_space<hbm>>
      %dma_start3A_83 = tpu.memref_slice %arg4[%mul3A_2] : memref<320000xi32, #tpu.memory_space<hbm>> -> memref<10000xi32, #tpu.memory_space<hbm>>
      tpu.enqueue_dma source(%dma_start3A_83 : memref<10000xi32, #tpu.memory_space<hbm>>) target(%arg8 : memref<10000xi32, #tpu.memory_space<vmem>>) target_semaphore(%run_scoped3A : memref<!tpu.dma_semaphore, #tpu.memory_space<semaphore_mem>>)
      %dma_wait3A_84 = tpu.memref_slice %arg4[%mul3A_2] : memref<320000xi32, #tpu.memory_space<hbm>> -> memref<10000xi32, #tpu.memory_space<hbm>>
      %dma_wait3A_85 = tpu.memref_slice %arg4[%mul3A_2] : memref<320000xi32, #tpu.memory_space<hbm>> -> memref<10000xi32, #tpu.memory_space<hbm>>
      tpu.wait_dma2 semaphore(%run_scoped3A : memref<!tpu.dma_semaphore, #tpu.memory_space<semaphore_mem>>) src(%dma_wait3A_85 : memref<10000xi32, #tpu.memory_space<hbm>>) dst(%arg8 : memref<10000xi32, #tpu.memory_space<vmem>>)
      tpu.yield
    }) : () -> ()
    "tpu.region"() ({
      %run_scoped3A = tpu.sem_alloc : memref<!tpu.dma_semaphore, #tpu.memory_space<semaphore_mem>>
      %dma_start3A_82 = tpu.memref_slice %arg5[%mul3A_2] : memref<320000xi32, #tpu.memory_space<hbm>> -> memref<10000xi32, #tpu.memory_space<hbm>>
      %dma_start3A_83 = tpu.memref_slice %arg5[%mul3A_2] : memref<320000xi32, #tpu.memory_space<hbm>> -> memref<10000xi32, #tpu.memory_space<hbm>>
      tpu.enqueue_dma source(%dma_start3A_83 : memref<10000xi32, #tpu.memory_space<hbm>>) target(%arg9 : memref<10000xi32, #tpu.memory_space<vmem>>) target_semaphore(%run_scoped3A : memref<!tpu.dma_semaphore, #tpu.memory_space<semaphore_mem>>)
      %dma_wait3A_84 = tpu.memref_slice %arg5[%mul3A_2] : memref<320000xi32, #tpu.memory_space<hbm>> -> memref<10000xi32, #tpu.memory_space<hbm>>
      %dma_wait3A_85 = tpu.memref_slice %arg5[%mul3A_2] : memref<320000xi32, #tpu.memory_space<hbm>> -> memref<10000xi32, #tpu.memory_space<hbm>>
      tpu.wait_dma2 semaphore(%run_scoped3A : memref<!tpu.dma_semaphore, #tpu.memory_space<semaphore_mem>>) src(%dma_wait3A_85 : memref<10000xi32, #tpu.memory_space<hbm>>) dst(%arg9 : memref<10000xi32, #tpu.memory_space<vmem>>)
      tpu.yield
    }) : () -> ()
    %scan3A = arith.constant 0 : i32
    %scan3A_3 = arith.constant 0 : i32
    %scan3A_4 = arith.constant 625 : i32
    %scan3A_5 = arith.addi %scan3A_3, %scan3A_4 : i32
    %scan3A_6 = arith.constant 1 : i32
    scf.for %scan3A_82 = %scan3A_3 to %scan3A_5 step %scan3A_6  : i32 {
      %mul3A_83 = arith.constant 16 : i32
      %mul3A_84 = arith.muli %scan3A_82, %mul3A_83 : i32
      %get3A = arith.index_cast %mul3A_84 : i32 to index
      %get3A_85 = tpu.vector_load %arg9[%get3A] {strides = array<i32>} : memref<10000xi32, #tpu.memory_space<vmem>>, vector<16xi32>,
      %mul3A_86 = arith.constant 10000 : i32
      %mul3A_87 = vector.broadcast %mul3A_86 : i32 to vector<16xi32>
      %mul3A_88 = arith.muli %get3A_85, %mul3A_87 : vector<16xi32>
      %get3A_89 = arith.index_cast %mul3A_84 : i32 to index
      %get3A_90 = tpu.vector_load %arg7[%get3A_89] {strides = array<i32>} : memref<10000xi32, #tpu.memory_space<vmem>>, vector<16xi32>,
      %add3A_91 = arith.addi %mul3A_88, %get3A_90 : vector<16xi32>
      %swap3A = arith.index_cast %mul3A_84 : i32 to index
      %swap3A_92 = tpu.vector_load %arg7[%swap3A] {strides = array<i32>} : memref<10000xi32, #tpu.memory_space<vmem>>, vector<16xi32>,
      tpu.vector_store %arg7[%swap3A], %add3A_91 {strides = array<i32>} : memref<10000xi32, #tpu.memory_space<vmem>>, vector<16xi32>,
      %get3A_93 = arith.index_cast %mul3A_84 : i32 to index
      %get3A_94 = tpu.vector_load %arg8[%get3A_93] {strides = array<i32>} : memref<10000xi32, #tpu.memory_space<vmem>>, vector<16xi32>,
      %add3A_95 = arith.constant 80000 : i32
      %add3A_96 = vector.broadcast %add3A_95 : i32 to vector<16xi32>
      %add3A_97 = arith.addi %get3A_94, %add3A_96 : vector<16xi32>
      %swap3A_98 = arith.index_cast %mul3A_84 : i32 to index
      %swap3A_99 = tpu.vector_load %arg8[%swap3A_98] {strides = array<i32>} : memref<10000xi32, #tpu.memory_space<vmem>>, vector<16xi32>,
      tpu.vector_store %arg8[%swap3A_98], %add3A_97 {strides = array<i32>} : memref<10000xi32, #tpu.memory_space<vmem>>, vector<16xi32>,
    }
    %scan3A_7 = arith.constant 625 : i32
    %broadcast_in_dim3A = arith.constant 0.000000e+00 : f32
    %broadcast_in_dim3A_8 = vector.broadcast %broadcast_in_dim3A : f32 to vector<16xf32>
    %broadcast_in_dim3A_9 = arith.constant 0 : i32
    %broadcast_in_dim3A_10 = vector.broadcast %broadcast_in_dim3A_9 : i32 to vector<16xi32>
    %dma_start3A = arith.constant 0 : i32
    %dma_start3A_11 = arith.constant 0 : i32
    %dma_start3A_12 = arith.constant 0 : i32
    %dma_start3A_13 = arith.constant 0 : i32
    %dma_start3A_14 = tpu.memref_slice %arg10[%dma_start3A, %dma_start3A_12, %dma_start3A_13] : memref<2x80x128xi32, #tpu.memory_space<vmem>> -> memref<1x80x128xi32, #tpu.memory_space<vmem>>
    %dma_start3A_15 = tpu.memref_squeeze %dma_start3A_14 : memref<1x80x128xi32, #tpu.memory_space<vmem>> -> memref<80x128xi32, #tpu.memory_space<vmem>>
    %dma_start3A_16 = arith.constant 0 : i32
    %dma_start3A_17 = tpu.memref_slice %arg7[%dma_start3A_16] : memref<10000xi32, #tpu.memory_space<vmem>> -> memref<80xi32, #tpu.memory_space<vmem>>
    %dma_start3A_18 = arith.constant 0 : i32
    %dma_start3A_19 = arith.constant 0 : i32
    %dma_start3A_20 = tpu.memref_slice %arg2[%dma_start3A_18, %dma_start3A_19] : memref<90000x128xi32, #tpu.memory_space<hbm>> -> memref<90000x128xi32, #tpu.memory_space<hbm>>
    %dma_start3A_21 = tpu.memref_slice %arg13[%dma_start3A_11] : memref<2x!tpu.dma_semaphore, #tpu.memory_space<semaphore_mem>> -> memref<1x!tpu.dma_semaphore, #tpu.memory_space<semaphore_mem>>
    %dma_start3A_22 = tpu.memref_squeeze %dma_start3A_21 : memref<1x!tpu.dma_semaphore, #tpu.memory_space<semaphore_mem>> -> memref<!tpu.dma_semaphore, #tpu.memory_space<semaphore_mem>>
    tpu.enqueue_indirect_dma source(%dma_start3A_20 : memref<90000x128xi32, #tpu.memory_space<hbm>>) target(%dma_start3A_15 : memref<80x128xi32, #tpu.memory_space<vmem>>) offsets(%dma_start3A_17 : memref<80xi32, #tpu.memory_space<vmem>>) semaphore(%dma_start3A_22 : memref<!tpu.dma_semaphore, #tpu.memory_space<semaphore_mem>>)
    %dma_start3A_23 = arith.constant 0 : i32
    %dma_start3A_24 = arith.constant 0 : i32
    %dma_start3A_25 = arith.constant 0 : i32
    %dma_start3A_26 = arith.constant 0 : i32
    %dma_start3A_27 = tpu.memref_slice %arg11[%dma_start3A_23, %dma_start3A_25, %dma_start3A_26] : memref<2x80x128xi32, #tpu.memory_space<vmem>> -> memref<1x80x128xi32, #tpu.memory_space<vmem>>
    %dma_start3A_28 = tpu.memref_squeeze %dma_start3A_27 : memref<1x80x128xi32, #tpu.memory_space<vmem>> -> memref<80x128xi32, #tpu.memory_space<vmem>>
    %dma_start3A_29 = arith.constant 0 : i32
    %dma_start3A_30 = tpu.memref_slice %arg8[%dma_start3A_29] : memref<10000xi32, #tpu.memory_space<vmem>> -> memref<80xi32, #tpu.memory_space<vmem>>
    %dma_start3A_31 = arith.constant 0 : i32
    %dma_start3A_32 = arith.constant 0 : i32
    %dma_start3A_33 = tpu.memref_slice %arg2[%dma_start3A_31, %dma_start3A_32] : memref<90000x128xi32, #tpu.memory_space<hbm>> -> memref<90000x128xi32, #tpu.memory_space<hbm>>
    %dma_start3A_34 = tpu.memref_slice %arg14[%dma_start3A_24] : memref<2x!tpu.dma_semaphore, #tpu.memory_space<semaphore_mem>> -> memref<1x!tpu.dma_semaphore, #tpu.memory_space<semaphore_mem>>
    %dma_start3A_35 = tpu.memref_squeeze %dma_start3A_34 : memref<1x!tpu.dma_semaphore, #tpu.memory_space<semaphore_mem>> -> memref<!tpu.dma_semaphore, #tpu.memory_space<semaphore_mem>>
    tpu.enqueue_indirect_dma source(%dma_start3A_33 : memref<90000x128xi32, #tpu.memory_space<hbm>>) target(%dma_start3A_28 : memref<80x128xi32, #tpu.memory_space<vmem>>) offsets(%dma_start3A_30 : memref<80xi32, #tpu.memory_space<vmem>>) semaphore(%dma_start3A_35 : memref<!tpu.dma_semaphore, #tpu.memory_space<semaphore_mem>>)
    %scan3A_36 = arith.constant 0 : i32
    %scan3A_37 = arith.constant 0 : i32
    %scan3A_38 = arith.constant 62 : i32
    %scan3A_39 = arith.addi %scan3A_37, %scan3A_38 : i32
    %scan3A_40 = arith.constant 1 : i32
    scf.for %scan3A_82 = %scan3A_37 to %scan3A_39 step %scan3A_40  : i32 {
      %mul3A_83 = arith.constant 2 : i32
      %mul3A_84 = arith.muli %scan3A_82, %mul3A_83 : i32
      %dma_wait3A_85 = arith.constant 0 : i32
      %dma_wait3A_86 = arith.constant 0 : i32
      %dma_wait3A_87 = arith.constant 0 : i32
      %dma_wait3A_88 = arith.constant 0 : i32
      %dma_wait3A_89 = tpu.memref_slice %arg10[%dma_wait3A_85, %dma_wait3A_87, %dma_wait3A_88] : memref<2x80x128xi32, #tpu.memory_space<vmem>> -> memref<1x80x128xi32, #tpu.memory_space<vmem>>
      %dma_wait3A_90 = tpu.memref_squeeze %dma_wait3A_89 : memref<1x80x128xi32, #tpu.memory_space<vmem>> -> memref<80x128xi32, #tpu.memory_space<vmem>>
      %dma_wait3A_91 = arith.constant 0 : i32
      %dma_wait3A_92 = arith.constant 0 : i32
      %dma_wait3A_93 = tpu.memref_slice %arg2[%dma_wait3A_91, %dma_wait3A_92] : memref<90000x128xi32, #tpu.memory_space<hbm>> -> memref<80x128xi32, #tpu.memory_space<hbm>>
      %dma_wait3A_94 = tpu.memref_slice %arg13[%dma_wait3A_86] : memref<2x!tpu.dma_semaphore, #tpu.memory_space<semaphore_mem>> -> memref<1x!tpu.dma_semaphore, #tpu.memory_space<semaphore_mem>>
      %dma_wait3A_95 = tpu.memref_squeeze %dma_wait3A_94 : memref<1x!tpu.dma_semaphore, #tpu.memory_space<semaphore_mem>> -> memref<!tpu.dma_semaphore, #tpu.memory_space<semaphore_mem>>
      %dma_wait3A_96 = arith.constant 0 : i32
      %dma_wait3A_97 = arith.constant 0 : i32
      %dma_wait3A_98 = tpu.memref_slice %arg10[%dma_wait3A_85, %dma_wait3A_96, %dma_wait3A_97] : memref<2x80x128xi32, #tpu.memory_space<vmem>> -> memref<1x80x128xi32, #tpu.memory_space<vmem>>
      %dma_wait3A_99 = tpu.memref_squeeze %dma_wait3A_98 : memref<1x80x128xi32, #tpu.memory_space<vmem>> -> memref<80x128xi32, #tpu.memory_space<vmem>>
      %dma_wait3A_100 = arith.constant 0 : i32
      %dma_wait3A_101 = arith.constant 0 : i32
      %dma_wait3A_102 = tpu.memref_slice %arg2[%dma_wait3A_100, %dma_wait3A_101] : memref<90000x128xi32, #tpu.memory_space<hbm>> -> memref<80x128xi32, #tpu.memory_space<hbm>>
      tpu.wait_dma2 semaphore(%dma_wait3A_95 : memref<!tpu.dma_semaphore, #tpu.memory_space<semaphore_mem>>) src(%dma_wait3A_102 : memref<80x128xi32, #tpu.memory_space<hbm>>) dst(%dma_wait3A_99 : memref<80x128xi32, #tpu.memory_space<vmem>>)
      %dma_wait3A_103 = arith.constant 0 : i32
      %dma_wait3A_104 = arith.constant 0 : i32
      %dma_wait3A_105 = arith.constant 0 : i32
      %dma_wait3A_106 = arith.constant 0 : i32
      %dma_wait3A_107 = tpu.memref_slice %arg11[%dma_wait3A_103, %dma_wait3A_105, %dma_wait3A_106] : memref<2x80x128xi32, #tpu.memory_space<vmem>> -> memref<1x80x128xi32, #tpu.memory_space<vmem>>
      %dma_wait3A_108 = tpu.memref_squeeze %dma_wait3A_107 : memref<1x80x128xi32, #tpu.memory_space<vmem>> -> memref<80x128xi32, #tpu.memory_space<vmem>>
      %dma_wait3A_109 = arith.constant 0 : i32
      %dma_wait3A_110 = arith.constant 0 : i32
      %dma_wait3A_111 = tpu.memref_slice %arg2[%dma_wait3A_109, %dma_wait3A_110] : memref<90000x128xi32, #tpu.memory_space<hbm>> -> memref<80x128xi32, #tpu.memory_space<hbm>>
      %dma_wait3A_112 = tpu.memref_slice %arg14[%dma_wait3A_104] : memref<2x!tpu.dma_semaphore, #tpu.memory_space<semaphore_mem>> -> memref<1x!tpu.dma_semaphore, #tpu.memory_space<semaphore_mem>>
      %dma_wait3A_113 = tpu.memref_squeeze %dma_wait3A_112 : memref<1x!tpu.dma_semaphore, #tpu.memory_space<semaphore_mem>> -> memref<!tpu.dma_semaphore, #tpu.memory_space<semaphore_mem>>
      %dma_wait3A_114 = arith.constant 0 : i32
      %dma_wait3A_115 = arith.constant 0 : i32
      %dma_wait3A_116 = tpu.memref_slice %arg11[%dma_wait3A_103, %dma_wait3A_114, %dma_wait3A_115] : memref<2x80x128xi32, #tpu.memory_space<vmem>> -> memref<1x80x128xi32, #tpu.memory_space<vmem>>
      %dma_wait3A_117 = tpu.memref_squeeze %dma_wait3A_116 : memref<1x80x128xi32, #tpu.memory_space<vmem>> -> memref<80x128xi32, #tpu.memory_space<vmem>>
      %dma_wait3A_118 = arith.constant 0 : i32
      %dma_wait3A_119 = arith.constant 0 : i32
      %dma_wait3A_120 = tpu.memref_slice %arg2[%dma_wait3A_118, %dma_wait3A_119] : memref<90000x128xi32, #tpu.memory_space<hbm>> -> memref<80x128xi32, #tpu.memory_space<hbm>>
      tpu.wait_dma2 semaphore(%dma_wait3A_113 : memref<!tpu.dma_semaphore, #tpu.memory_space<semaphore_mem>>) src(%dma_wait3A_120 : memref<80x128xi32, #tpu.memory_space<hbm>>) dst(%dma_wait3A_117 : memref<80x128xi32, #tpu.memory_space<vmem>>)
      %add3A_121 = arith.constant 1 : i32
      %add3A_122 = arith.addi %mul3A_84, %add3A_121 : i32
      %mul3A_123 = arith.constant 80 : i32
      %mul3A_124 = arith.muli %add3A_122, %mul3A_123 : i32
      %dma_start3A_125 = arith.constant 1 : i32
      %dma_start3A_126 = arith.constant 1 : i32
      %dma_start3A_127 = arith.constant 0 : i32
      %dma_start3A_128 = arith.constant 0 : i32
      %dma_start3A_129 = tpu.memref_slice %arg10[%dma_start3A_125, %dma_start3A_127, %dma_start3A_128] : memref<2x80x128xi32, #tpu.memory_space<vmem>> -> memref<1x80x128xi32, #tpu.memory_space<vmem>>
      %dma_start3A_130 = tpu.memref_squeeze %dma_start3A_129 : memref<1x80x128xi32, #tpu.memory_space<vmem>> -> memref<80x128xi32, #tpu.memory_space<vmem>>
      %dma_start3A_131 = tpu.memref_slice %arg7[%mul3A_124] : memref<10000xi32, #tpu.memory_space<vmem>> -> memref<80xi32, #tpu.memory_space<vmem>>
      %dma_start3A_132 = arith.constant 0 : i32
      %dma_start3A_133 = arith.constant 0 : i32
      %dma_start3A_134 = tpu.memref_slice %arg2[%dma_start3A_132, %dma_start3A_133] : memref<90000x128xi32, #tpu.memory_space<hbm>> -> memref<90000x128xi32, #tpu.memory_space<hbm>>
      %dma_start3A_135 = tpu.memref_slice %arg13[%dma_start3A_126] : memref<2x!tpu.dma_semaphore, #tpu.memory_space<semaphore_mem>> -> memref<1x!tpu.dma_semaphore, #tpu.memory_space<semaphore_mem>>
      %dma_start3A_136 = tpu.memref_squeeze %dma_start3A_135 : memref<1x!tpu.dma_semaphore, #tpu.memory_space<semaphore_mem>> -> memref<!tpu.dma_semaphore, #tpu.memory_space<semaphore_mem>>
      tpu.enqueue_indirect_dma source(%dma_start3A_134 : memref<90000x128xi32, #tpu.memory_space<hbm>>) target(%dma_start3A_130 : memref<80x128xi32, #tpu.memory_space<vmem>>) offsets(%dma_start3A_131 : memref<80xi32, #tpu.memory_space<vmem>>) semaphore(%dma_start3A_136 : memref<!tpu.dma_semaphore, #tpu.memory_space<semaphore_mem>>)
      %mul3A_137 = arith.constant 80 : i32
      %mul3A_138 = arith.muli %add3A_122, %mul3A_137 : i32
      %dma_start3A_139 = arith.constant 1 : i32
      %dma_start3A_140 = arith.constant 1 : i32
      %dma_start3A_141 = arith.constant 0 : i32
      %dma_start3A_142 = arith.constant 0 : i32
      %dma_start3A_143 = tpu.memref_slice %arg11[%dma_start3A_139, %dma_start3A_141, %dma_start3A_142] : memref<2x80x128xi32, #tpu.memory_space<vmem>> -> memref<1x80x128xi32, #tpu.memory_space<vmem>>
      %dma_start3A_144 = tpu.memref_squeeze %dma_start3A_143 : memref<1x80x128xi32, #tpu.memory_space<vmem>> -> memref<80x128xi32, #tpu.memory_space<vmem>>
      %dma_start3A_145 = tpu.memref_slice %arg8[%mul3A_138] : memref<10000xi32, #tpu.memory_space<vmem>> -> memref<80xi32, #tpu.memory_space<vmem>>
      %dma_start3A_146 = arith.constant 0 : i32
      %dma_start3A_147 = arith.constant 0 : i32
      %dma_start3A_148 = tpu.memref_slice %arg2[%dma_start3A_146, %dma_start3A_147] : memref<90000x128xi32, #tpu.memory_space<hbm>> -> memref<90000x128xi32, #tpu.memory_space<hbm>>
      %dma_start3A_149 = tpu.memref_slice %arg14[%dma_start3A_140] : memref<2x!tpu.dma_semaphore, #tpu.memory_space<semaphore_mem>> -> memref<1x!tpu.dma_semaphore, #tpu.memory_space<semaphore_mem>>
      %dma_start3A_150 = tpu.memref_squeeze %dma_start3A_149 : memref<1x!tpu.dma_semaphore, #tpu.memory_space<semaphore_mem>> -> memref<!tpu.dma_semaphore, #tpu.memory_space<semaphore_mem>>
      tpu.enqueue_indirect_dma source(%dma_start3A_148 : memref<90000x128xi32, #tpu.memory_space<hbm>>) target(%dma_start3A_144 : memref<80x128xi32, #tpu.memory_space<vmem>>) offsets(%dma_start3A_145 : memref<80xi32, #tpu.memory_space<vmem>>) semaphore(%dma_start3A_150 : memref<!tpu.dma_semaphore, #tpu.memory_space<semaphore_mem>>)
      %parallel_loop3A_151 = arith.constant 0 : i32
      %parallel_loop3A_152 = arith.constant 5 : i32
      %parallel_loop3A_153 = arith.constant 1 : i32
      scf.for %parallel_loop3A_199 = %parallel_loop3A_151 to %parallel_loop3A_152 step %parallel_loop3A_153  : i32 {
        %parallel_loop3A_200 = arith.constant 80 : i32
        %parallel_loop3A_201 = arith.muli %mul3A_84, %parallel_loop3A_200 : i32
        %parallel_loop3A_202 = arith.constant 16 : i32
        %parallel_loop3A_203 = arith.muli %parallel_loop3A_199, %parallel_loop3A_202 : i32
        %parallel_loop3A_204 = arith.addi %parallel_loop3A_201, %parallel_loop3A_203 : i32
        %parallel_loop3A_205 = arith.index_cast %parallel_loop3A_204 : i32 to index
        %parallel_loop3A_206 = tpu.vector_load %arg12[%parallel_loop3A_205] {strides = array<i32>} : memref<10000xf32, #tpu.memory_space<vmem>>, vector<16xf32>,
        tpu.vector_store %arg12[%parallel_loop3A_205], %broadcast_in_dim3A_8 {strides = array<i32>} : memref<10000xf32, #tpu.memory_space<vmem>>, vector<16xf32>,
        %parallel_loop3A_207 = vector.broadcast %parallel_loop3A_204 : i32 to vector<16xi32>
        %parallel_loop3A_208 = arith.addi %broadcast_in_dim3A_10, %parallel_loop3A_207 : vector<16xi32>
        %parallel_loop3A_209 = arith.constant 16 : i32
        %parallel_loop3A_210 = arith.muli %parallel_loop3A_199, %parallel_loop3A_209 : i32
        %parallel_loop3A_211 = arith.constant 0 : i32
        %parallel_loop3A_212 = arith.addi %parallel_loop3A_210, %parallel_loop3A_211 : i32
        %parallel_loop3A_213 = arith.constant 0 : i32
        %parallel_loop3A_214 = arith.index_cast %parallel_loop3A_213 : i32 to index
        %parallel_loop3A_215 = arith.index_cast %parallel_loop3A_212 : i32 to index
        %parallel_loop3A_216 = arith.constant 0 : index
        %parallel_loop3A_217 = tpu.vector_load %arg10[%parallel_loop3A_214, %parallel_loop3A_215, %parallel_loop3A_216] {strides = array<i32>} : memref<2x80x128xi32, #tpu.memory_space<vmem>>, vector<16xi32>,
        %parallel_loop3A_218 = vector.bitcast %parallel_loop3A_217 : vector<16xi32> to vector<32xbf16>
        %parallel_loop3A_219 = arith.constant 0 : i32
        %parallel_loop3A_220 = arith.index_cast %parallel_loop3A_219 : i32 to index
        %parallel_loop3A_221 = arith.index_cast %parallel_loop3A_212 : i32 to index
        %parallel_loop3A_222 = arith.constant 0 : index
        %parallel_loop3A_223 = tpu.vector_load %arg11[%parallel_loop3A_220, %parallel_loop3A_221, %parallel_loop3A_222] {strides = array<i32>} : memref<2x80x128xi32, #tpu.memory_space<vmem>>, vector<16xi32>,
        %parallel_loop3A_224 = vector.bitcast %parallel_loop3A_223 : vector<16xi32> to vector<32xbf16>
        %parallel_loop3A_225 = arith.mulf %parallel_loop3A_218, %parallel_loop3A_224 : vector<32xbf16>
        %parallel_loop3A_226 = arith.constant 0 : i32
        %parallel_loop3A_227 = arith.index_cast %parallel_loop3A_226 : i32 to index
        %parallel_loop3A_228 = arith.index_cast %parallel_loop3A_212 : i32 to index
        %parallel_loop3A_229 = arith.constant 16 : index
        %parallel_loop3A_230 = tpu.vector_load %arg10[%parallel_loop3A_227, %parallel_loop3A_228, %parallel_loop3A_229] {strides = array<i32>} : memref<2x80x128xi32, #tpu.memory_space<vmem>>, vector<16xi32>,
        %parallel_loop3A_231 = vector.bitcast %parallel_loop3A_230 : vector<16xi32> to vector<32xbf16>
        %parallel_loop3A_232 = arith.constant 0 : i32
        %parallel_loop3A_233 = arith.index_cast %parallel_loop3A_232 : i32 to index
        %parallel_loop3A_234 = arith.index_cast %parallel_loop3A_212 : i32 to index
        %parallel_loop3A_235 = arith.constant 16 : index
        %parallel_loop3A_236 = tpu.vector_load %arg11[%parallel_loop3A_233, %parallel_loop3A_234, %parallel_loop3A_235] {strides = array<i32>} : memref<2x80x128xi32, #tpu.memory_space<vmem>>, vector<16xi32>,
        %parallel_loop3A_237 = vector.bitcast %parallel_loop3A_236 : vector<16xi32> to vector<32xbf16>
        %parallel_loop3A_238 = arith.mulf %parallel_loop3A_231, %parallel_loop3A_237 : vector<32xbf16>
        %parallel_loop3A_239 = arith.addf %parallel_loop3A_225, %parallel_loop3A_238 : vector<32xbf16>
        %parallel_loop3A_240 = arith.constant 0 : i32
        %parallel_loop3A_241 = arith.index_cast %parallel_loop3A_240 : i32 to index
        %parallel_loop3A_242 = arith.index_cast %parallel_loop3A_212 : i32 to index
        %parallel_loop3A_243 = arith.constant 32 : index
        %parallel_loop3A_244 = tpu.vector_load %arg10[%parallel_loop3A_241, %parallel_loop3A_242, %parallel_loop3A_243] {strides = array<i32>} : memref<2x80x128xi32, #tpu.memory_space<vmem>>, vector<16xi32>,
        %parallel_loop3A_245 = vector.bitcast %parallel_loop3A_244 : vector<16xi32> to vector<32xbf16>
        %parallel_loop3A_246 = arith.constant 0 : i32
        %parallel_loop3A_247 = arith.index_cast %parallel_loop3A_246 : i32 to index
        %parallel_loop3A_248 = arith.index_cast %parallel_loop3A_212 : i32 to index
        %parallel_loop3A_249 = arith.constant 32 : index
        %parallel_loop3A_250 = tpu.vector_load %arg11[%parallel_loop3A_247, %parallel_loop3A_248, %parallel_loop3A_249] {strides = array<i32>} : memref<2x80x128xi32, #tpu.memory_space<vmem>>, vector<16xi32>,
        %parallel_loop3A_251 = vector.bitcast %parallel_loop3A_250 : vector<16xi32> to vector<32xbf16>
        %parallel_loop3A_252 = arith.mulf %parallel_loop3A_245, %parallel_loop3A_251 : vector<32xbf16>
        %parallel_loop3A_253 = arith.addf %parallel_loop3A_239, %parallel_loop3A_252 : vector<32xbf16>
        %parallel_loop3A_254 = arith.constant 0 : i32
        %parallel_loop3A_255 = arith.index_cast %parallel_loop3A_254 : i32 to index
        %parallel_loop3A_256 = arith.index_cast %parallel_loop3A_212 : i32 to index
        %parallel_loop3A_257 = arith.constant 48 : index
        %parallel_loop3A_258 = tpu.vector_load %arg10[%parallel_loop3A_255, %parallel_loop3A_256, %parallel_loop3A_257] {strides = array<i32>} : memref<2x80x128xi32, #tpu.memory_space<vmem>>, vector<16xi32>,
        %parallel_loop3A_259 = vector.bitcast %parallel_loop3A_258 : vector<16xi32> to vector<32xbf16>
        %parallel_loop3A_260 = arith.constant 0 : i32
        %parallel_loop3A_261 = arith.index_cast %parallel_loop3A_260 : i32 to index
        %parallel_loop3A_262 = arith.index_cast %parallel_loop3A_212 : i32 to index
        %parallel_loop3A_263 = arith.constant 48 : index
        %parallel_loop3A_264 = tpu.vector_load %arg11[%parallel_loop3A_261, %parallel_loop3A_262, %parallel_loop3A_263] {strides = array<i32>} : memref<2x80x128xi32, #tpu.memory_space<vmem>>, vector<16xi32>,
        %parallel_loop3A_265 = vector.bitcast %parallel_loop3A_264 : vector<16xi32> to vector<32xbf16>
        %parallel_loop3A_266 = arith.mulf %parallel_loop3A_259, %parallel_loop3A_265 : vector<32xbf16>
        %parallel_loop3A_267 = arith.addf %parallel_loop3A_253, %parallel_loop3A_266 : vector<32xbf16>
        %parallel_loop3A_268 = tpu.unpack_subelements %parallel_loop3A_267, 0 {pack_format = #tpu.pack_format<interleaved>} : vector<32xbf16> -> vector<16xf32>
        %parallel_loop3A_269 = tpu.unpack_subelements %parallel_loop3A_267, 1 {pack_format = #tpu.pack_format<interleaved>} : vector<32xbf16> -> vector<16xf32>
        %parallel_loop3A_270 = arith.constant 0 : i32
        %parallel_loop3A_271 = vector.broadcast %parallel_loop3A_270 : i32 to vector<16xi32>
        %parallel_loop3A_272 = arith.addi %parallel_loop3A_208, %parallel_loop3A_271 : vector<16xi32>
        %parallel_loop3A_273 = arith.addf %parallel_loop3A_268, %parallel_loop3A_269 : vector<16xf32>
        tpu.vector_store_idx %arg12[%parallel_loop3A_272], %parallel_loop3A_273 {add = true} : memref<10000xf32, #tpu.memory_space<vmem>>[vector<16xi32>], vector<16xf32>,
        %parallel_loop3A_274 = arith.constant 16 : i32
        %parallel_loop3A_275 = arith.muli %parallel_loop3A_199, %parallel_loop3A_274 : i32
        %parallel_loop3A_276 = arith.constant 1 : i32
        %parallel_loop3A_277 = arith.addi %parallel_loop3A_275, %parallel_loop3A_276 : i32
        %parallel_loop3A_278 = arith.constant 0 : i32
        %parallel_loop3A_279 = arith.index_cast %parallel_loop3A_278 : i32 to index
        %parallel_loop3A_280 = arith.index_cast %parallel_loop3A_277 : i32 to index
        %parallel_loop3A_281 = arith.constant 0 : index
        %parallel_loop3A_282 = tpu.vector_load %arg10[%parallel_loop3A_279, %parallel_loop3A_280, %parallel_loop3A_281] {strides = array<i32>} : memref<2x80x128xi32, #tpu.memory_space<vmem>>, vector<16xi32>,
        %parallel_loop3A_283 = vector.bitcast %parallel_loop3A_282 : vector<16xi32> to vector<32xbf16>
        %parallel_loop3A_284 = arith.constant 0 : i32
        %parallel_loop3A_285 = arith.index_cast %parallel_loop3A_284 : i32 to index
        %parallel_loop3A_286 = arith.index_cast %parallel_loop3A_277 : i32 to index
        %parallel_loop3A_287 = arith.constant 0 : index
        %parallel_loop3A_288 = tpu.vector_load %arg11[%parallel_loop3A_285, %parallel_loop3A_286, %parallel_loop3A_287] {strides = array<i32>} : memref<2x80x128xi32, #tpu.memory_space<vmem>>, vector<16xi32>,
        %parallel_loop3A_289 = vector.bitcast %parallel_loop3A_288 : vector<16xi32> to vector<32xbf16>
        %parallel_loop3A_290 = arith.mulf %parallel_loop3A_283, %parallel_loop3A_289 : vector<32xbf16>
        %parallel_loop3A_291 = arith.constant 0 : i32
        %parallel_loop3A_292 = arith.index_cast %parallel_loop3A_291 : i32 to index
        %parallel_loop3A_293 = arith.index_cast %parallel_loop3A_277 : i32 to index
        %parallel_loop3A_294 = arith.constant 16 : index
        %parallel_loop3A_295 = tpu.vector_load %arg10[%parallel_loop3A_292, %parallel_loop3A_293, %parallel_loop3A_294] {strides = array<i32>} : memref<2x80x128xi32, #tpu.memory_space<vmem>>, vector<16xi32>,
        %parallel_loop3A_296 = vector.bitcast %parallel_loop3A_295 : vector<16xi32> to vector<32xbf16>
        %parallel_loop3A_297 = arith.constant 0 : i32
        %parallel_loop3A_298 = arith.index_cast %parallel_loop3A_297 : i32 to index
        %parallel_loop3A_299 = arith.index_cast %parallel_loop3A_277 : i32 to index
        %parallel_loop3A_300 = arith.constant 16 : index
        %parallel_loop3A_301 = tpu.vector_load %arg11[%parallel_loop3A_298, %parallel_loop3A_299, %parallel_loop3A_300] {strides = array<i32>} : memref<2x80x128xi32, #tpu.memory_space<vmem>>, vector<16xi32>,
        %parallel_loop3A_302 = vector.bitcast %parallel_loop3A_301 : vector<16xi32> to vector<32xbf16>
        %parallel_loop3A_303 = arith.mulf %parallel_loop3A_296, %parallel_loop3A_302 : vector<32xbf16>
        %parallel_loop3A_304 = arith.addf %parallel_loop3A_290, %parallel_loop3A_303 : vector<32xbf16>
        %parallel_loop3A_305 = arith.constant 0 : i32
        %parallel_loop3A_306 = arith.index_cast %parallel_loop3A_305 : i32 to index
        %parallel_loop3A_307 = arith.index_cast %parallel_loop3A_277 : i32 to index
        %parallel_loop3A_308 = arith.constant 32 : index
        %parallel_loop3A_309 = tpu.vector_load %arg10[%parallel_loop3A_306, %parallel_loop3A_307, %parallel_loop3A_308] {strides = array<i32>} : memref<2x80x128xi32, #tpu.memory_space<vmem>>, vector<16xi32>,
        %parallel_loop3A_310 = vector.bitcast %parallel_loop3A_309 : vector<16xi32> to vector<32xbf16>
        %parallel_loop3A_311 = arith.constant 0 : i32
        %parallel_loop3A_312 = arith.index_cast %parallel_loop3A_311 : i32 to index
        %parallel_loop3A_313 = arith.index_cast %parallel_loop3A_277 : i32 to index
        %parallel_loop3A_314 = arith.constant 32 : index
        %parallel_loop3A_315 = tpu.vector_load %arg11[%parallel_loop3A_312, %parallel_loop3A_313, %parallel_loop3A_314] {strides = array<i32>} : memref<2x80x128xi32, #tpu.memory_space<vmem>>, vector<16xi32>,
        %parallel_loop3A_316 = vector.bitcast %parallel_loop3A_315 : vector<16xi32> to vector<32xbf16>
        %parallel_loop3A_317 = arith.mulf %parallel_loop3A_310, %parallel_loop3A_316 : vector<32xbf16>
        %parallel_loop3A_318 = arith.addf %parallel_loop3A_304, %parallel_loop3A_317 : vector<32xbf16>
        %parallel_loop3A_319 = arith.constant 0 : i32
        %parallel_loop3A_320 = arith.index_cast %parallel_loop3A_319 : i32 to index
        %parallel_loop3A_321 = arith.index_cast %parallel_loop3A_277 : i32 to index
        %parallel_loop3A_322 = arith.constant 48 : index
        %parallel_loop3A_323 = tpu.vector_load %arg10[%parallel_loop3A_320, %parallel_loop3A_321, %parallel_loop3A_322] {strides = array<i32>} : memref<2x80x128xi32, #tpu.memory_space<vmem>>, vector<16xi32>,
        %parallel_loop3A_324 = vector.bitcast %parallel_loop3A_323 : vector<16xi32> to vector<32xbf16>
        %parallel_loop3A_325 = arith.constant 0 : i32
        %parallel_loop3A_326 = arith.index_cast %parallel_loop3A_325 : i32 to index
        %parallel_loop3A_327 = arith.index_cast %parallel_loop3A_277 : i32 to index
        %parallel_loop3A_328 = arith.constant 48 : index
        %parallel_loop3A_329 = tpu.vector_load %arg11[%parallel_loop3A_326, %parallel_loop3A_327, %parallel_loop3A_328] {strides = array<i32>} : memref<2x80x128xi32, #tpu.memory_space<vmem>>, vector<16xi32>,
        %parallel_loop3A_330 = vector.bitcast %parallel_loop3A_329 : vector<16xi32> to vector<32xbf16>
        %parallel_loop3A_331 = arith.mulf %parallel_loop3A_324, %parallel_loop3A_330 : vector<32xbf16>
        %parallel_loop3A_332 = arith.addf %parallel_loop3A_318, %parallel_loop3A_331 : vector<32xbf16>
        %parallel_loop3A_333 = tpu.unpack_subelements %parallel_loop3A_332, 0 {pack_format = #tpu.pack_format<interleaved>} : vector<32xbf16> -> vector<16xf32>
        %parallel_loop3A_334 = tpu.unpack_subelements %parallel_loop3A_332, 1 {pack_format = #tpu.pack_format<interleaved>} : vector<32xbf16> -> vector<16xf32>
        %parallel_loop3A_335 = arith.constant 1 : i32
        %parallel_loop3A_336 = vector.broadcast %parallel_loop3A_335 : i32 to vector<16xi32>
        %parallel_loop3A_337 = arith.addi %parallel_loop3A_208, %parallel_loop3A_336 : vector<16xi32>
        %parallel_loop3A_338 = arith.addf %parallel_loop3A_333, %parallel_loop3A_334 : vector<16xf32>
        tpu.vector_store_idx %arg12[%parallel_loop3A_337], %parallel_loop3A_338 {add = true} : memref<10000xf32, #tpu.memory_space<vmem>>[vector<16xi32>], vector<16xf32>,
        %parallel_loop3A_339 = arith.constant 16 : i32
        %parallel_loop3A_340 = arith.muli %parallel_loop3A_199, %parallel_loop3A_339 : i32
        %parallel_loop3A_341 = arith.constant 2 : i32
        %parallel_loop3A_342 = arith.addi %parallel_loop3A_340, %parallel_loop3A_341 : i32
        %parallel_loop3A_343 = arith.constant 0 : i32
        %parallel_loop3A_344 = arith.index_cast %parallel_loop3A_343 : i32 to index
        %parallel_loop3A_345 = arith.index_cast %parallel_loop3A_342 : i32 to index
        %parallel_loop3A_346 = arith.constant 0 : index
        %parallel_loop3A_347 = tpu.vector_load %arg10[%parallel_loop3A_344, %parallel_loop3A_345, %parallel_loop3A_346] {strides = array<i32>} : memref<2x80x128xi32, #tpu.memory_space<vmem>>, vector<16xi32>,
        %parallel_loop3A_348 = vector.bitcast %parallel_loop3A_347 : vector<16xi32> to vector<32xbf16>
        %parallel_loop3A_349 = arith.constant 0 : i32
        %parallel_loop3A_350 = arith.index_cast %parallel_loop3A_349 : i32 to index
        %parallel_loop3A_351 = arith.index_cast %parallel_loop3A_342 : i32 to index
        %parallel_loop3A_352 = arith.constant 0 : index
        %parallel_loop3A_353 = tpu.vector_load %arg11[%parallel_loop3A_350, %parallel_loop3A_351, %parallel_loop3A_352] {strides = array<i32>} : memref<2x80x128xi32, #tpu.memory_space<vmem>>, vector<16xi32>,
        %parallel_loop3A_354 = vector.bitcast %parallel_loop3A_353 : vector<16xi32> to vector<32xbf16>
        %parallel_loop3A_355 = arith.mulf %parallel_loop3A_348, %parallel_loop3A_354 : vector<32xbf16>
        %parallel_loop3A_356 = arith.constant 0 : i32
        %parallel_loop3A_357 = arith.index_cast %parallel_loop3A_356 : i32 to index
        %parallel_loop3A_358 = arith.index_cast %parallel_loop3A_342 : i32 to index
        %parallel_loop3A_359 = arith.constant 16 : index
        %parallel_loop3A_360 = tpu.vector_load %arg10[%parallel_loop3A_357, %parallel_loop3A_358, %parallel_loop3A_359] {strides = array<i32>} : memref<2x80x128xi32, #tpu.memory_space<vmem>>, vector<16xi32>,
        %parallel_loop3A_361 = vector.bitcast %parallel_loop3A_360 : vector<16xi32> to vector<32xbf16>
        %parallel_loop3A_362 = arith.constant 0 : i32
        %parallel_loop3A_363 = arith.index_cast %parallel_loop3A_362 : i32 to index
        %parallel_loop3A_364 = arith.index_cast %parallel_loop3A_342 : i32 to index
        %parallel_loop3A_365 = arith.constant 16 : index
        %parallel_loop3A_366 = tpu.vector_load %arg11[%parallel_loop3A_363, %parallel_loop3A_364, %parallel_loop3A_365] {strides = array<i32>} : memref<2x80x128xi32, #tpu.memory_space<vmem>>, vector<16xi32>,
        %parallel_loop3A_367 = vector.bitcast %parallel_loop3A_366 : vector<16xi32> to vector<32xbf16>
        %parallel_loop3A_368 = arith.mulf %parallel_loop3A_361, %parallel_loop3A_367 : vector<32xbf16>
        %parallel_loop3A_369 = arith.addf %parallel_loop3A_355, %parallel_loop3A_368 : vector<32xbf16>
        %parallel_loop3A_370 = arith.constant 0 : i32
        %parallel_loop3A_371 = arith.index_cast %parallel_loop3A_370 : i32 to index
        %parallel_loop3A_372 = arith.index_cast %parallel_loop3A_342 : i32 to index
        %parallel_loop3A_373 = arith.constant 32 : index
        %parallel_loop3A_374 = tpu.vector_load %arg10[%parallel_loop3A_371, %parallel_loop3A_372, %parallel_loop3A_373] {strides = array<i32>} : memref<2x80x128xi32, #tpu.memory_space<vmem>>, vector<16xi32>,
        %parallel_loop3A_375 = vector.bitcast %parallel_loop3A_374 : vector<16xi32> to vector<32xbf16>
        %parallel_loop3A_376 = arith.constant 0 : i32
        %parallel_loop3A_377 = arith.index_cast %parallel_loop3A_376 : i32 to index
        %parallel_loop3A_378 = arith.index_cast %parallel_loop3A_342 : i32 to index
        %parallel_loop3A_379 = arith.constant 32 : index
        %parallel_loop3A_380 = tpu.vector_load %arg11[%parallel_loop3A_377, %parallel_loop3A_378, %parallel_loop3A_379] {strides = array<i32>} : memref<2x80x128xi32, #tpu.memory_space<vmem>>, vector<16xi32>,
        %parallel_loop3A_381 = vector.bitcast %parallel_loop3A_380 : vector<16xi32> to vector<32xbf16>
        %parallel_loop3A_382 = arith.mulf %parallel_loop3A_375, %parallel_loop3A_381 : vector<32xbf16>
        %parallel_loop3A_383 = arith.addf %parallel_loop3A_369, %parallel_loop3A_382 : vector<32xbf16>
        %parallel_loop3A_384 = arith.constant 0 : i32
        %parallel_loop3A_385 = arith.index_cast %parallel_loop3A_384 : i32 to index
        %parallel_loop3A_386 = arith.index_cast %parallel_loop3A_342 : i32 to index
        %parallel_loop3A_387 = arith.constant 48 : index
        %parallel_loop3A_388 = tpu.vector_load %arg10[%parallel_loop3A_385, %parallel_loop3A_386, %parallel_loop3A_387] {strides = array<i32>} : memref<2x80x128xi32, #tpu.memory_space<vmem>>, vector<16xi32>,
        %parallel_loop3A_389 = vector.bitcast %parallel_loop3A_388 : vector<16xi32> to vector<32xbf16>
        %parallel_loop3A_390 = arith.constant 0 : i32
        %parallel_loop3A_391 = arith.index_cast %parallel_loop3A_390 : i32 to index
        %parallel_loop3A_392 = arith.index_cast %parallel_loop3A_342 : i32 to index
        %parallel_loop3A_393 = arith.constant 48 : index
        %parallel_loop3A_394 = tpu.vector_load %arg11[%parallel_loop3A_391, %parallel_loop3A_392, %parallel_loop3A_393] {strides = array<i32>} : memref<2x80x128xi32, #tpu.memory_space<vmem>>, vector<16xi32>,
        %parallel_loop3A_395 = vector.bitcast %parallel_loop3A_394 : vector<16xi32> to vector<32xbf16>
        %parallel_loop3A_396 = arith.mulf %parallel_loop3A_389, %parallel_loop3A_395 : vector<32xbf16>
        %parallel_loop3A_397 = arith.addf %parallel_loop3A_383, %parallel_loop3A_396 : vector<32xbf16>
        %parallel_loop3A_398 = tpu.unpack_subelements %parallel_loop3A_397, 0 {pack_format = #tpu.pack_format<interleaved>} : vector<32xbf16> -> vector<16xf32>
        %parallel_loop3A_399 = tpu.unpack_subelements %parallel_loop3A_397, 1 {pack_format = #tpu.pack_format<interleaved>} : vector<32xbf16> -> vector<16xf32>
        %parallel_loop3A_400 = arith.constant 2 : i32
        %parallel_loop3A_401 = vector.broadcast %parallel_loop3A_400 : i32 to vector<16xi32>
        %parallel_loop3A_402 = arith.addi %parallel_loop3A_208, %parallel_loop3A_401 : vector<16xi32>
        %parallel_loop3A_403 = arith.addf %parallel_loop3A_398, %parallel_loop3A_399 : vector<16xf32>
        tpu.vector_store_idx %arg12[%parallel_loop3A_402], %parallel_loop3A_403 {add = true} : memref<10000xf32, #tpu.memory_space<vmem>>[vector<16xi32>], vector<16xf32>,
        %parallel_loop3A_404 = arith.constant 16 : i32
        %parallel_loop3A_405 = arith.muli %parallel_loop3A_199, %parallel_loop3A_404 : i32
        %parallel_loop3A_406 = arith.constant 3 : i32
        %parallel_loop3A_407 = arith.addi %parallel_loop3A_405, %parallel_loop3A_406 : i32
        %parallel_loop3A_408 = arith.constant 0 : i32
        %parallel_loop3A_409 = arith.index_cast %parallel_loop3A_408 : i32 to index
        %parallel_loop3A_410 = arith.index_cast %parallel_loop3A_407 : i32 to index
        %parallel_loop3A_411 = arith.constant 0 : index
        %parallel_loop3A_412 = tpu.vector_load %arg10[%parallel_loop3A_409, %parallel_loop3A_410, %parallel_loop3A_411] {strides = array<i32>} : memref<2x80x128xi32, #tpu.memory_space<vmem>>, vector<16xi32>,
        %parallel_loop3A_413 = vector.bitcast %parallel_loop3A_412 : vector<16xi32> to vector<32xbf16>
        %parallel_loop3A_414 = arith.constant 0 : i32
        %parallel_loop3A_415 = arith.index_cast %parallel_loop3A_414 : i32 to index
        %parallel_loop3A_416 = arith.index_cast %parallel_loop3A_407 : i32 to index
        %parallel_loop3A_417 = arith.constant 0 : index
        %parallel_loop3A_418 = tpu.vector_load %arg11[%parallel_loop3A_415, %parallel_loop3A_416, %parallel_loop3A_417] {strides = array<i32>} : memref<2x80x128xi32, #tpu.memory_space<vmem>>, vector<16xi32>,
        %parallel_loop3A_419 = vector.bitcast %parallel_loop3A_418 : vector<16xi32> to vector<32xbf16>
        %parallel_loop3A_420 = arith.mulf %parallel_loop3A_413, %parallel_loop3A_419 : vector<32xbf16>
        %parallel_loop3A_421 = arith.constant 0 : i32
        %parallel_loop3A_422 = arith.index_cast %parallel_loop3A_421 : i32 to index
        %parallel_loop3A_423 = arith.index_cast %parallel_loop3A_407 : i32 to index
        %parallel_loop3A_424 = arith.constant 16 : index
        %parallel_loop3A_425 = tpu.vector_load %arg10[%parallel_loop3A_422, %parallel_loop3A_423, %parallel_loop3A_424] {strides = array<i32>} : memref<2x80x128xi32, #tpu.memory_space<vmem>>, vector<16xi32>,
        %parallel_loop3A_426 = vector.bitcast %parallel_loop3A_425 : vector<16xi32> to vector<32xbf16>
        %parallel_loop3A_427 = arith.constant 0 : i32
        %parallel_loop3A_428 = arith.index_cast %parallel_loop3A_427 : i32 to index
        %parallel_loop3A_429 = arith.index_cast %parallel_loop3A_407 : i32 to index
        %parallel_loop3A_430 = arith.constant 16 : index
        %parallel_loop3A_431 = tpu.vector_load %arg11[%parallel_loop3A_428, %parallel_loop3A_429, %parallel_loop3A_430] {strides = array<i32>} : memref<2x80x128xi32, #tpu.memory_space<vmem>>, vector<16xi32>,
        %parallel_loop3A_432 = vector.bitcast %parallel_loop3A_431 : vector<16xi32> to vector<32xbf16>
        %parallel_loop3A_433 = arith.mulf %parallel_loop3A_426, %parallel_loop3A_432 : vector<32xbf16>
        %parallel_loop3A_434 = arith.addf %parallel_loop3A_420, %parallel_loop3A_433 : vector<32xbf16>
        %parallel_loop3A_435 = arith.constant 0 : i32
        %parallel_loop3A_436 = arith.index_cast %parallel_loop3A_435 : i32 to index
        %parallel_loop3A_437 = arith.index_cast %parallel_loop3A_407 : i32 to index
        %parallel_loop3A_438 = arith.constant 32 : index
        %parallel_loop3A_439 = tpu.vector_load %arg10[%parallel_loop3A_436, %parallel_loop3A_437, %parallel_loop3A_438] {strides = array<i32>} : memref<2x80x128xi32, #tpu.memory_space<vmem>>, vector<16xi32>,
        %parallel_loop3A_440 = vector.bitcast %parallel_loop3A_439 : vector<16xi32> to vector<32xbf16>
        %parallel_loop3A_441 = arith.constant 0 : i32
        %parallel_loop3A_442 = arith.index_cast %parallel_loop3A_441 : i32 to index
        %parallel_loop3A_443 = arith.index_cast %parallel_loop3A_407 : i32 to index
        %parallel_loop3A_444 = arith.constant 32 : index
        %parallel_loop3A_445 = tpu.vector_load %arg11[%parallel_loop3A_442, %parallel_loop3A_443, %parallel_loop3A_444] {strides = array<i32>} : memref<2x80x128xi32, #tpu.memory_space<vmem>>, vector<16xi32>,
        %parallel_loop3A_446 = vector.bitcast %parallel_loop3A_445 : vector<16xi32> to vector<32xbf16>
        %parallel_loop3A_447 = arith.mulf %parallel_loop3A_440, %parallel_loop3A_446 : vector<32xbf16>
        %parallel_loop3A_448 = arith.addf %parallel_loop3A_434, %parallel_loop3A_447 : vector<32xbf16>
        %parallel_loop3A_449 = arith.constant 0 : i32
        %parallel_loop3A_450 = arith.index_cast %parallel_loop3A_449 : i32 to index
        %parallel_loop3A_451 = arith.index_cast %parallel_loop3A_407 : i32 to index
        %parallel_loop3A_452 = arith.constant 48 : index
        %parallel_loop3A_453 = tpu.vector_load %arg10[%parallel_loop3A_450, %parallel_loop3A_451, %parallel_loop3A_452] {strides = array<i32>} : memref<2x80x128xi32, #tpu.memory_space<vmem>>, vector<16xi32>,
        %parallel_loop3A_454 = vector.bitcast %parallel_loop3A_453 : vector<16xi32> to vector<32xbf16>
        %parallel_loop3A_455 = arith.constant 0 : i32
        %parallel_loop3A_456 = arith.index_cast %parallel_loop3A_455 : i32 to index
        %parallel_loop3A_457 = arith.index_cast %parallel_loop3A_407 : i32 to index
        %parallel_loop3A_458 = arith.constant 48 : index
        %parallel_loop3A_459 = tpu.vector_load %arg11[%parallel_loop3A_456, %parallel_loop3A_457, %parallel_loop3A_458] {strides = array<i32>} : memref<2x80x128xi32, #tpu.memory_space<vmem>>, vector<16xi32>,
        %parallel_loop3A_460 = vector.bitcast %parallel_loop3A_459 : vector<16xi32> to vector<32xbf16>
        %parallel_loop3A_461 = arith.mulf %parallel_loop3A_454, %parallel_loop3A_460 : vector<32xbf16>
        %parallel_loop3A_462 = arith.addf %parallel_loop3A_448, %parallel_loop3A_461 : vector<32xbf16>
        %parallel_loop3A_463 = tpu.unpack_subelements %parallel_loop3A_462, 0 {pack_format = #tpu.pack_format<interleaved>} : vector<32xbf16> -> vector<16xf32>
        %parallel_loop3A_464 = tpu.unpack_subelements %parallel_loop3A_462, 1 {pack_format = #tpu.pack_format<interleaved>} : vector<32xbf16> -> vector<16xf32>
        %parallel_loop3A_465 = arith.constant 3 : i32
        %parallel_loop3A_466 = vector.broadcast %parallel_loop3A_465 : i32 to vector<16xi32>
        %parallel_loop3A_467 = arith.addi %parallel_loop3A_208, %parallel_loop3A_466 : vector<16xi32>
        %parallel_loop3A_468 = arith.addf %parallel_loop3A_463, %parallel_loop3A_464 : vector<16xf32>
        tpu.vector_store_idx %arg12[%parallel_loop3A_467], %parallel_loop3A_468 {add = true} : memref<10000xf32, #tpu.memory_space<vmem>>[vector<16xi32>], vector<16xf32>,
        %parallel_loop3A_469 = arith.constant 16 : i32
        %parallel_loop3A_470 = arith.muli %parallel_loop3A_199, %parallel_loop3A_469 : i32
        %parallel_loop3A_471 = arith.constant 4 : i32
        %parallel_loop3A_472 = arith.addi %parallel_loop3A_470, %parallel_loop3A_471 : i32
        %parallel_loop3A_473 = arith.constant 0 : i32
        %parallel_loop3A_474 = arith.index_cast %parallel_loop3A_473 : i32 to index
        %parallel_loop3A_475 = arith.index_cast %parallel_loop3A_472 : i32 to index
        %parallel_loop3A_476 = arith.constant 0 : index
        %parallel_loop3A_477 = tpu.vector_load %arg10[%parallel_loop3A_474, %parallel_loop3A_475, %parallel_loop3A_476] {strides = array<i32>} : memref<2x80x128xi32, #tpu.memory_space<vmem>>, vector<16xi32>,
        %parallel_loop3A_478 = vector.bitcast %parallel_loop3A_477 : vector<16xi32> to vector<32xbf16>
        %parallel_loop3A_479 = arith.constant 0 : i32
        %parallel_loop3A_480 = arith.index_cast %parallel_loop3A_479 : i32 to index
        %parallel_loop3A_481 = arith.index_cast %parallel_loop3A_472 : i32 to index
        %parallel_loop3A_482 = arith.constant 0 : index
        %parallel_loop3A_483 = tpu.vector_load %arg11[%parallel_loop3A_480, %parallel_loop3A_481, %parallel_loop3A_482] {strides = array<i32>} : memref<2x80x128xi32, #tpu.memory_space<vmem>>, vector<16xi32>,
        %parallel_loop3A_484 = vector.bitcast %parallel_loop3A_483 : vector<16xi32> to vector<32xbf16>
        %parallel_loop3A_485 = arith.mulf %parallel_loop3A_478, %parallel_loop3A_484 : vector<32xbf16>
        %parallel_loop3A_486 = arith.constant 0 : i32
        %parallel_loop3A_487 = arith.index_cast %parallel_loop3A_486 : i32 to index
        %parallel_loop3A_488 = arith.index_cast %parallel_loop3A_472 : i32 to index
        %parallel_loop3A_489 = arith.constant 16 : index
        %parallel_loop3A_490 = tpu.vector_load %arg10[%parallel_loop3A_487, %parallel_loop3A_488, %parallel_loop3A_489] {strides = array<i32>} : memref<2x80x128xi32, #tpu.memory_space<vmem>>, vector<16xi32>,
        %parallel_loop3A_491 = vector.bitcast %parallel_loop3A_490 : vector<16xi32> to vector<32xbf16>
        %parallel_loop3A_492 = arith.constant 0 : i32
        %parallel_loop3A_493 = arith.index_cast %parallel_loop3A_492 : i32 to index
        %parallel_loop3A_494 = arith.index_cast %parallel_loop3A_472 : i32 to index
        %parallel_loop3A_495 = arith.constant 16 : index
        %parallel_loop3A_496 = tpu.vector_load %arg11[%parallel_loop3A_493, %parallel_loop3A_494, %parallel_loop3A_495] {strides = array<i32>} : memref<2x80x128xi32, #tpu.memory_space<vmem>>, vector<16xi32>,
        %parallel_loop3A_497 = vector.bitcast %parallel_loop3A_496 : vector<16xi32> to vector<32xbf16>
        %parallel_loop3A_498 = arith.mulf %parallel_loop3A_491, %parallel_loop3A_497 : vector<32xbf16>
        %parallel_loop3A_499 = arith.addf %parallel_loop3A_485, %parallel_loop3A_498 : vector<32xbf16>
        %parallel_loop3A_500 = arith.constant 0 : i32
        %parallel_loop3A_501 = arith.index_cast %parallel_loop3A_500 : i32 to index
        %parallel_loop3A_502 = arith.index_cast %parallel_loop3A_472 : i32 to index
        %parallel_loop3A_503 = arith.constant 32 : index
        %parallel_loop3A_504 = tpu.vector_load %arg10[%parallel_loop3A_501, %parallel_loop3A_502, %parallel_loop3A_503] {strides = array<i32>} : memref<2x80x128xi32, #tpu.memory_space<vmem>>, vector<16xi32>,
        %parallel_loop3A_505 = vector.bitcast %parallel_loop3A_504 : vector<16xi32> to vector<32xbf16>
        %parallel_loop3A_506 = arith.constant 0 : i32
        %parallel_loop3A_507 = arith.index_cast %parallel_loop3A_506 : i32 to index
        %parallel_loop3A_508 = arith.index_cast %parallel_loop3A_472 : i32 to index
        %parallel_loop3A_509 = arith.constant 32 : index
        %parallel_loop3A_510 = tpu.vector_load %arg11[%parallel_loop3A_507, %parallel_loop3A_508, %parallel_loop3A_509] {strides = array<i32>} : memref<2x80x128xi32, #tpu.memory_space<vmem>>, vector<16xi32>,
        %parallel_loop3A_511 = vector.bitcast %parallel_loop3A_510 : vector<16xi32> to vector<32xbf16>
        %parallel_loop3A_512 = arith.mulf %parallel_loop3A_505, %parallel_loop3A_511 : vector<32xbf16>
        %parallel_loop3A_513 = arith.addf %parallel_loop3A_499, %parallel_loop3A_512 : vector<32xbf16>
        %parallel_loop3A_514 = arith.constant 0 : i32
        %parallel_loop3A_515 = arith.index_cast %parallel_loop3A_514 : i32 to index
        %parallel_loop3A_516 = arith.index_cast %parallel_loop3A_472 : i32 to index
        %parallel_loop3A_517 = arith.constant 48 : index
        %parallel_loop3A_518 = tpu.vector_load %arg10[%parallel_loop3A_515, %parallel_loop3A_516, %parallel_loop3A_517] {strides = array<i32>} : memref<2x80x128xi32, #tpu.memory_space<vmem>>, vector<16xi32>,
        %parallel_loop3A_519 = vector.bitcast %parallel_loop3A_518 : vector<16xi32> to vector<32xbf16>
        %parallel_loop3A_520 = arith.constant 0 : i32
        %parallel_loop3A_521 = arith.index_cast %parallel_loop3A_520 : i32 to index
        %parallel_loop3A_522 = arith.index_cast %parallel_loop3A_472 : i32 to index
        %parallel_loop3A_523 = arith.constant 48 : index
        %parallel_loop3A_524 = tpu.vector_load %arg11[%parallel_loop3A_521, %parallel_loop3A_522, %parallel_loop3A_523] {strides = array<i32>} : memref<2x80x128xi32, #tpu.memory_space<vmem>>, vector<16xi32>,
        %parallel_loop3A_525 = vector.bitcast %parallel_loop3A_524 : vector<16xi32> to vector<32xbf16>
        %parallel_loop3A_526 = arith.mulf %parallel_loop3A_519, %parallel_loop3A_525 : vector<32xbf16>
        %parallel_loop3A_527 = arith.addf %parallel_loop3A_513, %parallel_loop3A_526 : vector<32xbf16>
        %parallel_loop3A_528 = tpu.unpack_subelements %parallel_loop3A_527, 0 {pack_format = #tpu.pack_format<interleaved>} : vector<32xbf16> -> vector<16xf32>
        %parallel_loop3A_529 = tpu.unpack_subelements %parallel_loop3A_527, 1 {pack_format = #tpu.pack_format<interleaved>} : vector<32xbf16> -> vector<16xf32>
        %parallel_loop3A_530 = arith.constant 4 : i32
        %parallel_loop3A_531 = vector.broadcast %parallel_loop3A_530 : i32 to vector<16xi32>
        %parallel_loop3A_532 = arith.addi %parallel_loop3A_208, %parallel_loop3A_531 : vector<16xi32>
        %parallel_loop3A_533 = arith.addf %parallel_loop3A_528, %parallel_loop3A_529 : vector<16xf32>
        tpu.vector_store_idx %arg12[%parallel_loop3A_532], %parallel_loop3A_533 {add = true} : memref<10000xf32, #tpu.memory_space<vmem>>[vector<16xi32>], vector<16xf32>,
        %parallel_loop3A_534 = arith.constant 16 : i32
        %parallel_loop3A_535 = arith.muli %parallel_loop3A_199, %parallel_loop3A_534 : i32
        %parallel_loop3A_536 = arith.constant 5 : i32
        %parallel_loop3A_537 = arith.addi %parallel_loop3A_535, %parallel_loop3A_536 : i32
        %parallel_loop3A_538 = arith.constant 0 : i32
        %parallel_loop3A_539 = arith.index_cast %parallel_loop3A_538 : i32 to index
        %parallel_loop3A_540 = arith.index_cast %parallel_loop3A_537 : i32 to index
        %parallel_loop3A_541 = arith.constant 0 : index
        %parallel_loop3A_542 = tpu.vector_load %arg10[%parallel_loop3A_539, %parallel_loop3A_540, %parallel_loop3A_541] {strides = array<i32>} : memref<2x80x128xi32, #tpu.memory_space<vmem>>, vector<16xi32>,
        %parallel_loop3A_543 = vector.bitcast %parallel_loop3A_542 : vector<16xi32> to vector<32xbf16>
        %parallel_loop3A_544 = arith.constant 0 : i32
        %parallel_loop3A_545 = arith.index_cast %parallel_loop3A_544 : i32 to index
        %parallel_loop3A_546 = arith.index_cast %parallel_loop3A_537 : i32 to index
        %parallel_loop3A_547 = arith.constant 0 : index
        %parallel_loop3A_548 = tpu.vector_load %arg11[%parallel_loop3A_545, %parallel_loop3A_546, %parallel_loop3A_547] {strides = array<i32>} : memref<2x80x128xi32, #tpu.memory_space<vmem>>, vector<16xi32>,
        %parallel_loop3A_549 = vector.bitcast %parallel_loop3A_548 : vector<16xi32> to vector<32xbf16>
        %parallel_loop3A_550 = arith.mulf %parallel_loop3A_543, %parallel_loop3A_549 : vector<32xbf16>
        %parallel_loop3A_551 = arith.constant 0 : i32
        %parallel_loop3A_552 = arith.index_cast %parallel_loop3A_551 : i32 to index
        %parallel_loop3A_553 = arith.index_cast %parallel_loop3A_537 : i32 to index
        %parallel_loop3A_554 = arith.constant 16 : index
        %parallel_loop3A_555 = tpu.vector_load %arg10[%parallel_loop3A_552, %parallel_loop3A_553, %parallel_loop3A_554] {strides = array<i32>} : memref<2x80x128xi32, #tpu.memory_space<vmem>>, vector<16xi32>,
        %parallel_loop3A_556 = vector.bitcast %parallel_loop3A_555 : vector<16xi32> to vector<32xbf16>
        %parallel_loop3A_557 = arith.constant 0 : i32
        %parallel_loop3A_558 = arith.index_cast %parallel_loop3A_557 : i32 to index
        %parallel_loop3A_559 = arith.index_cast %parallel_loop3A_537 : i32 to index
        %parallel_loop3A_560 = arith.constant 16 : index
        %parallel_loop3A_561 = tpu.vector_load %arg11[%parallel_loop3A_558, %parallel_loop3A_559, %parallel_loop3A_560] {strides = array<i32>} : memref<2x80x128xi32, #tpu.memory_space<vmem>>, vector<16xi32>,
        %parallel_loop3A_562 = vector.bitcast %parallel_loop3A_561 : vector<16xi32> to vector<32xbf16>
        %parallel_loop3A_563 = arith.mulf %parallel_loop3A_556, %parallel_loop3A_562 : vector<32xbf16>
        %parallel_loop3A_564 = arith.addf %parallel_loop3A_550, %parallel_loop3A_563 : vector<32xbf16>
        %parallel_loop3A_565 = arith.constant 0 : i32
        %parallel_loop3A_566 = arith.index_cast %parallel_loop3A_565 : i32 to index
        %parallel_loop3A_567 = arith.index_cast %parallel_loop3A_537 : i32 to index
        %parallel_loop3A_568 = arith.constant 32 : index
        %parallel_loop3A_569 = tpu.vector_load %arg10[%parallel_loop3A_566, %parallel_loop3A_567, %parallel_loop3A_568] {strides = array<i32>} : memref<2x80x128xi32, #tpu.memory_space<vmem>>, vector<16xi32>,
        %parallel_loop3A_570 = vector.bitcast %parallel_loop3A_569 : vector<16xi32> to vector<32xbf16>
        %parallel_loop3A_571 = arith.constant 0 : i32
        %parallel_loop3A_572 = arith.index_cast %parallel_loop3A_571 : i32 to index
        %parallel_loop3A_573 = arith.index_cast %parallel_loop3A_537 : i32 to index
        %parallel_loop3A_574 = arith.constant 32 : index
        %parallel_loop3A_575 = tpu.vector_load %arg11[%parallel_loop3A_572, %parallel_loop3A_573, %parallel_loop3A_574] {strides = array<i32>} : memref<2x80x128xi32, #tpu.memory_space<vmem>>, vector<16xi32>,
        %parallel_loop3A_576 = vector.bitcast %parallel_loop3A_575 : vector<16xi32> to vector<32xbf16>
        %parallel_loop3A_577 = arith.mulf %parallel_loop3A_570, %parallel_loop3A_576 : vector<32xbf16>
        %parallel_loop3A_578 = arith.addf %parallel_loop3A_564, %parallel_loop3A_577 : vector<32xbf16>
        %parallel_loop3A_579 = arith.constant 0 : i32
        %parallel_loop3A_580 = arith.index_cast %parallel_loop3A_579 : i32 to index
        %parallel_loop3A_581 = arith.index_cast %parallel_loop3A_537 : i32 to index
        %parallel_loop3A_582 = arith.constant 48 : index
        %parallel_loop3A_583 = tpu.vector_load %arg10[%parallel_loop3A_580, %parallel_loop3A_581, %parallel_loop3A_582] {strides = array<i32>} : memref<2x80x128xi32, #tpu.memory_space<vmem>>, vector<16xi32>,
        %parallel_loop3A_584 = vector.bitcast %parallel_loop3A_583 : vector<16xi32> to vector<32xbf16>
        %parallel_loop3A_585 = arith.constant 0 : i32
        %parallel_loop3A_586 = arith.index_cast %parallel_loop3A_585 : i32 to index
        %parallel_loop3A_587 = arith.index_cast %parallel_loop3A_537 : i32 to index
        %parallel_loop3A_588 = arith.constant 48 : index
        %parallel_loop3A_589 = tpu.vector_load %arg11[%parallel_loop3A_586, %parallel_loop3A_587, %parallel_loop3A_588] {strides = array<i32>} : memref<2x80x128xi32, #tpu.memory_space<vmem>>, vector<16xi32>,
        %parallel_loop3A_590 = vector.bitcast %parallel_loop3A_589 : vector<16xi32> to vector<32xbf16>
        %parallel_loop3A_591 = arith.mulf %parallel_loop3A_584, %parallel_loop3A_590 : vector<32xbf16>
        %parallel_loop3A_592 = arith.addf %parallel_loop3A_578, %parallel_loop3A_591 : vector<32xbf16>
        %parallel_loop3A_593 = tpu.unpack_subelements %parallel_loop3A_592, 0 {pack_format = #tpu.pack_format<interleaved>} : vector<32xbf16> -> vector<16xf32>
        %parallel_loop3A_594 = tpu.unpack_subelements %parallel_loop3A_592, 1 {pack_format = #tpu.pack_format<interleaved>} : vector<32xbf16> -> vector<16xf32>
        %parallel_loop3A_595 = arith.constant 5 : i32
        %parallel_loop3A_596 = vector.broadcast %parallel_loop3A_595 : i32 to vector<16xi32>
        %parallel_loop3A_597 = arith.addi %parallel_loop3A_208, %parallel_loop3A_596 : vector<16xi32>
        %parallel_loop3A_598 = arith.addf %parallel_loop3A_593, %parallel_loop3A_594 : vector<16xf32>
        tpu.vector_store_idx %arg12[%parallel_loop3A_597], %parallel_loop3A_598 {add = true} : memref<10000xf32, #tpu.memory_space<vmem>>[vector<16xi32>], vector<16xf32>,
        %parallel_loop3A_599 = arith.constant 16 : i32
        %parallel_loop3A_600 = arith.muli %parallel_loop3A_199, %parallel_loop3A_599 : i32
        %parallel_loop3A_601 = arith.constant 6 : i32
        %parallel_loop3A_602 = arith.addi %parallel_loop3A_600, %parallel_loop3A_601 : i32
        %parallel_loop3A_603 = arith.constant 0 : i32
        %parallel_loop3A_604 = arith.index_cast %parallel_loop3A_603 : i32 to index
        %parallel_loop3A_605 = arith.index_cast %parallel_loop3A_602 : i32 to index
        %parallel_loop3A_606 = arith.constant 0 : index
        %parallel_loop3A_607 = tpu.vector_load %arg10[%parallel_loop3A_604, %parallel_loop3A_605, %parallel_loop3A_606] {strides = array<i32>} : memref<2x80x128xi32, #tpu.memory_space<vmem>>, vector<16xi32>,
        %parallel_loop3A_608 = vector.bitcast %parallel_loop3A_607 : vector<16xi32> to vector<32xbf16>
        %parallel_loop3A_609 = arith.constant 0 : i32
        %parallel_loop3A_610 = arith.index_cast %parallel_loop3A_609 : i32 to index
        %parallel_loop3A_611 = arith.index_cast %parallel_loop3A_602 : i32 to index
        %parallel_loop3A_612 = arith.constant 0 : index
        %parallel_loop3A_613 = tpu.vector_load %arg11[%parallel_loop3A_610, %parallel_loop3A_611, %parallel_loop3A_612] {strides = array<i32>} : memref<2x80x128xi32, #tpu.memory_space<vmem>>, vector<16xi32>,
        %parallel_loop3A_614 = vector.bitcast %parallel_loop3A_613 : vector<16xi32> to vector<32xbf16>
        %parallel_loop3A_615 = arith.mulf %parallel_loop3A_608, %parallel_loop3A_614 : vector<32xbf16>
        %parallel_loop3A_616 = arith.constant 0 : i32
        %parallel_loop3A_617 = arith.index_cast %parallel_loop3A_616 : i32 to index
        %parallel_loop3A_618 = arith.index_cast %parallel_loop3A_602 : i32 to index
        %parallel_loop3A_619 = arith.constant 16 : index
        %parallel_loop3A_620 = tpu.vector_load %arg10[%parallel_loop3A_617, %parallel_loop3A_618, %parallel_loop3A_619] {strides = array<i32>} : memref<2x80x128xi32, #tpu.memory_space<vmem>>, vector<16xi32>,
        %parallel_loop3A_621 = vector.bitcast %parallel_loop3A_620 : vector<16xi32> to vector<32xbf16>
        %parallel_loop3A_622 = arith.constant 0 : i32
        %parallel_loop3A_623 = arith.index_cast %parallel_loop3A_622 : i32 to index
        %parallel_loop3A_624 = arith.index_cast %parallel_loop3A_602 : i32 to index
        %parallel_loop3A_625 = arith.constant 16 : index
        %parallel_loop3A_626 = tpu.vector_load %arg11[%parallel_loop3A_623, %parallel_loop3A_624, %parallel_loop3A_625] {strides = array<i32>} : memref<2x80x128xi32, #tpu.memory_space<vmem>>, vector<16xi32>,
        %parallel_loop3A_627 = vector.bitcast %parallel_loop3A_626 : vector<16xi32> to vector<32xbf16>
        %parallel_loop3A_628 = arith.mulf %parallel_loop3A_621, %parallel_loop3A_627 : vector<32xbf16>
        %parallel_loop3A_629 = arith.addf %parallel_loop3A_615, %parallel_loop3A_628 : vector<32xbf16>
        %parallel_loop3A_630 = arith.constant 0 : i32
        %parallel_loop3A_631 = arith.index_cast %parallel_loop3A_630 : i32 to index
        %parallel_loop3A_632 = arith.index_cast %parallel_loop3A_602 : i32 to index
        %parallel_loop3A_633 = arith.constant 32 : index
        %parallel_loop3A_634 = tpu.vector_load %arg10[%parallel_loop3A_631, %parallel_loop3A_632, %parallel_loop3A_633] {strides = array<i32>} : memref<2x80x128xi32, #tpu.memory_space<vmem>>, vector<16xi32>,
        %parallel_loop3A_635 = vector.bitcast %parallel_loop3A_634 : vector<16xi32> to vector<32xbf16>
        %parallel_loop3A_636 = arith.constant 0 : i32
        %parallel_loop3A_637 = arith.index_cast %parallel_loop3A_636 : i32 to index
        %parallel_loop3A_638 = arith.index_cast %parallel_loop3A_602 : i32 to index
        %parallel_loop3A_639 = arith.constant 32 : index
        %parallel_loop3A_640 = tpu.vector_load %arg11[%parallel_loop3A_637, %parallel_loop3A_638, %parallel_loop3A_639] {strides = array<i32>} : memref<2x80x128xi32, #tpu.memory_space<vmem>>, vector<16xi32>,
        %parallel_loop3A_641 = vector.bitcast %parallel_loop3A_640 : vector<16xi32> to vector<32xbf16>
        %parallel_loop3A_642 = arith.mulf %parallel_loop3A_635, %parallel_loop3A_641 : vector<32xbf16>
        %parallel_loop3A_643 = arith.addf %parallel_loop3A_629, %parallel_loop3A_642 : vector<32xbf16>
        %parallel_loop3A_644 = arith.constant 0 : i32
        %parallel_loop3A_645 = arith.index_cast %parallel_loop3A_644 : i32 to index
        %parallel_loop3A_646 = arith.index_cast %parallel_loop3A_602 : i32 to index
        %parallel_loop3A_647 = arith.constant 48 : index
        %parallel_loop3A_648 = tpu.vector_load %arg10[%parallel_loop3A_645, %parallel_loop3A_646, %parallel_loop3A_647] {strides = array<i32>} : memref<2x80x128xi32, #tpu.memory_space<vmem>>, vector<16xi32>,
        %parallel_loop3A_649 = vector.bitcast %parallel_loop3A_648 : vector<16xi32> to vector<32xbf16>
        %parallel_loop3A_650 = arith.constant 0 : i32
        %parallel_loop3A_651 = arith.index_cast %parallel_loop3A_650 : i32 to index
        %parallel_loop3A_652 = arith.index_cast %parallel_loop3A_602 : i32 to index
        %parallel_loop3A_653 = arith.constant 48 : index
        %parallel_loop3A_654 = tpu.vector_load %arg11[%parallel_loop3A_651, %parallel_loop3A_652, %parallel_loop3A_653] {strides = array<i32>} : memref<2x80x128xi32, #tpu.memory_space<vmem>>, vector<16xi32>,
        %parallel_loop3A_655 = vector.bitcast %parallel_loop3A_654 : vector<16xi32> to vector<32xbf16>
        %parallel_loop3A_656 = arith.mulf %parallel_loop3A_649, %parallel_loop3A_655 : vector<32xbf16>
        %parallel_loop3A_657 = arith.addf %parallel_loop3A_643, %parallel_loop3A_656 : vector<32xbf16>
        %parallel_loop3A_658 = tpu.unpack_subelements %parallel_loop3A_657, 0 {pack_format = #tpu.pack_format<interleaved>} : vector<32xbf16> -> vector<16xf32>
        %parallel_loop3A_659 = tpu.unpack_subelements %parallel_loop3A_657, 1 {pack_format = #tpu.pack_format<interleaved>} : vector<32xbf16> -> vector<16xf32>
        %parallel_loop3A_660 = arith.constant 6 : i32
        %parallel_loop3A_661 = vector.broadcast %parallel_loop3A_660 : i32 to vector<16xi32>
        %parallel_loop3A_662 = arith.addi %parallel_loop3A_208, %parallel_loop3A_661 : vector<16xi32>
        %parallel_loop3A_663 = arith.addf %parallel_loop3A_658, %parallel_loop3A_659 : vector<16xf32>
        tpu.vector_store_idx %arg12[%parallel_loop3A_662], %parallel_loop3A_663 {add = true} : memref<10000xf32, #tpu.memory_space<vmem>>[vector<16xi32>], vector<16xf32>,
        %parallel_loop3A_664 = arith.constant 16 : i32
        %parallel_loop3A_665 = arith.muli %parallel_loop3A_199, %parallel_loop3A_664 : i32
        %parallel_loop3A_666 = arith.constant 7 : i32
        %parallel_loop3A_667 = arith.addi %parallel_loop3A_665, %parallel_loop3A_666 : i32
        %parallel_loop3A_668 = arith.constant 0 : i32
        %parallel_loop3A_669 = arith.index_cast %parallel_loop3A_668 : i32 to index
        %parallel_loop3A_670 = arith.index_cast %parallel_loop3A_667 : i32 to index
        %parallel_loop3A_671 = arith.constant 0 : index
        %parallel_loop3A_672 = tpu.vector_load %arg10[%parallel_loop3A_669, %parallel_loop3A_670, %parallel_loop3A_671] {strides = array<i32>} : memref<2x80x128xi32, #tpu.memory_space<vmem>>, vector<16xi32>,
        %parallel_loop3A_673 = vector.bitcast %parallel_loop3A_672 : vector<16xi32> to vector<32xbf16>
        %parallel_loop3A_674 = arith.constant 0 : i32
        %parallel_loop3A_675 = arith.index_cast %parallel_loop3A_674 : i32 to index
        %parallel_loop3A_676 = arith.index_cast %parallel_loop3A_667 : i32 to index
        %parallel_loop3A_677 = arith.constant 0 : index
        %parallel_loop3A_678 = tpu.vector_load %arg11[%parallel_loop3A_675, %parallel_loop3A_676, %parallel_loop3A_677] {strides = array<i32>} : memref<2x80x128xi32, #tpu.memory_space<vmem>>, vector<16xi32>,
        %parallel_loop3A_679 = vector.bitcast %parallel_loop3A_678 : vector<16xi32> to vector<32xbf16>
        %parallel_loop3A_680 = arith.mulf %parallel_loop3A_673, %parallel_loop3A_679 : vector<32xbf16>
        %parallel_loop3A_681 = arith.constant 0 : i32
        %parallel_loop3A_682 = arith.index_cast %parallel_loop3A_681 : i32 to index
        %parallel_loop3A_683 = arith.index_cast %parallel_loop3A_667 : i32 to index
        %parallel_loop3A_684 = arith.constant 16 : index
        %parallel_loop3A_685 = tpu.vector_load %arg10[%parallel_loop3A_682, %parallel_loop3A_683, %parallel_loop3A_684] {strides = array<i32>} : memref<2x80x128xi32, #tpu.memory_space<vmem>>, vector<16xi32>,
        %parallel_loop3A_686 = vector.bitcast %parallel_loop3A_685 : vector<16xi32> to vector<32xbf16>
        %parallel_loop3A_687 = arith.constant 0 : i32
        %parallel_loop3A_688 = arith.index_cast %parallel_loop3A_687 : i32 to index
        %parallel_loop3A_689 = arith.index_cast %parallel_loop3A_667 : i32 to index
        %parallel_loop3A_690 = arith.constant 16 : index
        %parallel_loop3A_691 = tpu.vector_load %arg11[%parallel_loop3A_688, %parallel_loop3A_689, %parallel_loop3A_690] {strides = array<i32>} : memref<2x80x128xi32, #tpu.memory_space<vmem>>, vector<16xi32>,
        %parallel_loop3A_692 = vector.bitcast %parallel_loop3A_691 : vector<16xi32> to vector<32xbf16>
        %parallel_loop3A_693 = arith.mulf %parallel_loop3A_686, %parallel_loop3A_692 : vector<32xbf16>
        %parallel_loop3A_694 = arith.addf %parallel_loop3A_680, %parallel_loop3A_693 : vector<32xbf16>
        %parallel_loop3A_695 = arith.constant 0 : i32
        %parallel_loop3A_696 = arith.index_cast %parallel_loop3A_695 : i32 to index
        %parallel_loop3A_697 = arith.index_cast %parallel_loop3A_667 : i32 to index
        %parallel_loop3A_698 = arith.constant 32 : index
        %parallel_loop3A_699 = tpu.vector_load %arg10[%parallel_loop3A_696, %parallel_loop3A_697, %parallel_loop3A_698] {strides = array<i32>} : memref<2x80x128xi32, #tpu.memory_space<vmem>>, vector<16xi32>,
        %parallel_loop3A_700 = vector.bitcast %parallel_loop3A_699 : vector<16xi32> to vector<32xbf16>
        %parallel_loop3A_701 = arith.constant 0 : i32
        %parallel_loop3A_702 = arith.index_cast %parallel_loop3A_701 : i32 to index
        %parallel_loop3A_703 = arith.index_cast %parallel_loop3A_667 : i32 to index
        %parallel_loop3A_704 = arith.constant 32 : index
        %parallel_loop3A_705 = tpu.vector_load %arg11[%parallel_loop3A_702, %parallel_loop3A_703, %parallel_loop3A_704] {strides = array<i32>} : memref<2x80x128xi32, #tpu.memory_space<vmem>>, vector<16xi32>,
        %parallel_loop3A_706 = vector.bitcast %parallel_loop3A_705 : vector<16xi32> to vector<32xbf16>
        %parallel_loop3A_707 = arith.mulf %parallel_loop3A_700, %parallel_loop3A_706 : vector<32xbf16>
        %parallel_loop3A_708 = arith.addf %parallel_loop3A_694, %parallel_loop3A_707 : vector<32xbf16>
        %parallel_loop3A_709 = arith.constant 0 : i32
        %parallel_loop3A_710 = arith.index_cast %parallel_loop3A_709 : i32 to index
        %parallel_loop3A_711 = arith.index_cast %parallel_loop3A_667 : i32 to index
        %parallel_loop3A_712 = arith.constant 48 : index
        %parallel_loop3A_713 = tpu.vector_load %arg10[%parallel_loop3A_710, %parallel_loop3A_711, %parallel_loop3A_712] {strides = array<i32>} : memref<2x80x128xi32, #tpu.memory_space<vmem>>, vector<16xi32>,
        %parallel_loop3A_714 = vector.bitcast %parallel_loop3A_713 : vector<16xi32> to vector<32xbf16>
        %parallel_loop3A_715 = arith.constant 0 : i32
        %parallel_loop3A_716 = arith.index_cast %parallel_loop3A_715 : i32 to index
        %parallel_loop3A_717 = arith.index_cast %parallel_loop3A_667 : i32 to index
        %parallel_loop3A_718 = arith.constant 48 : index
        %parallel_loop3A_719 = tpu.vector_load %arg11[%parallel_loop3A_716, %parallel_loop3A_717, %parallel_loop3A_718] {strides = array<i32>} : memref<2x80x128xi32, #tpu.memory_space<vmem>>, vector<16xi32>,
        %parallel_loop3A_720 = vector.bitcast %parallel_loop3A_719 : vector<16xi32> to vector<32xbf16>
        %parallel_loop3A_721 = arith.mulf %parallel_loop3A_714, %parallel_loop3A_720 : vector<32xbf16>
        %parallel_loop3A_722 = arith.addf %parallel_loop3A_708, %parallel_loop3A_721 : vector<32xbf16>
        %parallel_loop3A_723 = tpu.unpack_subelements %parallel_loop3A_722, 0 {pack_format = #tpu.pack_format<interleaved>} : vector<32xbf16> -> vector<16xf32>
        %parallel_loop3A_724 = tpu.unpack_subelements %parallel_loop3A_722, 1 {pack_format = #tpu.pack_format<interleaved>} : vector<32xbf16> -> vector<16xf32>
        %parallel_loop3A_725 = arith.constant 7 : i32
        %parallel_loop3A_726 = vector.broadcast %parallel_loop3A_725 : i32 to vector<16xi32>
        %parallel_loop3A_727 = arith.addi %parallel_loop3A_208, %parallel_loop3A_726 : vector<16xi32>
        %parallel_loop3A_728 = arith.addf %parallel_loop3A_723, %parallel_loop3A_724 : vector<16xf32>
        tpu.vector_store_idx %arg12[%parallel_loop3A_727], %parallel_loop3A_728 {add = true} : memref<10000xf32, #tpu.memory_space<vmem>>[vector<16xi32>], vector<16xf32>,
        %parallel_loop3A_729 = arith.constant 16 : i32
        %parallel_loop3A_730 = arith.muli %parallel_loop3A_199, %parallel_loop3A_729 : i32
        %parallel_loop3A_731 = arith.constant 8 : i32
        %parallel_loop3A_732 = arith.addi %parallel_loop3A_730, %parallel_loop3A_731 : i32
        %parallel_loop3A_733 = arith.constant 0 : i32
        %parallel_loop3A_734 = arith.index_cast %parallel_loop3A_733 : i32 to index
        %parallel_loop3A_735 = arith.index_cast %parallel_loop3A_732 : i32 to index
        %parallel_loop3A_736 = arith.constant 0 : index
        %parallel_loop3A_737 = tpu.vector_load %arg10[%parallel_loop3A_734, %parallel_loop3A_735, %parallel_loop3A_736] {strides = array<i32>} : memref<2x80x128xi32, #tpu.memory_space<vmem>>, vector<16xi32>,
        %parallel_loop3A_738 = vector.bitcast %parallel_loop3A_737 : vector<16xi32> to vector<32xbf16>
        %parallel_loop3A_739 = arith.constant 0 : i32
        %parallel_loop3A_740 = arith.index_cast %parallel_loop3A_739 : i32 to index
        %parallel_loop3A_741 = arith.index_cast %parallel_loop3A_732 : i32 to index
        %parallel_loop3A_742 = arith.constant 0 : index
        %parallel_loop3A_743 = tpu.vector_load %arg11[%parallel_loop3A_740, %parallel_loop3A_741, %parallel_loop3A_742] {strides = array<i32>} : memref<2x80x128xi32, #tpu.memory_space<vmem>>, vector<16xi32>,
        %parallel_loop3A_744 = vector.bitcast %parallel_loop3A_743 : vector<16xi32> to vector<32xbf16>
        %parallel_loop3A_745 = arith.mulf %parallel_loop3A_738, %parallel_loop3A_744 : vector<32xbf16>
        %parallel_loop3A_746 = arith.constant 0 : i32
        %parallel_loop3A_747 = arith.index_cast %parallel_loop3A_746 : i32 to index
        %parallel_loop3A_748 = arith.index_cast %parallel_loop3A_732 : i32 to index
        %parallel_loop3A_749 = arith.constant 16 : index
        %parallel_loop3A_750 = tpu.vector_load %arg10[%parallel_loop3A_747, %parallel_loop3A_748, %parallel_loop3A_749] {strides = array<i32>} : memref<2x80x128xi32, #tpu.memory_space<vmem>>, vector<16xi32>,
        %parallel_loop3A_751 = vector.bitcast %parallel_loop3A_750 : vector<16xi32> to vector<32xbf16>
        %parallel_loop3A_752 = arith.constant 0 : i32
        %parallel_loop3A_753 = arith.index_cast %parallel_loop3A_752 : i32 to index
        %parallel_loop3A_754 = arith.index_cast %parallel_loop3A_732 : i32 to index
        %parallel_loop3A_755 = arith.constant 16 : index
        %parallel_loop3A_756 = tpu.vector_load %arg11[%parallel_loop3A_753, %parallel_loop3A_754, %parallel_loop3A_755] {strides = array<i32>} : memref<2x80x128xi32, #tpu.memory_space<vmem>>, vector<16xi32>,
        %parallel_loop3A_757 = vector.bitcast %parallel_loop3A_756 : vector<16xi32> to vector<32xbf16>
        %parallel_loop3A_758 = arith.mulf %parallel_loop3A_751, %parallel_loop3A_757 : vector<32xbf16>
        %parallel_loop3A_759 = arith.addf %parallel_loop3A_745, %parallel_loop3A_758 : vector<32xbf16>
        %parallel_loop3A_760 = arith.constant 0 : i32
        %parallel_loop3A_761 = arith.index_cast %parallel_loop3A_760 : i32 to index
        %parallel_loop3A_762 = arith.index_cast %parallel_loop3A_732 : i32 to index
        %parallel_loop3A_763 = arith.constant 32 : index
        %parallel_loop3A_764 = tpu.vector_load %arg10[%parallel_loop3A_761, %parallel_loop3A_762, %parallel_loop3A_763] {strides = array<i32>} : memref<2x80x128xi32, #tpu.memory_space<vmem>>, vector<16xi32>,
        %parallel_loop3A_765 = vector.bitcast %parallel_loop3A_764 : vector<16xi32> to vector<32xbf16>
        %parallel_loop3A_766 = arith.constant 0 : i32
        %parallel_loop3A_767 = arith.index_cast %parallel_loop3A_766 : i32 to index
        %parallel_loop3A_768 = arith.index_cast %parallel_loop3A_732 : i32 to index
        %parallel_loop3A_769 = arith.constant 32 : index
        %parallel_loop3A_770 = tpu.vector_load %arg11[%parallel_loop3A_767, %parallel_loop3A_768, %parallel_loop3A_769] {strides = array<i32>} : memref<2x80x128xi32, #tpu.memory_space<vmem>>, vector<16xi32>,
        %parallel_loop3A_771 = vector.bitcast %parallel_loop3A_770 : vector<16xi32> to vector<32xbf16>
        %parallel_loop3A_772 = arith.mulf %parallel_loop3A_765, %parallel_loop3A_771 : vector<32xbf16>
        %parallel_loop3A_773 = arith.addf %parallel_loop3A_759, %parallel_loop3A_772 : vector<32xbf16>
        %parallel_loop3A_774 = arith.constant 0 : i32
        %parallel_loop3A_775 = arith.index_cast %parallel_loop3A_774 : i32 to index
        %parallel_loop3A_776 = arith.index_cast %parallel_loop3A_732 : i32 to index
        %parallel_loop3A_777 = arith.constant 48 : index
        %parallel_loop3A_778 = tpu.vector_load %arg10[%parallel_loop3A_775, %parallel_loop3A_776, %parallel_loop3A_777] {strides = array<i32>} : memref<2x80x128xi32, #tpu.memory_space<vmem>>, vector<16xi32>,
        %parallel_loop3A_779 = vector.bitcast %parallel_loop3A_778 : vector<16xi32> to vector<32xbf16>
        %parallel_loop3A_780 = arith.constant 0 : i32
        %parallel_loop3A_781 = arith.index_cast %parallel_loop3A_780 : i32 to index
        %parallel_loop3A_782 = arith.index_cast %parallel_loop3A_732 : i32 to index
        %parallel_loop3A_783 = arith.constant 48 : index
        %parallel_loop3A_784 = tpu.vector_load %arg11[%parallel_loop3A_781, %parallel_loop3A_782, %parallel_loop3A_783] {strides = array<i32>} : memref<2x80x128xi32, #tpu.memory_space<vmem>>, vector<16xi32>,
        %parallel_loop3A_785 = vector.bitcast %parallel_loop3A_784 : vector<16xi32> to vector<32xbf16>
        %parallel_loop3A_786 = arith.mulf %parallel_loop3A_779, %parallel_loop3A_785 : vector<32xbf16>
        %parallel_loop3A_787 = arith.addf %parallel_loop3A_773, %parallel_loop3A_786 : vector<32xbf16>
        %parallel_loop3A_788 = tpu.unpack_subelements %parallel_loop3A_787, 0 {pack_format = #tpu.pack_format<interleaved>} : vector<32xbf16> -> vector<16xf32>
        %parallel_loop3A_789 = tpu.unpack_subelements %parallel_loop3A_787, 1 {pack_format = #tpu.pack_format<interleaved>} : vector<32xbf16> -> vector<16xf32>
        %parallel_loop3A_790 = arith.constant 8 : i32
        %parallel_loop3A_791 = vector.broadcast %parallel_loop3A_790 : i32 to vector<16xi32>
        %parallel_loop3A_792 = arith.addi %parallel_loop3A_208, %parallel_loop3A_791 : vector<16xi32>
        %parallel_loop3A_793 = arith.addf %parallel_loop3A_788, %parallel_loop3A_789 : vector<16xf32>
        tpu.vector_store_idx %arg12[%parallel_loop3A_792], %parallel_loop3A_793 {add = true} : memref<10000xf32, #tpu.memory_space<vmem>>[vector<16xi32>], vector<16xf32>,
        %parallel_loop3A_794 = arith.constant 16 : i32
        %parallel_loop3A_795 = arith.muli %parallel_loop3A_199, %parallel_loop3A_794 : i32
        %parallel_loop3A_796 = arith.constant 9 : i32
        %parallel_loop3A_797 = arith.addi %parallel_loop3A_795, %parallel_loop3A_796 : i32
        %parallel_loop3A_798 = arith.constant 0 : i32
        %parallel_loop3A_799 = arith.index_cast %parallel_loop3A_798 : i32 to index
        %parallel_loop3A_800 = arith.index_cast %parallel_loop3A_797 : i32 to index
        %parallel_loop3A_801 = arith.constant 0 : index
        %parallel_loop3A_802 = tpu.vector_load %arg10[%parallel_loop3A_799, %parallel_loop3A_800, %parallel_loop3A_801] {strides = array<i32>} : memref<2x80x128xi32, #tpu.memory_space<vmem>>, vector<16xi32>,
        %parallel_loop3A_803 = vector.bitcast %parallel_loop3A_802 : vector<16xi32> to vector<32xbf16>
        %parallel_loop3A_804 = arith.constant 0 : i32
        %parallel_loop3A_805 = arith.index_cast %parallel_loop3A_804 : i32 to index
        %parallel_loop3A_806 = arith.index_cast %parallel_loop3A_797 : i32 to index
        %parallel_loop3A_807 = arith.constant 0 : index
        %parallel_loop3A_808 = tpu.vector_load %arg11[%parallel_loop3A_805, %parallel_loop3A_806, %parallel_loop3A_807] {strides = array<i32>} : memref<2x80x128xi32, #tpu.memory_space<vmem>>, vector<16xi32>,
        %parallel_loop3A_809 = vector.bitcast %parallel_loop3A_808 : vector<16xi32> to vector<32xbf16>
        %parallel_loop3A_810 = arith.mulf %parallel_loop3A_803, %parallel_loop3A_809 : vector<32xbf16>
        %parallel_loop3A_811 = arith.constant 0 : i32
        %parallel_loop3A_812 = arith.index_cast %parallel_loop3A_811 : i32 to index
        %parallel_loop3A_813 = arith.index_cast %parallel_loop3A_797 : i32 to index
        %parallel_loop3A_814 = arith.constant 16 : index
        %parallel_loop3A_815 = tpu.vector_load %arg10[%parallel_loop3A_812, %parallel_loop3A_813, %parallel_loop3A_814] {strides = array<i32>} : memref<2x80x128xi32, #tpu.memory_space<vmem>>, vector<16xi32>,
        %parallel_loop3A_816 = vector.bitcast %parallel_loop3A_815 : vector<16xi32> to vector<32xbf16>
        %parallel_loop3A_817 = arith.constant 0 : i32
        %parallel_loop3A_818 = arith.index_cast %parallel_loop3A_817 : i32 to index
        %parallel_loop3A_819 = arith.index_cast %parallel_loop3A_797 : i32 to index
        %parallel_loop3A_820 = arith.constant 16 : index
        %parallel_loop3A_821 = tpu.vector_load %arg11[%parallel_loop3A_818, %parallel_loop3A_819, %parallel_loop3A_820] {strides = array<i32>} : memref<2x80x128xi32, #tpu.memory_space<vmem>>, vector<16xi32>,
        %parallel_loop3A_822 = vector.bitcast %parallel_loop3A_821 : vector<16xi32> to vector<32xbf16>
        %parallel_loop3A_823 = arith.mulf %parallel_loop3A_816, %parallel_loop3A_822 : vector<32xbf16>
        %parallel_loop3A_824 = arith.addf %parallel_loop3A_810, %parallel_loop3A_823 : vector<32xbf16>
        %parallel_loop3A_825 = arith.constant 0 : i32
        %parallel_loop3A_826 = arith.index_cast %parallel_loop3A_825 : i32 to index
        %parallel_loop3A_827 = arith.index_cast %parallel_loop3A_797 : i32 to index
        %parallel_loop3A_828 = arith.constant 32 : index
        %parallel_loop3A_829 = tpu.vector_load %arg10[%parallel_loop3A_826, %parallel_loop3A_827, %parallel_loop3A_828] {strides = array<i32>} : memref<2x80x128xi32, #tpu.memory_space<vmem>>, vector<16xi32>,
        %parallel_loop3A_830 = vector.bitcast %parallel_loop3A_829 : vector<16xi32> to vector<32xbf16>
        %parallel_loop3A_831 = arith.constant 0 : i32
        %parallel_loop3A_832 = arith.index_cast %parallel_loop3A_831 : i32 to index
        %parallel_loop3A_833 = arith.index_cast %parallel_loop3A_797 : i32 to index
        %parallel_loop3A_834 = arith.constant 32 : index
        %parallel_loop3A_835 = tpu.vector_load %arg11[%parallel_loop3A_832, %parallel_loop3A_833, %parallel_loop3A_834] {strides = array<i32>} : memref<2x80x128xi32, #tpu.memory_space<vmem>>, vector<16xi32>,
        %parallel_loop3A_836 = vector.bitcast %parallel_loop3A_835 : vector<16xi32> to vector<32xbf16>
        %parallel_loop3A_837 = arith.mulf %parallel_loop3A_830, %parallel_loop3A_836 : vector<32xbf16>
        %parallel_loop3A_838 = arith.addf %parallel_loop3A_824, %parallel_loop3A_837 : vector<32xbf16>
        %parallel_loop3A_839 = arith.constant 0 : i32
        %parallel_loop3A_840 = arith.index_cast %parallel_loop3A_839 : i32 to index
        %parallel_loop3A_841 = arith.index_cast %parallel_loop3A_797 : i32 to index
        %parallel_loop3A_842 = arith.constant 48 : index
        %parallel_loop3A_843 = tpu.vector_load %arg10[%parallel_loop3A_840, %parallel_loop3A_841, %parallel_loop3A_842] {strides = array<i32>} : memref<2x80x128xi32, #tpu.memory_space<vmem>>, vector<16xi32>,
        %parallel_loop3A_844 = vector.bitcast %parallel_loop3A_843 : vector<16xi32> to vector<32xbf16>
        %parallel_loop3A_845 = arith.constant 0 : i32
        %parallel_loop3A_846 = arith.index_cast %parallel_loop3A_845 : i32 to index
        %parallel_loop3A_847 = arith.index_cast %parallel_loop3A_797 : i32 to index
        %parallel_loop3A_848 = arith.constant 48 : index
        %parallel_loop3A_849 = tpu.vector_load %arg11[%parallel_loop3A_846, %parallel_loop3A_847, %parallel_loop3A_848] {strides = array<i32>} : memref<2x80x128xi32, #tpu.memory_space<vmem>>, vector<16xi32>,
        %parallel_loop3A_850 = vector.bitcast %parallel_loop3A_849 : vector<16xi32> to vector<32xbf16>
        %parallel_loop3A_851 = arith.mulf %parallel_loop3A_844, %parallel_loop3A_850 : vector<32xbf16>
        %parallel_loop3A_852 = arith.addf %parallel_loop3A_838, %parallel_loop3A_851 : vector<32xbf16>
        %parallel_loop3A_853 = tpu.unpack_subelements %parallel_loop3A_852, 0 {pack_format = #tpu.pack_format<interleaved>} : vector<32xbf16> -> vector<16xf32>
        %parallel_loop3A_854 = tpu.unpack_subelements %parallel_loop3A_852, 1 {pack_format = #tpu.pack_format<interleaved>} : vector<32xbf16> -> vector<16xf32>
        %parallel_loop3A_855 = arith.constant 9 : i32
        %parallel_loop3A_856 = vector.broadcast %parallel_loop3A_855 : i32 to vector<16xi32>
        %parallel_loop3A_857 = arith.addi %parallel_loop3A_208, %parallel_loop3A_856 : vector<16xi32>
        %parallel_loop3A_858 = arith.addf %parallel_loop3A_853, %parallel_loop3A_854 : vector<16xf32>
        tpu.vector_store_idx %arg12[%parallel_loop3A_857], %parallel_loop3A_858 {add = true} : memref<10000xf32, #tpu.memory_space<vmem>>[vector<16xi32>], vector<16xf32>,
        %parallel_loop3A_859 = arith.constant 16 : i32
        %parallel_loop3A_860 = arith.muli %parallel_loop3A_199, %parallel_loop3A_859 : i32
        %parallel_loop3A_861 = arith.constant 10 : i32
        %parallel_loop3A_862 = arith.addi %parallel_loop3A_860, %parallel_loop3A_861 : i32
        %parallel_loop3A_863 = arith.constant 0 : i32
        %parallel_loop3A_864 = arith.index_cast %parallel_loop3A_863 : i32 to index
        %parallel_loop3A_865 = arith.index_cast %parallel_loop3A_862 : i32 to index
        %parallel_loop3A_866 = arith.constant 0 : index
        %parallel_loop3A_867 = tpu.vector_load %arg10[%parallel_loop3A_864, %parallel_loop3A_865, %parallel_loop3A_866] {strides = array<i32>} : memref<2x80x128xi32, #tpu.memory_space<vmem>>, vector<16xi32>,
        %parallel_loop3A_868 = vector.bitcast %parallel_loop3A_867 : vector<16xi32> to vector<32xbf16>
        %parallel_loop3A_869 = arith.constant 0 : i32
        %parallel_loop3A_870 = arith.index_cast %parallel_loop3A_869 : i32 to index
        %parallel_loop3A_871 = arith.index_cast %parallel_loop3A_862 : i32 to index
        %parallel_loop3A_872 = arith.constant 0 : index
        %parallel_loop3A_873 = tpu.vector_load %arg11[%parallel_loop3A_870, %parallel_loop3A_871, %parallel_loop3A_872] {strides = array<i32>} : memref<2x80x128xi32, #tpu.memory_space<vmem>>, vector<16xi32>,
        %parallel_loop3A_874 = vector.bitcast %parallel_loop3A_873 : vector<16xi32> to vector<32xbf16>
        %parallel_loop3A_875 = arith.mulf %parallel_loop3A_868, %parallel_loop3A_874 : vector<32xbf16>
        %parallel_loop3A_876 = arith.constant 0 : i32
        %parallel_loop3A_877 = arith.index_cast %parallel_loop3A_876 : i32 to index
        %parallel_loop3A_878 = arith.index_cast %parallel_loop3A_862 : i32 to index
        %parallel_loop3A_879 = arith.constant 16 : index
        %parallel_loop3A_880 = tpu.vector_load %arg10[%parallel_loop3A_877, %parallel_loop3A_878, %parallel_loop3A_879] {strides = array<i32>} : memref<2x80x128xi32, #tpu.memory_space<vmem>>, vector<16xi32>,
        %parallel_loop3A_881 = vector.bitcast %parallel_loop3A_880 : vector<16xi32> to vector<32xbf16>
        %parallel_loop3A_882 = arith.constant 0 : i32
        %parallel_loop3A_883 = arith.index_cast %parallel_loop3A_882 : i32 to index
        %parallel_loop3A_884 = arith.index_cast %parallel_loop3A_862 : i32 to index
        %parallel_loop3A_885 = arith.constant 16 : index
        %parallel_loop3A_886 = tpu.vector_load %arg11[%parallel_loop3A_883, %parallel_loop3A_884, %parallel_loop3A_885] {strides = array<i32>} : memref<2x80x128xi32, #tpu.memory_space<vmem>>, vector<16xi32>,
        %parallel_loop3A_887 = vector.bitcast %parallel_loop3A_886 : vector<16xi32> to vector<32xbf16>
        %parallel_loop3A_888 = arith.mulf %parallel_loop3A_881, %parallel_loop3A_887 : vector<32xbf16>
        %parallel_loop3A_889 = arith.addf %parallel_loop3A_875, %parallel_loop3A_888 : vector<32xbf16>
        %parallel_loop3A_890 = arith.constant 0 : i32
        %parallel_loop3A_891 = arith.index_cast %parallel_loop3A_890 : i32 to index
        %parallel_loop3A_892 = arith.index_cast %parallel_loop3A_862 : i32 to index
        %parallel_loop3A_893 = arith.constant 32 : index
        %parallel_loop3A_894 = tpu.vector_load %arg10[%parallel_loop3A_891, %parallel_loop3A_892, %parallel_loop3A_893] {strides = array<i32>} : memref<2x80x128xi32, #tpu.memory_space<vmem>>, vector<16xi32>,
        %parallel_loop3A_895 = vector.bitcast %parallel_loop3A_894 : vector<16xi32> to vector<32xbf16>
        %parallel_loop3A_896 = arith.constant 0 : i32
        %parallel_loop3A_897 = arith.index_cast %parallel_loop3A_896 : i32 to index
        %parallel_loop3A_898 = arith.index_cast %parallel_loop3A_862 : i32 to index
        %parallel_loop3A_899 = arith.constant 32 : index
        %parallel_loop3A_900 = tpu.vector_load %arg11[%parallel_loop3A_897, %parallel_loop3A_898, %parallel_loop3A_899] {strides = array<i32>} : memref<2x80x128xi32, #tpu.memory_space<vmem>>, vector<16xi32>,
        %parallel_loop3A_901 = vector.bitcast %parallel_loop3A_900 : vector<16xi32> to vector<32xbf16>
        %parallel_loop3A_902 = arith.mulf %parallel_loop3A_895, %parallel_loop3A_901 : vector<32xbf16>
        %parallel_loop3A_903 = arith.addf %parallel_loop3A_889, %parallel_loop3A_902 : vector<32xbf16>
        %parallel_loop3A_904 = arith.constant 0 : i32
        %parallel_loop3A_905 = arith.index_cast %parallel_loop3A_904 : i32 to index
        %parallel_loop3A_906 = arith.index_cast %parallel_loop3A_862 : i32 to index
        %parallel_loop3A_907 = arith.constant 48 : index
        %parallel_loop3A_908 = tpu.vector_load %arg10[%parallel_loop3A_905, %parallel_loop3A_906, %parallel_loop3A_907] {strides = array<i32>} : memref<2x80x128xi32, #tpu.memory_space<vmem>>, vector<16xi32>,
        %parallel_loop3A_909 = vector.bitcast %parallel_loop3A_908 : vector<16xi32> to vector<32xbf16>
        %parallel_loop3A_910 = arith.constant 0 : i32
        %parallel_loop3A_911 = arith.index_cast %parallel_loop3A_910 : i32 to index
        %parallel_loop3A_912 = arith.index_cast %parallel_loop3A_862 : i32 to index
        %parallel_loop3A_913 = arith.constant 48 : index
        %parallel_loop3A_914 = tpu.vector_load %arg11[%parallel_loop3A_911, %parallel_loop3A_912, %parallel_loop3A_913] {strides = array<i32>} : memref<2x80x128xi32, #tpu.memory_space<vmem>>, vector<16xi32>,
        %parallel_loop3A_915 = vector.bitcast %parallel_loop3A_914 : vector<16xi32> to vector<32xbf16>
        %parallel_loop3A_916 = arith.mulf %parallel_loop3A_909, %parallel_loop3A_915 : vector<32xbf16>
        %parallel_loop3A_917 = arith.addf %parallel_loop3A_903, %parallel_loop3A_916 : vector<32xbf16>
        %parallel_loop3A_918 = tpu.unpack_subelements %parallel_loop3A_917, 0 {pack_format = #tpu.pack_format<interleaved>} : vector<32xbf16> -> vector<16xf32>
        %parallel_loop3A_919 = tpu.unpack_subelements %parallel_loop3A_917, 1 {pack_format = #tpu.pack_format<interleaved>} : vector<32xbf16> -> vector<16xf32>
        %parallel_loop3A_920 = arith.constant 10 : i32
        %parallel_loop3A_921 = vector.broadcast %parallel_loop3A_920 : i32 to vector<16xi32>
        %parallel_loop3A_922 = arith.addi %parallel_loop3A_208, %parallel_loop3A_921 : vector<16xi32>
        %parallel_loop3A_923 = arith.addf %parallel_loop3A_918, %parallel_loop3A_919 : vector<16xf32>
        tpu.vector_store_idx %arg12[%parallel_loop3A_922], %parallel_loop3A_923 {add = true} : memref<10000xf32, #tpu.memory_space<vmem>>[vector<16xi32>], vector<16xf32>,
        %parallel_loop3A_924 = arith.constant 16 : i32
        %parallel_loop3A_925 = arith.muli %parallel_loop3A_199, %parallel_loop3A_924 : i32
        %parallel_loop3A_926 = arith.constant 11 : i32
        %parallel_loop3A_927 = arith.addi %parallel_loop3A_925, %parallel_loop3A_926 : i32
        %parallel_loop3A_928 = arith.constant 0 : i32
        %parallel_loop3A_929 = arith.index_cast %parallel_loop3A_928 : i32 to index
        %parallel_loop3A_930 = arith.index_cast %parallel_loop3A_927 : i32 to index
        %parallel_loop3A_931 = arith.constant 0 : index
        %parallel_loop3A_932 = tpu.vector_load %arg10[%parallel_loop3A_929, %parallel_loop3A_930, %parallel_loop3A_931] {strides = array<i32>} : memref<2x80x128xi32, #tpu.memory_space<vmem>>, vector<16xi32>,
        %parallel_loop3A_933 = vector.bitcast %parallel_loop3A_932 : vector<16xi32> to vector<32xbf16>
        %parallel_loop3A_934 = arith.constant 0 : i32
        %parallel_loop3A_935 = arith.index_cast %parallel_loop3A_934 : i32 to index
        %parallel_loop3A_936 = arith.index_cast %parallel_loop3A_927 : i32 to index
        %parallel_loop3A_937 = arith.constant 0 : index
        %parallel_loop3A_938 = tpu.vector_load %arg11[%parallel_loop3A_935, %parallel_loop3A_936, %parallel_loop3A_937] {strides = array<i32>} : memref<2x80x128xi32, #tpu.memory_space<vmem>>, vector<16xi32>,
        %parallel_loop3A_939 = vector.bitcast %parallel_loop3A_938 : vector<16xi32> to vector<32xbf16>
        %parallel_loop3A_940 = arith.mulf %parallel_loop3A_933, %parallel_loop3A_939 : vector<32xbf16>
        %parallel_loop3A_941 = arith.constant 0 : i32
        %parallel_loop3A_942 = arith.index_cast %parallel_loop3A_941 : i32 to index
        %parallel_loop3A_943 = arith.index_cast %parallel_loop3A_927 : i32 to index
        %parallel_loop3A_944 = arith.constant 16 : index
        %parallel_loop3A_945 = tpu.vector_load %arg10[%parallel_loop3A_942, %parallel_loop3A_943, %parallel_loop3A_944] {strides = array<i32>} : memref<2x80x128xi32, #tpu.memory_space<vmem>>, vector<16xi32>,
        %parallel_loop3A_946 = vector.bitcast %parallel_loop3A_945 : vector<16xi32> to vector<32xbf16>
        %parallel_loop3A_947 = arith.constant 0 : i32
        %parallel_loop3A_948 = arith.index_cast %parallel_loop3A_947 : i32 to index
        %parallel_loop3A_949 = arith.index_cast %parallel_loop3A_927 : i32 to index
        %parallel_loop3A_950 = arith.constant 16 : index
        %parallel_loop3A_951 = tpu.vector_load %arg11[%parallel_loop3A_948, %parallel_loop3A_949, %parallel_loop3A_950] {strides = array<i32>} : memref<2x80x128xi32, #tpu.memory_space<vmem>>, vector<16xi32>,
        %parallel_loop3A_952 = vector.bitcast %parallel_loop3A_951 : vector<16xi32> to vector<32xbf16>
        %parallel_loop3A_953 = arith.mulf %parallel_loop3A_946, %parallel_loop3A_952 : vector<32xbf16>
        %parallel_loop3A_954 = arith.addf %parallel_loop3A_940, %parallel_loop3A_953 : vector<32xbf16>
        %parallel_loop3A_955 = arith.constant 0 : i32
        %parallel_loop3A_956 = arith.index_cast %parallel_loop3A_955 : i32 to index
        %parallel_loop3A_957 = arith.index_cast %parallel_loop3A_927 : i32 to index
        %parallel_loop3A_958 = arith.constant 32 : index
        %parallel_loop3A_959 = tpu.vector_load %arg10[%parallel_loop3A_956, %parallel_loop3A_957, %parallel_loop3A_958] {strides = array<i32>} : memref<2x80x128xi32, #tpu.memory_space<vmem>>, vector<16xi32>,
        %parallel_loop3A_960 = vector.bitcast %parallel_loop3A_959 : vector<16xi32> to vector<32xbf16>
        %parallel_loop3A_961 = arith.constant 0 : i32
        %parallel_loop3A_962 = arith.index_cast %parallel_loop3A_961 : i32 to index
        %parallel_loop3A_963 = arith.index_cast %parallel_loop3A_927 : i32 to index
        %parallel_loop3A_964 = arith.constant 32 : index
        %parallel_loop3A_965 = tpu.vector_load %arg11[%parallel_loop3A_962, %parallel_loop3A_963, %parallel_loop3A_964] {strides = array<i32>} : memref<2x80x128xi32, #tpu.memory_space<vmem>>, vector<16xi32>,
        %parallel_loop3A_966 = vector.bitcast %parallel_loop3A_965 : vector<16xi32> to vector<32xbf16>
        %parallel_loop3A_967 = arith.mulf %parallel_loop3A_960, %parallel_loop3A_966 : vector<32xbf16>
        %parallel_loop3A_968 = arith.addf %parallel_loop3A_954, %parallel_loop3A_967 : vector<32xbf16>
        %parallel_loop3A_969 = arith.constant 0 : i32
        %parallel_loop3A_970 = arith.index_cast %parallel_loop3A_969 : i32 to index
        %parallel_loop3A_971 = arith.index_cast %parallel_loop3A_927 : i32 to index
        %parallel_loop3A_972 = arith.constant 48 : index
        %parallel_loop3A_973 = tpu.vector_load %arg10[%parallel_loop3A_970, %parallel_loop3A_971, %parallel_loop3A_972] {strides = array<i32>} : memref<2x80x128xi32, #tpu.memory_space<vmem>>, vector<16xi32>,
        %parallel_loop3A_974 = vector.bitcast %parallel_loop3A_973 : vector<16xi32> to vector<32xbf16>
        %parallel_loop3A_975 = arith.constant 0 : i32
        %parallel_loop3A_976 = arith.index_cast %parallel_loop3A_975 : i32 to index
        %parallel_loop3A_977 = arith.index_cast %parallel_loop3A_927 : i32 to index
        %parallel_loop3A_978 = arith.constant 48 : index
        %parallel_loop3A_979 = tpu.vector_load %arg11[%parallel_loop3A_976, %parallel_loop3A_977, %parallel_loop3A_978] {strides = array<i32>} : memref<2x80x128xi32, #tpu.memory_space<vmem>>, vector<16xi32>,
        %parallel_loop3A_980 = vector.bitcast %parallel_loop3A_979 : vector<16xi32> to vector<32xbf16>
        %parallel_loop3A_981 = arith.mulf %parallel_loop3A_974, %parallel_loop3A_980 : vector<32xbf16>
        %parallel_loop3A_982 = arith.addf %parallel_loop3A_968, %parallel_loop3A_981 : vector<32xbf16>
        %parallel_loop3A_983 = tpu.unpack_subelements %parallel_loop3A_982, 0 {pack_format = #tpu.pack_format<interleaved>} : vector<32xbf16> -> vector<16xf32>
        %parallel_loop3A_984 = tpu.unpack_subelements %parallel_loop3A_982, 1 {pack_format = #tpu.pack_format<interleaved>} : vector<32xbf16> -> vector<16xf32>
        %parallel_loop3A_985 = arith.constant 11 : i32
        %parallel_loop3A_986 = vector.broadcast %parallel_loop3A_985 : i32 to vector<16xi32>
        %parallel_loop3A_987 = arith.addi %parallel_loop3A_208, %parallel_loop3A_986 : vector<16xi32>
        %parallel_loop3A_988 = arith.addf %parallel_loop3A_983, %parallel_loop3A_984 : vector<16xf32>
        tpu.vector_store_idx %arg12[%parallel_loop3A_987], %parallel_loop3A_988 {add = true} : memref<10000xf32, #tpu.memory_space<vmem>>[vector<16xi32>], vector<16xf32>,
        %parallel_loop3A_989 = arith.constant 16 : i32
        %parallel_loop3A_990 = arith.muli %parallel_loop3A_199, %parallel_loop3A_989 : i32
        %parallel_loop3A_991 = arith.constant 12 : i32
        %parallel_loop3A_992 = arith.addi %parallel_loop3A_990, %parallel_loop3A_991 : i32
        %parallel_loop3A_993 = arith.constant 0 : i32
        %parallel_loop3A_994 = arith.index_cast %parallel_loop3A_993 : i32 to index
        %parallel_loop3A_995 = arith.index_cast %parallel_loop3A_992 : i32 to index
        %parallel_loop3A_996 = arith.constant 0 : index
        %parallel_loop3A_997 = tpu.vector_load %arg10[%parallel_loop3A_994, %parallel_loop3A_995, %parallel_loop3A_996] {strides = array<i32>} : memref<2x80x128xi32, #tpu.memory_space<vmem>>, vector<16xi32>,
        %parallel_loop3A_998 = vector.bitcast %parallel_loop3A_997 : vector<16xi32> to vector<32xbf16>
        %parallel_loop3A_999 = arith.constant 0 : i32
        %parallel_loop3A_1000 = arith.index_cast %parallel_loop3A_999 : i32 to index
        %parallel_loop3A_1001 = arith.index_cast %parallel_loop3A_992 : i32 to index
        %parallel_loop3A_1002 = arith.constant 0 : index
        %parallel_loop3A_1003 = tpu.vector_load %arg11[%parallel_loop3A_1000, %parallel_loop3A_1001, %parallel_loop3A_1002] {strides = array<i32>} : memref<2x80x128xi32, #tpu.memory_space<vmem>>, vector<16xi32>,
        %parallel_loop3A_1004 = vector.bitcast %parallel_loop3A_1003 : vector<16xi32> to vector<32xbf16>
        %parallel_loop3A_1005 = arith.mulf %parallel_loop3A_998, %parallel_loop3A_1004 : vector<32xbf16>
        %parallel_loop3A_1006 = arith.constant 0 : i32
        %parallel_loop3A_1007 = arith.index_cast %parallel_loop3A_1006 : i32 to index
        %parallel_loop3A_1008 = arith.index_cast %parallel_loop3A_992 : i32 to index
        %parallel_loop3A_1009 = arith.constant 16 : index
        %parallel_loop3A_1010 = tpu.vector_load %arg10[%parallel_loop3A_1007, %parallel_loop3A_1008, %parallel_loop3A_1009] {strides = array<i32>} : memref<2x80x128xi32, #tpu.memory_space<vmem>>, vector<16xi32>,
        %parallel_loop3A_1011 = vector.bitcast %parallel_loop3A_1010 : vector<16xi32> to vector<32xbf16>
        %parallel_loop3A_1012 = arith.constant 0 : i32
        %parallel_loop3A_1013 = arith.index_cast %parallel_loop3A_1012 : i32 to index
        %parallel_loop3A_1014 = arith.index_cast %parallel_loop3A_992 : i32 to index
        %parallel_loop3A_1015 = arith.constant 16 : index
        %parallel_loop3A_1016 = tpu.vector_load %arg11[%parallel_loop3A_1013, %parallel_loop3A_1014, %parallel_loop3A_1015] {strides = array<i32>} : memref<2x80x128xi32, #tpu.memory_space<vmem>>, vector<16xi32>,
        %parallel_loop3A_1017 = vector.bitcast %parallel_loop3A_1016 : vector<16xi32> to vector<32xbf16>
        %parallel_loop3A_1018 = arith.mulf %parallel_loop3A_1011, %parallel_loop3A_1017 : vector<32xbf16>
        %parallel_loop3A_1019 = arith.addf %parallel_loop3A_1005, %parallel_loop3A_1018 : vector<32xbf16>
        %parallel_loop3A_1020 = arith.constant 0 : i32
        %parallel_loop3A_1021 = arith.index_cast %parallel_loop3A_1020 : i32 to index
        %parallel_loop3A_1022 = arith.index_cast %parallel_loop3A_992 : i32 to index
        %parallel_loop3A_1023 = arith.constant 32 : index
        %parallel_loop3A_1024 = tpu.vector_load %arg10[%parallel_loop3A_1021, %parallel_loop3A_1022, %parallel_loop3A_1023] {strides = array<i32>} : memref<2x80x128xi32, #tpu.memory_space<vmem>>, vector<16xi32>,
        %parallel_loop3A_1025 = vector.bitcast %parallel_loop3A_1024 : vector<16xi32> to vector<32xbf16>
        %parallel_loop3A_1026 = arith.constant 0 : i32
        %parallel_loop3A_1027 = arith.index_cast %parallel_loop3A_1026 : i32 to index
        %parallel_loop3A_1028 = arith.index_cast %parallel_loop3A_992 : i32 to index
        %parallel_loop3A_1029 = arith.constant 32 : index
        %parallel_loop3A_1030 = tpu.vector_load %arg11[%parallel_loop3A_1027, %parallel_loop3A_1028, %parallel_loop3A_1029] {strides = array<i32>} : memref<2x80x128xi32, #tpu.memory_space<vmem>>, vector<16xi32>,
        %parallel_loop3A_1031 = vector.bitcast %parallel_loop3A_1030 : vector<16xi32> to vector<32xbf16>
        %parallel_loop3A_1032 = arith.mulf %parallel_loop3A_1025, %parallel_loop3A_1031 : vector<32xbf16>
        %parallel_loop3A_1033 = arith.addf %parallel_loop3A_1019, %parallel_loop3A_1032 : vector<32xbf16>
        %parallel_loop3A_1034 = arith.constant 0 : i32
        %parallel_loop3A_1035 = arith.index_cast %parallel_loop3A_1034 : i32 to index
        %parallel_loop3A_1036 = arith.index_cast %parallel_loop3A_992 : i32 to index
        %parallel_loop3A_1037 = arith.constant 48 : index
        %parallel_loop3A_1038 = tpu.vector_load %arg10[%parallel_loop3A_1035, %parallel_loop3A_1036, %parallel_loop3A_1037] {strides = array<i32>} : memref<2x80x128xi32, #tpu.memory_space<vmem>>, vector<16xi32>,
        %parallel_loop3A_1039 = vector.bitcast %parallel_loop3A_1038 : vector<16xi32> to vector<32xbf16>
        %parallel_loop3A_1040 = arith.constant 0 : i32
        %parallel_loop3A_1041 = arith.index_cast %parallel_loop3A_1040 : i32 to index
        %parallel_loop3A_1042 = arith.index_cast %parallel_loop3A_992 : i32 to index
        %parallel_loop3A_1043 = arith.constant 48 : index
        %parallel_loop3A_1044 = tpu.vector_load %arg11[%parallel_loop3A_1041, %parallel_loop3A_1042, %parallel_loop3A_1043] {strides = array<i32>} : memref<2x80x128xi32, #tpu.memory_space<vmem>>, vector<16xi32>,
        %parallel_loop3A_1045 = vector.bitcast %parallel_loop3A_1044 : vector<16xi32> to vector<32xbf16>
        %parallel_loop3A_1046 = arith.mulf %parallel_loop3A_1039, %parallel_loop3A_1045 : vector<32xbf16>
        %parallel_loop3A_1047 = arith.addf %parallel_loop3A_1033, %parallel_loop3A_1046 : vector<32xbf16>
        %parallel_loop3A_1048 = tpu.unpack_subelements %parallel_loop3A_1047, 0 {pack_format = #tpu.pack_format<interleaved>} : vector<32xbf16> -> vector<16xf32>
        %parallel_loop3A_1049 = tpu.unpack_subelements %parallel_loop3A_1047, 1 {pack_format = #tpu.pack_format<interleaved>} : vector<32xbf16> -> vector<16xf32>
        %parallel_loop3A_1050 = arith.constant 12 : i32
        %parallel_loop3A_1051 = vector.broadcast %parallel_loop3A_1050 : i32 to vector<16xi32>
        %parallel_loop3A_1052 = arith.addi %parallel_loop3A_208, %parallel_loop3A_1051 : vector<16xi32>
        %parallel_loop3A_1053 = arith.addf %parallel_loop3A_1048, %parallel_loop3A_1049 : vector<16xf32>
        tpu.vector_store_idx %arg12[%parallel_loop3A_1052], %parallel_loop3A_1053 {add = true} : memref<10000xf32, #tpu.memory_space<vmem>>[vector<16xi32>], vector<16xf32>,
        %parallel_loop3A_1054 = arith.constant 16 : i32
        %parallel_loop3A_1055 = arith.muli %parallel_loop3A_199, %parallel_loop3A_1054 : i32
        %parallel_loop3A_1056 = arith.constant 13 : i32
        %parallel_loop3A_1057 = arith.addi %parallel_loop3A_1055, %parallel_loop3A_1056 : i32
        %parallel_loop3A_1058 = arith.constant 0 : i32
        %parallel_loop3A_1059 = arith.index_cast %parallel_loop3A_1058 : i32 to index
        %parallel_loop3A_1060 = arith.index_cast %parallel_loop3A_1057 : i32 to index
        %parallel_loop3A_1061 = arith.constant 0 : index
        %parallel_loop3A_1062 = tpu.vector_load %arg10[%parallel_loop3A_1059, %parallel_loop3A_1060, %parallel_loop3A_1061] {strides = array<i32>} : memref<2x80x128xi32, #tpu.memory_space<vmem>>, vector<16xi32>,
        %parallel_loop3A_1063 = vector.bitcast %parallel_loop3A_1062 : vector<16xi32> to vector<32xbf16>
        %parallel_loop3A_1064 = arith.constant 0 : i32
        %parallel_loop3A_1065 = arith.index_cast %parallel_loop3A_1064 : i32 to index
        %parallel_loop3A_1066 = arith.index_cast %parallel_loop3A_1057 : i32 to index
        %parallel_loop3A_1067 = arith.constant 0 : index
        %parallel_loop3A_1068 = tpu.vector_load %arg11[%parallel_loop3A_1065, %parallel_loop3A_1066, %parallel_loop3A_1067] {strides = array<i32>} : memref<2x80x128xi32, #tpu.memory_space<vmem>>, vector<16xi32>,
        %parallel_loop3A_1069 = vector.bitcast %parallel_loop3A_1068 : vector<16xi32> to vector<32xbf16>
        %parallel_loop3A_1070 = arith.mulf %parallel_loop3A_1063, %parallel_loop3A_1069 : vector<32xbf16>
        %parallel_loop3A_1071 = arith.constant 0 : i32
        %parallel_loop3A_1072 = arith.index_cast %parallel_loop3A_1071 : i32 to index
        %parallel_loop3A_1073 = arith.index_cast %parallel_loop3A_1057 : i32 to index
        %parallel_loop3A_1074 = arith.constant 16 : index
        %parallel_loop3A_1075 = tpu.vector_load %arg10[%parallel_loop3A_1072, %parallel_loop3A_1073, %parallel_loop3A_1074] {strides = array<i32>} : memref<2x80x128xi32, #tpu.memory_space<vmem>>, vector<16xi32>,
        %parallel_loop3A_1076 = vector.bitcast %parallel_loop3A_1075 : vector<16xi32> to vector<32xbf16>
        %parallel_loop3A_1077 = arith.constant 0 : i32
        %parallel_loop3A_1078 = arith.index_cast %parallel_loop3A_1077 : i32 to index
        %parallel_loop3A_1079 = arith.index_cast %parallel_loop3A_1057 : i32 to index
        %parallel_loop3A_1080 = arith.constant 16 : index
        %parallel_loop3A_1081 = tpu.vector_load %arg11[%parallel_loop3A_1078, %parallel_loop3A_1079, %parallel_loop3A_1080] {strides = array<i32>} : memref<2x80x128xi32, #tpu.memory_space<vmem>>, vector<16xi32>,
        %parallel_loop3A_1082 = vector.bitcast %parallel_loop3A_1081 : vector<16xi32> to vector<32xbf16>
        %parallel_loop3A_1083 = arith.mulf %parallel_loop3A_1076, %parallel_loop3A_1082 : vector<32xbf16>
        %parallel_loop3A_1084 = arith.addf %parallel_loop3A_1070, %parallel_loop3A_1083 : vector<32xbf16>
        %parallel_loop3A_1085 = arith.constant 0 : i32
        %parallel_loop3A_1086 = arith.index_cast %parallel_loop3A_1085 : i32 to index
        %parallel_loop3A_1087 = arith.index_cast %parallel_loop3A_1057 : i32 to index
        %parallel_loop3A_1088 = arith.constant 32 : index
        %parallel_loop3A_1089 = tpu.vector_load %arg10[%parallel_loop3A_1086, %parallel_loop3A_1087, %parallel_loop3A_1088] {strides = array<i32>} : memref<2x80x128xi32, #tpu.memory_space<vmem>>, vector<16xi32>,
        %parallel_loop3A_1090 = vector.bitcast %parallel_loop3A_1089 : vector<16xi32> to vector<32xbf16>
        %parallel_loop3A_1091 = arith.constant 0 : i32
        %parallel_loop3A_1092 = arith.index_cast %parallel_loop3A_1091 : i32 to index
        %parallel_loop3A_1093 = arith.index_cast %parallel_loop3A_1057 : i32 to index
        %parallel_loop3A_1094 = arith.constant 32 : index
        %parallel_loop3A_1095 = tpu.vector_load %arg11[%parallel_loop3A_1092, %parallel_loop3A_1093, %parallel_loop3A_1094] {strides = array<i32>} : memref<2x80x128xi32, #tpu.memory_space<vmem>>, vector<16xi32>,
        %parallel_loop3A_1096 = vector.bitcast %parallel_loop3A_1095 : vector<16xi32> to vector<32xbf16>
        %parallel_loop3A_1097 = arith.mulf %parallel_loop3A_1090, %parallel_loop3A_1096 : vector<32xbf16>
        %parallel_loop3A_1098 = arith.addf %parallel_loop3A_1084, %parallel_loop3A_1097 : vector<32xbf16>
        %parallel_loop3A_1099 = arith.constant 0 : i32
        %parallel_loop3A_1100 = arith.index_cast %parallel_loop3A_1099 : i32 to index
        %parallel_loop3A_1101 = arith.index_cast %parallel_loop3A_1057 : i32 to index
        %parallel_loop3A_1102 = arith.constant 48 : index
        %parallel_loop3A_1103 = tpu.vector_load %arg10[%parallel_loop3A_1100, %parallel_loop3A_1101, %parallel_loop3A_1102] {strides = array<i32>} : memref<2x80x128xi32, #tpu.memory_space<vmem>>, vector<16xi32>,
        %parallel_loop3A_1104 = vector.bitcast %parallel_loop3A_1103 : vector<16xi32> to vector<32xbf16>
        %parallel_loop3A_1105 = arith.constant 0 : i32
        %parallel_loop3A_1106 = arith.index_cast %parallel_loop3A_1105 : i32 to index
        %parallel_loop3A_1107 = arith.index_cast %parallel_loop3A_1057 : i32 to index
        %parallel_loop3A_1108 = arith.constant 48 : index
        %parallel_loop3A_1109 = tpu.vector_load %arg11[%parallel_loop3A_1106, %parallel_loop3A_1107, %parallel_loop3A_1108] {strides = array<i32>} : memref<2x80x128xi32, #tpu.memory_space<vmem>>, vector<16xi32>,
        %parallel_loop3A_1110 = vector.bitcast %parallel_loop3A_1109 : vector<16xi32> to vector<32xbf16>
        %parallel_loop3A_1111 = arith.mulf %parallel_loop3A_1104, %parallel_loop3A_1110 : vector<32xbf16>
        %parallel_loop3A_1112 = arith.addf %parallel_loop3A_1098, %parallel_loop3A_1111 : vector<32xbf16>
        %parallel_loop3A_1113 = tpu.unpack_subelements %parallel_loop3A_1112, 0 {pack_format = #tpu.pack_format<interleaved>} : vector<32xbf16> -> vector<16xf32>
        %parallel_loop3A_1114 = tpu.unpack_subelements %parallel_loop3A_1112, 1 {pack_format = #tpu.pack_format<interleaved>} : vector<32xbf16> -> vector<16xf32>
        %parallel_loop3A_1115 = arith.constant 13 : i32
        %parallel_loop3A_1116 = vector.broadcast %parallel_loop3A_1115 : i32 to vector<16xi32>
        %parallel_loop3A_1117 = arith.addi %parallel_loop3A_208, %parallel_loop3A_1116 : vector<16xi32>
        %parallel_loop3A_1118 = arith.addf %parallel_loop3A_1113, %parallel_loop3A_1114 : vector<16xf32>
        tpu.vector_store_idx %arg12[%parallel_loop3A_1117], %parallel_loop3A_1118 {add = true} : memref<10000xf32, #tpu.memory_space<vmem>>[vector<16xi32>], vector<16xf32>,
        %parallel_loop3A_1119 = arith.constant 16 : i32
        %parallel_loop3A_1120 = arith.muli %parallel_loop3A_199, %parallel_loop3A_1119 : i32
        %parallel_loop3A_1121 = arith.constant 14 : i32
        %parallel_loop3A_1122 = arith.addi %parallel_loop3A_1120, %parallel_loop3A_1121 : i32
        %parallel_loop3A_1123 = arith.constant 0 : i32
        %parallel_loop3A_1124 = arith.index_cast %parallel_loop3A_1123 : i32 to index
        %parallel_loop3A_1125 = arith.index_cast %parallel_loop3A_1122 : i32 to index
        %parallel_loop3A_1126 = arith.constant 0 : index
        %parallel_loop3A_1127 = tpu.vector_load %arg10[%parallel_loop3A_1124, %parallel_loop3A_1125, %parallel_loop3A_1126] {strides = array<i32>} : memref<2x80x128xi32, #tpu.memory_space<vmem>>, vector<16xi32>,
        %parallel_loop3A_1128 = vector.bitcast %parallel_loop3A_1127 : vector<16xi32> to vector<32xbf16>
        %parallel_loop3A_1129 = arith.constant 0 : i32
        %parallel_loop3A_1130 = arith.index_cast %parallel_loop3A_1129 : i32 to index
        %parallel_loop3A_1131 = arith.index_cast %parallel_loop3A_1122 : i32 to index
        %parallel_loop3A_1132 = arith.constant 0 : index
        %parallel_loop3A_1133 = tpu.vector_load %arg11[%parallel_loop3A_1130, %parallel_loop3A_1131, %parallel_loop3A_1132] {strides = array<i32>} : memref<2x80x128xi32, #tpu.memory_space<vmem>>, vector<16xi32>,
        %parallel_loop3A_1134 = vector.bitcast %parallel_loop3A_1133 : vector<16xi32> to vector<32xbf16>
        %parallel_loop3A_1135 = arith.mulf %parallel_loop3A_1128, %parallel_loop3A_1134 : vector<32xbf16>
        %parallel_loop3A_1136 = arith.constant 0 : i32
        %parallel_loop3A_1137 = arith.index_cast %parallel_loop3A_1136 : i32 to index
        %parallel_loop3A_1138 = arith.index_cast %parallel_loop3A_1122 : i32 to index
        %parallel_loop3A_1139 = arith.constant 16 : index
        %parallel_loop3A_1140 = tpu.vector_load %arg10[%parallel_loop3A_1137, %parallel_loop3A_1138, %parallel_loop3A_1139] {strides = array<i32>} : memref<2x80x128xi32, #tpu.memory_space<vmem>>, vector<16xi32>,
        %parallel_loop3A_1141 = vector.bitcast %parallel_loop3A_1140 : vector<16xi32> to vector<32xbf16>
        %parallel_loop3A_1142 = arith.constant 0 : i32
        %parallel_loop3A_1143 = arith.index_cast %parallel_loop3A_1142 : i32 to index
        %parallel_loop3A_1144 = arith.index_cast %parallel_loop3A_1122 : i32 to index
        %parallel_loop3A_1145 = arith.constant 16 : index
        %parallel_loop3A_1146 = tpu.vector_load %arg11[%parallel_loop3A_1143, %parallel_loop3A_1144, %parallel_loop3A_1145] {strides = array<i32>} : memref<2x80x128xi32, #tpu.memory_space<vmem>>, vector<16xi32>,
        %parallel_loop3A_1147 = vector.bitcast %parallel_loop3A_1146 : vector<16xi32> to vector<32xbf16>
        %parallel_loop3A_1148 = arith.mulf %parallel_loop3A_1141, %parallel_loop3A_1147 : vector<32xbf16>
        %parallel_loop3A_1149 = arith.addf %parallel_loop3A_1135, %parallel_loop3A_1148 : vector<32xbf16>
        %parallel_loop3A_1150 = arith.constant 0 : i32
        %parallel_loop3A_1151 = arith.index_cast %parallel_loop3A_1150 : i32 to index
        %parallel_loop3A_1152 = arith.index_cast %parallel_loop3A_1122 : i32 to index
        %parallel_loop3A_1153 = arith.constant 32 : index
        %parallel_loop3A_1154 = tpu.vector_load %arg10[%parallel_loop3A_1151, %parallel_loop3A_1152, %parallel_loop3A_1153] {strides = array<i32>} : memref<2x80x128xi32, #tpu.memory_space<vmem>>, vector<16xi32>,
        %parallel_loop3A_1155 = vector.bitcast %parallel_loop3A_1154 : vector<16xi32> to vector<32xbf16>
        %parallel_loop3A_1156 = arith.constant 0 : i32
        %parallel_loop3A_1157 = arith.index_cast %parallel_loop3A_1156 : i32 to index
        %parallel_loop3A_1158 = arith.index_cast %parallel_loop3A_1122 : i32 to index
        %parallel_loop3A_1159 = arith.constant 32 : index
        %parallel_loop3A_1160 = tpu.vector_load %arg11[%parallel_loop3A_1157, %parallel_loop3A_1158, %parallel_loop3A_1159] {strides = array<i32>} : memref<2x80x128xi32, #tpu.memory_space<vmem>>, vector<16xi32>,
        %parallel_loop3A_1161 = vector.bitcast %parallel_loop3A_1160 : vector<16xi32> to vector<32xbf16>
        %parallel_loop3A_1162 = arith.mulf %parallel_loop3A_1155, %parallel_loop3A_1161 : vector<32xbf16>
        %parallel_loop3A_1163 = arith.addf %parallel_loop3A_1149, %parallel_loop3A_1162 : vector<32xbf16>
        %parallel_loop3A_1164 = arith.constant 0 : i32
        %parallel_loop3A_1165 = arith.index_cast %parallel_loop3A_1164 : i32 to index
        %parallel_loop3A_1166 = arith.index_cast %parallel_loop3A_1122 : i32 to index
        %parallel_loop3A_1167 = arith.constant 48 : index
        %parallel_loop3A_1168 = tpu.vector_load %arg10[%parallel_loop3A_1165, %parallel_loop3A_1166, %parallel_loop3A_1167] {strides = array<i32>} : memref<2x80x128xi32, #tpu.memory_space<vmem>>, vector<16xi32>,
        %parallel_loop3A_1169 = vector.bitcast %parallel_loop3A_1168 : vector<16xi32> to vector<32xbf16>
        %parallel_loop3A_1170 = arith.constant 0 : i32
        %parallel_loop3A_1171 = arith.index_cast %parallel_loop3A_1170 : i32 to index
        %parallel_loop3A_1172 = arith.index_cast %parallel_loop3A_1122 : i32 to index
        %parallel_loop3A_1173 = arith.constant 48 : index
        %parallel_loop3A_1174 = tpu.vector_load %arg11[%parallel_loop3A_1171, %parallel_loop3A_1172, %parallel_loop3A_1173] {strides = array<i32>} : memref<2x80x128xi32, #tpu.memory_space<vmem>>, vector<16xi32>,
        %parallel_loop3A_1175 = vector.bitcast %parallel_loop3A_1174 : vector<16xi32> to vector<32xbf16>
        %parallel_loop3A_1176 = arith.mulf %parallel_loop3A_1169, %parallel_loop3A_1175 : vector<32xbf16>
        %parallel_loop3A_1177 = arith.addf %parallel_loop3A_1163, %parallel_loop3A_1176 : vector<32xbf16>
        %parallel_loop3A_1178 = tpu.unpack_subelements %parallel_loop3A_1177, 0 {pack_format = #tpu.pack_format<interleaved>} : vector<32xbf16> -> vector<16xf32>
        %parallel_loop3A_1179 = tpu.unpack_subelements %parallel_loop3A_1177, 1 {pack_format = #tpu.pack_format<interleaved>} : vector<32xbf16> -> vector<16xf32>
        %parallel_loop3A_1180 = arith.constant 14 : i32
        %parallel_loop3A_1181 = vector.broadcast %parallel_loop3A_1180 : i32 to vector<16xi32>
        %parallel_loop3A_1182 = arith.addi %parallel_loop3A_208, %parallel_loop3A_1181 : vector<16xi32>
        %parallel_loop3A_1183 = arith.addf %parallel_loop3A_1178, %parallel_loop3A_1179 : vector<16xf32>
        tpu.vector_store_idx %arg12[%parallel_loop3A_1182], %parallel_loop3A_1183 {add = true} : memref<10000xf32, #tpu.memory_space<vmem>>[vector<16xi32>], vector<16xf32>,
        %parallel_loop3A_1184 = arith.constant 16 : i32
        %parallel_loop3A_1185 = arith.muli %parallel_loop3A_199, %parallel_loop3A_1184 : i32
        %parallel_loop3A_1186 = arith.constant 15 : i32
        %parallel_loop3A_1187 = arith.addi %parallel_loop3A_1185, %parallel_loop3A_1186 : i32
        %parallel_loop3A_1188 = arith.constant 0 : i32
        %parallel_loop3A_1189 = arith.index_cast %parallel_loop3A_1188 : i32 to index
        %parallel_loop3A_1190 = arith.index_cast %parallel_loop3A_1187 : i32 to index
        %parallel_loop3A_1191 = arith.constant 0 : index
        %parallel_loop3A_1192 = tpu.vector_load %arg10[%parallel_loop3A_1189, %parallel_loop3A_1190, %parallel_loop3A_1191] {strides = array<i32>} : memref<2x80x128xi32, #tpu.memory_space<vmem>>, vector<16xi32>,
        %parallel_loop3A_1193 = vector.bitcast %parallel_loop3A_1192 : vector<16xi32> to vector<32xbf16>
        %parallel_loop3A_1194 = arith.constant 0 : i32
        %parallel_loop3A_1195 = arith.index_cast %parallel_loop3A_1194 : i32 to index
        %parallel_loop3A_1196 = arith.index_cast %parallel_loop3A_1187 : i32 to index
        %parallel_loop3A_1197 = arith.constant 0 : index
        %parallel_loop3A_1198 = tpu.vector_load %arg11[%parallel_loop3A_1195, %parallel_loop3A_1196, %parallel_loop3A_1197] {strides = array<i32>} : memref<2x80x128xi32, #tpu.memory_space<vmem>>, vector<16xi32>,
        %parallel_loop3A_1199 = vector.bitcast %parallel_loop3A_1198 : vector<16xi32> to vector<32xbf16>
        %parallel_loop3A_1200 = arith.mulf %parallel_loop3A_1193, %parallel_loop3A_1199 : vector<32xbf16>
        %parallel_loop3A_1201 = arith.constant 0 : i32
        %parallel_loop3A_1202 = arith.index_cast %parallel_loop3A_1201 : i32 to index
        %parallel_loop3A_1203 = arith.index_cast %parallel_loop3A_1187 : i32 to index
        %parallel_loop3A_1204 = arith.constant 16 : index
        %parallel_loop3A_1205 = tpu.vector_load %arg10[%parallel_loop3A_1202, %parallel_loop3A_1203, %parallel_loop3A_1204] {strides = array<i32>} : memref<2x80x128xi32, #tpu.memory_space<vmem>>, vector<16xi32>,
        %parallel_loop3A_1206 = vector.bitcast %parallel_loop3A_1205 : vector<16xi32> to vector<32xbf16>
        %parallel_loop3A_1207 = arith.constant 0 : i32
        %parallel_loop3A_1208 = arith.index_cast %parallel_loop3A_1207 : i32 to index
        %parallel_loop3A_1209 = arith.index_cast %parallel_loop3A_1187 : i32 to index
        %parallel_loop3A_1210 = arith.constant 16 : index
        %parallel_loop3A_1211 = tpu.vector_load %arg11[%parallel_loop3A_1208, %parallel_loop3A_1209, %parallel_loop3A_1210] {strides = array<i32>} : memref<2x80x128xi32, #tpu.memory_space<vmem>>, vector<16xi32>,
        %parallel_loop3A_1212 = vector.bitcast %parallel_loop3A_1211 : vector<16xi32> to vector<32xbf16>
        %parallel_loop3A_1213 = arith.mulf %parallel_loop3A_1206, %parallel_loop3A_1212 : vector<32xbf16>
        %parallel_loop3A_1214 = arith.addf %parallel_loop3A_1200, %parallel_loop3A_1213 : vector<32xbf16>
        %parallel_loop3A_1215 = arith.constant 0 : i32
        %parallel_loop3A_1216 = arith.index_cast %parallel_loop3A_1215 : i32 to index
        %parallel_loop3A_1217 = arith.index_cast %parallel_loop3A_1187 : i32 to index
        %parallel_loop3A_1218 = arith.constant 32 : index
        %parallel_loop3A_1219 = tpu.vector_load %arg10[%parallel_loop3A_1216, %parallel_loop3A_1217, %parallel_loop3A_1218] {strides = array<i32>} : memref<2x80x128xi32, #tpu.memory_space<vmem>>, vector<16xi32>,
        %parallel_loop3A_1220 = vector.bitcast %parallel_loop3A_1219 : vector<16xi32> to vector<32xbf16>
        %parallel_loop3A_1221 = arith.constant 0 : i32
        %parallel_loop3A_1222 = arith.index_cast %parallel_loop3A_1221 : i32 to index
        %parallel_loop3A_1223 = arith.index_cast %parallel_loop3A_1187 : i32 to index
        %parallel_loop3A_1224 = arith.constant 32 : index
        %parallel_loop3A_1225 = tpu.vector_load %arg11[%parallel_loop3A_1222, %parallel_loop3A_1223, %parallel_loop3A_1224] {strides = array<i32>} : memref<2x80x128xi32, #tpu.memory_space<vmem>>, vector<16xi32>,
        %parallel_loop3A_1226 = vector.bitcast %parallel_loop3A_1225 : vector<16xi32> to vector<32xbf16>
        %parallel_loop3A_1227 = arith.mulf %parallel_loop3A_1220, %parallel_loop3A_1226 : vector<32xbf16>
        %parallel_loop3A_1228 = arith.addf %parallel_loop3A_1214, %parallel_loop3A_1227 : vector<32xbf16>
        %parallel_loop3A_1229 = arith.constant 0 : i32
        %parallel_loop3A_1230 = arith.index_cast %parallel_loop3A_1229 : i32 to index
        %parallel_loop3A_1231 = arith.index_cast %parallel_loop3A_1187 : i32 to index
        %parallel_loop3A_1232 = arith.constant 48 : index
        %parallel_loop3A_1233 = tpu.vector_load %arg10[%parallel_loop3A_1230, %parallel_loop3A_1231, %parallel_loop3A_1232] {strides = array<i32>} : memref<2x80x128xi32, #tpu.memory_space<vmem>>, vector<16xi32>,
        %parallel_loop3A_1234 = vector.bitcast %parallel_loop3A_1233 : vector<16xi32> to vector<32xbf16>
        %parallel_loop3A_1235 = arith.constant 0 : i32
        %parallel_loop3A_1236 = arith.index_cast %parallel_loop3A_1235 : i32 to index
        %parallel_loop3A_1237 = arith.index_cast %parallel_loop3A_1187 : i32 to index
        %parallel_loop3A_1238 = arith.constant 48 : index
        %parallel_loop3A_1239 = tpu.vector_load %arg11[%parallel_loop3A_1236, %parallel_loop3A_1237, %parallel_loop3A_1238] {strides = array<i32>} : memref<2x80x128xi32, #tpu.memory_space<vmem>>, vector<16xi32>,
        %parallel_loop3A_1240 = vector.bitcast %parallel_loop3A_1239 : vector<16xi32> to vector<32xbf16>
        %parallel_loop3A_1241 = arith.mulf %parallel_loop3A_1234, %parallel_loop3A_1240 : vector<32xbf16>
        %parallel_loop3A_1242 = arith.addf %parallel_loop3A_1228, %parallel_loop3A_1241 : vector<32xbf16>
        %parallel_loop3A_1243 = tpu.unpack_subelements %parallel_loop3A_1242, 0 {pack_format = #tpu.pack_format<interleaved>} : vector<32xbf16> -> vector<16xf32>
        %parallel_loop3A_1244 = tpu.unpack_subelements %parallel_loop3A_1242, 1 {pack_format = #tpu.pack_format<interleaved>} : vector<32xbf16> -> vector<16xf32>
        %parallel_loop3A_1245 = arith.constant 15 : i32
        %parallel_loop3A_1246 = vector.broadcast %parallel_loop3A_1245 : i32 to vector<16xi32>
        %parallel_loop3A_1247 = arith.addi %parallel_loop3A_208, %parallel_loop3A_1246 : vector<16xi32>
        %parallel_loop3A_1248 = arith.addf %parallel_loop3A_1243, %parallel_loop3A_1244 : vector<16xf32>
        tpu.vector_store_idx %arg12[%parallel_loop3A_1247], %parallel_loop3A_1248 {add = true} : memref<10000xf32, #tpu.memory_space<vmem>>[vector<16xi32>], vector<16xf32>,
      } {sc.loop_unroll_factor = 1 : i64, sc.parallel_access}
      %dma_wait3A_154 = arith.constant 1 : i32
      %dma_wait3A_155 = arith.constant 1 : i32
      %dma_wait3A_156 = arith.constant 0 : i32
      %dma_wait3A_157 = arith.constant 0 : i32
      %dma_wait3A_158 = tpu.memref_slice %arg10[%dma_wait3A_154, %dma_wait3A_156, %dma_wait3A_157] : memref<2x80x128xi32, #tpu.memory_space<vmem>> -> memref<1x80x128xi32, #tpu.memory_space<vmem>>
      %dma_wait3A_159 = tpu.memref_squeeze %dma_wait3A_158 : memref<1x80x128xi32, #tpu.memory_space<vmem>> -> memref<80x128xi32, #tpu.memory_space<vmem>>
      %dma_wait3A_160 = arith.constant 0 : i32
      %dma_wait3A_161 = arith.constant 0 : i32
      %dma_wait3A_162 = tpu.memref_slice %arg2[%dma_wait3A_160, %dma_wait3A_161] : memref<90000x128xi32, #tpu.memory_space<hbm>> -> memref<80x128xi32, #tpu.memory_space<hbm>>
      %dma_wait3A_163 = tpu.memref_slice %arg13[%dma_wait3A_155] : memref<2x!tpu.dma_semaphore, #tpu.memory_space<semaphore_mem>> -> memref<1x!tpu.dma_semaphore, #tpu.memory_space<semaphore_mem>>
      %dma_wait3A_164 = tpu.memref_squeeze %dma_wait3A_163 : memref<1x!tpu.dma_semaphore, #tpu.memory_space<semaphore_mem>> -> memref<!tpu.dma_semaphore, #tpu.memory_space<semaphore_mem>>
      %dma_wait3A_165 = arith.constant 0 : i32
      %dma_wait3A_166 = arith.constant 0 : i32
      %dma_wait3A_167 = tpu.memref_slice %arg10[%dma_wait3A_154, %dma_wait3A_165, %dma_wait3A_166] : memref<2x80x128xi32, #tpu.memory_space<vmem>> -> memref<1x80x128xi32, #tpu.memory_space<vmem>>
      %dma_wait3A_168 = tpu.memref_squeeze %dma_wait3A_167 : memref<1x80x128xi32, #tpu.memory_space<vmem>> -> memref<80x128xi32, #tpu.memory_space<vmem>>
      %dma_wait3A_169 = arith.constant 0 : i32
      %dma_wait3A_170 = arith.constant 0 : i32
      %dma_wait3A_171 = tpu.memref_slice %arg2[%dma_wait3A_169, %dma_wait3A_170] : memref<90000x128xi32, #tpu.memory_space<hbm>> -> memref<80x128xi32, #tpu.memory_space<hbm>>
      tpu.wait_dma2 semaphore(%dma_wait3A_164 : memref<!tpu.dma_semaphore, #tpu.memory_space<semaphore_mem>>) src(%dma_wait3A_171 : memref<80x128xi32, #tpu.memory_space<hbm>>) dst(%dma_wait3A_168 : memref<80x128xi32, #tpu.memory_space<vmem>>)
      %dma_wait3A_172 = arith.constant 1 : i32
      %dma_wait3A_173 = arith.constant 1 : i32
      %dma_wait3A_174 = arith.constant 0 : i32
      %dma_wait3A_175 = arith.constant 0 : i32
      %dma_wait3A_176 = tpu.memref_slice %arg11[%dma_wait3A_172, %dma_wait3A_174, %dma_wait3A_175] : memref<2x80x128xi32, #tpu.memory_space<vmem>> -> memref<1x80x128xi32, #tpu.memory_space<vmem>>
      %dma_wait3A_177 = tpu.memref_squeeze %dma_wait3A_176 : memref<1x80x128xi32, #tpu.memory_space<vmem>> -> memref<80x128xi32, #tpu.memory_space<vmem>>
      %dma_wait3A_178 = arith.constant 0 : i32
      %dma_wait3A_179 = arith.constant 0 : i32
      %dma_wait3A_180 = tpu.memref_slice %arg2[%dma_wait3A_178, %dma_wait3A_179] : memref<90000x128xi32, #tpu.memory_space<hbm>> -> memref<80x128xi32, #tpu.memory_space<hbm>>
      %dma_wait3A_181 = tpu.memref_slice %arg14[%dma_wait3A_173] : memref<2x!tpu.dma_semaphore, #tpu.memory_space<semaphore_mem>> -> memref<1x!tpu.dma_semaphore, #tpu.memory_space<semaphore_mem>>
      %dma_wait3A_182 = tpu.memref_squeeze %dma_wait3A_181 : memref<1x!tpu.dma_semaphore, #tpu.memory_space<semaphore_mem>> -> memref<!tpu.dma_semaphore, #tpu.memory_space<semaphore_mem>>
      %dma_wait3A_183 = arith.constant 0 : i32
      %dma_wait3A_184 = arith.constant 0 : i32
      %dma_wait3A_185 = tpu.memref_slice %arg11[%dma_wait3A_172, %dma_wait3A_183, %dma_wait3A_184] : memref<2x80x128xi32, #tpu.memory_space<vmem>> -> memref<1x80x128xi32, #tpu.memory_space<vmem>>
      %dma_wait3A_186 = tpu.memref_squeeze %dma_wait3A_185 : memref<1x80x128xi32, #tpu.memory_space<vmem>> -> memref<80x128xi32, #tpu.memory_space<vmem>>
      %dma_wait3A_187 = arith.constant 0 : i32
      %dma_wait3A_188 = arith.constant 0 : i32
      %dma_wait3A_189 = tpu.memref_slice %arg2[%dma_wait3A_187, %dma_wait3A_188] : memref<90000x128xi32, #tpu.memory_space<hbm>> -> memref<80x128xi32, #tpu.memory_space<hbm>>
      tpu.wait_dma2 semaphore(%dma_wait3A_182 : memref<!tpu.dma_semaphore, #tpu.memory_space<semaphore_mem>>) src(%dma_wait3A_189 : memref<80x128xi32, #tpu.memory_space<hbm>>) dst(%dma_wait3A_186 : memref<80x128xi32, #tpu.memory_space<vmem>>)
      %add3A_190 = arith.constant 2 : i32
      %add3A_191 = arith.addi %mul3A_84, %add3A_190 : i32
      %lt3A = arith.constant 125 : i32
      %lt3A_192 = arith.cmpi slt, %add3A_191, %lt3A : i32
      %convert_element_type3A = arith.extui %lt3A_192 : i1 to i32
      %cond3A = arith.constant 0 : i32
      %cond3A_193 = arith.cmpi ne, %convert_element_type3A, %cond3A : i32
      scf.if %cond3A_193 {
        %add3A_199 = arith.constant 2 : i32
        %add3A_200 = arith.addi %mul3A_84, %add3A_199 : i32
        %mul3A_201 = arith.constant 80 : i32
        %mul3A_202 = arith.muli %add3A_200, %mul3A_201 : i32
        %dma_start3A_203 = arith.constant 0 : i32
        %dma_start3A_204 = arith.constant 0 : i32
        %dma_start3A_205 = arith.constant 0 : i32
        %dma_start3A_206 = arith.constant 0 : i32
        %dma_start3A_207 = tpu.memref_slice %arg10[%dma_start3A_203, %dma_start3A_205, %dma_start3A_206] : memref<2x80x128xi32, #tpu.memory_space<vmem>> -> memref<1x80x128xi32, #tpu.memory_space<vmem>>
        %dma_start3A_208 = tpu.memref_squeeze %dma_start3A_207 : memref<1x80x128xi32, #tpu.memory_space<vmem>> -> memref<80x128xi32, #tpu.memory_space<vmem>>
        %dma_start3A_209 = tpu.memref_slice %arg7[%mul3A_202] : memref<10000xi32, #tpu.memory_space<vmem>> -> memref<80xi32, #tpu.memory_space<vmem>>
        %dma_start3A_210 = arith.constant 0 : i32
        %dma_start3A_211 = arith.constant 0 : i32
        %dma_start3A_212 = tpu.memref_slice %arg2[%dma_start3A_210, %dma_start3A_211] : memref<90000x128xi32, #tpu.memory_space<hbm>> -> memref<90000x128xi32, #tpu.memory_space<hbm>>
        %dma_start3A_213 = tpu.memref_slice %arg13[%dma_start3A_204] : memref<2x!tpu.dma_semaphore, #tpu.memory_space<semaphore_mem>> -> memref<1x!tpu.dma_semaphore, #tpu.memory_space<semaphore_mem>>
        %dma_start3A_214 = tpu.memref_squeeze %dma_start3A_213 : memref<1x!tpu.dma_semaphore, #tpu.memory_space<semaphore_mem>> -> memref<!tpu.dma_semaphore, #tpu.memory_space<semaphore_mem>>
        tpu.enqueue_indirect_dma source(%dma_start3A_212 : memref<90000x128xi32, #tpu.memory_space<hbm>>) target(%dma_start3A_208 : memref<80x128xi32, #tpu.memory_space<vmem>>) offsets(%dma_start3A_209 : memref<80xi32, #tpu.memory_space<vmem>>) semaphore(%dma_start3A_214 : memref<!tpu.dma_semaphore, #tpu.memory_space<semaphore_mem>>)
        %mul3A_215 = arith.constant 80 : i32
        %mul3A_216 = arith.muli %add3A_200, %mul3A_215 : i32
        %dma_start3A_217 = arith.constant 0 : i32
        %dma_start3A_218 = arith.constant 0 : i32
        %dma_start3A_219 = arith.constant 0 : i32
        %dma_start3A_220 = arith.constant 0 : i32
        %dma_start3A_221 = tpu.memref_slice %arg11[%dma_start3A_217, %dma_start3A_219, %dma_start3A_220] : memref<2x80x128xi32, #tpu.memory_space<vmem>> -> memref<1x80x128xi32, #tpu.memory_space<vmem>>
        %dma_start3A_222 = tpu.memref_squeeze %dma_start3A_221 : memref<1x80x128xi32, #tpu.memory_space<vmem>> -> memref<80x128xi32, #tpu.memory_space<vmem>>
        %dma_start3A_223 = tpu.memref_slice %arg8[%mul3A_216] : memref<10000xi32, #tpu.memory_space<vmem>> -> memref<80xi32, #tpu.memory_space<vmem>>
        %dma_start3A_224 = arith.constant 0 : i32
        %dma_start3A_225 = arith.constant 0 : i32
        %dma_start3A_226 = tpu.memref_slice %arg2[%dma_start3A_224, %dma_start3A_225] : memref<90000x128xi32, #tpu.memory_space<hbm>> -> memref<90000x128xi32, #tpu.memory_space<hbm>>
        %dma_start3A_227 = tpu.memref_slice %arg14[%dma_start3A_218] : memref<2x!tpu.dma_semaphore, #tpu.memory_space<semaphore_mem>> -> memref<1x!tpu.dma_semaphore, #tpu.memory_space<semaphore_mem>>
        %dma_start3A_228 = tpu.memref_squeeze %dma_start3A_227 : memref<1x!tpu.dma_semaphore, #tpu.memory_space<semaphore_mem>> -> memref<!tpu.dma_semaphore, #tpu.memory_space<semaphore_mem>>
        tpu.enqueue_indirect_dma source(%dma_start3A_226 : memref<90000x128xi32, #tpu.memory_space<hbm>>) target(%dma_start3A_222 : memref<80x128xi32, #tpu.memory_space<vmem>>) offsets(%dma_start3A_223 : memref<80xi32, #tpu.memory_space<vmem>>) semaphore(%dma_start3A_228 : memref<!tpu.dma_semaphore, #tpu.memory_space<semaphore_mem>>)
      } else {
      }
      %add3A_194 = arith.constant 1 : i32
      %add3A_195 = arith.addi %mul3A_84, %add3A_194 : i32
      %parallel_loop3A_196 = arith.constant 0 : i32
      %parallel_loop3A_197 = arith.constant 5 : i32
      %parallel_loop3A_198 = arith.constant 1 : i32
      scf.for %parallel_loop3A_199 = %parallel_loop3A_196 to %parallel_loop3A_197 step %parallel_loop3A_198  : i32 {
        %parallel_loop3A_200 = arith.constant 80 : i32
        %parallel_loop3A_201 = arith.muli %add3A_195, %parallel_loop3A_200 : i32
        %parallel_loop3A_202 = arith.constant 16 : i32
        %parallel_loop3A_203 = arith.muli %parallel_loop3A_199, %parallel_loop3A_202 : i32
        %parallel_loop3A_204 = arith.addi %parallel_loop3A_201, %parallel_loop3A_203 : i32
        %parallel_loop3A_205 = arith.index_cast %parallel_loop3A_204 : i32 to index
        %parallel_loop3A_206 = tpu.vector_load %arg12[%parallel_loop3A_205] {strides = array<i32>} : memref<10000xf32, #tpu.memory_space<vmem>>, vector<16xf32>,
        tpu.vector_store %arg12[%parallel_loop3A_205], %broadcast_in_dim3A_8 {strides = array<i32>} : memref<10000xf32, #tpu.memory_space<vmem>>, vector<16xf32>,
        %parallel_loop3A_207 = vector.broadcast %parallel_loop3A_204 : i32 to vector<16xi32>
        %parallel_loop3A_208 = arith.addi %broadcast_in_dim3A_10, %parallel_loop3A_207 : vector<16xi32>
        %parallel_loop3A_209 = arith.constant 16 : i32
        %parallel_loop3A_210 = arith.muli %parallel_loop3A_199, %parallel_loop3A_209 : i32
        %parallel_loop3A_211 = arith.constant 0 : i32
        %parallel_loop3A_212 = arith.addi %parallel_loop3A_210, %parallel_loop3A_211 : i32
        %parallel_loop3A_213 = arith.constant 1 : i32
        %parallel_loop3A_214 = arith.index_cast %parallel_loop3A_213 : i32 to index
        %parallel_loop3A_215 = arith.index_cast %parallel_loop3A_212 : i32 to index
        %parallel_loop3A_216 = arith.constant 0 : index
        %parallel_loop3A_217 = tpu.vector_load %arg10[%parallel_loop3A_214, %parallel_loop3A_215, %parallel_loop3A_216] {strides = array<i32>} : memref<2x80x128xi32, #tpu.memory_space<vmem>>, vector<16xi32>,
        %parallel_loop3A_218 = vector.bitcast %parallel_loop3A_217 : vector<16xi32> to vector<32xbf16>
        %parallel_loop3A_219 = arith.constant 1 : i32
        %parallel_loop3A_220 = arith.index_cast %parallel_loop3A_219 : i32 to index
        %parallel_loop3A_221 = arith.index_cast %parallel_loop3A_212 : i32 to index
        %parallel_loop3A_222 = arith.constant 0 : index
        %parallel_loop3A_223 = tpu.vector_load %arg11[%parallel_loop3A_220, %parallel_loop3A_221, %parallel_loop3A_222] {strides = array<i32>} : memref<2x80x128xi32, #tpu.memory_space<vmem>>, vector<16xi32>,
        %parallel_loop3A_224 = vector.bitcast %parallel_loop3A_223 : vector<16xi32> to vector<32xbf16>
        %parallel_loop3A_225 = arith.mulf %parallel_loop3A_218, %parallel_loop3A_224 : vector<32xbf16>
        %parallel_loop3A_226 = arith.constant 1 : i32
        %parallel_loop3A_227 = arith.index_cast %parallel_loop3A_226 : i32 to index
        %parallel_loop3A_228 = arith.index_cast %parallel_loop3A_212 : i32 to index
        %parallel_loop3A_229 = arith.constant 16 : index
        %parallel_loop3A_230 = tpu.vector_load %arg10[%parallel_loop3A_227, %parallel_loop3A_228, %parallel_loop3A_229] {strides = array<i32>} : memref<2x80x128xi32, #tpu.memory_space<vmem>>, vector<16xi32>,
        %parallel_loop3A_231 = vector.bitcast %parallel_loop3A_230 : vector<16xi32> to vector<32xbf16>
        %parallel_loop3A_232 = arith.constant 1 : i32
        %parallel_loop3A_233 = arith.index_cast %parallel_loop3A_232 : i32 to index
        %parallel_loop3A_234 = arith.index_cast %parallel_loop3A_212 : i32 to index
        %parallel_loop3A_235 = arith.constant 16 : index
        %parallel_loop3A_236 = tpu.vector_load %arg11[%parallel_loop3A_233, %parallel_loop3A_234, %parallel_loop3A_235] {strides = array<i32>} : memref<2x80x128xi32, #tpu.memory_space<vmem>>, vector<16xi32>,
        %parallel_loop3A_237 = vector.bitcast %parallel_loop3A_236 : vector<16xi32> to vector<32xbf16>
        %parallel_loop3A_238 = arith.mulf %parallel_loop3A_231, %parallel_loop3A_237 : vector<32xbf16>
        %parallel_loop3A_239 = arith.addf %parallel_loop3A_225, %parallel_loop3A_238 : vector<32xbf16>
        %parallel_loop3A_240 = arith.constant 1 : i32
        %parallel_loop3A_241 = arith.index_cast %parallel_loop3A_240 : i32 to index
        %parallel_loop3A_242 = arith.index_cast %parallel_loop3A_212 : i32 to index
        %parallel_loop3A_243 = arith.constant 32 : index
        %parallel_loop3A_244 = tpu.vector_load %arg10[%parallel_loop3A_241, %parallel_loop3A_242, %parallel_loop3A_243] {strides = array<i32>} : memref<2x80x128xi32, #tpu.memory_space<vmem>>, vector<16xi32>,
        %parallel_loop3A_245 = vector.bitcast %parallel_loop3A_244 : vector<16xi32> to vector<32xbf16>
        %parallel_loop3A_246 = arith.constant 1 : i32
        %parallel_loop3A_247 = arith.index_cast %parallel_loop3A_246 : i32 to index
        %parallel_loop3A_248 = arith.index_cast %parallel_loop3A_212 : i32 to index
        %parallel_loop3A_249 = arith.constant 32 : index
        %parallel_loop3A_250 = tpu.vector_load %arg11[%parallel_loop3A_247, %parallel_loop3A_248, %parallel_loop3A_249] {strides = array<i32>} : memref<2x80x128xi32, #tpu.memory_space<vmem>>, vector<16xi32>,
        %parallel_loop3A_251 = vector.bitcast %parallel_loop3A_250 : vector<16xi32> to vector<32xbf16>
        %parallel_loop3A_252 = arith.mulf %parallel_loop3A_245, %parallel_loop3A_251 : vector<32xbf16>
        %parallel_loop3A_253 = arith.addf %parallel_loop3A_239, %parallel_loop3A_252 : vector<32xbf16>
        %parallel_loop3A_254 = arith.constant 1 : i32
        %parallel_loop3A_255 = arith.index_cast %parallel_loop3A_254 : i32 to index
        %parallel_loop3A_256 = arith.index_cast %parallel_loop3A_212 : i32 to index
        %parallel_loop3A_257 = arith.constant 48 : index
        %parallel_loop3A_258 = tpu.vector_load %arg10[%parallel_loop3A_255, %parallel_loop3A_256, %parallel_loop3A_257] {strides = array<i32>} : memref<2x80x128xi32, #tpu.memory_space<vmem>>, vector<16xi32>,
        %parallel_loop3A_259 = vector.bitcast %parallel_loop3A_258 : vector<16xi32> to vector<32xbf16>
        %parallel_loop3A_260 = arith.constant 1 : i32
        %parallel_loop3A_261 = arith.index_cast %parallel_loop3A_260 : i32 to index
        %parallel_loop3A_262 = arith.index_cast %parallel_loop3A_212 : i32 to index
        %parallel_loop3A_263 = arith.constant 48 : index
        %parallel_loop3A_264 = tpu.vector_load %arg11[%parallel_loop3A_261, %parallel_loop3A_262, %parallel_loop3A_263] {strides = array<i32>} : memref<2x80x128xi32, #tpu.memory_space<vmem>>, vector<16xi32>,
        %parallel_loop3A_265 = vector.bitcast %parallel_loop3A_264 : vector<16xi32> to vector<32xbf16>
        %parallel_loop3A_266 = arith.mulf %parallel_loop3A_259, %parallel_loop3A_265 : vector<32xbf16>
        %parallel_loop3A_267 = arith.addf %parallel_loop3A_253, %parallel_loop3A_266 : vector<32xbf16>
        %parallel_loop3A_268 = tpu.unpack_subelements %parallel_loop3A_267, 0 {pack_format = #tpu.pack_format<interleaved>} : vector<32xbf16> -> vector<16xf32>
        %parallel_loop3A_269 = tpu.unpack_subelements %parallel_loop3A_267, 1 {pack_format = #tpu.pack_format<interleaved>} : vector<32xbf16> -> vector<16xf32>
        %parallel_loop3A_270 = arith.constant 0 : i32
        %parallel_loop3A_271 = vector.broadcast %parallel_loop3A_270 : i32 to vector<16xi32>
        %parallel_loop3A_272 = arith.addi %parallel_loop3A_208, %parallel_loop3A_271 : vector<16xi32>
        %parallel_loop3A_273 = arith.addf %parallel_loop3A_268, %parallel_loop3A_269 : vector<16xf32>
        tpu.vector_store_idx %arg12[%parallel_loop3A_272], %parallel_loop3A_273 {add = true} : memref<10000xf32, #tpu.memory_space<vmem>>[vector<16xi32>], vector<16xf32>,
        %parallel_loop3A_274 = arith.constant 16 : i32
        %parallel_loop3A_275 = arith.muli %parallel_loop3A_199, %parallel_loop3A_274 : i32
        %parallel_loop3A_276 = arith.constant 1 : i32
        %parallel_loop3A_277 = arith.addi %parallel_loop3A_275, %parallel_loop3A_276 : i32
        %parallel_loop3A_278 = arith.constant 1 : i32
        %parallel_loop3A_279 = arith.index_cast %parallel_loop3A_278 : i32 to index
        %parallel_loop3A_280 = arith.index_cast %parallel_loop3A_277 : i32 to index
        %parallel_loop3A_281 = arith.constant 0 : index
        %parallel_loop3A_282 = tpu.vector_load %arg10[%parallel_loop3A_279, %parallel_loop3A_280, %parallel_loop3A_281] {strides = array<i32>} : memref<2x80x128xi32, #tpu.memory_space<vmem>>, vector<16xi32>,
        %parallel_loop3A_283 = vector.bitcast %parallel_loop3A_282 : vector<16xi32> to vector<32xbf16>
        %parallel_loop3A_284 = arith.constant 1 : i32
        %parallel_loop3A_285 = arith.index_cast %parallel_loop3A_284 : i32 to index
        %parallel_loop3A_286 = arith.index_cast %parallel_loop3A_277 : i32 to index
        %parallel_loop3A_287 = arith.constant 0 : index
        %parallel_loop3A_288 = tpu.vector_load %arg11[%parallel_loop3A_285, %parallel_loop3A_286, %parallel_loop3A_287] {strides = array<i32>} : memref<2x80x128xi32, #tpu.memory_space<vmem>>, vector<16xi32>,
        %parallel_loop3A_289 = vector.bitcast %parallel_loop3A_288 : vector<16xi32> to vector<32xbf16>
        %parallel_loop3A_290 = arith.mulf %parallel_loop3A_283, %parallel_loop3A_289 : vector<32xbf16>
        %parallel_loop3A_291 = arith.constant 1 : i32
        %parallel_loop3A_292 = arith.index_cast %parallel_loop3A_291 : i32 to index
        %parallel_loop3A_293 = arith.index_cast %parallel_loop3A_277 : i32 to index
        %parallel_loop3A_294 = arith.constant 16 : index
        %parallel_loop3A_295 = tpu.vector_load %arg10[%parallel_loop3A_292, %parallel_loop3A_293, %parallel_loop3A_294] {strides = array<i32>} : memref<2x80x128xi32, #tpu.memory_space<vmem>>, vector<16xi32>,
        %parallel_loop3A_296 = vector.bitcast %parallel_loop3A_295 : vector<16xi32> to vector<32xbf16>
        %parallel_loop3A_297 = arith.constant 1 : i32
        %parallel_loop3A_298 = arith.index_cast %parallel_loop3A_297 : i32 to index
        %parallel_loop3A_299 = arith.index_cast %parallel_loop3A_277 : i32 to index
        %parallel_loop3A_300 = arith.constant 16 : index
        %parallel_loop3A_301 = tpu.vector_load %arg11[%parallel_loop3A_298, %parallel_loop3A_299, %parallel_loop3A_300] {strides = array<i32>} : memref<2x80x128xi32, #tpu.memory_space<vmem>>, vector<16xi32>,
        %parallel_loop3A_302 = vector.bitcast %parallel_loop3A_301 : vector<16xi32> to vector<32xbf16>
        %parallel_loop3A_303 = arith.mulf %parallel_loop3A_296, %parallel_loop3A_302 : vector<32xbf16>
        %parallel_loop3A_304 = arith.addf %parallel_loop3A_290, %parallel_loop3A_303 : vector<32xbf16>
        %parallel_loop3A_305 = arith.constant 1 : i32
        %parallel_loop3A_306 = arith.index_cast %parallel_loop3A_305 : i32 to index
        %parallel_loop3A_307 = arith.index_cast %parallel_loop3A_277 : i32 to index
        %parallel_loop3A_308 = arith.constant 32 : index
        %parallel_loop3A_309 = tpu.vector_load %arg10[%parallel_loop3A_306, %parallel_loop3A_307, %parallel_loop3A_308] {strides = array<i32>} : memref<2x80x128xi32, #tpu.memory_space<vmem>>, vector<16xi32>,
        %parallel_loop3A_310 = vector.bitcast %parallel_loop3A_309 : vector<16xi32> to vector<32xbf16>
        %parallel_loop3A_311 = arith.constant 1 : i32
        %parallel_loop3A_312 = arith.index_cast %parallel_loop3A_311 : i32 to index
        %parallel_loop3A_313 = arith.index_cast %parallel_loop3A_277 : i32 to index
        %parallel_loop3A_314 = arith.constant 32 : index
        %parallel_loop3A_315 = tpu.vector_load %arg11[%parallel_loop3A_312, %parallel_loop3A_313, %parallel_loop3A_314] {strides = array<i32>} : memref<2x80x128xi32, #tpu.memory_space<vmem>>, vector<16xi32>,
        %parallel_loop3A_316 = vector.bitcast %parallel_loop3A_315 : vector<16xi32> to vector<32xbf16>
        %parallel_loop3A_317 = arith.mulf %parallel_loop3A_310, %parallel_loop3A_316 : vector<32xbf16>
        %parallel_loop3A_318 = arith.addf %parallel_loop3A_304, %parallel_loop3A_317 : vector<32xbf16>
        %parallel_loop3A_319 = arith.constant 1 : i32
        %parallel_loop3A_320 = arith.index_cast %parallel_loop3A_319 : i32 to index
        %parallel_loop3A_321 = arith.index_cast %parallel_loop3A_277 : i32 to index
        %parallel_loop3A_322 = arith.constant 48 : index
        %parallel_loop3A_323 = tpu.vector_load %arg10[%parallel_loop3A_320, %parallel_loop3A_321, %parallel_loop3A_322] {strides = array<i32>} : memref<2x80x128xi32, #tpu.memory_space<vmem>>, vector<16xi32>,
        %parallel_loop3A_324 = vector.bitcast %parallel_loop3A_323 : vector<16xi32> to vector<32xbf16>
        %parallel_loop3A_325 = arith.constant 1 : i32
        %parallel_loop3A_326 = arith.index_cast %parallel_loop3A_325 : i32 to index
        %parallel_loop3A_327 = arith.index_cast %parallel_loop3A_277 : i32 to index
        %parallel_loop3A_328 = arith.constant 48 : index
        %parallel_loop3A_329 = tpu.vector_load %arg11[%parallel_loop3A_326, %parallel_loop3A_327, %parallel_loop3A_328] {strides = array<i32>} : memref<2x80x128xi32, #tpu.memory_space<vmem>>, vector<16xi32>,
        %parallel_loop3A_330 = vector.bitcast %parallel_loop3A_329 : vector<16xi32> to vector<32xbf16>
        %parallel_loop3A_331 = arith.mulf %parallel_loop3A_324, %parallel_loop3A_330 : vector<32xbf16>
        %parallel_loop3A_332 = arith.addf %parallel_loop3A_318, %parallel_loop3A_331 : vector<32xbf16>
        %parallel_loop3A_333 = tpu.unpack_subelements %parallel_loop3A_332, 0 {pack_format = #tpu.pack_format<interleaved>} : vector<32xbf16> -> vector<16xf32>
        %parallel_loop3A_334 = tpu.unpack_subelements %parallel_loop3A_332, 1 {pack_format = #tpu.pack_format<interleaved>} : vector<32xbf16> -> vector<16xf32>
        %parallel_loop3A_335 = arith.constant 1 : i32
        %parallel_loop3A_336 = vector.broadcast %parallel_loop3A_335 : i32 to vector<16xi32>
        %parallel_loop3A_337 = arith.addi %parallel_loop3A_208, %parallel_loop3A_336 : vector<16xi32>
        %parallel_loop3A_338 = arith.addf %parallel_loop3A_333, %parallel_loop3A_334 : vector<16xf32>
        tpu.vector_store_idx %arg12[%parallel_loop3A_337], %parallel_loop3A_338 {add = true} : memref<10000xf32, #tpu.memory_space<vmem>>[vector<16xi32>], vector<16xf32>,
        %parallel_loop3A_339 = arith.constant 16 : i32
        %parallel_loop3A_340 = arith.muli %parallel_loop3A_199, %parallel_loop3A_339 : i32
        %parallel_loop3A_341 = arith.constant 2 : i32
        %parallel_loop3A_342 = arith.addi %parallel_loop3A_340, %parallel_loop3A_341 : i32
        %parallel_loop3A_343 = arith.constant 1 : i32
        %parallel_loop3A_344 = arith.index_cast %parallel_loop3A_343 : i32 to index
        %parallel_loop3A_345 = arith.index_cast %parallel_loop3A_342 : i32 to index
        %parallel_loop3A_346 = arith.constant 0 : index
        %parallel_loop3A_347 = tpu.vector_load %arg10[%parallel_loop3A_344, %parallel_loop3A_345, %parallel_loop3A_346] {strides = array<i32>} : memref<2x80x128xi32, #tpu.memory_space<vmem>>, vector<16xi32>,
        %parallel_loop3A_348 = vector.bitcast %parallel_loop3A_347 : vector<16xi32> to vector<32xbf16>
        %parallel_loop3A_349 = arith.constant 1 : i32
        %parallel_loop3A_350 = arith.index_cast %parallel_loop3A_349 : i32 to index
        %parallel_loop3A_351 = arith.index_cast %parallel_loop3A_342 : i32 to index
        %parallel_loop3A_352 = arith.constant 0 : index
        %parallel_loop3A_353 = tpu.vector_load %arg11[%parallel_loop3A_350, %parallel_loop3A_351, %parallel_loop3A_352] {strides = array<i32>} : memref<2x80x128xi32, #tpu.memory_space<vmem>>, vector<16xi32>,
        %parallel_loop3A_354 = vector.bitcast %parallel_loop3A_353 : vector<16xi32> to vector<32xbf16>
        %parallel_loop3A_355 = arith.mulf %parallel_loop3A_348, %parallel_loop3A_354 : vector<32xbf16>
        %parallel_loop3A_356 = arith.constant 1 : i32
        %parallel_loop3A_357 = arith.index_cast %parallel_loop3A_356 : i32 to index
        %parallel_loop3A_358 = arith.index_cast %parallel_loop3A_342 : i32 to index
        %parallel_loop3A_359 = arith.constant 16 : index
        %parallel_loop3A_360 = tpu.vector_load %arg10[%parallel_loop3A_357, %parallel_loop3A_358, %parallel_loop3A_359] {strides = array<i32>} : memref<2x80x128xi32, #tpu.memory_space<vmem>>, vector<16xi32>,
        %parallel_loop3A_361 = vector.bitcast %parallel_loop3A_360 : vector<16xi32> to vector<32xbf16>
        %parallel_loop3A_362 = arith.constant 1 : i32
        %parallel_loop3A_363 = arith.index_cast %parallel_loop3A_362 : i32 to index
        %parallel_loop3A_364 = arith.index_cast %parallel_loop3A_342 : i32 to index
        %parallel_loop3A_365 = arith.constant 16 : index
        %parallel_loop3A_366 = tpu.vector_load %arg11[%parallel_loop3A_363, %parallel_loop3A_364, %parallel_loop3A_365] {strides = array<i32>} : memref<2x80x128xi32, #tpu.memory_space<vmem>>, vector<16xi32>,
        %parallel_loop3A_367 = vector.bitcast %parallel_loop3A_366 : vector<16xi32> to vector<32xbf16>
        %parallel_loop3A_368 = arith.mulf %parallel_loop3A_361, %parallel_loop3A_367 : vector<32xbf16>
        %parallel_loop3A_369 = arith.addf %parallel_loop3A_355, %parallel_loop3A_368 : vector<32xbf16>
        %parallel_loop3A_370 = arith.constant 1 : i32
        %parallel_loop3A_371 = arith.index_cast %parallel_loop3A_370 : i32 to index
        %parallel_loop3A_372 = arith.index_cast %parallel_loop3A_342 : i32 to index
        %parallel_loop3A_373 = arith.constant 32 : index
        %parallel_loop3A_374 = tpu.vector_load %arg10[%parallel_loop3A_371, %parallel_loop3A_372, %parallel_loop3A_373] {strides = array<i32>} : memref<2x80x128xi32, #tpu.memory_space<vmem>>, vector<16xi32>,
        %parallel_loop3A_375 = vector.bitcast %parallel_loop3A_374 : vector<16xi32> to vector<32xbf16>
        %parallel_loop3A_376 = arith.constant 1 : i32
        %parallel_loop3A_377 = arith.index_cast %parallel_loop3A_376 : i32 to index
        %parallel_loop3A_378 = arith.index_cast %parallel_loop3A_342 : i32 to index
        %parallel_loop3A_379 = arith.constant 32 : index
        %parallel_loop3A_380 = tpu.vector_load %arg11[%parallel_loop3A_377, %parallel_loop3A_378, %parallel_loop3A_379] {strides = array<i32>} : memref<2x80x128xi32, #tpu.memory_space<vmem>>, vector<16xi32>,
        %parallel_loop3A_381 = vector.bitcast %parallel_loop3A_380 : vector<16xi32> to vector<32xbf16>
        %parallel_loop3A_382 = arith.mulf %parallel_loop3A_375, %parallel_loop3A_381 : vector<32xbf16>
        %parallel_loop3A_383 = arith.addf %parallel_loop3A_369, %parallel_loop3A_382 : vector<32xbf16>
        %parallel_loop3A_384 = arith.constant 1 : i32
        %parallel_loop3A_385 = arith.index_cast %parallel_loop3A_384 : i32 to index
        %parallel_loop3A_386 = arith.index_cast %parallel_loop3A_342 : i32 to index
        %parallel_loop3A_387 = arith.constant 48 : index
        %parallel_loop3A_388 = tpu.vector_load %arg10[%parallel_loop3A_385, %parallel_loop3A_386, %parallel_loop3A_387] {strides = array<i32>} : memref<2x80x128xi32, #tpu.memory_space<vmem>>, vector<16xi32>,
        %parallel_loop3A_389 = vector.bitcast %parallel_loop3A_388 : vector<16xi32> to vector<32xbf16>
        %parallel_loop3A_390 = arith.constant 1 : i32
        %parallel_loop3A_391 = arith.index_cast %parallel_loop3A_390 : i32 to index
        %parallel_loop3A_392 = arith.index_cast %parallel_loop3A_342 : i32 to index
        %parallel_loop3A_393 = arith.constant 48 : index
        %parallel_loop3A_394 = tpu.vector_load %arg11[%parallel_loop3A_391, %parallel_loop3A_392, %parallel_loop3A_393] {strides = array<i32>} : memref<2x80x128xi32, #tpu.memory_space<vmem>>, vector<16xi32>,
        %parallel_loop3A_395 = vector.bitcast %parallel_loop3A_394 : vector<16xi32> to vector<32xbf16>
        %parallel_loop3A_396 = arith.mulf %parallel_loop3A_389, %parallel_loop3A_395 : vector<32xbf16>
        %parallel_loop3A_397 = arith.addf %parallel_loop3A_383, %parallel_loop3A_396 : vector<32xbf16>
        %parallel_loop3A_398 = tpu.unpack_subelements %parallel_loop3A_397, 0 {pack_format = #tpu.pack_format<interleaved>} : vector<32xbf16> -> vector<16xf32>
        %parallel_loop3A_399 = tpu.unpack_subelements %parallel_loop3A_397, 1 {pack_format = #tpu.pack_format<interleaved>} : vector<32xbf16> -> vector<16xf32>
        %parallel_loop3A_400 = arith.constant 2 : i32
        %parallel_loop3A_401 = vector.broadcast %parallel_loop3A_400 : i32 to vector<16xi32>
        %parallel_loop3A_402 = arith.addi %parallel_loop3A_208, %parallel_loop3A_401 : vector<16xi32>
        %parallel_loop3A_403 = arith.addf %parallel_loop3A_398, %parallel_loop3A_399 : vector<16xf32>
        tpu.vector_store_idx %arg12[%parallel_loop3A_402], %parallel_loop3A_403 {add = true} : memref<10000xf32, #tpu.memory_space<vmem>>[vector<16xi32>], vector<16xf32>,
        %parallel_loop3A_404 = arith.constant 16 : i32
        %parallel_loop3A_405 = arith.muli %parallel_loop3A_199, %parallel_loop3A_404 : i32
        %parallel_loop3A_406 = arith.constant 3 : i32
        %parallel_loop3A_407 = arith.addi %parallel_loop3A_405, %parallel_loop3A_406 : i32
        %parallel_loop3A_408 = arith.constant 1 : i32
        %parallel_loop3A_409 = arith.index_cast %parallel_loop3A_408 : i32 to index
        %parallel_loop3A_410 = arith.index_cast %parallel_loop3A_407 : i32 to index
        %parallel_loop3A_411 = arith.constant 0 : index
        %parallel_loop3A_412 = tpu.vector_load %arg10[%parallel_loop3A_409, %parallel_loop3A_410, %parallel_loop3A_411] {strides = array<i32>} : memref<2x80x128xi32, #tpu.memory_space<vmem>>, vector<16xi32>,
        %parallel_loop3A_413 = vector.bitcast %parallel_loop3A_412 : vector<16xi32> to vector<32xbf16>
        %parallel_loop3A_414 = arith.constant 1 : i32
        %parallel_loop3A_415 = arith.index_cast %parallel_loop3A_414 : i32 to index
        %parallel_loop3A_416 = arith.index_cast %parallel_loop3A_407 : i32 to index
        %parallel_loop3A_417 = arith.constant 0 : index
        %parallel_loop3A_418 = tpu.vector_load %arg11[%parallel_loop3A_415, %parallel_loop3A_416, %parallel_loop3A_417] {strides = array<i32>} : memref<2x80x128xi32, #tpu.memory_space<vmem>>, vector<16xi32>,
        %parallel_loop3A_419 = vector.bitcast %parallel_loop3A_418 : vector<16xi32> to vector<32xbf16>
        %parallel_loop3A_420 = arith.mulf %parallel_loop3A_413, %parallel_loop3A_419 : vector<32xbf16>
        %parallel_loop3A_421 = arith.constant 1 : i32
        %parallel_loop3A_422 = arith.index_cast %parallel_loop3A_421 : i32 to index
        %parallel_loop3A_423 = arith.index_cast %parallel_loop3A_407 : i32 to index
        %parallel_loop3A_424 = arith.constant 16 : index
        %parallel_loop3A_425 = tpu.vector_load %arg10[%parallel_loop3A_422, %parallel_loop3A_423, %parallel_loop3A_424] {strides = array<i32>} : memref<2x80x128xi32, #tpu.memory_space<vmem>>, vector<16xi32>,
        %parallel_loop3A_426 = vector.bitcast %parallel_loop3A_425 : vector<16xi32> to vector<32xbf16>
        %parallel_loop3A_427 = arith.constant 1 : i32
        %parallel_loop3A_428 = arith.index_cast %parallel_loop3A_427 : i32 to index
        %parallel_loop3A_429 = arith.index_cast %parallel_loop3A_407 : i32 to index
        %parallel_loop3A_430 = arith.constant 16 : index
        %parallel_loop3A_431 = tpu.vector_load %arg11[%parallel_loop3A_428, %parallel_loop3A_429, %parallel_loop3A_430] {strides = array<i32>} : memref<2x80x128xi32, #tpu.memory_space<vmem>>, vector<16xi32>,
        %parallel_loop3A_432 = vector.bitcast %parallel_loop3A_431 : vector<16xi32> to vector<32xbf16>
        %parallel_loop3A_433 = arith.mulf %parallel_loop3A_426, %parallel_loop3A_432 : vector<32xbf16>
        %parallel_loop3A_434 = arith.addf %parallel_loop3A_420, %parallel_loop3A_433 : vector<32xbf16>
        %parallel_loop3A_435 = arith.constant 1 : i32
        %parallel_loop3A_436 = arith.index_cast %parallel_loop3A_435 : i32 to index
        %parallel_loop3A_437 = arith.index_cast %parallel_loop3A_407 : i32 to index
        %parallel_loop3A_438 = arith.constant 32 : index
        %parallel_loop3A_439 = tpu.vector_load %arg10[%parallel_loop3A_436, %parallel_loop3A_437, %parallel_loop3A_438] {strides = array<i32>} : memref<2x80x128xi32, #tpu.memory_space<vmem>>, vector<16xi32>,
        %parallel_loop3A_440 = vector.bitcast %parallel_loop3A_439 : vector<16xi32> to vector<32xbf16>
        %parallel_loop3A_441 = arith.constant 1 : i32
        %parallel_loop3A_442 = arith.index_cast %parallel_loop3A_441 : i32 to index
        %parallel_loop3A_443 = arith.index_cast %parallel_loop3A_407 : i32 to index
        %parallel_loop3A_444 = arith.constant 32 : index
        %parallel_loop3A_445 = tpu.vector_load %arg11[%parallel_loop3A_442, %parallel_loop3A_443, %parallel_loop3A_444] {strides = array<i32>} : memref<2x80x128xi32, #tpu.memory_space<vmem>>, vector<16xi32>,
        %parallel_loop3A_446 = vector.bitcast %parallel_loop3A_445 : vector<16xi32> to vector<32xbf16>
        %parallel_loop3A_447 = arith.mulf %parallel_loop3A_440, %parallel_loop3A_446 : vector<32xbf16>
        %parallel_loop3A_448 = arith.addf %parallel_loop3A_434, %parallel_loop3A_447 : vector<32xbf16>
        %parallel_loop3A_449 = arith.constant 1 : i32
        %parallel_loop3A_450 = arith.index_cast %parallel_loop3A_449 : i32 to index
        %parallel_loop3A_451 = arith.index_cast %parallel_loop3A_407 : i32 to index
        %parallel_loop3A_452 = arith.constant 48 : index
        %parallel_loop3A_453 = tpu.vector_load %arg10[%parallel_loop3A_450, %parallel_loop3A_451, %parallel_loop3A_452] {strides = array<i32>} : memref<2x80x128xi32, #tpu.memory_space<vmem>>, vector<16xi32>,
        %parallel_loop3A_454 = vector.bitcast %parallel_loop3A_453 : vector<16xi32> to vector<32xbf16>
        %parallel_loop3A_455 = arith.constant 1 : i32
        %parallel_loop3A_456 = arith.index_cast %parallel_loop3A_455 : i32 to index
        %parallel_loop3A_457 = arith.index_cast %parallel_loop3A_407 : i32 to index
        %parallel_loop3A_458 = arith.constant 48 : index
        %parallel_loop3A_459 = tpu.vector_load %arg11[%parallel_loop3A_456, %parallel_loop3A_457, %parallel_loop3A_458] {strides = array<i32>} : memref<2x80x128xi32, #tpu.memory_space<vmem>>, vector<16xi32>,
        %parallel_loop3A_460 = vector.bitcast %parallel_loop3A_459 : vector<16xi32> to vector<32xbf16>
        %parallel_loop3A_461 = arith.mulf %parallel_loop3A_454, %parallel_loop3A_460 : vector<32xbf16>
        %parallel_loop3A_462 = arith.addf %parallel_loop3A_448, %parallel_loop3A_461 : vector<32xbf16>
        %parallel_loop3A_463 = tpu.unpack_subelements %parallel_loop3A_462, 0 {pack_format = #tpu.pack_format<interleaved>} : vector<32xbf16> -> vector<16xf32>
        %parallel_loop3A_464 = tpu.unpack_subelements %parallel_loop3A_462, 1 {pack_format = #tpu.pack_format<interleaved>} : vector<32xbf16> -> vector<16xf32>
        %parallel_loop3A_465 = arith.constant 3 : i32
        %parallel_loop3A_466 = vector.broadcast %parallel_loop3A_465 : i32 to vector<16xi32>
        %parallel_loop3A_467 = arith.addi %parallel_loop3A_208, %parallel_loop3A_466 : vector<16xi32>
        %parallel_loop3A_468 = arith.addf %parallel_loop3A_463, %parallel_loop3A_464 : vector<16xf32>
        tpu.vector_store_idx %arg12[%parallel_loop3A_467], %parallel_loop3A_468 {add = true} : memref<10000xf32, #tpu.memory_space<vmem>>[vector<16xi32>], vector<16xf32>,
        %parallel_loop3A_469 = arith.constant 16 : i32
        %parallel_loop3A_470 = arith.muli %parallel_loop3A_199, %parallel_loop3A_469 : i32
        %parallel_loop3A_471 = arith.constant 4 : i32
        %parallel_loop3A_472 = arith.addi %parallel_loop3A_470, %parallel_loop3A_471 : i32
        %parallel_loop3A_473 = arith.constant 1 : i32
        %parallel_loop3A_474 = arith.index_cast %parallel_loop3A_473 : i32 to index
        %parallel_loop3A_475 = arith.index_cast %parallel_loop3A_472 : i32 to index
        %parallel_loop3A_476 = arith.constant 0 : index
        %parallel_loop3A_477 = tpu.vector_load %arg10[%parallel_loop3A_474, %parallel_loop3A_475, %parallel_loop3A_476] {strides = array<i32>} : memref<2x80x128xi32, #tpu.memory_space<vmem>>, vector<16xi32>,
        %parallel_loop3A_478 = vector.bitcast %parallel_loop3A_477 : vector<16xi32> to vector<32xbf16>
        %parallel_loop3A_479 = arith.constant 1 : i32
        %parallel_loop3A_480 = arith.index_cast %parallel_loop3A_479 : i32 to index
        %parallel_loop3A_481 = arith.index_cast %parallel_loop3A_472 : i32 to index
        %parallel_loop3A_482 = arith.constant 0 : index
        %parallel_loop3A_483 = tpu.vector_load %arg11[%parallel_loop3A_480, %parallel_loop3A_481, %parallel_loop3A_482] {strides = array<i32>} : memref<2x80x128xi32, #tpu.memory_space<vmem>>, vector<16xi32>,
        %parallel_loop3A_484 = vector.bitcast %parallel_loop3A_483 : vector<16xi32> to vector<32xbf16>
        %parallel_loop3A_485 = arith.mulf %parallel_loop3A_478, %parallel_loop3A_484 : vector<32xbf16>
        %parallel_loop3A_486 = arith.constant 1 : i32
        %parallel_loop3A_487 = arith.index_cast %parallel_loop3A_486 : i32 to index
        %parallel_loop3A_488 = arith.index_cast %parallel_loop3A_472 : i32 to index
        %parallel_loop3A_489 = arith.constant 16 : index
        %parallel_loop3A_490 = tpu.vector_load %arg10[%parallel_loop3A_487, %parallel_loop3A_488, %parallel_loop3A_489] {strides = array<i32>} : memref<2x80x128xi32, #tpu.memory_space<vmem>>, vector<16xi32>,
        %parallel_loop3A_491 = vector.bitcast %parallel_loop3A_490 : vector<16xi32> to vector<32xbf16>
        %parallel_loop3A_492 = arith.constant 1 : i32
        %parallel_loop3A_493 = arith.index_cast %parallel_loop3A_492 : i32 to index
        %parallel_loop3A_494 = arith.index_cast %parallel_loop3A_472 : i32 to index
        %parallel_loop3A_495 = arith.constant 16 : index
        %parallel_loop3A_496 = tpu.vector_load %arg11[%parallel_loop3A_493, %parallel_loop3A_494, %parallel_loop3A_495] {strides = array<i32>} : memref<2x80x128xi32, #tpu.memory_space<vmem>>, vector<16xi32>,
        %parallel_loop3A_497 = vector.bitcast %parallel_loop3A_496 : vector<16xi32> to vector<32xbf16>
        %parallel_loop3A_498 = arith.mulf %parallel_loop3A_491, %parallel_loop3A_497 : vector<32xbf16>
        %parallel_loop3A_499 = arith.addf %parallel_loop3A_485, %parallel_loop3A_498 : vector<32xbf16>
        %parallel_loop3A_500 = arith.constant 1 : i32
        %parallel_loop3A_501 = arith.index_cast %parallel_loop3A_500 : i32 to index
        %parallel_loop3A_502 = arith.index_cast %parallel_loop3A_472 : i32 to index
        %parallel_loop3A_503 = arith.constant 32 : index
        %parallel_loop3A_504 = tpu.vector_load %arg10[%parallel_loop3A_501, %parallel_loop3A_502, %parallel_loop3A_503] {strides = array<i32>} : memref<2x80x128xi32, #tpu.memory_space<vmem>>, vector<16xi32>,
        %parallel_loop3A_505 = vector.bitcast %parallel_loop3A_504 : vector<16xi32> to vector<32xbf16>
        %parallel_loop3A_506 = arith.constant 1 : i32
        %parallel_loop3A_507 = arith.index_cast %parallel_loop3A_506 : i32 to index
        %parallel_loop3A_508 = arith.index_cast %parallel_loop3A_472 : i32 to index
        %parallel_loop3A_509 = arith.constant 32 : index
        %parallel_loop3A_510 = tpu.vector_load %arg11[%parallel_loop3A_507, %parallel_loop3A_508, %parallel_loop3A_509] {strides = array<i32>} : memref<2x80x128xi32, #tpu.memory_space<vmem>>, vector<16xi32>,
        %parallel_loop3A_511 = vector.bitcast %parallel_loop3A_510 : vector<16xi32> to vector<32xbf16>
        %parallel_loop3A_512 = arith.mulf %parallel_loop3A_505, %parallel_loop3A_511 : vector<32xbf16>
        %parallel_loop3A_513 = arith.addf %parallel_loop3A_499, %parallel_loop3A_512 : vector<32xbf16>
        %parallel_loop3A_514 = arith.constant 1 : i32
        %parallel_loop3A_515 = arith.index_cast %parallel_loop3A_514 : i32 to index
        %parallel_loop3A_516 = arith.index_cast %parallel_loop3A_472 : i32 to index
        %parallel_loop3A_517 = arith.constant 48 : index
        %parallel_loop3A_518 = tpu.vector_load %arg10[%parallel_loop3A_515, %parallel_loop3A_516, %parallel_loop3A_517] {strides = array<i32>} : memref<2x80x128xi32, #tpu.memory_space<vmem>>, vector<16xi32>,
        %parallel_loop3A_519 = vector.bitcast %parallel_loop3A_518 : vector<16xi32> to vector<32xbf16>
        %parallel_loop3A_520 = arith.constant 1 : i32
        %parallel_loop3A_521 = arith.index_cast %parallel_loop3A_520 : i32 to index
        %parallel_loop3A_522 = arith.index_cast %parallel_loop3A_472 : i32 to index
        %parallel_loop3A_523 = arith.constant 48 : index
        %parallel_loop3A_524 = tpu.vector_load %arg11[%parallel_loop3A_521, %parallel_loop3A_522, %parallel_loop3A_523] {strides = array<i32>} : memref<2x80x128xi32, #tpu.memory_space<vmem>>, vector<16xi32>,
        %parallel_loop3A_525 = vector.bitcast %parallel_loop3A_524 : vector<16xi32> to vector<32xbf16>
        %parallel_loop3A_526 = arith.mulf %parallel_loop3A_519, %parallel_loop3A_525 : vector<32xbf16>
        %parallel_loop3A_527 = arith.addf %parallel_loop3A_513, %parallel_loop3A_526 : vector<32xbf16>
        %parallel_loop3A_528 = tpu.unpack_subelements %parallel_loop3A_527, 0 {pack_format = #tpu.pack_format<interleaved>} : vector<32xbf16> -> vector<16xf32>
        %parallel_loop3A_529 = tpu.unpack_subelements %parallel_loop3A_527, 1 {pack_format = #tpu.pack_format<interleaved>} : vector<32xbf16> -> vector<16xf32>
        %parallel_loop3A_530 = arith.constant 4 : i32
        %parallel_loop3A_531 = vector.broadcast %parallel_loop3A_530 : i32 to vector<16xi32>
        %parallel_loop3A_532 = arith.addi %parallel_loop3A_208, %parallel_loop3A_531 : vector<16xi32>
        %parallel_loop3A_533 = arith.addf %parallel_loop3A_528, %parallel_loop3A_529 : vector<16xf32>
        tpu.vector_store_idx %arg12[%parallel_loop3A_532], %parallel_loop3A_533 {add = true} : memref<10000xf32, #tpu.memory_space<vmem>>[vector<16xi32>], vector<16xf32>,
        %parallel_loop3A_534 = arith.constant 16 : i32
        %parallel_loop3A_535 = arith.muli %parallel_loop3A_199, %parallel_loop3A_534 : i32
        %parallel_loop3A_536 = arith.constant 5 : i32
        %parallel_loop3A_537 = arith.addi %parallel_loop3A_535, %parallel_loop3A_536 : i32
        %parallel_loop3A_538 = arith.constant 1 : i32
        %parallel_loop3A_539 = arith.index_cast %parallel_loop3A_538 : i32 to index
        %parallel_loop3A_540 = arith.index_cast %parallel_loop3A_537 : i32 to index
        %parallel_loop3A_541 = arith.constant 0 : index
        %parallel_loop3A_542 = tpu.vector_load %arg10[%parallel_loop3A_539, %parallel_loop3A_540, %parallel_loop3A_541] {strides = array<i32>} : memref<2x80x128xi32, #tpu.memory_space<vmem>>, vector<16xi32>,
        %parallel_loop3A_543 = vector.bitcast %parallel_loop3A_542 : vector<16xi32> to vector<32xbf16>
        %parallel_loop3A_544 = arith.constant 1 : i32
        %parallel_loop3A_545 = arith.index_cast %parallel_loop3A_544 : i32 to index
        %parallel_loop3A_546 = arith.index_cast %parallel_loop3A_537 : i32 to index
        %parallel_loop3A_547 = arith.constant 0 : index
        %parallel_loop3A_548 = tpu.vector_load %arg11[%parallel_loop3A_545, %parallel_loop3A_546, %parallel_loop3A_547] {strides = array<i32>} : memref<2x80x128xi32, #tpu.memory_space<vmem>>, vector<16xi32>,
        %parallel_loop3A_549 = vector.bitcast %parallel_loop3A_548 : vector<16xi32> to vector<32xbf16>
        %parallel_loop3A_550 = arith.mulf %parallel_loop3A_543, %parallel_loop3A_549 : vector<32xbf16>
        %parallel_loop3A_551 = arith.constant 1 : i32
        %parallel_loop3A_552 = arith.index_cast %parallel_loop3A_551 : i32 to index
        %parallel_loop3A_553 = arith.index_cast %parallel_loop3A_537 : i32 to index
        %parallel_loop3A_554 = arith.constant 16 : index
        %parallel_loop3A_555 = tpu.vector_load %arg10[%parallel_loop3A_552, %parallel_loop3A_553, %parallel_loop3A_554] {strides = array<i32>} : memref<2x80x128xi32, #tpu.memory_space<vmem>>, vector<16xi32>,
        %parallel_loop3A_556 = vector.bitcast %parallel_loop3A_555 : vector<16xi32> to vector<32xbf16>
        %parallel_loop3A_557 = arith.constant 1 : i32
        %parallel_loop3A_558 = arith.index_cast %parallel_loop3A_557 : i32 to index
        %parallel_loop3A_559 = arith.index_cast %parallel_loop3A_537 : i32 to index
        %parallel_loop3A_560 = arith.constant 16 : index
        %parallel_loop3A_561 = tpu.vector_load %arg11[%parallel_loop3A_558, %parallel_loop3A_559, %parallel_loop3A_560] {strides = array<i32>} : memref<2x80x128xi32, #tpu.memory_space<vmem>>, vector<16xi32>,
        %parallel_loop3A_562 = vector.bitcast %parallel_loop3A_561 : vector<16xi32> to vector<32xbf16>
        %parallel_loop3A_563 = arith.mulf %parallel_loop3A_556, %parallel_loop3A_562 : vector<32xbf16>
        %parallel_loop3A_564 = arith.addf %parallel_loop3A_550, %parallel_loop3A_563 : vector<32xbf16>
        %parallel_loop3A_565 = arith.constant 1 : i32
        %parallel_loop3A_566 = arith.index_cast %parallel_loop3A_565 : i32 to index
        %parallel_loop3A_567 = arith.index_cast %parallel_loop3A_537 : i32 to index
        %parallel_loop3A_568 = arith.constant 32 : index
        %parallel_loop3A_569 = tpu.vector_load %arg10[%parallel_loop3A_566, %parallel_loop3A_567, %parallel_loop3A_568] {strides = array<i32>} : memref<2x80x128xi32, #tpu.memory_space<vmem>>, vector<16xi32>,
        %parallel_loop3A_570 = vector.bitcast %parallel_loop3A_569 : vector<16xi32> to vector<32xbf16>
        %parallel_loop3A_571 = arith.constant 1 : i32
        %parallel_loop3A_572 = arith.index_cast %parallel_loop3A_571 : i32 to index
        %parallel_loop3A_573 = arith.index_cast %parallel_loop3A_537 : i32 to index
        %parallel_loop3A_574 = arith.constant 32 : index
        %parallel_loop3A_575 = tpu.vector_load %arg11[%parallel_loop3A_572, %parallel_loop3A_573, %parallel_loop3A_574] {strides = array<i32>} : memref<2x80x128xi32, #tpu.memory_space<vmem>>, vector<16xi32>,
        %parallel_loop3A_576 = vector.bitcast %parallel_loop3A_575 : vector<16xi32> to vector<32xbf16>
        %parallel_loop3A_577 = arith.mulf %parallel_loop3A_570, %parallel_loop3A_576 : vector<32xbf16>
        %parallel_loop3A_578 = arith.addf %parallel_loop3A_564, %parallel_loop3A_577 : vector<32xbf16>
        %parallel_loop3A_579 = arith.constant 1 : i32
        %parallel_loop3A_580 = arith.index_cast %parallel_loop3A_579 : i32 to index
        %parallel_loop3A_581 = arith.index_cast %parallel_loop3A_537 : i32 to index
        %parallel_loop3A_582 = arith.constant 48 : index
        %parallel_loop3A_583 = tpu.vector_load %arg10[%parallel_loop3A_580, %parallel_loop3A_581, %parallel_loop3A_582] {strides = array<i32>} : memref<2x80x128xi32, #tpu.memory_space<vmem>>, vector<16xi32>,
        %parallel_loop3A_584 = vector.bitcast %parallel_loop3A_583 : vector<16xi32> to vector<32xbf16>
        %parallel_loop3A_585 = arith.constant 1 : i32
        %parallel_loop3A_586 = arith.index_cast %parallel_loop3A_585 : i32 to index
        %parallel_loop3A_587 = arith.index_cast %parallel_loop3A_537 : i32 to index
        %parallel_loop3A_588 = arith.constant 48 : index
        %parallel_loop3A_589 = tpu.vector_load %arg11[%parallel_loop3A_586, %parallel_loop3A_587, %parallel_loop3A_588] {strides = array<i32>} : memref<2x80x128xi32, #tpu.memory_space<vmem>>, vector<16xi32>,
        %parallel_loop3A_590 = vector.bitcast %parallel_loop3A_589 : vector<16xi32> to vector<32xbf16>
        %parallel_loop3A_591 = arith.mulf %parallel_loop3A_584, %parallel_loop3A_590 : vector<32xbf16>
        %parallel_loop3A_592 = arith.addf %parallel_loop3A_578, %parallel_loop3A_591 : vector<32xbf16>
        %parallel_loop3A_593 = tpu.unpack_subelements %parallel_loop3A_592, 0 {pack_format = #tpu.pack_format<interleaved>} : vector<32xbf16> -> vector<16xf32>
        %parallel_loop3A_594 = tpu.unpack_subelements %parallel_loop3A_592, 1 {pack_format = #tpu.pack_format<interleaved>} : vector<32xbf16> -> vector<16xf32>
        %parallel_loop3A_595 = arith.constant 5 : i32
        %parallel_loop3A_596 = vector.broadcast %parallel_loop3A_595 : i32 to vector<16xi32>
        %parallel_loop3A_597 = arith.addi %parallel_loop3A_208, %parallel_loop3A_596 : vector<16xi32>
        %parallel_loop3A_598 = arith.addf %parallel_loop3A_593, %parallel_loop3A_594 : vector<16xf32>
        tpu.vector_store_idx %arg12[%parallel_loop3A_597], %parallel_loop3A_598 {add = true} : memref<10000xf32, #tpu.memory_space<vmem>>[vector<16xi32>], vector<16xf32>,
        %parallel_loop3A_599 = arith.constant 16 : i32
        %parallel_loop3A_600 = arith.muli %parallel_loop3A_199, %parallel_loop3A_599 : i32
        %parallel_loop3A_601 = arith.constant 6 : i32
        %parallel_loop3A_602 = arith.addi %parallel_loop3A_600, %parallel_loop3A_601 : i32
        %parallel_loop3A_603 = arith.constant 1 : i32
        %parallel_loop3A_604 = arith.index_cast %parallel_loop3A_603 : i32 to index
        %parallel_loop3A_605 = arith.index_cast %parallel_loop3A_602 : i32 to index
        %parallel_loop3A_606 = arith.constant 0 : index
        %parallel_loop3A_607 = tpu.vector_load %arg10[%parallel_loop3A_604, %parallel_loop3A_605, %parallel_loop3A_606] {strides = array<i32>} : memref<2x80x128xi32, #tpu.memory_space<vmem>>, vector<16xi32>,
        %parallel_loop3A_608 = vector.bitcast %parallel_loop3A_607 : vector<16xi32> to vector<32xbf16>
        %parallel_loop3A_609 = arith.constant 1 : i32
        %parallel_loop3A_610 = arith.index_cast %parallel_loop3A_609 : i32 to index
        %parallel_loop3A_611 = arith.index_cast %parallel_loop3A_602 : i32 to index
        %parallel_loop3A_612 = arith.constant 0 : index
        %parallel_loop3A_613 = tpu.vector_load %arg11[%parallel_loop3A_610, %parallel_loop3A_611, %parallel_loop3A_612] {strides = array<i32>} : memref<2x80x128xi32, #tpu.memory_space<vmem>>, vector<16xi32>,
        %parallel_loop3A_614 = vector.bitcast %parallel_loop3A_613 : vector<16xi32> to vector<32xbf16>
        %parallel_loop3A_615 = arith.mulf %parallel_loop3A_608, %parallel_loop3A_614 : vector<32xbf16>
        %parallel_loop3A_616 = arith.constant 1 : i32
        %parallel_loop3A_617 = arith.index_cast %parallel_loop3A_616 : i32 to index
        %parallel_loop3A_618 = arith.index_cast %parallel_loop3A_602 : i32 to index
        %parallel_loop3A_619 = arith.constant 16 : index
        %parallel_loop3A_620 = tpu.vector_load %arg10[%parallel_loop3A_617, %parallel_loop3A_618, %parallel_loop3A_619] {strides = array<i32>} : memref<2x80x128xi32, #tpu.memory_space<vmem>>, vector<16xi32>,
        %parallel_loop3A_621 = vector.bitcast %parallel_loop3A_620 : vector<16xi32> to vector<32xbf16>
        %parallel_loop3A_622 = arith.constant 1 : i32
        %parallel_loop3A_623 = arith.index_cast %parallel_loop3A_622 : i32 to index
        %parallel_loop3A_624 = arith.index_cast %parallel_loop3A_602 : i32 to index
        %parallel_loop3A_625 = arith.constant 16 : index
        %parallel_loop3A_626 = tpu.vector_load %arg11[%parallel_loop3A_623, %parallel_loop3A_624, %parallel_loop3A_625] {strides = array<i32>} : memref<2x80x128xi32, #tpu.memory_space<vmem>>, vector<16xi32>,
        %parallel_loop3A_627 = vector.bitcast %parallel_loop3A_626 : vector<16xi32> to vector<32xbf16>
        %parallel_loop3A_628 = arith.mulf %parallel_loop3A_621, %parallel_loop3A_627 : vector<32xbf16>
        %parallel_loop3A_629 = arith.addf %parallel_loop3A_615, %parallel_loop3A_628 : vector<32xbf16>
        %parallel_loop3A_630 = arith.constant 1 : i32
        %parallel_loop3A_631 = arith.index_cast %parallel_loop3A_630 : i32 to index
        %parallel_loop3A_632 = arith.index_cast %parallel_loop3A_602 : i32 to index
        %parallel_loop3A_633 = arith.constant 32 : index
        %parallel_loop3A_634 = tpu.vector_load %arg10[%parallel_loop3A_631, %parallel_loop3A_632, %parallel_loop3A_633] {strides = array<i32>} : memref<2x80x128xi32, #tpu.memory_space<vmem>>, vector<16xi32>,
        %parallel_loop3A_635 = vector.bitcast %parallel_loop3A_634 : vector<16xi32> to vector<32xbf16>
        %parallel_loop3A_636 = arith.constant 1 : i32
        %parallel_loop3A_637 = arith.index_cast %parallel_loop3A_636 : i32 to index
        %parallel_loop3A_638 = arith.index_cast %parallel_loop3A_602 : i32 to index
        %parallel_loop3A_639 = arith.constant 32 : index
        %parallel_loop3A_640 = tpu.vector_load %arg11[%parallel_loop3A_637, %parallel_loop3A_638, %parallel_loop3A_639] {strides = array<i32>} : memref<2x80x128xi32, #tpu.memory_space<vmem>>, vector<16xi32>,
        %parallel_loop3A_641 = vector.bitcast %parallel_loop3A_640 : vector<16xi32> to vector<32xbf16>
        %parallel_loop3A_642 = arith.mulf %parallel_loop3A_635, %parallel_loop3A_641 : vector<32xbf16>
        %parallel_loop3A_643 = arith.addf %parallel_loop3A_629, %parallel_loop3A_642 : vector<32xbf16>
        %parallel_loop3A_644 = arith.constant 1 : i32
        %parallel_loop3A_645 = arith.index_cast %parallel_loop3A_644 : i32 to index
        %parallel_loop3A_646 = arith.index_cast %parallel_loop3A_602 : i32 to index
        %parallel_loop3A_647 = arith.constant 48 : index
        %parallel_loop3A_648 = tpu.vector_load %arg10[%parallel_loop3A_645, %parallel_loop3A_646, %parallel_loop3A_647] {strides = array<i32>} : memref<2x80x128xi32, #tpu.memory_space<vmem>>, vector<16xi32>,
        %parallel_loop3A_649 = vector.bitcast %parallel_loop3A_648 : vector<16xi32> to vector<32xbf16>
        %parallel_loop3A_650 = arith.constant 1 : i32
        %parallel_loop3A_651 = arith.index_cast %parallel_loop3A_650 : i32 to index
        %parallel_loop3A_652 = arith.index_cast %parallel_loop3A_602 : i32 to index
        %parallel_loop3A_653 = arith.constant 48 : index
        %parallel_loop3A_654 = tpu.vector_load %arg11[%parallel_loop3A_651, %parallel_loop3A_652, %parallel_loop3A_653] {strides = array<i32>} : memref<2x80x128xi32, #tpu.memory_space<vmem>>, vector<16xi32>,
        %parallel_loop3A_655 = vector.bitcast %parallel_loop3A_654 : vector<16xi32> to vector<32xbf16>
        %parallel_loop3A_656 = arith.mulf %parallel_loop3A_649, %parallel_loop3A_655 : vector<32xbf16>
        %parallel_loop3A_657 = arith.addf %parallel_loop3A_643, %parallel_loop3A_656 : vector<32xbf16>
        %parallel_loop3A_658 = tpu.unpack_subelements %parallel_loop3A_657, 0 {pack_format = #tpu.pack_format<interleaved>} : vector<32xbf16> -> vector<16xf32>
        %parallel_loop3A_659 = tpu.unpack_subelements %parallel_loop3A_657, 1 {pack_format = #tpu.pack_format<interleaved>} : vector<32xbf16> -> vector<16xf32>
        %parallel_loop3A_660 = arith.constant 6 : i32
        %parallel_loop3A_661 = vector.broadcast %parallel_loop3A_660 : i32 to vector<16xi32>
        %parallel_loop3A_662 = arith.addi %parallel_loop3A_208, %parallel_loop3A_661 : vector<16xi32>
        %parallel_loop3A_663 = arith.addf %parallel_loop3A_658, %parallel_loop3A_659 : vector<16xf32>
        tpu.vector_store_idx %arg12[%parallel_loop3A_662], %parallel_loop3A_663 {add = true} : memref<10000xf32, #tpu.memory_space<vmem>>[vector<16xi32>], vector<16xf32>,
        %parallel_loop3A_664 = arith.constant 16 : i32
        %parallel_loop3A_665 = arith.muli %parallel_loop3A_199, %parallel_loop3A_664 : i32
        %parallel_loop3A_666 = arith.constant 7 : i32
        %parallel_loop3A_667 = arith.addi %parallel_loop3A_665, %parallel_loop3A_666 : i32
        %parallel_loop3A_668 = arith.constant 1 : i32
        %parallel_loop3A_669 = arith.index_cast %parallel_loop3A_668 : i32 to index
        %parallel_loop3A_670 = arith.index_cast %parallel_loop3A_667 : i32 to index
        %parallel_loop3A_671 = arith.constant 0 : index
        %parallel_loop3A_672 = tpu.vector_load %arg10[%parallel_loop3A_669, %parallel_loop3A_670, %parallel_loop3A_671] {strides = array<i32>} : memref<2x80x128xi32, #tpu.memory_space<vmem>>, vector<16xi32>,
        %parallel_loop3A_673 = vector.bitcast %parallel_loop3A_672 : vector<16xi32> to vector<32xbf16>
        %parallel_loop3A_674 = arith.constant 1 : i32
        %parallel_loop3A_675 = arith.index_cast %parallel_loop3A_674 : i32 to index
        %parallel_loop3A_676 = arith.index_cast %parallel_loop3A_667 : i32 to index
        %parallel_loop3A_677 = arith.constant 0 : index
        %parallel_loop3A_678 = tpu.vector_load %arg11[%parallel_loop3A_675, %parallel_loop3A_676, %parallel_loop3A_677] {strides = array<i32>} : memref<2x80x128xi32, #tpu.memory_space<vmem>>, vector<16xi32>,
        %parallel_loop3A_679 = vector.bitcast %parallel_loop3A_678 : vector<16xi32> to vector<32xbf16>
        %parallel_loop3A_680 = arith.mulf %parallel_loop3A_673, %parallel_loop3A_679 : vector<32xbf16>
        %parallel_loop3A_681 = arith.constant 1 : i32
        %parallel_loop3A_682 = arith.index_cast %parallel_loop3A_681 : i32 to index
        %parallel_loop3A_683 = arith.index_cast %parallel_loop3A_667 : i32 to index
        %parallel_loop3A_684 = arith.constant 16 : index
        %parallel_loop3A_685 = tpu.vector_load %arg10[%parallel_loop3A_682, %parallel_loop3A_683, %parallel_loop3A_684] {strides = array<i32>} : memref<2x80x128xi32, #tpu.memory_space<vmem>>, vector<16xi32>,
        %parallel_loop3A_686 = vector.bitcast %parallel_loop3A_685 : vector<16xi32> to vector<32xbf16>
        %parallel_loop3A_687 = arith.constant 1 : i32
        %parallel_loop3A_688 = arith.index_cast %parallel_loop3A_687 : i32 to index
        %parallel_loop3A_689 = arith.index_cast %parallel_loop3A_667 : i32 to index
        %parallel_loop3A_690 = arith.constant 16 : index
        %parallel_loop3A_691 = tpu.vector_load %arg11[%parallel_loop3A_688, %parallel_loop3A_689, %parallel_loop3A_690] {strides = array<i32>} : memref<2x80x128xi32, #tpu.memory_space<vmem>>, vector<16xi32>,
        %parallel_loop3A_692 = vector.bitcast %parallel_loop3A_691 : vector<16xi32> to vector<32xbf16>
        %parallel_loop3A_693 = arith.mulf %parallel_loop3A_686, %parallel_loop3A_692 : vector<32xbf16>
        %parallel_loop3A_694 = arith.addf %parallel_loop3A_680, %parallel_loop3A_693 : vector<32xbf16>
        %parallel_loop3A_695 = arith.constant 1 : i32
        %parallel_loop3A_696 = arith.index_cast %parallel_loop3A_695 : i32 to index
        %parallel_loop3A_697 = arith.index_cast %parallel_loop3A_667 : i32 to index
        %parallel_loop3A_698 = arith.constant 32 : index
        %parallel_loop3A_699 = tpu.vector_load %arg10[%parallel_loop3A_696, %parallel_loop3A_697, %parallel_loop3A_698] {strides = array<i32>} : memref<2x80x128xi32, #tpu.memory_space<vmem>>, vector<16xi32>,
        %parallel_loop3A_700 = vector.bitcast %parallel_loop3A_699 : vector<16xi32> to vector<32xbf16>
        %parallel_loop3A_701 = arith.constant 1 : i32
        %parallel_loop3A_702 = arith.index_cast %parallel_loop3A_701 : i32 to index
        %parallel_loop3A_703 = arith.index_cast %parallel_loop3A_667 : i32 to index
        %parallel_loop3A_704 = arith.constant 32 : index
        %parallel_loop3A_705 = tpu.vector_load %arg11[%parallel_loop3A_702, %parallel_loop3A_703, %parallel_loop3A_704] {strides = array<i32>} : memref<2x80x128xi32, #tpu.memory_space<vmem>>, vector<16xi32>,
        %parallel_loop3A_706 = vector.bitcast %parallel_loop3A_705 : vector<16xi32> to vector<32xbf16>
        %parallel_loop3A_707 = arith.mulf %parallel_loop3A_700, %parallel_loop3A_706 : vector<32xbf16>
        %parallel_loop3A_708 = arith.addf %parallel_loop3A_694, %parallel_loop3A_707 : vector<32xbf16>
        %parallel_loop3A_709 = arith.constant 1 : i32
        %parallel_loop3A_710 = arith.index_cast %parallel_loop3A_709 : i32 to index
        %parallel_loop3A_711 = arith.index_cast %parallel_loop3A_667 : i32 to index
        %parallel_loop3A_712 = arith.constant 48 : index
        %parallel_loop3A_713 = tpu.vector_load %arg10[%parallel_loop3A_710, %parallel_loop3A_711, %parallel_loop3A_712] {strides = array<i32>} : memref<2x80x128xi32, #tpu.memory_space<vmem>>, vector<16xi32>,
        %parallel_loop3A_714 = vector.bitcast %parallel_loop3A_713 : vector<16xi32> to vector<32xbf16>
        %parallel_loop3A_715 = arith.constant 1 : i32
        %parallel_loop3A_716 = arith.index_cast %parallel_loop3A_715 : i32 to index
        %parallel_loop3A_717 = arith.index_cast %parallel_loop3A_667 : i32 to index
        %parallel_loop3A_718 = arith.constant 48 : index
        %parallel_loop3A_719 = tpu.vector_load %arg11[%parallel_loop3A_716, %parallel_loop3A_717, %parallel_loop3A_718] {strides = array<i32>} : memref<2x80x128xi32, #tpu.memory_space<vmem>>, vector<16xi32>,
        %parallel_loop3A_720 = vector.bitcast %parallel_loop3A_719 : vector<16xi32> to vector<32xbf16>
        %parallel_loop3A_721 = arith.mulf %parallel_loop3A_714, %parallel_loop3A_720 : vector<32xbf16>
        %parallel_loop3A_722 = arith.addf %parallel_loop3A_708, %parallel_loop3A_721 : vector<32xbf16>
        %parallel_loop3A_723 = tpu.unpack_subelements %parallel_loop3A_722, 0 {pack_format = #tpu.pack_format<interleaved>} : vector<32xbf16> -> vector<16xf32>
        %parallel_loop3A_724 = tpu.unpack_subelements %parallel_loop3A_722, 1 {pack_format = #tpu.pack_format<interleaved>} : vector<32xbf16> -> vector<16xf32>
        %parallel_loop3A_725 = arith.constant 7 : i32
        %parallel_loop3A_726 = vector.broadcast %parallel_loop3A_725 : i32 to vector<16xi32>
        %parallel_loop3A_727 = arith.addi %parallel_loop3A_208, %parallel_loop3A_726 : vector<16xi32>
        %parallel_loop3A_728 = arith.addf %parallel_loop3A_723, %parallel_loop3A_724 : vector<16xf32>
        tpu.vector_store_idx %arg12[%parallel_loop3A_727], %parallel_loop3A_728 {add = true} : memref<10000xf32, #tpu.memory_space<vmem>>[vector<16xi32>], vector<16xf32>,
        %parallel_loop3A_729 = arith.constant 16 : i32
        %parallel_loop3A_730 = arith.muli %parallel_loop3A_199, %parallel_loop3A_729 : i32
        %parallel_loop3A_731 = arith.constant 8 : i32
        %parallel_loop3A_732 = arith.addi %parallel_loop3A_730, %parallel_loop3A_731 : i32
        %parallel_loop3A_733 = arith.constant 1 : i32
        %parallel_loop3A_734 = arith.index_cast %parallel_loop3A_733 : i32 to index
        %parallel_loop3A_735 = arith.index_cast %parallel_loop3A_732 : i32 to index
        %parallel_loop3A_736 = arith.constant 0 : index
        %parallel_loop3A_737 = tpu.vector_load %arg10[%parallel_loop3A_734, %parallel_loop3A_735, %parallel_loop3A_736] {strides = array<i32>} : memref<2x80x128xi32, #tpu.memory_space<vmem>>, vector<16xi32>,
        %parallel_loop3A_738 = vector.bitcast %parallel_loop3A_737 : vector<16xi32> to vector<32xbf16>
        %parallel_loop3A_739 = arith.constant 1 : i32
        %parallel_loop3A_740 = arith.index_cast %parallel_loop3A_739 : i32 to index
        %parallel_loop3A_741 = arith.index_cast %parallel_loop3A_732 : i32 to index
        %parallel_loop3A_742 = arith.constant 0 : index
        %parallel_loop3A_743 = tpu.vector_load %arg11[%parallel_loop3A_740, %parallel_loop3A_741, %parallel_loop3A_742] {strides = array<i32>} : memref<2x80x128xi32, #tpu.memory_space<vmem>>, vector<16xi32>,
        %parallel_loop3A_744 = vector.bitcast %parallel_loop3A_743 : vector<16xi32> to vector<32xbf16>
        %parallel_loop3A_745 = arith.mulf %parallel_loop3A_738, %parallel_loop3A_744 : vector<32xbf16>
        %parallel_loop3A_746 = arith.constant 1 : i32
        %parallel_loop3A_747 = arith.index_cast %parallel_loop3A_746 : i32 to index
        %parallel_loop3A_748 = arith.index_cast %parallel_loop3A_732 : i32 to index
        %parallel_loop3A_749 = arith.constant 16 : index
        %parallel_loop3A_750 = tpu.vector_load %arg10[%parallel_loop3A_747, %parallel_loop3A_748, %parallel_loop3A_749] {strides = array<i32>} : memref<2x80x128xi32, #tpu.memory_space<vmem>>, vector<16xi32>,
        %parallel_loop3A_751 = vector.bitcast %parallel_loop3A_750 : vector<16xi32> to vector<32xbf16>
        %parallel_loop3A_752 = arith.constant 1 : i32
        %parallel_loop3A_753 = arith.index_cast %parallel_loop3A_752 : i32 to index
        %parallel_loop3A_754 = arith.index_cast %parallel_loop3A_732 : i32 to index
        %parallel_loop3A_755 = arith.constant 16 : index
        %parallel_loop3A_756 = tpu.vector_load %arg11[%parallel_loop3A_753, %parallel_loop3A_754, %parallel_loop3A_755] {strides = array<i32>} : memref<2x80x128xi32, #tpu.memory_space<vmem>>, vector<16xi32>,
        %parallel_loop3A_757 = vector.bitcast %parallel_loop3A_756 : vector<16xi32> to vector<32xbf16>
        %parallel_loop3A_758 = arith.mulf %parallel_loop3A_751, %parallel_loop3A_757 : vector<32xbf16>
        %parallel_loop3A_759 = arith.addf %parallel_loop3A_745, %parallel_loop3A_758 : vector<32xbf16>
        %parallel_loop3A_760 = arith.constant 1 : i32
        %parallel_loop3A_761 = arith.index_cast %parallel_loop3A_760 : i32 to index
        %parallel_loop3A_762 = arith.index_cast %parallel_loop3A_732 : i32 to index
        %parallel_loop3A_763 = arith.constant 32 : index
        %parallel_loop3A_764 = tpu.vector_load %arg10[%parallel_loop3A_761, %parallel_loop3A_762, %parallel_loop3A_763] {strides = array<i32>} : memref<2x80x128xi32, #tpu.memory_space<vmem>>, vector<16xi32>,
        %parallel_loop3A_765 = vector.bitcast %parallel_loop3A_764 : vector<16xi32> to vector<32xbf16>
        %parallel_loop3A_766 = arith.constant 1 : i32
        %parallel_loop3A_767 = arith.index_cast %parallel_loop3A_766 : i32 to index
        %parallel_loop3A_768 = arith.index_cast %parallel_loop3A_732 : i32 to index
        %parallel_loop3A_769 = arith.constant 32 : index
        %parallel_loop3A_770 = tpu.vector_load %arg11[%parallel_loop3A_767, %parallel_loop3A_768, %parallel_loop3A_769] {strides = array<i32>} : memref<2x80x128xi32, #tpu.memory_space<vmem>>, vector<16xi32>,
        %parallel_loop3A_771 = vector.bitcast %parallel_loop3A_770 : vector<16xi32> to vector<32xbf16>
        %parallel_loop3A_772 = arith.mulf %parallel_loop3A_765, %parallel_loop3A_771 : vector<32xbf16>
        %parallel_loop3A_773 = arith.addf %parallel_loop3A_759, %parallel_loop3A_772 : vector<32xbf16>
        %parallel_loop3A_774 = arith.constant 1 : i32
        %parallel_loop3A_775 = arith.index_cast %parallel_loop3A_774 : i32 to index
        %parallel_loop3A_776 = arith.index_cast %parallel_loop3A_732 : i32 to index
        %parallel_loop3A_777 = arith.constant 48 : index
        %parallel_loop3A_778 = tpu.vector_load %arg10[%parallel_loop3A_775, %parallel_loop3A_776, %parallel_loop3A_777] {strides = array<i32>} : memref<2x80x128xi32, #tpu.memory_space<vmem>>, vector<16xi32>,
        %parallel_loop3A_779 = vector.bitcast %parallel_loop3A_778 : vector<16xi32> to vector<32xbf16>
        %parallel_loop3A_780 = arith.constant 1 : i32
        %parallel_loop3A_781 = arith.index_cast %parallel_loop3A_780 : i32 to index
        %parallel_loop3A_782 = arith.index_cast %parallel_loop3A_732 : i32 to index
        %parallel_loop3A_783 = arith.constant 48 : index
        %parallel_loop3A_784 = tpu.vector_load %arg11[%parallel_loop3A_781, %parallel_loop3A_782, %parallel_loop3A_783] {strides = array<i32>} : memref<2x80x128xi32, #tpu.memory_space<vmem>>, vector<16xi32>,
        %parallel_loop3A_785 = vector.bitcast %parallel_loop3A_784 : vector<16xi32> to vector<32xbf16>
        %parallel_loop3A_786 = arith.mulf %parallel_loop3A_779, %parallel_loop3A_785 : vector<32xbf16>
        %parallel_loop3A_787 = arith.addf %parallel_loop3A_773, %parallel_loop3A_786 : vector<32xbf16>
        %parallel_loop3A_788 = tpu.unpack_subelements %parallel_loop3A_787, 0 {pack_format = #tpu.pack_format<interleaved>} : vector<32xbf16> -> vector<16xf32>
        %parallel_loop3A_789 = tpu.unpack_subelements %parallel_loop3A_787, 1 {pack_format = #tpu.pack_format<interleaved>} : vector<32xbf16> -> vector<16xf32>
        %parallel_loop3A_790 = arith.constant 8 : i32
        %parallel_loop3A_791 = vector.broadcast %parallel_loop3A_790 : i32 to vector<16xi32>
        %parallel_loop3A_792 = arith.addi %parallel_loop3A_208, %parallel_loop3A_791 : vector<16xi32>
        %parallel_loop3A_793 = arith.addf %parallel_loop3A_788, %parallel_loop3A_789 : vector<16xf32>
        tpu.vector_store_idx %arg12[%parallel_loop3A_792], %parallel_loop3A_793 {add = true} : memref<10000xf32, #tpu.memory_space<vmem>>[vector<16xi32>], vector<16xf32>,
        %parallel_loop3A_794 = arith.constant 16 : i32
        %parallel_loop3A_795 = arith.muli %parallel_loop3A_199, %parallel_loop3A_794 : i32
        %parallel_loop3A_796 = arith.constant 9 : i32
        %parallel_loop3A_797 = arith.addi %parallel_loop3A_795, %parallel_loop3A_796 : i32
        %parallel_loop3A_798 = arith.constant 1 : i32
        %parallel_loop3A_799 = arith.index_cast %parallel_loop3A_798 : i32 to index
        %parallel_loop3A_800 = arith.index_cast %parallel_loop3A_797 : i32 to index
        %parallel_loop3A_801 = arith.constant 0 : index
        %parallel_loop3A_802 = tpu.vector_load %arg10[%parallel_loop3A_799, %parallel_loop3A_800, %parallel_loop3A_801] {strides = array<i32>} : memref<2x80x128xi32, #tpu.memory_space<vmem>>, vector<16xi32>,
        %parallel_loop3A_803 = vector.bitcast %parallel_loop3A_802 : vector<16xi32> to vector<32xbf16>
        %parallel_loop3A_804 = arith.constant 1 : i32
        %parallel_loop3A_805 = arith.index_cast %parallel_loop3A_804 : i32 to index
        %parallel_loop3A_806 = arith.index_cast %parallel_loop3A_797 : i32 to index
        %parallel_loop3A_807 = arith.constant 0 : index
        %parallel_loop3A_808 = tpu.vector_load %arg11[%parallel_loop3A_805, %parallel_loop3A_806, %parallel_loop3A_807] {strides = array<i32>} : memref<2x80x128xi32, #tpu.memory_space<vmem>>, vector<16xi32>,
        %parallel_loop3A_809 = vector.bitcast %parallel_loop3A_808 : vector<16xi32> to vector<32xbf16>
        %parallel_loop3A_810 = arith.mulf %parallel_loop3A_803, %parallel_loop3A_809 : vector<32xbf16>
        %parallel_loop3A_811 = arith.constant 1 : i32
        %parallel_loop3A_812 = arith.index_cast %parallel_loop3A_811 : i32 to index
        %parallel_loop3A_813 = arith.index_cast %parallel_loop3A_797 : i32 to index
        %parallel_loop3A_814 = arith.constant 16 : index
        %parallel_loop3A_815 = tpu.vector_load %arg10[%parallel_loop3A_812, %parallel_loop3A_813, %parallel_loop3A_814] {strides = array<i32>} : memref<2x80x128xi32, #tpu.memory_space<vmem>>, vector<16xi32>,
        %parallel_loop3A_816 = vector.bitcast %parallel_loop3A_815 : vector<16xi32> to vector<32xbf16>
        %parallel_loop3A_817 = arith.constant 1 : i32
        %parallel_loop3A_818 = arith.index_cast %parallel_loop3A_817 : i32 to index
        %parallel_loop3A_819 = arith.index_cast %parallel_loop3A_797 : i32 to index
        %parallel_loop3A_820 = arith.constant 16 : index
        %parallel_loop3A_821 = tpu.vector_load %arg11[%parallel_loop3A_818, %parallel_loop3A_819, %parallel_loop3A_820] {strides = array<i32>} : memref<2x80x128xi32, #tpu.memory_space<vmem>>, vector<16xi32>,
        %parallel_loop3A_822 = vector.bitcast %parallel_loop3A_821 : vector<16xi32> to vector<32xbf16>
        %parallel_loop3A_823 = arith.mulf %parallel_loop3A_816, %parallel_loop3A_822 : vector<32xbf16>
        %parallel_loop3A_824 = arith.addf %parallel_loop3A_810, %parallel_loop3A_823 : vector<32xbf16>
        %parallel_loop3A_825 = arith.constant 1 : i32
        %parallel_loop3A_826 = arith.index_cast %parallel_loop3A_825 : i32 to index
        %parallel_loop3A_827 = arith.index_cast %parallel_loop3A_797 : i32 to index
        %parallel_loop3A_828 = arith.constant 32 : index
        %parallel_loop3A_829 = tpu.vector_load %arg10[%parallel_loop3A_826, %parallel_loop3A_827, %parallel_loop3A_828] {strides = array<i32>} : memref<2x80x128xi32, #tpu.memory_space<vmem>>, vector<16xi32>,
        %parallel_loop3A_830 = vector.bitcast %parallel_loop3A_829 : vector<16xi32> to vector<32xbf16>
        %parallel_loop3A_831 = arith.constant 1 : i32
        %parallel_loop3A_832 = arith.index_cast %parallel_loop3A_831 : i32 to index
        %parallel_loop3A_833 = arith.index_cast %parallel_loop3A_797 : i32 to index
        %parallel_loop3A_834 = arith.constant 32 : index
        %parallel_loop3A_835 = tpu.vector_load %arg11[%parallel_loop3A_832, %parallel_loop3A_833, %parallel_loop3A_834] {strides = array<i32>} : memref<2x80x128xi32, #tpu.memory_space<vmem>>, vector<16xi32>,
        %parallel_loop3A_836 = vector.bitcast %parallel_loop3A_835 : vector<16xi32> to vector<32xbf16>
        %parallel_loop3A_837 = arith.mulf %parallel_loop3A_830, %parallel_loop3A_836 : vector<32xbf16>
        %parallel_loop3A_838 = arith.addf %parallel_loop3A_824, %parallel_loop3A_837 : vector<32xbf16>
        %parallel_loop3A_839 = arith.constant 1 : i32
        %parallel_loop3A_840 = arith.index_cast %parallel_loop3A_839 : i32 to index
        %parallel_loop3A_841 = arith.index_cast %parallel_loop3A_797 : i32 to index
        %parallel_loop3A_842 = arith.constant 48 : index
        %parallel_loop3A_843 = tpu.vector_load %arg10[%parallel_loop3A_840, %parallel_loop3A_841, %parallel_loop3A_842] {strides = array<i32>} : memref<2x80x128xi32, #tpu.memory_space<vmem>>, vector<16xi32>,
        %parallel_loop3A_844 = vector.bitcast %parallel_loop3A_843 : vector<16xi32> to vector<32xbf16>
        %parallel_loop3A_845 = arith.constant 1 : i32
        %parallel_loop3A_846 = arith.index_cast %parallel_loop3A_845 : i32 to index
        %parallel_loop3A_847 = arith.index_cast %parallel_loop3A_797 : i32 to index
        %parallel_loop3A_848 = arith.constant 48 : index
        %parallel_loop3A_849 = tpu.vector_load %arg11[%parallel_loop3A_846, %parallel_loop3A_847, %parallel_loop3A_848] {strides = array<i32>} : memref<2x80x128xi32, #tpu.memory_space<vmem>>, vector<16xi32>,
        %parallel_loop3A_850 = vector.bitcast %parallel_loop3A_849 : vector<16xi32> to vector<32xbf16>
        %parallel_loop3A_851 = arith.mulf %parallel_loop3A_844, %parallel_loop3A_850 : vector<32xbf16>
        %parallel_loop3A_852 = arith.addf %parallel_loop3A_838, %parallel_loop3A_851 : vector<32xbf16>
        %parallel_loop3A_853 = tpu.unpack_subelements %parallel_loop3A_852, 0 {pack_format = #tpu.pack_format<interleaved>} : vector<32xbf16> -> vector<16xf32>
        %parallel_loop3A_854 = tpu.unpack_subelements %parallel_loop3A_852, 1 {pack_format = #tpu.pack_format<interleaved>} : vector<32xbf16> -> vector<16xf32>
        %parallel_loop3A_855 = arith.constant 9 : i32
        %parallel_loop3A_856 = vector.broadcast %parallel_loop3A_855 : i32 to vector<16xi32>
        %parallel_loop3A_857 = arith.addi %parallel_loop3A_208, %parallel_loop3A_856 : vector<16xi32>
        %parallel_loop3A_858 = arith.addf %parallel_loop3A_853, %parallel_loop3A_854 : vector<16xf32>
        tpu.vector_store_idx %arg12[%parallel_loop3A_857], %parallel_loop3A_858 {add = true} : memref<10000xf32, #tpu.memory_space<vmem>>[vector<16xi32>], vector<16xf32>,
        %parallel_loop3A_859 = arith.constant 16 : i32
        %parallel_loop3A_860 = arith.muli %parallel_loop3A_199, %parallel_loop3A_859 : i32
        %parallel_loop3A_861 = arith.constant 10 : i32
        %parallel_loop3A_862 = arith.addi %parallel_loop3A_860, %parallel_loop3A_861 : i32
        %parallel_loop3A_863 = arith.constant 1 : i32
        %parallel_loop3A_864 = arith.index_cast %parallel_loop3A_863 : i32 to index
        %parallel_loop3A_865 = arith.index_cast %parallel_loop3A_862 : i32 to index
        %parallel_loop3A_866 = arith.constant 0 : index
        %parallel_loop3A_867 = tpu.vector_load %arg10[%parallel_loop3A_864, %parallel_loop3A_865, %parallel_loop3A_866] {strides = array<i32>} : memref<2x80x128xi32, #tpu.memory_space<vmem>>, vector<16xi32>,
        %parallel_loop3A_868 = vector.bitcast %parallel_loop3A_867 : vector<16xi32> to vector<32xbf16>
        %parallel_loop3A_869 = arith.constant 1 : i32
        %parallel_loop3A_870 = arith.index_cast %parallel_loop3A_869 : i32 to index
        %parallel_loop3A_871 = arith.index_cast %parallel_loop3A_862 : i32 to index
        %parallel_loop3A_872 = arith.constant 0 : index
        %parallel_loop3A_873 = tpu.vector_load %arg11[%parallel_loop3A_870, %parallel_loop3A_871, %parallel_loop3A_872] {strides = array<i32>} : memref<2x80x128xi32, #tpu.memory_space<vmem>>, vector<16xi32>,
        %parallel_loop3A_874 = vector.bitcast %parallel_loop3A_873 : vector<16xi32> to vector<32xbf16>
        %parallel_loop3A_875 = arith.mulf %parallel_loop3A_868, %parallel_loop3A_874 : vector<32xbf16>
        %parallel_loop3A_876 = arith.constant 1 : i32
        %parallel_loop3A_877 = arith.index_cast %parallel_loop3A_876 : i32 to index
        %parallel_loop3A_878 = arith.index_cast %parallel_loop3A_862 : i32 to index
        %parallel_loop3A_879 = arith.constant 16 : index
        %parallel_loop3A_880 = tpu.vector_load %arg10[%parallel_loop3A_877, %parallel_loop3A_878, %parallel_loop3A_879] {strides = array<i32>} : memref<2x80x128xi32, #tpu.memory_space<vmem>>, vector<16xi32>,
        %parallel_loop3A_881 = vector.bitcast %parallel_loop3A_880 : vector<16xi32> to vector<32xbf16>
        %parallel_loop3A_882 = arith.constant 1 : i32
        %parallel_loop3A_883 = arith.index_cast %parallel_loop3A_882 : i32 to index
        %parallel_loop3A_884 = arith.index_cast %parallel_loop3A_862 : i32 to index
        %parallel_loop3A_885 = arith.constant 16 : index
        %parallel_loop3A_886 = tpu.vector_load %arg11[%parallel_loop3A_883, %parallel_loop3A_884, %parallel_loop3A_885] {strides = array<i32>} : memref<2x80x128xi32, #tpu.memory_space<vmem>>, vector<16xi32>,
        %parallel_loop3A_887 = vector.bitcast %parallel_loop3A_886 : vector<16xi32> to vector<32xbf16>
        %parallel_loop3A_888 = arith.mulf %parallel_loop3A_881, %parallel_loop3A_887 : vector<32xbf16>
        %parallel_loop3A_889 = arith.addf %parallel_loop3A_875, %parallel_loop3A_888 : vector<32xbf16>
        %parallel_loop3A_890 = arith.constant 1 : i32
        %parallel_loop3A_891 = arith.index_cast %parallel_loop3A_890 : i32 to index
        %parallel_loop3A_892 = arith.index_cast %parallel_loop3A_862 : i32 to index
        %parallel_loop3A_893 = arith.constant 32 : index
        %parallel_loop3A_894 = tpu.vector_load %arg10[%parallel_loop3A_891, %parallel_loop3A_892, %parallel_loop3A_893] {strides = array<i32>} : memref<2x80x128xi32, #tpu.memory_space<vmem>>, vector<16xi32>,
        %parallel_loop3A_895 = vector.bitcast %parallel_loop3A_894 : vector<16xi32> to vector<32xbf16>
        %parallel_loop3A_896 = arith.constant 1 : i32
        %parallel_loop3A_897 = arith.index_cast %parallel_loop3A_896 : i32 to index
        %parallel_loop3A_898 = arith.index_cast %parallel_loop3A_862 : i32 to index
        %parallel_loop3A_899 = arith.constant 32 : index
        %parallel_loop3A_900 = tpu.vector_load %arg11[%parallel_loop3A_897, %parallel_loop3A_898, %parallel_loop3A_899] {strides = array<i32>} : memref<2x80x128xi32, #tpu.memory_space<vmem>>, vector<16xi32>,
        %parallel_loop3A_901 = vector.bitcast %parallel_loop3A_900 : vector<16xi32> to vector<32xbf16>
        %parallel_loop3A_902 = arith.mulf %parallel_loop3A_895, %parallel_loop3A_901 : vector<32xbf16>
        %parallel_loop3A_903 = arith.addf %parallel_loop3A_889, %parallel_loop3A_902 : vector<32xbf16>
        %parallel_loop3A_904 = arith.constant 1 : i32
        %parallel_loop3A_905 = arith.index_cast %parallel_loop3A_904 : i32 to index
        %parallel_loop3A_906 = arith.index_cast %parallel_loop3A_862 : i32 to index
        %parallel_loop3A_907 = arith.constant 48 : index
        %parallel_loop3A_908 = tpu.vector_load %arg10[%parallel_loop3A_905, %parallel_loop3A_906, %parallel_loop3A_907] {strides = array<i32>} : memref<2x80x128xi32, #tpu.memory_space<vmem>>, vector<16xi32>,
        %parallel_loop3A_909 = vector.bitcast %parallel_loop3A_908 : vector<16xi32> to vector<32xbf16>
        %parallel_loop3A_910 = arith.constant 1 : i32
        %parallel_loop3A_911 = arith.index_cast %parallel_loop3A_910 : i32 to index
        %parallel_loop3A_912 = arith.index_cast %parallel_loop3A_862 : i32 to index
        %parallel_loop3A_913 = arith.constant 48 : index
        %parallel_loop3A_914 = tpu.vector_load %arg11[%parallel_loop3A_911, %parallel_loop3A_912, %parallel_loop3A_913] {strides = array<i32>} : memref<2x80x128xi32, #tpu.memory_space<vmem>>, vector<16xi32>,
        %parallel_loop3A_915 = vector.bitcast %parallel_loop3A_914 : vector<16xi32> to vector<32xbf16>
        %parallel_loop3A_916 = arith.mulf %parallel_loop3A_909, %parallel_loop3A_915 : vector<32xbf16>
        %parallel_loop3A_917 = arith.addf %parallel_loop3A_903, %parallel_loop3A_916 : vector<32xbf16>
        %parallel_loop3A_918 = tpu.unpack_subelements %parallel_loop3A_917, 0 {pack_format = #tpu.pack_format<interleaved>} : vector<32xbf16> -> vector<16xf32>
        %parallel_loop3A_919 = tpu.unpack_subelements %parallel_loop3A_917, 1 {pack_format = #tpu.pack_format<interleaved>} : vector<32xbf16> -> vector<16xf32>
        %parallel_loop3A_920 = arith.constant 10 : i32
        %parallel_loop3A_921 = vector.broadcast %parallel_loop3A_920 : i32 to vector<16xi32>
        %parallel_loop3A_922 = arith.addi %parallel_loop3A_208, %parallel_loop3A_921 : vector<16xi32>
        %parallel_loop3A_923 = arith.addf %parallel_loop3A_918, %parallel_loop3A_919 : vector<16xf32>
        tpu.vector_store_idx %arg12[%parallel_loop3A_922], %parallel_loop3A_923 {add = true} : memref<10000xf32, #tpu.memory_space<vmem>>[vector<16xi32>], vector<16xf32>,
        %parallel_loop3A_924 = arith.constant 16 : i32
        %parallel_loop3A_925 = arith.muli %parallel_loop3A_199, %parallel_loop3A_924 : i32
        %parallel_loop3A_926 = arith.constant 11 : i32
        %parallel_loop3A_927 = arith.addi %parallel_loop3A_925, %parallel_loop3A_926 : i32
        %parallel_loop3A_928 = arith.constant 1 : i32
        %parallel_loop3A_929 = arith.index_cast %parallel_loop3A_928 : i32 to index
        %parallel_loop3A_930 = arith.index_cast %parallel_loop3A_927 : i32 to index
        %parallel_loop3A_931 = arith.constant 0 : index
        %parallel_loop3A_932 = tpu.vector_load %arg10[%parallel_loop3A_929, %parallel_loop3A_930, %parallel_loop3A_931] {strides = array<i32>} : memref<2x80x128xi32, #tpu.memory_space<vmem>>, vector<16xi32>,
        %parallel_loop3A_933 = vector.bitcast %parallel_loop3A_932 : vector<16xi32> to vector<32xbf16>
        %parallel_loop3A_934 = arith.constant 1 : i32
        %parallel_loop3A_935 = arith.index_cast %parallel_loop3A_934 : i32 to index
        %parallel_loop3A_936 = arith.index_cast %parallel_loop3A_927 : i32 to index
        %parallel_loop3A_937 = arith.constant 0 : index
        %parallel_loop3A_938 = tpu.vector_load %arg11[%parallel_loop3A_935, %parallel_loop3A_936, %parallel_loop3A_937] {strides = array<i32>} : memref<2x80x128xi32, #tpu.memory_space<vmem>>, vector<16xi32>,
        %parallel_loop3A_939 = vector.bitcast %parallel_loop3A_938 : vector<16xi32> to vector<32xbf16>
        %parallel_loop3A_940 = arith.mulf %parallel_loop3A_933, %parallel_loop3A_939 : vector<32xbf16>
        %parallel_loop3A_941 = arith.constant 1 : i32
        %parallel_loop3A_942 = arith.index_cast %parallel_loop3A_941 : i32 to index
        %parallel_loop3A_943 = arith.index_cast %parallel_loop3A_927 : i32 to index
        %parallel_loop3A_944 = arith.constant 16 : index
        %parallel_loop3A_945 = tpu.vector_load %arg10[%parallel_loop3A_942, %parallel_loop3A_943, %parallel_loop3A_944] {strides = array<i32>} : memref<2x80x128xi32, #tpu.memory_space<vmem>>, vector<16xi32>,
        %parallel_loop3A_946 = vector.bitcast %parallel_loop3A_945 : vector<16xi32> to vector<32xbf16>
        %parallel_loop3A_947 = arith.constant 1 : i32
        %parallel_loop3A_948 = arith.index_cast %parallel_loop3A_947 : i32 to index
        %parallel_loop3A_949 = arith.index_cast %parallel_loop3A_927 : i32 to index
        %parallel_loop3A_950 = arith.constant 16 : index
        %parallel_loop3A_951 = tpu.vector_load %arg11[%parallel_loop3A_948, %parallel_loop3A_949, %parallel_loop3A_950] {strides = array<i32>} : memref<2x80x128xi32, #tpu.memory_space<vmem>>, vector<16xi32>,
        %parallel_loop3A_952 = vector.bitcast %parallel_loop3A_951 : vector<16xi32> to vector<32xbf16>
        %parallel_loop3A_953 = arith.mulf %parallel_loop3A_946, %parallel_loop3A_952 : vector<32xbf16>
        %parallel_loop3A_954 = arith.addf %parallel_loop3A_940, %parallel_loop3A_953 : vector<32xbf16>
        %parallel_loop3A_955 = arith.constant 1 : i32
        %parallel_loop3A_956 = arith.index_cast %parallel_loop3A_955 : i32 to index
        %parallel_loop3A_957 = arith.index_cast %parallel_loop3A_927 : i32 to index
        %parallel_loop3A_958 = arith.constant 32 : index
        %parallel_loop3A_959 = tpu.vector_load %arg10[%parallel_loop3A_956, %parallel_loop3A_957, %parallel_loop3A_958] {strides = array<i32>} : memref<2x80x128xi32, #tpu.memory_space<vmem>>, vector<16xi32>,
        %parallel_loop3A_960 = vector.bitcast %parallel_loop3A_959 : vector<16xi32> to vector<32xbf16>
        %parallel_loop3A_961 = arith.constant 1 : i32
        %parallel_loop3A_962 = arith.index_cast %parallel_loop3A_961 : i32 to index
        %parallel_loop3A_963 = arith.index_cast %parallel_loop3A_927 : i32 to index
        %parallel_loop3A_964 = arith.constant 32 : index
        %parallel_loop3A_965 = tpu.vector_load %arg11[%parallel_loop3A_962, %parallel_loop3A_963, %parallel_loop3A_964] {strides = array<i32>} : memref<2x80x128xi32, #tpu.memory_space<vmem>>, vector<16xi32>,
        %parallel_loop3A_966 = vector.bitcast %parallel_loop3A_965 : vector<16xi32> to vector<32xbf16>
        %parallel_loop3A_967 = arith.mulf %parallel_loop3A_960, %parallel_loop3A_966 : vector<32xbf16>
        %parallel_loop3A_968 = arith.addf %parallel_loop3A_954, %parallel_loop3A_967 : vector<32xbf16>
        %parallel_loop3A_969 = arith.constant 1 : i32
        %parallel_loop3A_970 = arith.index_cast %parallel_loop3A_969 : i32 to index
        %parallel_loop3A_971 = arith.index_cast %parallel_loop3A_927 : i32 to index
        %parallel_loop3A_972 = arith.constant 48 : index
        %parallel_loop3A_973 = tpu.vector_load %arg10[%parallel_loop3A_970, %parallel_loop3A_971, %parallel_loop3A_972] {strides = array<i32>} : memref<2x80x128xi32, #tpu.memory_space<vmem>>, vector<16xi32>,
        %parallel_loop3A_974 = vector.bitcast %parallel_loop3A_973 : vector<16xi32> to vector<32xbf16>
        %parallel_loop3A_975 = arith.constant 1 : i32
        %parallel_loop3A_976 = arith.index_cast %parallel_loop3A_975 : i32 to index
        %parallel_loop3A_977 = arith.index_cast %parallel_loop3A_927 : i32 to index
        %parallel_loop3A_978 = arith.constant 48 : index
        %parallel_loop3A_979 = tpu.vector_load %arg11[%parallel_loop3A_976, %parallel_loop3A_977, %parallel_loop3A_978] {strides = array<i32>} : memref<2x80x128xi32, #tpu.memory_space<vmem>>, vector<16xi32>,
        %parallel_loop3A_980 = vector.bitcast %parallel_loop3A_979 : vector<16xi32> to vector<32xbf16>
        %parallel_loop3A_981 = arith.mulf %parallel_loop3A_974, %parallel_loop3A_980 : vector<32xbf16>
        %parallel_loop3A_982 = arith.addf %parallel_loop3A_968, %parallel_loop3A_981 : vector<32xbf16>
        %parallel_loop3A_983 = tpu.unpack_subelements %parallel_loop3A_982, 0 {pack_format = #tpu.pack_format<interleaved>} : vector<32xbf16> -> vector<16xf32>
        %parallel_loop3A_984 = tpu.unpack_subelements %parallel_loop3A_982, 1 {pack_format = #tpu.pack_format<interleaved>} : vector<32xbf16> -> vector<16xf32>
        %parallel_loop3A_985 = arith.constant 11 : i32
        %parallel_loop3A_986 = vector.broadcast %parallel_loop3A_985 : i32 to vector<16xi32>
        %parallel_loop3A_987 = arith.addi %parallel_loop3A_208, %parallel_loop3A_986 : vector<16xi32>
        %parallel_loop3A_988 = arith.addf %parallel_loop3A_983, %parallel_loop3A_984 : vector<16xf32>
        tpu.vector_store_idx %arg12[%parallel_loop3A_987], %parallel_loop3A_988 {add = true} : memref<10000xf32, #tpu.memory_space<vmem>>[vector<16xi32>], vector<16xf32>,
        %parallel_loop3A_989 = arith.constant 16 : i32
        %parallel_loop3A_990 = arith.muli %parallel_loop3A_199, %parallel_loop3A_989 : i32
        %parallel_loop3A_991 = arith.constant 12 : i32
        %parallel_loop3A_992 = arith.addi %parallel_loop3A_990, %parallel_loop3A_991 : i32
        %parallel_loop3A_993 = arith.constant 1 : i32
        %parallel_loop3A_994 = arith.index_cast %parallel_loop3A_993 : i32 to index
        %parallel_loop3A_995 = arith.index_cast %parallel_loop3A_992 : i32 to index
        %parallel_loop3A_996 = arith.constant 0 : index
        %parallel_loop3A_997 = tpu.vector_load %arg10[%parallel_loop3A_994, %parallel_loop3A_995, %parallel_loop3A_996] {strides = array<i32>} : memref<2x80x128xi32, #tpu.memory_space<vmem>>, vector<16xi32>,
        %parallel_loop3A_998 = vector.bitcast %parallel_loop3A_997 : vector<16xi32> to vector<32xbf16>
        %parallel_loop3A_999 = arith.constant 1 : i32
        %parallel_loop3A_1000 = arith.index_cast %parallel_loop3A_999 : i32 to index
        %parallel_loop3A_1001 = arith.index_cast %parallel_loop3A_992 : i32 to index
        %parallel_loop3A_1002 = arith.constant 0 : index
        %parallel_loop3A_1003 = tpu.vector_load %arg11[%parallel_loop3A_1000, %parallel_loop3A_1001, %parallel_loop3A_1002] {strides = array<i32>} : memref<2x80x128xi32, #tpu.memory_space<vmem>>, vector<16xi32>,
        %parallel_loop3A_1004 = vector.bitcast %parallel_loop3A_1003 : vector<16xi32> to vector<32xbf16>
        %parallel_loop3A_1005 = arith.mulf %parallel_loop3A_998, %parallel_loop3A_1004 : vector<32xbf16>
        %parallel_loop3A_1006 = arith.constant 1 : i32
        %parallel_loop3A_1007 = arith.index_cast %parallel_loop3A_1006 : i32 to index
        %parallel_loop3A_1008 = arith.index_cast %parallel_loop3A_992 : i32 to index
        %parallel_loop3A_1009 = arith.constant 16 : index
        %parallel_loop3A_1010 = tpu.vector_load %arg10[%parallel_loop3A_1007, %parallel_loop3A_1008, %parallel_loop3A_1009] {strides = array<i32>} : memref<2x80x128xi32, #tpu.memory_space<vmem>>, vector<16xi32>,
        %parallel_loop3A_1011 = vector.bitcast %parallel_loop3A_1010 : vector<16xi32> to vector<32xbf16>
        %parallel_loop3A_1012 = arith.constant 1 : i32
        %parallel_loop3A_1013 = arith.index_cast %parallel_loop3A_1012 : i32 to index
        %parallel_loop3A_1014 = arith.index_cast %parallel_loop3A_992 : i32 to index
        %parallel_loop3A_1015 = arith.constant 16 : index
        %parallel_loop3A_1016 = tpu.vector_load %arg11[%parallel_loop3A_1013, %parallel_loop3A_1014, %parallel_loop3A_1015] {strides = array<i32>} : memref<2x80x128xi32, #tpu.memory_space<vmem>>, vector<16xi32>,
        %parallel_loop3A_1017 = vector.bitcast %parallel_loop3A_1016 : vector<16xi32> to vector<32xbf16>
        %parallel_loop3A_1018 = arith.mulf %parallel_loop3A_1011, %parallel_loop3A_1017 : vector<32xbf16>
        %parallel_loop3A_1019 = arith.addf %parallel_loop3A_1005, %parallel_loop3A_1018 : vector<32xbf16>
        %parallel_loop3A_1020 = arith.constant 1 : i32
        %parallel_loop3A_1021 = arith.index_cast %parallel_loop3A_1020 : i32 to index
        %parallel_loop3A_1022 = arith.index_cast %parallel_loop3A_992 : i32 to index
        %parallel_loop3A_1023 = arith.constant 32 : index
        %parallel_loop3A_1024 = tpu.vector_load %arg10[%parallel_loop3A_1021, %parallel_loop3A_1022, %parallel_loop3A_1023] {strides = array<i32>} : memref<2x80x128xi32, #tpu.memory_space<vmem>>, vector<16xi32>,
        %parallel_loop3A_1025 = vector.bitcast %parallel_loop3A_1024 : vector<16xi32> to vector<32xbf16>
        %parallel_loop3A_1026 = arith.constant 1 : i32
        %parallel_loop3A_1027 = arith.index_cast %parallel_loop3A_1026 : i32 to index
        %parallel_loop3A_1028 = arith.index_cast %parallel_loop3A_992 : i32 to index
        %parallel_loop3A_1029 = arith.constant 32 : index
        %parallel_loop3A_1030 = tpu.vector_load %arg11[%parallel_loop3A_1027, %parallel_loop3A_1028, %parallel_loop3A_1029] {strides = array<i32>} : memref<2x80x128xi32, #tpu.memory_space<vmem>>, vector<16xi32>,
        %parallel_loop3A_1031 = vector.bitcast %parallel_loop3A_1030 : vector<16xi32> to vector<32xbf16>
        %parallel_loop3A_1032 = arith.mulf %parallel_loop3A_1025, %parallel_loop3A_1031 : vector<32xbf16>
        %parallel_loop3A_1033 = arith.addf %parallel_loop3A_1019, %parallel_loop3A_1032 : vector<32xbf16>
        %parallel_loop3A_1034 = arith.constant 1 : i32
        %parallel_loop3A_1035 = arith.index_cast %parallel_loop3A_1034 : i32 to index
        %parallel_loop3A_1036 = arith.index_cast %parallel_loop3A_992 : i32 to index
        %parallel_loop3A_1037 = arith.constant 48 : index
        %parallel_loop3A_1038 = tpu.vector_load %arg10[%parallel_loop3A_1035, %parallel_loop3A_1036, %parallel_loop3A_1037] {strides = array<i32>} : memref<2x80x128xi32, #tpu.memory_space<vmem>>, vector<16xi32>,
        %parallel_loop3A_1039 = vector.bitcast %parallel_loop3A_1038 : vector<16xi32> to vector<32xbf16>
        %parallel_loop3A_1040 = arith.constant 1 : i32
        %parallel_loop3A_1041 = arith.index_cast %parallel_loop3A_1040 : i32 to index
        %parallel_loop3A_1042 = arith.index_cast %parallel_loop3A_992 : i32 to index
        %parallel_loop3A_1043 = arith.constant 48 : index
        %parallel_loop3A_1044 = tpu.vector_load %arg11[%parallel_loop3A_1041, %parallel_loop3A_1042, %parallel_loop3A_1043] {strides = array<i32>} : memref<2x80x128xi32, #tpu.memory_space<vmem>>, vector<16xi32>,
        %parallel_loop3A_1045 = vector.bitcast %parallel_loop3A_1044 : vector<16xi32> to vector<32xbf16>
        %parallel_loop3A_1046 = arith.mulf %parallel_loop3A_1039, %parallel_loop3A_1045 : vector<32xbf16>
        %parallel_loop3A_1047 = arith.addf %parallel_loop3A_1033, %parallel_loop3A_1046 : vector<32xbf16>
        %parallel_loop3A_1048 = tpu.unpack_subelements %parallel_loop3A_1047, 0 {pack_format = #tpu.pack_format<interleaved>} : vector<32xbf16> -> vector<16xf32>
        %parallel_loop3A_1049 = tpu.unpack_subelements %parallel_loop3A_1047, 1 {pack_format = #tpu.pack_format<interleaved>} : vector<32xbf16> -> vector<16xf32>
        %parallel_loop3A_1050 = arith.constant 12 : i32
        %parallel_loop3A_1051 = vector.broadcast %parallel_loop3A_1050 : i32 to vector<16xi32>
        %parallel_loop3A_1052 = arith.addi %parallel_loop3A_208, %parallel_loop3A_1051 : vector<16xi32>
        %parallel_loop3A_1053 = arith.addf %parallel_loop3A_1048, %parallel_loop3A_1049 : vector<16xf32>
        tpu.vector_store_idx %arg12[%parallel_loop3A_1052], %parallel_loop3A_1053 {add = true} : memref<10000xf32, #tpu.memory_space<vmem>>[vector<16xi32>], vector<16xf32>,
        %parallel_loop3A_1054 = arith.constant 16 : i32
        %parallel_loop3A_1055 = arith.muli %parallel_loop3A_199, %parallel_loop3A_1054 : i32
        %parallel_loop3A_1056 = arith.constant 13 : i32
        %parallel_loop3A_1057 = arith.addi %parallel_loop3A_1055, %parallel_loop3A_1056 : i32
        %parallel_loop3A_1058 = arith.constant 1 : i32
        %parallel_loop3A_1059 = arith.index_cast %parallel_loop3A_1058 : i32 to index
        %parallel_loop3A_1060 = arith.index_cast %parallel_loop3A_1057 : i32 to index
        %parallel_loop3A_1061 = arith.constant 0 : index
        %parallel_loop3A_1062 = tpu.vector_load %arg10[%parallel_loop3A_1059, %parallel_loop3A_1060, %parallel_loop3A_1061] {strides = array<i32>} : memref<2x80x128xi32, #tpu.memory_space<vmem>>, vector<16xi32>,
        %parallel_loop3A_1063 = vector.bitcast %parallel_loop3A_1062 : vector<16xi32> to vector<32xbf16>
        %parallel_loop3A_1064 = arith.constant 1 : i32
        %parallel_loop3A_1065 = arith.index_cast %parallel_loop3A_1064 : i32 to index
        %parallel_loop3A_1066 = arith.index_cast %parallel_loop3A_1057 : i32 to index
        %parallel_loop3A_1067 = arith.constant 0 : index
        %parallel_loop3A_1068 = tpu.vector_load %arg11[%parallel_loop3A_1065, %parallel_loop3A_1066, %parallel_loop3A_1067] {strides = array<i32>} : memref<2x80x128xi32, #tpu.memory_space<vmem>>, vector<16xi32>,
        %parallel_loop3A_1069 = vector.bitcast %parallel_loop3A_1068 : vector<16xi32> to vector<32xbf16>
        %parallel_loop3A_1070 = arith.mulf %parallel_loop3A_1063, %parallel_loop3A_1069 : vector<32xbf16>
        %parallel_loop3A_1071 = arith.constant 1 : i32
        %parallel_loop3A_1072 = arith.index_cast %parallel_loop3A_1071 : i32 to index
        %parallel_loop3A_1073 = arith.index_cast %parallel_loop3A_1057 : i32 to index
        %parallel_loop3A_1074 = arith.constant 16 : index
        %parallel_loop3A_1075 = tpu.vector_load %arg10[%parallel_loop3A_1072, %parallel_loop3A_1073, %parallel_loop3A_1074] {strides = array<i32>} : memref<2x80x128xi32, #tpu.memory_space<vmem>>, vector<16xi32>,
        %parallel_loop3A_1076 = vector.bitcast %parallel_loop3A_1075 : vector<16xi32> to vector<32xbf16>
        %parallel_loop3A_1077 = arith.constant 1 : i32
        %parallel_loop3A_1078 = arith.index_cast %parallel_loop3A_1077 : i32 to index
        %parallel_loop3A_1079 = arith.index_cast %parallel_loop3A_1057 : i32 to index
        %parallel_loop3A_1080 = arith.constant 16 : index
        %parallel_loop3A_1081 = tpu.vector_load %arg11[%parallel_loop3A_1078, %parallel_loop3A_1079, %parallel_loop3A_1080] {strides = array<i32>} : memref<2x80x128xi32, #tpu.memory_space<vmem>>, vector<16xi32>,
        %parallel_loop3A_1082 = vector.bitcast %parallel_loop3A_1081 : vector<16xi32> to vector<32xbf16>
        %parallel_loop3A_1083 = arith.mulf %parallel_loop3A_1076, %parallel_loop3A_1082 : vector<32xbf16>
        %parallel_loop3A_1084 = arith.addf %parallel_loop3A_1070, %parallel_loop3A_1083 : vector<32xbf16>
        %parallel_loop3A_1085 = arith.constant 1 : i32
        %parallel_loop3A_1086 = arith.index_cast %parallel_loop3A_1085 : i32 to index
        %parallel_loop3A_1087 = arith.index_cast %parallel_loop3A_1057 : i32 to index
        %parallel_loop3A_1088 = arith.constant 32 : index
        %parallel_loop3A_1089 = tpu.vector_load %arg10[%parallel_loop3A_1086, %parallel_loop3A_1087, %parallel_loop3A_1088] {strides = array<i32>} : memref<2x80x128xi32, #tpu.memory_space<vmem>>, vector<16xi32>,
        %parallel_loop3A_1090 = vector.bitcast %parallel_loop3A_1089 : vector<16xi32> to vector<32xbf16>
        %parallel_loop3A_1091 = arith.constant 1 : i32
        %parallel_loop3A_1092 = arith.index_cast %parallel_loop3A_1091 : i32 to index
        %parallel_loop3A_1093 = arith.index_cast %parallel_loop3A_1057 : i32 to index
        %parallel_loop3A_1094 = arith.constant 32 : index
        %parallel_loop3A_1095 = tpu.vector_load %arg11[%parallel_loop3A_1092, %parallel_loop3A_1093, %parallel_loop3A_1094] {strides = array<i32>} : memref<2x80x128xi32, #tpu.memory_space<vmem>>, vector<16xi32>,
        %parallel_loop3A_1096 = vector.bitcast %parallel_loop3A_1095 : vector<16xi32> to vector<32xbf16>
        %parallel_loop3A_1097 = arith.mulf %parallel_loop3A_1090, %parallel_loop3A_1096 : vector<32xbf16>
        %parallel_loop3A_1098 = arith.addf %parallel_loop3A_1084, %parallel_loop3A_1097 : vector<32xbf16>
        %parallel_loop3A_1099 = arith.constant 1 : i32
        %parallel_loop3A_1100 = arith.index_cast %parallel_loop3A_1099 : i32 to index
        %parallel_loop3A_1101 = arith.index_cast %parallel_loop3A_1057 : i32 to index
        %parallel_loop3A_1102 = arith.constant 48 : index
        %parallel_loop3A_1103 = tpu.vector_load %arg10[%parallel_loop3A_1100, %parallel_loop3A_1101, %parallel_loop3A_1102] {strides = array<i32>} : memref<2x80x128xi32, #tpu.memory_space<vmem>>, vector<16xi32>,
        %parallel_loop3A_1104 = vector.bitcast %parallel_loop3A_1103 : vector<16xi32> to vector<32xbf16>
        %parallel_loop3A_1105 = arith.constant 1 : i32
        %parallel_loop3A_1106 = arith.index_cast %parallel_loop3A_1105 : i32 to index
        %parallel_loop3A_1107 = arith.index_cast %parallel_loop3A_1057 : i32 to index
        %parallel_loop3A_1108 = arith.constant 48 : index
        %parallel_loop3A_1109 = tpu.vector_load %arg11[%parallel_loop3A_1106, %parallel_loop3A_1107, %parallel_loop3A_1108] {strides = array<i32>} : memref<2x80x128xi32, #tpu.memory_space<vmem>>, vector<16xi32>,
        %parallel_loop3A_1110 = vector.bitcast %parallel_loop3A_1109 : vector<16xi32> to vector<32xbf16>
        %parallel_loop3A_1111 = arith.mulf %parallel_loop3A_1104, %parallel_loop3A_1110 : vector<32xbf16>
        %parallel_loop3A_1112 = arith.addf %parallel_loop3A_1098, %parallel_loop3A_1111 : vector<32xbf16>
        %parallel_loop3A_1113 = tpu.unpack_subelements %parallel_loop3A_1112, 0 {pack_format = #tpu.pack_format<interleaved>} : vector<32xbf16> -> vector<16xf32>
        %parallel_loop3A_1114 = tpu.unpack_subelements %parallel_loop3A_1112, 1 {pack_format = #tpu.pack_format<interleaved>} : vector<32xbf16> -> vector<16xf32>
        %parallel_loop3A_1115 = arith.constant 13 : i32
        %parallel_loop3A_1116 = vector.broadcast %parallel_loop3A_1115 : i32 to vector<16xi32>
        %parallel_loop3A_1117 = arith.addi %parallel_loop3A_208, %parallel_loop3A_1116 : vector<16xi32>
        %parallel_loop3A_1118 = arith.addf %parallel_loop3A_1113, %parallel_loop3A_1114 : vector<16xf32>
        tpu.vector_store_idx %arg12[%parallel_loop3A_1117], %parallel_loop3A_1118 {add = true} : memref<10000xf32, #tpu.memory_space<vmem>>[vector<16xi32>], vector<16xf32>,
        %parallel_loop3A_1119 = arith.constant 16 : i32
        %parallel_loop3A_1120 = arith.muli %parallel_loop3A_199, %parallel_loop3A_1119 : i32
        %parallel_loop3A_1121 = arith.constant 14 : i32
        %parallel_loop3A_1122 = arith.addi %parallel_loop3A_1120, %parallel_loop3A_1121 : i32
        %parallel_loop3A_1123 = arith.constant 1 : i32
        %parallel_loop3A_1124 = arith.index_cast %parallel_loop3A_1123 : i32 to index
        %parallel_loop3A_1125 = arith.index_cast %parallel_loop3A_1122 : i32 to index
        %parallel_loop3A_1126 = arith.constant 0 : index
        %parallel_loop3A_1127 = tpu.vector_load %arg10[%parallel_loop3A_1124, %parallel_loop3A_1125, %parallel_loop3A_1126] {strides = array<i32>} : memref<2x80x128xi32, #tpu.memory_space<vmem>>, vector<16xi32>,
        %parallel_loop3A_1128 = vector.bitcast %parallel_loop3A_1127 : vector<16xi32> to vector<32xbf16>
        %parallel_loop3A_1129 = arith.constant 1 : i32
        %parallel_loop3A_1130 = arith.index_cast %parallel_loop3A_1129 : i32 to index
        %parallel_loop3A_1131 = arith.index_cast %parallel_loop3A_1122 : i32 to index
        %parallel_loop3A_1132 = arith.constant 0 : index
        %parallel_loop3A_1133 = tpu.vector_load %arg11[%parallel_loop3A_1130, %parallel_loop3A_1131, %parallel_loop3A_1132] {strides = array<i32>} : memref<2x80x128xi32, #tpu.memory_space<vmem>>, vector<16xi32>,
        %parallel_loop3A_1134 = vector.bitcast %parallel_loop3A_1133 : vector<16xi32> to vector<32xbf16>
        %parallel_loop3A_1135 = arith.mulf %parallel_loop3A_1128, %parallel_loop3A_1134 : vector<32xbf16>
        %parallel_loop3A_1136 = arith.constant 1 : i32
        %parallel_loop3A_1137 = arith.index_cast %parallel_loop3A_1136 : i32 to index
        %parallel_loop3A_1138 = arith.index_cast %parallel_loop3A_1122 : i32 to index
        %parallel_loop3A_1139 = arith.constant 16 : index
        %parallel_loop3A_1140 = tpu.vector_load %arg10[%parallel_loop3A_1137, %parallel_loop3A_1138, %parallel_loop3A_1139] {strides = array<i32>} : memref<2x80x128xi32, #tpu.memory_space<vmem>>, vector<16xi32>,
        %parallel_loop3A_1141 = vector.bitcast %parallel_loop3A_1140 : vector<16xi32> to vector<32xbf16>
        %parallel_loop3A_1142 = arith.constant 1 : i32
        %parallel_loop3A_1143 = arith.index_cast %parallel_loop3A_1142 : i32 to index
        %parallel_loop3A_1144 = arith.index_cast %parallel_loop3A_1122 : i32 to index
        %parallel_loop3A_1145 = arith.constant 16 : index
        %parallel_loop3A_1146 = tpu.vector_load %arg11[%parallel_loop3A_1143, %parallel_loop3A_1144, %parallel_loop3A_1145] {strides = array<i32>} : memref<2x80x128xi32, #tpu.memory_space<vmem>>, vector<16xi32>,
        %parallel_loop3A_1147 = vector.bitcast %parallel_loop3A_1146 : vector<16xi32> to vector<32xbf16>
        %parallel_loop3A_1148 = arith.mulf %parallel_loop3A_1141, %parallel_loop3A_1147 : vector<32xbf16>
        %parallel_loop3A_1149 = arith.addf %parallel_loop3A_1135, %parallel_loop3A_1148 : vector<32xbf16>
        %parallel_loop3A_1150 = arith.constant 1 : i32
        %parallel_loop3A_1151 = arith.index_cast %parallel_loop3A_1150 : i32 to index
        %parallel_loop3A_1152 = arith.index_cast %parallel_loop3A_1122 : i32 to index
        %parallel_loop3A_1153 = arith.constant 32 : index
        %parallel_loop3A_1154 = tpu.vector_load %arg10[%parallel_loop3A_1151, %parallel_loop3A_1152, %parallel_loop3A_1153] {strides = array<i32>} : memref<2x80x128xi32, #tpu.memory_space<vmem>>, vector<16xi32>,
        %parallel_loop3A_1155 = vector.bitcast %parallel_loop3A_1154 : vector<16xi32> to vector<32xbf16>
        %parallel_loop3A_1156 = arith.constant 1 : i32
        %parallel_loop3A_1157 = arith.index_cast %parallel_loop3A_1156 : i32 to index
        %parallel_loop3A_1158 = arith.index_cast %parallel_loop3A_1122 : i32 to index
        %parallel_loop3A_1159 = arith.constant 32 : index
        %parallel_loop3A_1160 = tpu.vector_load %arg11[%parallel_loop3A_1157, %parallel_loop3A_1158, %parallel_loop3A_1159] {strides = array<i32>} : memref<2x80x128xi32, #tpu.memory_space<vmem>>, vector<16xi32>,
        %parallel_loop3A_1161 = vector.bitcast %parallel_loop3A_1160 : vector<16xi32> to vector<32xbf16>
        %parallel_loop3A_1162 = arith.mulf %parallel_loop3A_1155, %parallel_loop3A_1161 : vector<32xbf16>
        %parallel_loop3A_1163 = arith.addf %parallel_loop3A_1149, %parallel_loop3A_1162 : vector<32xbf16>
        %parallel_loop3A_1164 = arith.constant 1 : i32
        %parallel_loop3A_1165 = arith.index_cast %parallel_loop3A_1164 : i32 to index
        %parallel_loop3A_1166 = arith.index_cast %parallel_loop3A_1122 : i32 to index
        %parallel_loop3A_1167 = arith.constant 48 : index
        %parallel_loop3A_1168 = tpu.vector_load %arg10[%parallel_loop3A_1165, %parallel_loop3A_1166, %parallel_loop3A_1167] {strides = array<i32>} : memref<2x80x128xi32, #tpu.memory_space<vmem>>, vector<16xi32>,
        %parallel_loop3A_1169 = vector.bitcast %parallel_loop3A_1168 : vector<16xi32> to vector<32xbf16>
        %parallel_loop3A_1170 = arith.constant 1 : i32
        %parallel_loop3A_1171 = arith.index_cast %parallel_loop3A_1170 : i32 to index
        %parallel_loop3A_1172 = arith.index_cast %parallel_loop3A_1122 : i32 to index
        %parallel_loop3A_1173 = arith.constant 48 : index
        %parallel_loop3A_1174 = tpu.vector_load %arg11[%parallel_loop3A_1171, %parallel_loop3A_1172, %parallel_loop3A_1173] {strides = array<i32>} : memref<2x80x128xi32, #tpu.memory_space<vmem>>, vector<16xi32>,
        %parallel_loop3A_1175 = vector.bitcast %parallel_loop3A_1174 : vector<16xi32> to vector<32xbf16>
        %parallel_loop3A_1176 = arith.mulf %parallel_loop3A_1169, %parallel_loop3A_1175 : vector<32xbf16>
        %parallel_loop3A_1177 = arith.addf %parallel_loop3A_1163, %parallel_loop3A_1176 : vector<32xbf16>
        %parallel_loop3A_1178 = tpu.unpack_subelements %parallel_loop3A_1177, 0 {pack_format = #tpu.pack_format<interleaved>} : vector<32xbf16> -> vector<16xf32>
        %parallel_loop3A_1179 = tpu.unpack_subelements %parallel_loop3A_1177, 1 {pack_format = #tpu.pack_format<interleaved>} : vector<32xbf16> -> vector<16xf32>
        %parallel_loop3A_1180 = arith.constant 14 : i32
        %parallel_loop3A_1181 = vector.broadcast %parallel_loop3A_1180 : i32 to vector<16xi32>
        %parallel_loop3A_1182 = arith.addi %parallel_loop3A_208, %parallel_loop3A_1181 : vector<16xi32>
        %parallel_loop3A_1183 = arith.addf %parallel_loop3A_1178, %parallel_loop3A_1179 : vector<16xf32>
        tpu.vector_store_idx %arg12[%parallel_loop3A_1182], %parallel_loop3A_1183 {add = true} : memref<10000xf32, #tpu.memory_space<vmem>>[vector<16xi32>], vector<16xf32>,
        %parallel_loop3A_1184 = arith.constant 16 : i32
        %parallel_loop3A_1185 = arith.muli %parallel_loop3A_199, %parallel_loop3A_1184 : i32
        %parallel_loop3A_1186 = arith.constant 15 : i32
        %parallel_loop3A_1187 = arith.addi %parallel_loop3A_1185, %parallel_loop3A_1186 : i32
        %parallel_loop3A_1188 = arith.constant 1 : i32
        %parallel_loop3A_1189 = arith.index_cast %parallel_loop3A_1188 : i32 to index
        %parallel_loop3A_1190 = arith.index_cast %parallel_loop3A_1187 : i32 to index
        %parallel_loop3A_1191 = arith.constant 0 : index
        %parallel_loop3A_1192 = tpu.vector_load %arg10[%parallel_loop3A_1189, %parallel_loop3A_1190, %parallel_loop3A_1191] {strides = array<i32>} : memref<2x80x128xi32, #tpu.memory_space<vmem>>, vector<16xi32>,
        %parallel_loop3A_1193 = vector.bitcast %parallel_loop3A_1192 : vector<16xi32> to vector<32xbf16>
        %parallel_loop3A_1194 = arith.constant 1 : i32
        %parallel_loop3A_1195 = arith.index_cast %parallel_loop3A_1194 : i32 to index
        %parallel_loop3A_1196 = arith.index_cast %parallel_loop3A_1187 : i32 to index
        %parallel_loop3A_1197 = arith.constant 0 : index
        %parallel_loop3A_1198 = tpu.vector_load %arg11[%parallel_loop3A_1195, %parallel_loop3A_1196, %parallel_loop3A_1197] {strides = array<i32>} : memref<2x80x128xi32, #tpu.memory_space<vmem>>, vector<16xi32>,
        %parallel_loop3A_1199 = vector.bitcast %parallel_loop3A_1198 : vector<16xi32> to vector<32xbf16>
        %parallel_loop3A_1200 = arith.mulf %parallel_loop3A_1193, %parallel_loop3A_1199 : vector<32xbf16>
        %parallel_loop3A_1201 = arith.constant 1 : i32
        %parallel_loop3A_1202 = arith.index_cast %parallel_loop3A_1201 : i32 to index
        %parallel_loop3A_1203 = arith.index_cast %parallel_loop3A_1187 : i32 to index
        %parallel_loop3A_1204 = arith.constant 16 : index
        %parallel_loop3A_1205 = tpu.vector_load %arg10[%parallel_loop3A_1202, %parallel_loop3A_1203, %parallel_loop3A_1204] {strides = array<i32>} : memref<2x80x128xi32, #tpu.memory_space<vmem>>, vector<16xi32>,
        %parallel_loop3A_1206 = vector.bitcast %parallel_loop3A_1205 : vector<16xi32> to vector<32xbf16>
        %parallel_loop3A_1207 = arith.constant 1 : i32
        %parallel_loop3A_1208 = arith.index_cast %parallel_loop3A_1207 : i32 to index
        %parallel_loop3A_1209 = arith.index_cast %parallel_loop3A_1187 : i32 to index
        %parallel_loop3A_1210 = arith.constant 16 : index
        %parallel_loop3A_1211 = tpu.vector_load %arg11[%parallel_loop3A_1208, %parallel_loop3A_1209, %parallel_loop3A_1210] {strides = array<i32>} : memref<2x80x128xi32, #tpu.memory_space<vmem>>, vector<16xi32>,
        %parallel_loop3A_1212 = vector.bitcast %parallel_loop3A_1211 : vector<16xi32> to vector<32xbf16>
        %parallel_loop3A_1213 = arith.mulf %parallel_loop3A_1206, %parallel_loop3A_1212 : vector<32xbf16>
        %parallel_loop3A_1214 = arith.addf %parallel_loop3A_1200, %parallel_loop3A_1213 : vector<32xbf16>
        %parallel_loop3A_1215 = arith.constant 1 : i32
        %parallel_loop3A_1216 = arith.index_cast %parallel_loop3A_1215 : i32 to index
        %parallel_loop3A_1217 = arith.index_cast %parallel_loop3A_1187 : i32 to index
        %parallel_loop3A_1218 = arith.constant 32 : index
        %parallel_loop3A_1219 = tpu.vector_load %arg10[%parallel_loop3A_1216, %parallel_loop3A_1217, %parallel_loop3A_1218] {strides = array<i32>} : memref<2x80x128xi32, #tpu.memory_space<vmem>>, vector<16xi32>,
        %parallel_loop3A_1220 = vector.bitcast %parallel_loop3A_1219 : vector<16xi32> to vector<32xbf16>
        %parallel_loop3A_1221 = arith.constant 1 : i32
        %parallel_loop3A_1222 = arith.index_cast %parallel_loop3A_1221 : i32 to index
        %parallel_loop3A_1223 = arith.index_cast %parallel_loop3A_1187 : i32 to index
        %parallel_loop3A_1224 = arith.constant 32 : index
        %parallel_loop3A_1225 = tpu.vector_load %arg11[%parallel_loop3A_1222, %parallel_loop3A_1223, %parallel_loop3A_1224] {strides = array<i32>} : memref<2x80x128xi32, #tpu.memory_space<vmem>>, vector<16xi32>,
        %parallel_loop3A_1226 = vector.bitcast %parallel_loop3A_1225 : vector<16xi32> to vector<32xbf16>
        %parallel_loop3A_1227 = arith.mulf %parallel_loop3A_1220, %parallel_loop3A_1226 : vector<32xbf16>
        %parallel_loop3A_1228 = arith.addf %parallel_loop3A_1214, %parallel_loop3A_1227 : vector<32xbf16>
        %parallel_loop3A_1229 = arith.constant 1 : i32
        %parallel_loop3A_1230 = arith.index_cast %parallel_loop3A_1229 : i32 to index
        %parallel_loop3A_1231 = arith.index_cast %parallel_loop3A_1187 : i32 to index
        %parallel_loop3A_1232 = arith.constant 48 : index
        %parallel_loop3A_1233 = tpu.vector_load %arg10[%parallel_loop3A_1230, %parallel_loop3A_1231, %parallel_loop3A_1232] {strides = array<i32>} : memref<2x80x128xi32, #tpu.memory_space<vmem>>, vector<16xi32>,
        %parallel_loop3A_1234 = vector.bitcast %parallel_loop3A_1233 : vector<16xi32> to vector<32xbf16>
        %parallel_loop3A_1235 = arith.constant 1 : i32
        %parallel_loop3A_1236 = arith.index_cast %parallel_loop3A_1235 : i32 to index
        %parallel_loop3A_1237 = arith.index_cast %parallel_loop3A_1187 : i32 to index
        %parallel_loop3A_1238 = arith.constant 48 : index
        %parallel_loop3A_1239 = tpu.vector_load %arg11[%parallel_loop3A_1236, %parallel_loop3A_1237, %parallel_loop3A_1238] {strides = array<i32>} : memref<2x80x128xi32, #tpu.memory_space<vmem>>, vector<16xi32>,
        %parallel_loop3A_1240 = vector.bitcast %parallel_loop3A_1239 : vector<16xi32> to vector<32xbf16>
        %parallel_loop3A_1241 = arith.mulf %parallel_loop3A_1234, %parallel_loop3A_1240 : vector<32xbf16>
        %parallel_loop3A_1242 = arith.addf %parallel_loop3A_1228, %parallel_loop3A_1241 : vector<32xbf16>
        %parallel_loop3A_1243 = tpu.unpack_subelements %parallel_loop3A_1242, 0 {pack_format = #tpu.pack_format<interleaved>} : vector<32xbf16> -> vector<16xf32>
        %parallel_loop3A_1244 = tpu.unpack_subelements %parallel_loop3A_1242, 1 {pack_format = #tpu.pack_format<interleaved>} : vector<32xbf16> -> vector<16xf32>
        %parallel_loop3A_1245 = arith.constant 15 : i32
        %parallel_loop3A_1246 = vector.broadcast %parallel_loop3A_1245 : i32 to vector<16xi32>
        %parallel_loop3A_1247 = arith.addi %parallel_loop3A_208, %parallel_loop3A_1246 : vector<16xi32>
        %parallel_loop3A_1248 = arith.addf %parallel_loop3A_1243, %parallel_loop3A_1244 : vector<16xf32>
        tpu.vector_store_idx %arg12[%parallel_loop3A_1247], %parallel_loop3A_1248 {add = true} : memref<10000xf32, #tpu.memory_space<vmem>>[vector<16xi32>], vector<16xf32>,
      } {sc.loop_unroll_factor = 1 : i64, sc.parallel_access}
    }
    %scan3A_41 = arith.constant 62 : i32
    %dma_wait3A = arith.constant 0 : i32
    %dma_wait3A_42 = arith.constant 0 : i32
    %dma_wait3A_43 = arith.constant 0 : i32
    %dma_wait3A_44 = arith.constant 0 : i32
    %dma_wait3A_45 = tpu.memref_slice %arg10[%dma_wait3A, %dma_wait3A_43, %dma_wait3A_44] : memref<2x80x128xi32, #tpu.memory_space<vmem>> -> memref<1x80x128xi32, #tpu.memory_space<vmem>>
    %dma_wait3A_46 = tpu.memref_squeeze %dma_wait3A_45 : memref<1x80x128xi32, #tpu.memory_space<vmem>> -> memref<80x128xi32, #tpu.memory_space<vmem>>
    %dma_wait3A_47 = arith.constant 0 : i32
    %dma_wait3A_48 = arith.constant 0 : i32
    %dma_wait3A_49 = tpu.memref_slice %arg2[%dma_wait3A_47, %dma_wait3A_48] : memref<90000x128xi32, #tpu.memory_space<hbm>> -> memref<80x128xi32, #tpu.memory_space<hbm>>
    %dma_wait3A_50 = tpu.memref_slice %arg13[%dma_wait3A_42] : memref<2x!tpu.dma_semaphore, #tpu.memory_space<semaphore_mem>> -> memref<1x!tpu.dma_semaphore, #tpu.memory_space<semaphore_mem>>
    %dma_wait3A_51 = tpu.memref_squeeze %dma_wait3A_50 : memref<1x!tpu.dma_semaphore, #tpu.memory_space<semaphore_mem>> -> memref<!tpu.dma_semaphore, #tpu.memory_space<semaphore_mem>>
    %dma_wait3A_52 = arith.constant 0 : i32
    %dma_wait3A_53 = arith.constant 0 : i32
    %dma_wait3A_54 = tpu.memref_slice %arg10[%dma_wait3A, %dma_wait3A_52, %dma_wait3A_53] : memref<2x80x128xi32, #tpu.memory_space<vmem>> -> memref<1x80x128xi32, #tpu.memory_space<vmem>>
    %dma_wait3A_55 = tpu.memref_squeeze %dma_wait3A_54 : memref<1x80x128xi32, #tpu.memory_space<vmem>> -> memref<80x128xi32, #tpu.memory_space<vmem>>
    %dma_wait3A_56 = arith.constant 0 : i32
    %dma_wait3A_57 = arith.constant 0 : i32
    %dma_wait3A_58 = tpu.memref_slice %arg2[%dma_wait3A_56, %dma_wait3A_57] : memref<90000x128xi32, #tpu.memory_space<hbm>> -> memref<80x128xi32, #tpu.memory_space<hbm>>
    tpu.wait_dma2 semaphore(%dma_wait3A_51 : memref<!tpu.dma_semaphore, #tpu.memory_space<semaphore_mem>>) src(%dma_wait3A_58 : memref<80x128xi32, #tpu.memory_space<hbm>>) dst(%dma_wait3A_55 : memref<80x128xi32, #tpu.memory_space<vmem>>)
    %dma_wait3A_59 = arith.constant 0 : i32
    %dma_wait3A_60 = arith.constant 0 : i32
    %dma_wait3A_61 = arith.constant 0 : i32
    %dma_wait3A_62 = arith.constant 0 : i32
    %dma_wait3A_63 = tpu.memref_slice %arg11[%dma_wait3A_59, %dma_wait3A_61, %dma_wait3A_62] : memref<2x80x128xi32, #tpu.memory_space<vmem>> -> memref<1x80x128xi32, #tpu.memory_space<vmem>>
    %dma_wait3A_64 = tpu.memref_squeeze %dma_wait3A_63 : memref<1x80x128xi32, #tpu.memory_space<vmem>> -> memref<80x128xi32, #tpu.memory_space<vmem>>
    %dma_wait3A_65 = arith.constant 0 : i32
    %dma_wait3A_66 = arith.constant 0 : i32
    %dma_wait3A_67 = tpu.memref_slice %arg2[%dma_wait3A_65, %dma_wait3A_66] : memref<90000x128xi32, #tpu.memory_space<hbm>> -> memref<80x128xi32, #tpu.memory_space<hbm>>
    %dma_wait3A_68 = tpu.memref_slice %arg14[%dma_wait3A_60] : memref<2x!tpu.dma_semaphore, #tpu.memory_space<semaphore_mem>> -> memref<1x!tpu.dma_semaphore, #tpu.memory_space<semaphore_mem>>
    %dma_wait3A_69 = tpu.memref_squeeze %dma_wait3A_68 : memref<1x!tpu.dma_semaphore, #tpu.memory_space<semaphore_mem>> -> memref<!tpu.dma_semaphore, #tpu.memory_space<semaphore_mem>>
    %dma_wait3A_70 = arith.constant 0 : i32
    %dma_wait3A_71 = arith.constant 0 : i32
    %dma_wait3A_72 = tpu.memref_slice %arg11[%dma_wait3A_59, %dma_wait3A_70, %dma_wait3A_71] : memref<2x80x128xi32, #tpu.memory_space<vmem>> -> memref<1x80x128xi32, #tpu.memory_space<vmem>>
    %dma_wait3A_73 = tpu.memref_squeeze %dma_wait3A_72 : memref<1x80x128xi32, #tpu.memory_space<vmem>> -> memref<80x128xi32, #tpu.memory_space<vmem>>
    %dma_wait3A_74 = arith.constant 0 : i32
    %dma_wait3A_75 = arith.constant 0 : i32
    %dma_wait3A_76 = tpu.memref_slice %arg2[%dma_wait3A_74, %dma_wait3A_75] : memref<90000x128xi32, #tpu.memory_space<hbm>> -> memref<80x128xi32, #tpu.memory_space<hbm>>
    tpu.wait_dma2 semaphore(%dma_wait3A_69 : memref<!tpu.dma_semaphore, #tpu.memory_space<semaphore_mem>>) src(%dma_wait3A_76 : memref<80x128xi32, #tpu.memory_space<hbm>>) dst(%dma_wait3A_73 : memref<80x128xi32, #tpu.memory_space<vmem>>)
    %parallel_loop3A = arith.constant 0 : i32
    %parallel_loop3A_77 = arith.constant 5 : i32
    %parallel_loop3A_78 = arith.constant 1 : i32
    scf.for %parallel_loop3A_82 = %parallel_loop3A to %parallel_loop3A_77 step %parallel_loop3A_78  : i32 {
      %parallel_loop3A_83 = arith.constant 16 : i32
      %parallel_loop3A_84 = arith.muli %parallel_loop3A_82, %parallel_loop3A_83 : i32
      %parallel_loop3A_85 = arith.constant 9920 : i32
      %parallel_loop3A_86 = arith.addi %parallel_loop3A_85, %parallel_loop3A_84 : i32
      %parallel_loop3A_87 = arith.index_cast %parallel_loop3A_86 : i32 to index
      %parallel_loop3A_88 = tpu.vector_load %arg12[%parallel_loop3A_87] {strides = array<i32>} : memref<10000xf32, #tpu.memory_space<vmem>>, vector<16xf32>,
      tpu.vector_store %arg12[%parallel_loop3A_87], %broadcast_in_dim3A_8 {strides = array<i32>} : memref<10000xf32, #tpu.memory_space<vmem>>, vector<16xf32>,
      %parallel_loop3A_89 = vector.broadcast %parallel_loop3A_86 : i32 to vector<16xi32>
      %parallel_loop3A_90 = arith.addi %broadcast_in_dim3A_10, %parallel_loop3A_89 : vector<16xi32>
      %parallel_loop3A_91 = arith.constant 16 : i32
      %parallel_loop3A_92 = arith.muli %parallel_loop3A_82, %parallel_loop3A_91 : i32
      %parallel_loop3A_93 = arith.constant 0 : i32
      %parallel_loop3A_94 = arith.addi %parallel_loop3A_92, %parallel_loop3A_93 : i32
      %parallel_loop3A_95 = arith.constant 0 : i32
      %parallel_loop3A_96 = arith.index_cast %parallel_loop3A_95 : i32 to index
      %parallel_loop3A_97 = arith.index_cast %parallel_loop3A_94 : i32 to index
      %parallel_loop3A_98 = arith.constant 0 : index
      %parallel_loop3A_99 = tpu.vector_load %arg10[%parallel_loop3A_96, %parallel_loop3A_97, %parallel_loop3A_98] {strides = array<i32>} : memref<2x80x128xi32, #tpu.memory_space<vmem>>, vector<16xi32>,
      %parallel_loop3A_100 = vector.bitcast %parallel_loop3A_99 : vector<16xi32> to vector<32xbf16>
      %parallel_loop3A_101 = arith.constant 0 : i32
      %parallel_loop3A_102 = arith.index_cast %parallel_loop3A_101 : i32 to index
      %parallel_loop3A_103 = arith.index_cast %parallel_loop3A_94 : i32 to index
      %parallel_loop3A_104 = arith.constant 0 : index
      %parallel_loop3A_105 = tpu.vector_load %arg11[%parallel_loop3A_102, %parallel_loop3A_103, %parallel_loop3A_104] {strides = array<i32>} : memref<2x80x128xi32, #tpu.memory_space<vmem>>, vector<16xi32>,
      %parallel_loop3A_106 = vector.bitcast %parallel_loop3A_105 : vector<16xi32> to vector<32xbf16>
      %parallel_loop3A_107 = arith.mulf %parallel_loop3A_100, %parallel_loop3A_106 : vector<32xbf16>
      %parallel_loop3A_108 = arith.constant 0 : i32
      %parallel_loop3A_109 = arith.index_cast %parallel_loop3A_108 : i32 to index
      %parallel_loop3A_110 = arith.index_cast %parallel_loop3A_94 : i32 to index
      %parallel_loop3A_111 = arith.constant 16 : index
      %parallel_loop3A_112 = tpu.vector_load %arg10[%parallel_loop3A_109, %parallel_loop3A_110, %parallel_loop3A_111] {strides = array<i32>} : memref<2x80x128xi32, #tpu.memory_space<vmem>>, vector<16xi32>,
      %parallel_loop3A_113 = vector.bitcast %parallel_loop3A_112 : vector<16xi32> to vector<32xbf16>
      %parallel_loop3A_114 = arith.constant 0 : i32
      %parallel_loop3A_115 = arith.index_cast %parallel_loop3A_114 : i32 to index
      %parallel_loop3A_116 = arith.index_cast %parallel_loop3A_94 : i32 to index
      %parallel_loop3A_117 = arith.constant 16 : index
      %parallel_loop3A_118 = tpu.vector_load %arg11[%parallel_loop3A_115, %parallel_loop3A_116, %parallel_loop3A_117] {strides = array<i32>} : memref<2x80x128xi32, #tpu.memory_space<vmem>>, vector<16xi32>,
      %parallel_loop3A_119 = vector.bitcast %parallel_loop3A_118 : vector<16xi32> to vector<32xbf16>
      %parallel_loop3A_120 = arith.mulf %parallel_loop3A_113, %parallel_loop3A_119 : vector<32xbf16>
      %parallel_loop3A_121 = arith.addf %parallel_loop3A_107, %parallel_loop3A_120 : vector<32xbf16>
      %parallel_loop3A_122 = arith.constant 0 : i32
      %parallel_loop3A_123 = arith.index_cast %parallel_loop3A_122 : i32 to index
      %parallel_loop3A_124 = arith.index_cast %parallel_loop3A_94 : i32 to index
      %parallel_loop3A_125 = arith.constant 32 : index
      %parallel_loop3A_126 = tpu.vector_load %arg10[%parallel_loop3A_123, %parallel_loop3A_124, %parallel_loop3A_125] {strides = array<i32>} : memref<2x80x128xi32, #tpu.memory_space<vmem>>, vector<16xi32>,
      %parallel_loop3A_127 = vector.bitcast %parallel_loop3A_126 : vector<16xi32> to vector<32xbf16>
      %parallel_loop3A_128 = arith.constant 0 : i32
      %parallel_loop3A_129 = arith.index_cast %parallel_loop3A_128 : i32 to index
      %parallel_loop3A_130 = arith.index_cast %parallel_loop3A_94 : i32 to index
      %parallel_loop3A_131 = arith.constant 32 : index
      %parallel_loop3A_132 = tpu.vector_load %arg11[%parallel_loop3A_129, %parallel_loop3A_130, %parallel_loop3A_131] {strides = array<i32>} : memref<2x80x128xi32, #tpu.memory_space<vmem>>, vector<16xi32>,
      %parallel_loop3A_133 = vector.bitcast %parallel_loop3A_132 : vector<16xi32> to vector<32xbf16>
      %parallel_loop3A_134 = arith.mulf %parallel_loop3A_127, %parallel_loop3A_133 : vector<32xbf16>
      %parallel_loop3A_135 = arith.addf %parallel_loop3A_121, %parallel_loop3A_134 : vector<32xbf16>
      %parallel_loop3A_136 = arith.constant 0 : i32
      %parallel_loop3A_137 = arith.index_cast %parallel_loop3A_136 : i32 to index
      %parallel_loop3A_138 = arith.index_cast %parallel_loop3A_94 : i32 to index
      %parallel_loop3A_139 = arith.constant 48 : index
      %parallel_loop3A_140 = tpu.vector_load %arg10[%parallel_loop3A_137, %parallel_loop3A_138, %parallel_loop3A_139] {strides = array<i32>} : memref<2x80x128xi32, #tpu.memory_space<vmem>>, vector<16xi32>,
      %parallel_loop3A_141 = vector.bitcast %parallel_loop3A_140 : vector<16xi32> to vector<32xbf16>
      %parallel_loop3A_142 = arith.constant 0 : i32
      %parallel_loop3A_143 = arith.index_cast %parallel_loop3A_142 : i32 to index
      %parallel_loop3A_144 = arith.index_cast %parallel_loop3A_94 : i32 to index
      %parallel_loop3A_145 = arith.constant 48 : index
      %parallel_loop3A_146 = tpu.vector_load %arg11[%parallel_loop3A_143, %parallel_loop3A_144, %parallel_loop3A_145] {strides = array<i32>} : memref<2x80x128xi32, #tpu.memory_space<vmem>>, vector<16xi32>,
      %parallel_loop3A_147 = vector.bitcast %parallel_loop3A_146 : vector<16xi32> to vector<32xbf16>
      %parallel_loop3A_148 = arith.mulf %parallel_loop3A_141, %parallel_loop3A_147 : vector<32xbf16>
      %parallel_loop3A_149 = arith.addf %parallel_loop3A_135, %parallel_loop3A_148 : vector<32xbf16>
      %parallel_loop3A_150 = tpu.unpack_subelements %parallel_loop3A_149, 0 {pack_format = #tpu.pack_format<interleaved>} : vector<32xbf16> -> vector<16xf32>
      %parallel_loop3A_151 = tpu.unpack_subelements %parallel_loop3A_149, 1 {pack_format = #tpu.pack_format<interleaved>} : vector<32xbf16> -> vector<16xf32>
      %parallel_loop3A_152 = arith.constant 0 : i32
      %parallel_loop3A_153 = vector.broadcast %parallel_loop3A_152 : i32 to vector<16xi32>
      %parallel_loop3A_154 = arith.addi %parallel_loop3A_90, %parallel_loop3A_153 : vector<16xi32>
      %parallel_loop3A_155 = arith.addf %parallel_loop3A_150, %parallel_loop3A_151 : vector<16xf32>
      tpu.vector_store_idx %arg12[%parallel_loop3A_154], %parallel_loop3A_155 {add = true} : memref<10000xf32, #tpu.memory_space<vmem>>[vector<16xi32>], vector<16xf32>,
      %parallel_loop3A_156 = arith.constant 16 : i32
      %parallel_loop3A_157 = arith.muli %parallel_loop3A_82, %parallel_loop3A_156 : i32
      %parallel_loop3A_158 = arith.constant 1 : i32
      %parallel_loop3A_159 = arith.addi %parallel_loop3A_157, %parallel_loop3A_158 : i32
      %parallel_loop3A_160 = arith.constant 0 : i32
      %parallel_loop3A_161 = arith.index_cast %parallel_loop3A_160 : i32 to index
      %parallel_loop3A_162 = arith.index_cast %parallel_loop3A_159 : i32 to index
      %parallel_loop3A_163 = arith.constant 0 : index
      %parallel_loop3A_164 = tpu.vector_load %arg10[%parallel_loop3A_161, %parallel_loop3A_162, %parallel_loop3A_163] {strides = array<i32>} : memref<2x80x128xi32, #tpu.memory_space<vmem>>, vector<16xi32>,
      %parallel_loop3A_165 = vector.bitcast %parallel_loop3A_164 : vector<16xi32> to vector<32xbf16>
      %parallel_loop3A_166 = arith.constant 0 : i32
      %parallel_loop3A_167 = arith.index_cast %parallel_loop3A_166 : i32 to index
      %parallel_loop3A_168 = arith.index_cast %parallel_loop3A_159 : i32 to index
      %parallel_loop3A_169 = arith.constant 0 : index
      %parallel_loop3A_170 = tpu.vector_load %arg11[%parallel_loop3A_167, %parallel_loop3A_168, %parallel_loop3A_169] {strides = array<i32>} : memref<2x80x128xi32, #tpu.memory_space<vmem>>, vector<16xi32>,
      %parallel_loop3A_171 = vector.bitcast %parallel_loop3A_170 : vector<16xi32> to vector<32xbf16>
      %parallel_loop3A_172 = arith.mulf %parallel_loop3A_165, %parallel_loop3A_171 : vector<32xbf16>
      %parallel_loop3A_173 = arith.constant 0 : i32
      %parallel_loop3A_174 = arith.index_cast %parallel_loop3A_173 : i32 to index
      %parallel_loop3A_175 = arith.index_cast %parallel_loop3A_159 : i32 to index
      %parallel_loop3A_176 = arith.constant 16 : index
      %parallel_loop3A_177 = tpu.vector_load %arg10[%parallel_loop3A_174, %parallel_loop3A_175, %parallel_loop3A_176] {strides = array<i32>} : memref<2x80x128xi32, #tpu.memory_space<vmem>>, vector<16xi32>,
      %parallel_loop3A_178 = vector.bitcast %parallel_loop3A_177 : vector<16xi32> to vector<32xbf16>
      %parallel_loop3A_179 = arith.constant 0 : i32
      %parallel_loop3A_180 = arith.index_cast %parallel_loop3A_179 : i32 to index
      %parallel_loop3A_181 = arith.index_cast %parallel_loop3A_159 : i32 to index
      %parallel_loop3A_182 = arith.constant 16 : index
      %parallel_loop3A_183 = tpu.vector_load %arg11[%parallel_loop3A_180, %parallel_loop3A_181, %parallel_loop3A_182] {strides = array<i32>} : memref<2x80x128xi32, #tpu.memory_space<vmem>>, vector<16xi32>,
      %parallel_loop3A_184 = vector.bitcast %parallel_loop3A_183 : vector<16xi32> to vector<32xbf16>
      %parallel_loop3A_185 = arith.mulf %parallel_loop3A_178, %parallel_loop3A_184 : vector<32xbf16>
      %parallel_loop3A_186 = arith.addf %parallel_loop3A_172, %parallel_loop3A_185 : vector<32xbf16>
      %parallel_loop3A_187 = arith.constant 0 : i32
      %parallel_loop3A_188 = arith.index_cast %parallel_loop3A_187 : i32 to index
      %parallel_loop3A_189 = arith.index_cast %parallel_loop3A_159 : i32 to index
      %parallel_loop3A_190 = arith.constant 32 : index
      %parallel_loop3A_191 = tpu.vector_load %arg10[%parallel_loop3A_188, %parallel_loop3A_189, %parallel_loop3A_190] {strides = array<i32>} : memref<2x80x128xi32, #tpu.memory_space<vmem>>, vector<16xi32>,
      %parallel_loop3A_192 = vector.bitcast %parallel_loop3A_191 : vector<16xi32> to vector<32xbf16>
      %parallel_loop3A_193 = arith.constant 0 : i32
      %parallel_loop3A_194 = arith.index_cast %parallel_loop3A_193 : i32 to index
      %parallel_loop3A_195 = arith.index_cast %parallel_loop3A_159 : i32 to index
      %parallel_loop3A_196 = arith.constant 32 : index
      %parallel_loop3A_197 = tpu.vector_load %arg11[%parallel_loop3A_194, %parallel_loop3A_195, %parallel_loop3A_196] {strides = array<i32>} : memref<2x80x128xi32, #tpu.memory_space<vmem>>, vector<16xi32>,
      %parallel_loop3A_198 = vector.bitcast %parallel_loop3A_197 : vector<16xi32> to vector<32xbf16>
      %parallel_loop3A_199 = arith.mulf %parallel_loop3A_192, %parallel_loop3A_198 : vector<32xbf16>
      %parallel_loop3A_200 = arith.addf %parallel_loop3A_186, %parallel_loop3A_199 : vector<32xbf16>
      %parallel_loop3A_201 = arith.constant 0 : i32
      %parallel_loop3A_202 = arith.index_cast %parallel_loop3A_201 : i32 to index
      %parallel_loop3A_203 = arith.index_cast %parallel_loop3A_159 : i32 to index
      %parallel_loop3A_204 = arith.constant 48 : index
      %parallel_loop3A_205 = tpu.vector_load %arg10[%parallel_loop3A_202, %parallel_loop3A_203, %parallel_loop3A_204] {strides = array<i32>} : memref<2x80x128xi32, #tpu.memory_space<vmem>>, vector<16xi32>,
      %parallel_loop3A_206 = vector.bitcast %parallel_loop3A_205 : vector<16xi32> to vector<32xbf16>
      %parallel_loop3A_207 = arith.constant 0 : i32
      %parallel_loop3A_208 = arith.index_cast %parallel_loop3A_207 : i32 to index
      %parallel_loop3A_209 = arith.index_cast %parallel_loop3A_159 : i32 to index
      %parallel_loop3A_210 = arith.constant 48 : index
      %parallel_loop3A_211 = tpu.vector_load %arg11[%parallel_loop3A_208, %parallel_loop3A_209, %parallel_loop3A_210] {strides = array<i32>} : memref<2x80x128xi32, #tpu.memory_space<vmem>>, vector<16xi32>,
      %parallel_loop3A_212 = vector.bitcast %parallel_loop3A_211 : vector<16xi32> to vector<32xbf16>
      %parallel_loop3A_213 = arith.mulf %parallel_loop3A_206, %parallel_loop3A_212 : vector<32xbf16>
      %parallel_loop3A_214 = arith.addf %parallel_loop3A_200, %parallel_loop3A_213 : vector<32xbf16>
      %parallel_loop3A_215 = tpu.unpack_subelements %parallel_loop3A_214, 0 {pack_format = #tpu.pack_format<interleaved>} : vector<32xbf16> -> vector<16xf32>
      %parallel_loop3A_216 = tpu.unpack_subelements %parallel_loop3A_214, 1 {pack_format = #tpu.pack_format<interleaved>} : vector<32xbf16> -> vector<16xf32>
      %parallel_loop3A_217 = arith.constant 1 : i32
      %parallel_loop3A_218 = vector.broadcast %parallel_loop3A_217 : i32 to vector<16xi32>
      %parallel_loop3A_219 = arith.addi %parallel_loop3A_90, %parallel_loop3A_218 : vector<16xi32>
      %parallel_loop3A_220 = arith.addf %parallel_loop3A_215, %parallel_loop3A_216 : vector<16xf32>
      tpu.vector_store_idx %arg12[%parallel_loop3A_219], %parallel_loop3A_220 {add = true} : memref<10000xf32, #tpu.memory_space<vmem>>[vector<16xi32>], vector<16xf32>,
      %parallel_loop3A_221 = arith.constant 16 : i32
      %parallel_loop3A_222 = arith.muli %parallel_loop3A_82, %parallel_loop3A_221 : i32
      %parallel_loop3A_223 = arith.constant 2 : i32
      %parallel_loop3A_224 = arith.addi %parallel_loop3A_222, %parallel_loop3A_223 : i32
      %parallel_loop3A_225 = arith.constant 0 : i32
      %parallel_loop3A_226 = arith.index_cast %parallel_loop3A_225 : i32 to index
      %parallel_loop3A_227 = arith.index_cast %parallel_loop3A_224 : i32 to index
      %parallel_loop3A_228 = arith.constant 0 : index
      %parallel_loop3A_229 = tpu.vector_load %arg10[%parallel_loop3A_226, %parallel_loop3A_227, %parallel_loop3A_228] {strides = array<i32>} : memref<2x80x128xi32, #tpu.memory_space<vmem>>, vector<16xi32>,
      %parallel_loop3A_230 = vector.bitcast %parallel_loop3A_229 : vector<16xi32> to vector<32xbf16>
      %parallel_loop3A_231 = arith.constant 0 : i32
      %parallel_loop3A_232 = arith.index_cast %parallel_loop3A_231 : i32 to index
      %parallel_loop3A_233 = arith.index_cast %parallel_loop3A_224 : i32 to index
      %parallel_loop3A_234 = arith.constant 0 : index
      %parallel_loop3A_235 = tpu.vector_load %arg11[%parallel_loop3A_232, %parallel_loop3A_233, %parallel_loop3A_234] {strides = array<i32>} : memref<2x80x128xi32, #tpu.memory_space<vmem>>, vector<16xi32>,
      %parallel_loop3A_236 = vector.bitcast %parallel_loop3A_235 : vector<16xi32> to vector<32xbf16>
      %parallel_loop3A_237 = arith.mulf %parallel_loop3A_230, %parallel_loop3A_236 : vector<32xbf16>
      %parallel_loop3A_238 = arith.constant 0 : i32
      %parallel_loop3A_239 = arith.index_cast %parallel_loop3A_238 : i32 to index
      %parallel_loop3A_240 = arith.index_cast %parallel_loop3A_224 : i32 to index
      %parallel_loop3A_241 = arith.constant 16 : index
      %parallel_loop3A_242 = tpu.vector_load %arg10[%parallel_loop3A_239, %parallel_loop3A_240, %parallel_loop3A_241] {strides = array<i32>} : memref<2x80x128xi32, #tpu.memory_space<vmem>>, vector<16xi32>,
      %parallel_loop3A_243 = vector.bitcast %parallel_loop3A_242 : vector<16xi32> to vector<32xbf16>
      %parallel_loop3A_244 = arith.constant 0 : i32
      %parallel_loop3A_245 = arith.index_cast %parallel_loop3A_244 : i32 to index
      %parallel_loop3A_246 = arith.index_cast %parallel_loop3A_224 : i32 to index
      %parallel_loop3A_247 = arith.constant 16 : index
      %parallel_loop3A_248 = tpu.vector_load %arg11[%parallel_loop3A_245, %parallel_loop3A_246, %parallel_loop3A_247] {strides = array<i32>} : memref<2x80x128xi32, #tpu.memory_space<vmem>>, vector<16xi32>,
      %parallel_loop3A_249 = vector.bitcast %parallel_loop3A_248 : vector<16xi32> to vector<32xbf16>
      %parallel_loop3A_250 = arith.mulf %parallel_loop3A_243, %parallel_loop3A_249 : vector<32xbf16>
      %parallel_loop3A_251 = arith.addf %parallel_loop3A_237, %parallel_loop3A_250 : vector<32xbf16>
      %parallel_loop3A_252 = arith.constant 0 : i32
      %parallel_loop3A_253 = arith.index_cast %parallel_loop3A_252 : i32 to index
      %parallel_loop3A_254 = arith.index_cast %parallel_loop3A_224 : i32 to index
      %parallel_loop3A_255 = arith.constant 32 : index
      %parallel_loop3A_256 = tpu.vector_load %arg10[%parallel_loop3A_253, %parallel_loop3A_254, %parallel_loop3A_255] {strides = array<i32>} : memref<2x80x128xi32, #tpu.memory_space<vmem>>, vector<16xi32>,
      %parallel_loop3A_257 = vector.bitcast %parallel_loop3A_256 : vector<16xi32> to vector<32xbf16>
      %parallel_loop3A_258 = arith.constant 0 : i32
      %parallel_loop3A_259 = arith.index_cast %parallel_loop3A_258 : i32 to index
      %parallel_loop3A_260 = arith.index_cast %parallel_loop3A_224 : i32 to index
      %parallel_loop3A_261 = arith.constant 32 : index
      %parallel_loop3A_262 = tpu.vector_load %arg11[%parallel_loop3A_259, %parallel_loop3A_260, %parallel_loop3A_261] {strides = array<i32>} : memref<2x80x128xi32, #tpu.memory_space<vmem>>, vector<16xi32>,
      %parallel_loop3A_263 = vector.bitcast %parallel_loop3A_262 : vector<16xi32> to vector<32xbf16>
      %parallel_loop3A_264 = arith.mulf %parallel_loop3A_257, %parallel_loop3A_263 : vector<32xbf16>
      %parallel_loop3A_265 = arith.addf %parallel_loop3A_251, %parallel_loop3A_264 : vector<32xbf16>
      %parallel_loop3A_266 = arith.constant 0 : i32
      %parallel_loop3A_267 = arith.index_cast %parallel_loop3A_266 : i32 to index
      %parallel_loop3A_268 = arith.index_cast %parallel_loop3A_224 : i32 to index
      %parallel_loop3A_269 = arith.constant 48 : index
      %parallel_loop3A_270 = tpu.vector_load %arg10[%parallel_loop3A_267, %parallel_loop3A_268, %parallel_loop3A_269] {strides = array<i32>} : memref<2x80x128xi32, #tpu.memory_space<vmem>>, vector<16xi32>,
      %parallel_loop3A_271 = vector.bitcast %parallel_loop3A_270 : vector<16xi32> to vector<32xbf16>
      %parallel_loop3A_272 = arith.constant 0 : i32
      %parallel_loop3A_273 = arith.index_cast %parallel_loop3A_272 : i32 to index
      %parallel_loop3A_274 = arith.index_cast %parallel_loop3A_224 : i32 to index
      %parallel_loop3A_275 = arith.constant 48 : index
      %parallel_loop3A_276 = tpu.vector_load %arg11[%parallel_loop3A_273, %parallel_loop3A_274, %parallel_loop3A_275] {strides = array<i32>} : memref<2x80x128xi32, #tpu.memory_space<vmem>>, vector<16xi32>,
      %parallel_loop3A_277 = vector.bitcast %parallel_loop3A_276 : vector<16xi32> to vector<32xbf16>
      %parallel_loop3A_278 = arith.mulf %parallel_loop3A_271, %parallel_loop3A_277 : vector<32xbf16>
      %parallel_loop3A_279 = arith.addf %parallel_loop3A_265, %parallel_loop3A_278 : vector<32xbf16>
      %parallel_loop3A_280 = tpu.unpack_subelements %parallel_loop3A_279, 0 {pack_format = #tpu.pack_format<interleaved>} : vector<32xbf16> -> vector<16xf32>
      %parallel_loop3A_281 = tpu.unpack_subelements %parallel_loop3A_279, 1 {pack_format = #tpu.pack_format<interleaved>} : vector<32xbf16> -> vector<16xf32>
      %parallel_loop3A_282 = arith.constant 2 : i32
      %parallel_loop3A_283 = vector.broadcast %parallel_loop3A_282 : i32 to vector<16xi32>
      %parallel_loop3A_284 = arith.addi %parallel_loop3A_90, %parallel_loop3A_283 : vector<16xi32>
      %parallel_loop3A_285 = arith.addf %parallel_loop3A_280, %parallel_loop3A_281 : vector<16xf32>
      tpu.vector_store_idx %arg12[%parallel_loop3A_284], %parallel_loop3A_285 {add = true} : memref<10000xf32, #tpu.memory_space<vmem>>[vector<16xi32>], vector<16xf32>,
      %parallel_loop3A_286 = arith.constant 16 : i32
      %parallel_loop3A_287 = arith.muli %parallel_loop3A_82, %parallel_loop3A_286 : i32
      %parallel_loop3A_288 = arith.constant 3 : i32
      %parallel_loop3A_289 = arith.addi %parallel_loop3A_287, %parallel_loop3A_288 : i32
      %parallel_loop3A_290 = arith.constant 0 : i32
      %parallel_loop3A_291 = arith.index_cast %parallel_loop3A_290 : i32 to index
      %parallel_loop3A_292 = arith.index_cast %parallel_loop3A_289 : i32 to index
      %parallel_loop3A_293 = arith.constant 0 : index
      %parallel_loop3A_294 = tpu.vector_load %arg10[%parallel_loop3A_291, %parallel_loop3A_292, %parallel_loop3A_293] {strides = array<i32>} : memref<2x80x128xi32, #tpu.memory_space<vmem>>, vector<16xi32>,
      %parallel_loop3A_295 = vector.bitcast %parallel_loop3A_294 : vector<16xi32> to vector<32xbf16>
      %parallel_loop3A_296 = arith.constant 0 : i32
      %parallel_loop3A_297 = arith.index_cast %parallel_loop3A_296 : i32 to index
      %parallel_loop3A_298 = arith.index_cast %parallel_loop3A_289 : i32 to index
      %parallel_loop3A_299 = arith.constant 0 : index
      %parallel_loop3A_300 = tpu.vector_load %arg11[%parallel_loop3A_297, %parallel_loop3A_298, %parallel_loop3A_299] {strides = array<i32>} : memref<2x80x128xi32, #tpu.memory_space<vmem>>, vector<16xi32>,
      %parallel_loop3A_301 = vector.bitcast %parallel_loop3A_300 : vector<16xi32> to vector<32xbf16>
      %parallel_loop3A_302 = arith.mulf %parallel_loop3A_295, %parallel_loop3A_301 : vector<32xbf16>
      %parallel_loop3A_303 = arith.constant 0 : i32
      %parallel_loop3A_304 = arith.index_cast %parallel_loop3A_303 : i32 to index
      %parallel_loop3A_305 = arith.index_cast %parallel_loop3A_289 : i32 to index
      %parallel_loop3A_306 = arith.constant 16 : index
      %parallel_loop3A_307 = tpu.vector_load %arg10[%parallel_loop3A_304, %parallel_loop3A_305, %parallel_loop3A_306] {strides = array<i32>} : memref<2x80x128xi32, #tpu.memory_space<vmem>>, vector<16xi32>,
      %parallel_loop3A_308 = vector.bitcast %parallel_loop3A_307 : vector<16xi32> to vector<32xbf16>
      %parallel_loop3A_309 = arith.constant 0 : i32
      %parallel_loop3A_310 = arith.index_cast %parallel_loop3A_309 : i32 to index
      %parallel_loop3A_311 = arith.index_cast %parallel_loop3A_289 : i32 to index
      %parallel_loop3A_312 = arith.constant 16 : index
      %parallel_loop3A_313 = tpu.vector_load %arg11[%parallel_loop3A_310, %parallel_loop3A_311, %parallel_loop3A_312] {strides = array<i32>} : memref<2x80x128xi32, #tpu.memory_space<vmem>>, vector<16xi32>,
      %parallel_loop3A_314 = vector.bitcast %parallel_loop3A_313 : vector<16xi32> to vector<32xbf16>
      %parallel_loop3A_315 = arith.mulf %parallel_loop3A_308, %parallel_loop3A_314 : vector<32xbf16>
      %parallel_loop3A_316 = arith.addf %parallel_loop3A_302, %parallel_loop3A_315 : vector<32xbf16>
      %parallel_loop3A_317 = arith.constant 0 : i32
      %parallel_loop3A_318 = arith.index_cast %parallel_loop3A_317 : i32 to index
      %parallel_loop3A_319 = arith.index_cast %parallel_loop3A_289 : i32 to index
      %parallel_loop3A_320 = arith.constant 32 : index
      %parallel_loop3A_321 = tpu.vector_load %arg10[%parallel_loop3A_318, %parallel_loop3A_319, %parallel_loop3A_320] {strides = array<i32>} : memref<2x80x128xi32, #tpu.memory_space<vmem>>, vector<16xi32>,
      %parallel_loop3A_322 = vector.bitcast %parallel_loop3A_321 : vector<16xi32> to vector<32xbf16>
      %parallel_loop3A_323 = arith.constant 0 : i32
      %parallel_loop3A_324 = arith.index_cast %parallel_loop3A_323 : i32 to index
      %parallel_loop3A_325 = arith.index_cast %parallel_loop3A_289 : i32 to index
      %parallel_loop3A_326 = arith.constant 32 : index
      %parallel_loop3A_327 = tpu.vector_load %arg11[%parallel_loop3A_324, %parallel_loop3A_325, %parallel_loop3A_326] {strides = array<i32>} : memref<2x80x128xi32, #tpu.memory_space<vmem>>, vector<16xi32>,
      %parallel_loop3A_328 = vector.bitcast %parallel_loop3A_327 : vector<16xi32> to vector<32xbf16>
      %parallel_loop3A_329 = arith.mulf %parallel_loop3A_322, %parallel_loop3A_328 : vector<32xbf16>
      %parallel_loop3A_330 = arith.addf %parallel_loop3A_316, %parallel_loop3A_329 : vector<32xbf16>
      %parallel_loop3A_331 = arith.constant 0 : i32
      %parallel_loop3A_332 = arith.index_cast %parallel_loop3A_331 : i32 to index
      %parallel_loop3A_333 = arith.index_cast %parallel_loop3A_289 : i32 to index
      %parallel_loop3A_334 = arith.constant 48 : index
      %parallel_loop3A_335 = tpu.vector_load %arg10[%parallel_loop3A_332, %parallel_loop3A_333, %parallel_loop3A_334] {strides = array<i32>} : memref<2x80x128xi32, #tpu.memory_space<vmem>>, vector<16xi32>,
      %parallel_loop3A_336 = vector.bitcast %parallel_loop3A_335 : vector<16xi32> to vector<32xbf16>
      %parallel_loop3A_337 = arith.constant 0 : i32
      %parallel_loop3A_338 = arith.index_cast %parallel_loop3A_337 : i32 to index
      %parallel_loop3A_339 = arith.index_cast %parallel_loop3A_289 : i32 to index
      %parallel_loop3A_340 = arith.constant 48 : index
      %parallel_loop3A_341 = tpu.vector_load %arg11[%parallel_loop3A_338, %parallel_loop3A_339, %parallel_loop3A_340] {strides = array<i32>} : memref<2x80x128xi32, #tpu.memory_space<vmem>>, vector<16xi32>,
      %parallel_loop3A_342 = vector.bitcast %parallel_loop3A_341 : vector<16xi32> to vector<32xbf16>
      %parallel_loop3A_343 = arith.mulf %parallel_loop3A_336, %parallel_loop3A_342 : vector<32xbf16>
      %parallel_loop3A_344 = arith.addf %parallel_loop3A_330, %parallel_loop3A_343 : vector<32xbf16>
      %parallel_loop3A_345 = tpu.unpack_subelements %parallel_loop3A_344, 0 {pack_format = #tpu.pack_format<interleaved>} : vector<32xbf16> -> vector<16xf32>
      %parallel_loop3A_346 = tpu.unpack_subelements %parallel_loop3A_344, 1 {pack_format = #tpu.pack_format<interleaved>} : vector<32xbf16> -> vector<16xf32>
      %parallel_loop3A_347 = arith.constant 3 : i32
      %parallel_loop3A_348 = vector.broadcast %parallel_loop3A_347 : i32 to vector<16xi32>
      %parallel_loop3A_349 = arith.addi %parallel_loop3A_90, %parallel_loop3A_348 : vector<16xi32>
      %parallel_loop3A_350 = arith.addf %parallel_loop3A_345, %parallel_loop3A_346 : vector<16xf32>
      tpu.vector_store_idx %arg12[%parallel_loop3A_349], %parallel_loop3A_350 {add = true} : memref<10000xf32, #tpu.memory_space<vmem>>[vector<16xi32>], vector<16xf32>,
      %parallel_loop3A_351 = arith.constant 16 : i32
      %parallel_loop3A_352 = arith.muli %parallel_loop3A_82, %parallel_loop3A_351 : i32
      %parallel_loop3A_353 = arith.constant 4 : i32
      %parallel_loop3A_354 = arith.addi %parallel_loop3A_352, %parallel_loop3A_353 : i32
      %parallel_loop3A_355 = arith.constant 0 : i32
      %parallel_loop3A_356 = arith.index_cast %parallel_loop3A_355 : i32 to index
      %parallel_loop3A_357 = arith.index_cast %parallel_loop3A_354 : i32 to index
      %parallel_loop3A_358 = arith.constant 0 : index
      %parallel_loop3A_359 = tpu.vector_load %arg10[%parallel_loop3A_356, %parallel_loop3A_357, %parallel_loop3A_358] {strides = array<i32>} : memref<2x80x128xi32, #tpu.memory_space<vmem>>, vector<16xi32>,
      %parallel_loop3A_360 = vector.bitcast %parallel_loop3A_359 : vector<16xi32> to vector<32xbf16>
      %parallel_loop3A_361 = arith.constant 0 : i32
      %parallel_loop3A_362 = arith.index_cast %parallel_loop3A_361 : i32 to index
      %parallel_loop3A_363 = arith.index_cast %parallel_loop3A_354 : i32 to index
      %parallel_loop3A_364 = arith.constant 0 : index
      %parallel_loop3A_365 = tpu.vector_load %arg11[%parallel_loop3A_362, %parallel_loop3A_363, %parallel_loop3A_364] {strides = array<i32>} : memref<2x80x128xi32, #tpu.memory_space<vmem>>, vector<16xi32>,
      %parallel_loop3A_366 = vector.bitcast %parallel_loop3A_365 : vector<16xi32> to vector<32xbf16>
      %parallel_loop3A_367 = arith.mulf %parallel_loop3A_360, %parallel_loop3A_366 : vector<32xbf16>
      %parallel_loop3A_368 = arith.constant 0 : i32
      %parallel_loop3A_369 = arith.index_cast %parallel_loop3A_368 : i32 to index
      %parallel_loop3A_370 = arith.index_cast %parallel_loop3A_354 : i32 to index
      %parallel_loop3A_371 = arith.constant 16 : index
      %parallel_loop3A_372 = tpu.vector_load %arg10[%parallel_loop3A_369, %parallel_loop3A_370, %parallel_loop3A_371] {strides = array<i32>} : memref<2x80x128xi32, #tpu.memory_space<vmem>>, vector<16xi32>,
      %parallel_loop3A_373 = vector.bitcast %parallel_loop3A_372 : vector<16xi32> to vector<32xbf16>
      %parallel_loop3A_374 = arith.constant 0 : i32
      %parallel_loop3A_375 = arith.index_cast %parallel_loop3A_374 : i32 to index
      %parallel_loop3A_376 = arith.index_cast %parallel_loop3A_354 : i32 to index
      %parallel_loop3A_377 = arith.constant 16 : index
      %parallel_loop3A_378 = tpu.vector_load %arg11[%parallel_loop3A_375, %parallel_loop3A_376, %parallel_loop3A_377] {strides = array<i32>} : memref<2x80x128xi32, #tpu.memory_space<vmem>>, vector<16xi32>,
      %parallel_loop3A_379 = vector.bitcast %parallel_loop3A_378 : vector<16xi32> to vector<32xbf16>
      %parallel_loop3A_380 = arith.mulf %parallel_loop3A_373, %parallel_loop3A_379 : vector<32xbf16>
      %parallel_loop3A_381 = arith.addf %parallel_loop3A_367, %parallel_loop3A_380 : vector<32xbf16>
      %parallel_loop3A_382 = arith.constant 0 : i32
      %parallel_loop3A_383 = arith.index_cast %parallel_loop3A_382 : i32 to index
      %parallel_loop3A_384 = arith.index_cast %parallel_loop3A_354 : i32 to index
      %parallel_loop3A_385 = arith.constant 32 : index
      %parallel_loop3A_386 = tpu.vector_load %arg10[%parallel_loop3A_383, %parallel_loop3A_384, %parallel_loop3A_385] {strides = array<i32>} : memref<2x80x128xi32, #tpu.memory_space<vmem>>, vector<16xi32>,
      %parallel_loop3A_387 = vector.bitcast %parallel_loop3A_386 : vector<16xi32> to vector<32xbf16>
      %parallel_loop3A_388 = arith.constant 0 : i32
      %parallel_loop3A_389 = arith.index_cast %parallel_loop3A_388 : i32 to index
      %parallel_loop3A_390 = arith.index_cast %parallel_loop3A_354 : i32 to index
      %parallel_loop3A_391 = arith.constant 32 : index
      %parallel_loop3A_392 = tpu.vector_load %arg11[%parallel_loop3A_389, %parallel_loop3A_390, %parallel_loop3A_391] {strides = array<i32>} : memref<2x80x128xi32, #tpu.memory_space<vmem>>, vector<16xi32>,
      %parallel_loop3A_393 = vector.bitcast %parallel_loop3A_392 : vector<16xi32> to vector<32xbf16>
      %parallel_loop3A_394 = arith.mulf %parallel_loop3A_387, %parallel_loop3A_393 : vector<32xbf16>
      %parallel_loop3A_395 = arith.addf %parallel_loop3A_381, %parallel_loop3A_394 : vector<32xbf16>
      %parallel_loop3A_396 = arith.constant 0 : i32
      %parallel_loop3A_397 = arith.index_cast %parallel_loop3A_396 : i32 to index
      %parallel_loop3A_398 = arith.index_cast %parallel_loop3A_354 : i32 to index
      %parallel_loop3A_399 = arith.constant 48 : index
      %parallel_loop3A_400 = tpu.vector_load %arg10[%parallel_loop3A_397, %parallel_loop3A_398, %parallel_loop3A_399] {strides = array<i32>} : memref<2x80x128xi32, #tpu.memory_space<vmem>>, vector<16xi32>,
      %parallel_loop3A_401 = vector.bitcast %parallel_loop3A_400 : vector<16xi32> to vector<32xbf16>
      %parallel_loop3A_402 = arith.constant 0 : i32
      %parallel_loop3A_403 = arith.index_cast %parallel_loop3A_402 : i32 to index
      %parallel_loop3A_404 = arith.index_cast %parallel_loop3A_354 : i32 to index
      %parallel_loop3A_405 = arith.constant 48 : index
      %parallel_loop3A_406 = tpu.vector_load %arg11[%parallel_loop3A_403, %parallel_loop3A_404, %parallel_loop3A_405] {strides = array<i32>} : memref<2x80x128xi32, #tpu.memory_space<vmem>>, vector<16xi32>,
      %parallel_loop3A_407 = vector.bitcast %parallel_loop3A_406 : vector<16xi32> to vector<32xbf16>
      %parallel_loop3A_408 = arith.mulf %parallel_loop3A_401, %parallel_loop3A_407 : vector<32xbf16>
      %parallel_loop3A_409 = arith.addf %parallel_loop3A_395, %parallel_loop3A_408 : vector<32xbf16>
      %parallel_loop3A_410 = tpu.unpack_subelements %parallel_loop3A_409, 0 {pack_format = #tpu.pack_format<interleaved>} : vector<32xbf16> -> vector<16xf32>
      %parallel_loop3A_411 = tpu.unpack_subelements %parallel_loop3A_409, 1 {pack_format = #tpu.pack_format<interleaved>} : vector<32xbf16> -> vector<16xf32>
      %parallel_loop3A_412 = arith.constant 4 : i32
      %parallel_loop3A_413 = vector.broadcast %parallel_loop3A_412 : i32 to vector<16xi32>
      %parallel_loop3A_414 = arith.addi %parallel_loop3A_90, %parallel_loop3A_413 : vector<16xi32>
      %parallel_loop3A_415 = arith.addf %parallel_loop3A_410, %parallel_loop3A_411 : vector<16xf32>
      tpu.vector_store_idx %arg12[%parallel_loop3A_414], %parallel_loop3A_415 {add = true} : memref<10000xf32, #tpu.memory_space<vmem>>[vector<16xi32>], vector<16xf32>,
      %parallel_loop3A_416 = arith.constant 16 : i32
      %parallel_loop3A_417 = arith.muli %parallel_loop3A_82, %parallel_loop3A_416 : i32
      %parallel_loop3A_418 = arith.constant 5 : i32
      %parallel_loop3A_419 = arith.addi %parallel_loop3A_417, %parallel_loop3A_418 : i32
      %parallel_loop3A_420 = arith.constant 0 : i32
      %parallel_loop3A_421 = arith.index_cast %parallel_loop3A_420 : i32 to index
      %parallel_loop3A_422 = arith.index_cast %parallel_loop3A_419 : i32 to index
      %parallel_loop3A_423 = arith.constant 0 : index
      %parallel_loop3A_424 = tpu.vector_load %arg10[%parallel_loop3A_421, %parallel_loop3A_422, %parallel_loop3A_423] {strides = array<i32>} : memref<2x80x128xi32, #tpu.memory_space<vmem>>, vector<16xi32>,
      %parallel_loop3A_425 = vector.bitcast %parallel_loop3A_424 : vector<16xi32> to vector<32xbf16>
      %parallel_loop3A_426 = arith.constant 0 : i32
      %parallel_loop3A_427 = arith.index_cast %parallel_loop3A_426 : i32 to index
      %parallel_loop3A_428 = arith.index_cast %parallel_loop3A_419 : i32 to index
      %parallel_loop3A_429 = arith.constant 0 : index
      %parallel_loop3A_430 = tpu.vector_load %arg11[%parallel_loop3A_427, %parallel_loop3A_428, %parallel_loop3A_429] {strides = array<i32>} : memref<2x80x128xi32, #tpu.memory_space<vmem>>, vector<16xi32>,
      %parallel_loop3A_431 = vector.bitcast %parallel_loop3A_430 : vector<16xi32> to vector<32xbf16>
      %parallel_loop3A_432 = arith.mulf %parallel_loop3A_425, %parallel_loop3A_431 : vector<32xbf16>
      %parallel_loop3A_433 = arith.constant 0 : i32
      %parallel_loop3A_434 = arith.index_cast %parallel_loop3A_433 : i32 to index
      %parallel_loop3A_435 = arith.index_cast %parallel_loop3A_419 : i32 to index
      %parallel_loop3A_436 = arith.constant 16 : index
      %parallel_loop3A_437 = tpu.vector_load %arg10[%parallel_loop3A_434, %parallel_loop3A_435, %parallel_loop3A_436] {strides = array<i32>} : memref<2x80x128xi32, #tpu.memory_space<vmem>>, vector<16xi32>,
      %parallel_loop3A_438 = vector.bitcast %parallel_loop3A_437 : vector<16xi32> to vector<32xbf16>
      %parallel_loop3A_439 = arith.constant 0 : i32
      %parallel_loop3A_440 = arith.index_cast %parallel_loop3A_439 : i32 to index
      %parallel_loop3A_441 = arith.index_cast %parallel_loop3A_419 : i32 to index
      %parallel_loop3A_442 = arith.constant 16 : index
      %parallel_loop3A_443 = tpu.vector_load %arg11[%parallel_loop3A_440, %parallel_loop3A_441, %parallel_loop3A_442] {strides = array<i32>} : memref<2x80x128xi32, #tpu.memory_space<vmem>>, vector<16xi32>,
      %parallel_loop3A_444 = vector.bitcast %parallel_loop3A_443 : vector<16xi32> to vector<32xbf16>
      %parallel_loop3A_445 = arith.mulf %parallel_loop3A_438, %parallel_loop3A_444 : vector<32xbf16>
      %parallel_loop3A_446 = arith.addf %parallel_loop3A_432, %parallel_loop3A_445 : vector<32xbf16>
      %parallel_loop3A_447 = arith.constant 0 : i32
      %parallel_loop3A_448 = arith.index_cast %parallel_loop3A_447 : i32 to index
      %parallel_loop3A_449 = arith.index_cast %parallel_loop3A_419 : i32 to index
      %parallel_loop3A_450 = arith.constant 32 : index
      %parallel_loop3A_451 = tpu.vector_load %arg10[%parallel_loop3A_448, %parallel_loop3A_449, %parallel_loop3A_450] {strides = array<i32>} : memref<2x80x128xi32, #tpu.memory_space<vmem>>, vector<16xi32>,
      %parallel_loop3A_452 = vector.bitcast %parallel_loop3A_451 : vector<16xi32> to vector<32xbf16>
      %parallel_loop3A_453 = arith.constant 0 : i32
      %parallel_loop3A_454 = arith.index_cast %parallel_loop3A_453 : i32 to index
      %parallel_loop3A_455 = arith.index_cast %parallel_loop3A_419 : i32 to index
      %parallel_loop3A_456 = arith.constant 32 : index
      %parallel_loop3A_457 = tpu.vector_load %arg11[%parallel_loop3A_454, %parallel_loop3A_455, %parallel_loop3A_456] {strides = array<i32>} : memref<2x80x128xi32, #tpu.memory_space<vmem>>, vector<16xi32>,
      %parallel_loop3A_458 = vector.bitcast %parallel_loop3A_457 : vector<16xi32> to vector<32xbf16>
      %parallel_loop3A_459 = arith.mulf %parallel_loop3A_452, %parallel_loop3A_458 : vector<32xbf16>
      %parallel_loop3A_460 = arith.addf %parallel_loop3A_446, %parallel_loop3A_459 : vector<32xbf16>
      %parallel_loop3A_461 = arith.constant 0 : i32
      %parallel_loop3A_462 = arith.index_cast %parallel_loop3A_461 : i32 to index
      %parallel_loop3A_463 = arith.index_cast %parallel_loop3A_419 : i32 to index
      %parallel_loop3A_464 = arith.constant 48 : index
      %parallel_loop3A_465 = tpu.vector_load %arg10[%parallel_loop3A_462, %parallel_loop3A_463, %parallel_loop3A_464] {strides = array<i32>} : memref<2x80x128xi32, #tpu.memory_space<vmem>>, vector<16xi32>,
      %parallel_loop3A_466 = vector.bitcast %parallel_loop3A_465 : vector<16xi32> to vector<32xbf16>
      %parallel_loop3A_467 = arith.constant 0 : i32
      %parallel_loop3A_468 = arith.index_cast %parallel_loop3A_467 : i32 to index
      %parallel_loop3A_469 = arith.index_cast %parallel_loop3A_419 : i32 to index
      %parallel_loop3A_470 = arith.constant 48 : index
      %parallel_loop3A_471 = tpu.vector_load %arg11[%parallel_loop3A_468, %parallel_loop3A_469, %parallel_loop3A_470] {strides = array<i32>} : memref<2x80x128xi32, #tpu.memory_space<vmem>>, vector<16xi32>,
      %parallel_loop3A_472 = vector.bitcast %parallel_loop3A_471 : vector<16xi32> to vector<32xbf16>
      %parallel_loop3A_473 = arith.mulf %parallel_loop3A_466, %parallel_loop3A_472 : vector<32xbf16>
      %parallel_loop3A_474 = arith.addf %parallel_loop3A_460, %parallel_loop3A_473 : vector<32xbf16>
      %parallel_loop3A_475 = tpu.unpack_subelements %parallel_loop3A_474, 0 {pack_format = #tpu.pack_format<interleaved>} : vector<32xbf16> -> vector<16xf32>
      %parallel_loop3A_476 = tpu.unpack_subelements %parallel_loop3A_474, 1 {pack_format = #tpu.pack_format<interleaved>} : vector<32xbf16> -> vector<16xf32>
      %parallel_loop3A_477 = arith.constant 5 : i32
      %parallel_loop3A_478 = vector.broadcast %parallel_loop3A_477 : i32 to vector<16xi32>
      %parallel_loop3A_479 = arith.addi %parallel_loop3A_90, %parallel_loop3A_478 : vector<16xi32>
      %parallel_loop3A_480 = arith.addf %parallel_loop3A_475, %parallel_loop3A_476 : vector<16xf32>
      tpu.vector_store_idx %arg12[%parallel_loop3A_479], %parallel_loop3A_480 {add = true} : memref<10000xf32, #tpu.memory_space<vmem>>[vector<16xi32>], vector<16xf32>,
      %parallel_loop3A_481 = arith.constant 16 : i32
      %parallel_loop3A_482 = arith.muli %parallel_loop3A_82, %parallel_loop3A_481 : i32
      %parallel_loop3A_483 = arith.constant 6 : i32
      %parallel_loop3A_484 = arith.addi %parallel_loop3A_482, %parallel_loop3A_483 : i32
      %parallel_loop3A_485 = arith.constant 0 : i32
      %parallel_loop3A_486 = arith.index_cast %parallel_loop3A_485 : i32 to index
      %parallel_loop3A_487 = arith.index_cast %parallel_loop3A_484 : i32 to index
      %parallel_loop3A_488 = arith.constant 0 : index
      %parallel_loop3A_489 = tpu.vector_load %arg10[%parallel_loop3A_486, %parallel_loop3A_487, %parallel_loop3A_488] {strides = array<i32>} : memref<2x80x128xi32, #tpu.memory_space<vmem>>, vector<16xi32>,
      %parallel_loop3A_490 = vector.bitcast %parallel_loop3A_489 : vector<16xi32> to vector<32xbf16>
      %parallel_loop3A_491 = arith.constant 0 : i32
      %parallel_loop3A_492 = arith.index_cast %parallel_loop3A_491 : i32 to index
      %parallel_loop3A_493 = arith.index_cast %parallel_loop3A_484 : i32 to index
      %parallel_loop3A_494 = arith.constant 0 : index
      %parallel_loop3A_495 = tpu.vector_load %arg11[%parallel_loop3A_492, %parallel_loop3A_493, %parallel_loop3A_494] {strides = array<i32>} : memref<2x80x128xi32, #tpu.memory_space<vmem>>, vector<16xi32>,
      %parallel_loop3A_496 = vector.bitcast %parallel_loop3A_495 : vector<16xi32> to vector<32xbf16>
      %parallel_loop3A_497 = arith.mulf %parallel_loop3A_490, %parallel_loop3A_496 : vector<32xbf16>
      %parallel_loop3A_498 = arith.constant 0 : i32
      %parallel_loop3A_499 = arith.index_cast %parallel_loop3A_498 : i32 to index
      %parallel_loop3A_500 = arith.index_cast %parallel_loop3A_484 : i32 to index
      %parallel_loop3A_501 = arith.constant 16 : index
      %parallel_loop3A_502 = tpu.vector_load %arg10[%parallel_loop3A_499, %parallel_loop3A_500, %parallel_loop3A_501] {strides = array<i32>} : memref<2x80x128xi32, #tpu.memory_space<vmem>>, vector<16xi32>,
      %parallel_loop3A_503 = vector.bitcast %parallel_loop3A_502 : vector<16xi32> to vector<32xbf16>
      %parallel_loop3A_504 = arith.constant 0 : i32
      %parallel_loop3A_505 = arith.index_cast %parallel_loop3A_504 : i32 to index
      %parallel_loop3A_506 = arith.index_cast %parallel_loop3A_484 : i32 to index
      %parallel_loop3A_507 = arith.constant 16 : index
      %parallel_loop3A_508 = tpu.vector_load %arg11[%parallel_loop3A_505, %parallel_loop3A_506, %parallel_loop3A_507] {strides = array<i32>} : memref<2x80x128xi32, #tpu.memory_space<vmem>>, vector<16xi32>,
      %parallel_loop3A_509 = vector.bitcast %parallel_loop3A_508 : vector<16xi32> to vector<32xbf16>
      %parallel_loop3A_510 = arith.mulf %parallel_loop3A_503, %parallel_loop3A_509 : vector<32xbf16>
      %parallel_loop3A_511 = arith.addf %parallel_loop3A_497, %parallel_loop3A_510 : vector<32xbf16>
      %parallel_loop3A_512 = arith.constant 0 : i32
      %parallel_loop3A_513 = arith.index_cast %parallel_loop3A_512 : i32 to index
      %parallel_loop3A_514 = arith.index_cast %parallel_loop3A_484 : i32 to index
      %parallel_loop3A_515 = arith.constant 32 : index
      %parallel_loop3A_516 = tpu.vector_load %arg10[%parallel_loop3A_513, %parallel_loop3A_514, %parallel_loop3A_515] {strides = array<i32>} : memref<2x80x128xi32, #tpu.memory_space<vmem>>, vector<16xi32>,
      %parallel_loop3A_517 = vector.bitcast %parallel_loop3A_516 : vector<16xi32> to vector<32xbf16>
      %parallel_loop3A_518 = arith.constant 0 : i32
      %parallel_loop3A_519 = arith.index_cast %parallel_loop3A_518 : i32 to index
      %parallel_loop3A_520 = arith.index_cast %parallel_loop3A_484 : i32 to index
      %parallel_loop3A_521 = arith.constant 32 : index
      %parallel_loop3A_522 = tpu.vector_load %arg11[%parallel_loop3A_519, %parallel_loop3A_520, %parallel_loop3A_521] {strides = array<i32>} : memref<2x80x128xi32, #tpu.memory_space<vmem>>, vector<16xi32>,
      %parallel_loop3A_523 = vector.bitcast %parallel_loop3A_522 : vector<16xi32> to vector<32xbf16>
      %parallel_loop3A_524 = arith.mulf %parallel_loop3A_517, %parallel_loop3A_523 : vector<32xbf16>
      %parallel_loop3A_525 = arith.addf %parallel_loop3A_511, %parallel_loop3A_524 : vector<32xbf16>
      %parallel_loop3A_526 = arith.constant 0 : i32
      %parallel_loop3A_527 = arith.index_cast %parallel_loop3A_526 : i32 to index
      %parallel_loop3A_528 = arith.index_cast %parallel_loop3A_484 : i32 to index
      %parallel_loop3A_529 = arith.constant 48 : index
      %parallel_loop3A_530 = tpu.vector_load %arg10[%parallel_loop3A_527, %parallel_loop3A_528, %parallel_loop3A_529] {strides = array<i32>} : memref<2x80x128xi32, #tpu.memory_space<vmem>>, vector<16xi32>,
      %parallel_loop3A_531 = vector.bitcast %parallel_loop3A_530 : vector<16xi32> to vector<32xbf16>
      %parallel_loop3A_532 = arith.constant 0 : i32
      %parallel_loop3A_533 = arith.index_cast %parallel_loop3A_532 : i32 to index
      %parallel_loop3A_534 = arith.index_cast %parallel_loop3A_484 : i32 to index
      %parallel_loop3A_535 = arith.constant 48 : index
      %parallel_loop3A_536 = tpu.vector_load %arg11[%parallel_loop3A_533, %parallel_loop3A_534, %parallel_loop3A_535] {strides = array<i32>} : memref<2x80x128xi32, #tpu.memory_space<vmem>>, vector<16xi32>,
      %parallel_loop3A_537 = vector.bitcast %parallel_loop3A_536 : vector<16xi32> to vector<32xbf16>
      %parallel_loop3A_538 = arith.mulf %parallel_loop3A_531, %parallel_loop3A_537 : vector<32xbf16>
      %parallel_loop3A_539 = arith.addf %parallel_loop3A_525, %parallel_loop3A_538 : vector<32xbf16>
      %parallel_loop3A_540 = tpu.unpack_subelements %parallel_loop3A_539, 0 {pack_format = #tpu.pack_format<interleaved>} : vector<32xbf16> -> vector<16xf32>
      %parallel_loop3A_541 = tpu.unpack_subelements %parallel_loop3A_539, 1 {pack_format = #tpu.pack_format<interleaved>} : vector<32xbf16> -> vector<16xf32>
      %parallel_loop3A_542 = arith.constant 6 : i32
      %parallel_loop3A_543 = vector.broadcast %parallel_loop3A_542 : i32 to vector<16xi32>
      %parallel_loop3A_544 = arith.addi %parallel_loop3A_90, %parallel_loop3A_543 : vector<16xi32>
      %parallel_loop3A_545 = arith.addf %parallel_loop3A_540, %parallel_loop3A_541 : vector<16xf32>
      tpu.vector_store_idx %arg12[%parallel_loop3A_544], %parallel_loop3A_545 {add = true} : memref<10000xf32, #tpu.memory_space<vmem>>[vector<16xi32>], vector<16xf32>,
      %parallel_loop3A_546 = arith.constant 16 : i32
      %parallel_loop3A_547 = arith.muli %parallel_loop3A_82, %parallel_loop3A_546 : i32
      %parallel_loop3A_548 = arith.constant 7 : i32
      %parallel_loop3A_549 = arith.addi %parallel_loop3A_547, %parallel_loop3A_548 : i32
      %parallel_loop3A_550 = arith.constant 0 : i32
      %parallel_loop3A_551 = arith.index_cast %parallel_loop3A_550 : i32 to index
      %parallel_loop3A_552 = arith.index_cast %parallel_loop3A_549 : i32 to index
      %parallel_loop3A_553 = arith.constant 0 : index
      %parallel_loop3A_554 = tpu.vector_load %arg10[%parallel_loop3A_551, %parallel_loop3A_552, %parallel_loop3A_553] {strides = array<i32>} : memref<2x80x128xi32, #tpu.memory_space<vmem>>, vector<16xi32>,
      %parallel_loop3A_555 = vector.bitcast %parallel_loop3A_554 : vector<16xi32> to vector<32xbf16>
      %parallel_loop3A_556 = arith.constant 0 : i32
      %parallel_loop3A_557 = arith.index_cast %parallel_loop3A_556 : i32 to index
      %parallel_loop3A_558 = arith.index_cast %parallel_loop3A_549 : i32 to index
      %parallel_loop3A_559 = arith.constant 0 : index
      %parallel_loop3A_560 = tpu.vector_load %arg11[%parallel_loop3A_557, %parallel_loop3A_558, %parallel_loop3A_559] {strides = array<i32>} : memref<2x80x128xi32, #tpu.memory_space<vmem>>, vector<16xi32>,
      %parallel_loop3A_561 = vector.bitcast %parallel_loop3A_560 : vector<16xi32> to vector<32xbf16>
      %parallel_loop3A_562 = arith.mulf %parallel_loop3A_555, %parallel_loop3A_561 : vector<32xbf16>
      %parallel_loop3A_563 = arith.constant 0 : i32
      %parallel_loop3A_564 = arith.index_cast %parallel_loop3A_563 : i32 to index
      %parallel_loop3A_565 = arith.index_cast %parallel_loop3A_549 : i32 to index
      %parallel_loop3A_566 = arith.constant 16 : index
      %parallel_loop3A_567 = tpu.vector_load %arg10[%parallel_loop3A_564, %parallel_loop3A_565, %parallel_loop3A_566] {strides = array<i32>} : memref<2x80x128xi32, #tpu.memory_space<vmem>>, vector<16xi32>,
      %parallel_loop3A_568 = vector.bitcast %parallel_loop3A_567 : vector<16xi32> to vector<32xbf16>
      %parallel_loop3A_569 = arith.constant 0 : i32
      %parallel_loop3A_570 = arith.index_cast %parallel_loop3A_569 : i32 to index
      %parallel_loop3A_571 = arith.index_cast %parallel_loop3A_549 : i32 to index
      %parallel_loop3A_572 = arith.constant 16 : index
      %parallel_loop3A_573 = tpu.vector_load %arg11[%parallel_loop3A_570, %parallel_loop3A_571, %parallel_loop3A_572] {strides = array<i32>} : memref<2x80x128xi32, #tpu.memory_space<vmem>>, vector<16xi32>,
      %parallel_loop3A_574 = vector.bitcast %parallel_loop3A_573 : vector<16xi32> to vector<32xbf16>
      %parallel_loop3A_575 = arith.mulf %parallel_loop3A_568, %parallel_loop3A_574 : vector<32xbf16>
      %parallel_loop3A_576 = arith.addf %parallel_loop3A_562, %parallel_loop3A_575 : vector<32xbf16>
      %parallel_loop3A_577 = arith.constant 0 : i32
      %parallel_loop3A_578 = arith.index_cast %parallel_loop3A_577 : i32 to index
      %parallel_loop3A_579 = arith.index_cast %parallel_loop3A_549 : i32 to index
      %parallel_loop3A_580 = arith.constant 32 : index
      %parallel_loop3A_581 = tpu.vector_load %arg10[%parallel_loop3A_578, %parallel_loop3A_579, %parallel_loop3A_580] {strides = array<i32>} : memref<2x80x128xi32, #tpu.memory_space<vmem>>, vector<16xi32>,
      %parallel_loop3A_582 = vector.bitcast %parallel_loop3A_581 : vector<16xi32> to vector<32xbf16>
      %parallel_loop3A_583 = arith.constant 0 : i32
      %parallel_loop3A_584 = arith.index_cast %parallel_loop3A_583 : i32 to index
      %parallel_loop3A_585 = arith.index_cast %parallel_loop3A_549 : i32 to index
      %parallel_loop3A_586 = arith.constant 32 : index
      %parallel_loop3A_587 = tpu.vector_load %arg11[%parallel_loop3A_584, %parallel_loop3A_585, %parallel_loop3A_586] {strides = array<i32>} : memref<2x80x128xi32, #tpu.memory_space<vmem>>, vector<16xi32>,
      %parallel_loop3A_588 = vector.bitcast %parallel_loop3A_587 : vector<16xi32> to vector<32xbf16>
      %parallel_loop3A_589 = arith.mulf %parallel_loop3A_582, %parallel_loop3A_588 : vector<32xbf16>
      %parallel_loop3A_590 = arith.addf %parallel_loop3A_576, %parallel_loop3A_589 : vector<32xbf16>
      %parallel_loop3A_591 = arith.constant 0 : i32
      %parallel_loop3A_592 = arith.index_cast %parallel_loop3A_591 : i32 to index
      %parallel_loop3A_593 = arith.index_cast %parallel_loop3A_549 : i32 to index
      %parallel_loop3A_594 = arith.constant 48 : index
      %parallel_loop3A_595 = tpu.vector_load %arg10[%parallel_loop3A_592, %parallel_loop3A_593, %parallel_loop3A_594] {strides = array<i32>} : memref<2x80x128xi32, #tpu.memory_space<vmem>>, vector<16xi32>,
      %parallel_loop3A_596 = vector.bitcast %parallel_loop3A_595 : vector<16xi32> to vector<32xbf16>
      %parallel_loop3A_597 = arith.constant 0 : i32
      %parallel_loop3A_598 = arith.index_cast %parallel_loop3A_597 : i32 to index
      %parallel_loop3A_599 = arith.index_cast %parallel_loop3A_549 : i32 to index
      %parallel_loop3A_600 = arith.constant 48 : index
      %parallel_loop3A_601 = tpu.vector_load %arg11[%parallel_loop3A_598, %parallel_loop3A_599, %parallel_loop3A_600] {strides = array<i32>} : memref<2x80x128xi32, #tpu.memory_space<vmem>>, vector<16xi32>,
      %parallel_loop3A_602 = vector.bitcast %parallel_loop3A_601 : vector<16xi32> to vector<32xbf16>
      %parallel_loop3A_603 = arith.mulf %parallel_loop3A_596, %parallel_loop3A_602 : vector<32xbf16>
      %parallel_loop3A_604 = arith.addf %parallel_loop3A_590, %parallel_loop3A_603 : vector<32xbf16>
      %parallel_loop3A_605 = tpu.unpack_subelements %parallel_loop3A_604, 0 {pack_format = #tpu.pack_format<interleaved>} : vector<32xbf16> -> vector<16xf32>
      %parallel_loop3A_606 = tpu.unpack_subelements %parallel_loop3A_604, 1 {pack_format = #tpu.pack_format<interleaved>} : vector<32xbf16> -> vector<16xf32>
      %parallel_loop3A_607 = arith.constant 7 : i32
      %parallel_loop3A_608 = vector.broadcast %parallel_loop3A_607 : i32 to vector<16xi32>
      %parallel_loop3A_609 = arith.addi %parallel_loop3A_90, %parallel_loop3A_608 : vector<16xi32>
      %parallel_loop3A_610 = arith.addf %parallel_loop3A_605, %parallel_loop3A_606 : vector<16xf32>
      tpu.vector_store_idx %arg12[%parallel_loop3A_609], %parallel_loop3A_610 {add = true} : memref<10000xf32, #tpu.memory_space<vmem>>[vector<16xi32>], vector<16xf32>,
      %parallel_loop3A_611 = arith.constant 16 : i32
      %parallel_loop3A_612 = arith.muli %parallel_loop3A_82, %parallel_loop3A_611 : i32
      %parallel_loop3A_613 = arith.constant 8 : i32
      %parallel_loop3A_614 = arith.addi %parallel_loop3A_612, %parallel_loop3A_613 : i32
      %parallel_loop3A_615 = arith.constant 0 : i32
      %parallel_loop3A_616 = arith.index_cast %parallel_loop3A_615 : i32 to index
      %parallel_loop3A_617 = arith.index_cast %parallel_loop3A_614 : i32 to index
      %parallel_loop3A_618 = arith.constant 0 : index
      %parallel_loop3A_619 = tpu.vector_load %arg10[%parallel_loop3A_616, %parallel_loop3A_617, %parallel_loop3A_618] {strides = array<i32>} : memref<2x80x128xi32, #tpu.memory_space<vmem>>, vector<16xi32>,
      %parallel_loop3A_620 = vector.bitcast %parallel_loop3A_619 : vector<16xi32> to vector<32xbf16>
      %parallel_loop3A_621 = arith.constant 0 : i32
      %parallel_loop3A_622 = arith.index_cast %parallel_loop3A_621 : i32 to index
      %parallel_loop3A_623 = arith.index_cast %parallel_loop3A_614 : i32 to index
      %parallel_loop3A_624 = arith.constant 0 : index
      %parallel_loop3A_625 = tpu.vector_load %arg11[%parallel_loop3A_622, %parallel_loop3A_623, %parallel_loop3A_624] {strides = array<i32>} : memref<2x80x128xi32, #tpu.memory_space<vmem>>, vector<16xi32>,
      %parallel_loop3A_626 = vector.bitcast %parallel_loop3A_625 : vector<16xi32> to vector<32xbf16>
      %parallel_loop3A_627 = arith.mulf %parallel_loop3A_620, %parallel_loop3A_626 : vector<32xbf16>
      %parallel_loop3A_628 = arith.constant 0 : i32
      %parallel_loop3A_629 = arith.index_cast %parallel_loop3A_628 : i32 to index
      %parallel_loop3A_630 = arith.index_cast %parallel_loop3A_614 : i32 to index
      %parallel_loop3A_631 = arith.constant 16 : index
      %parallel_loop3A_632 = tpu.vector_load %arg10[%parallel_loop3A_629, %parallel_loop3A_630, %parallel_loop3A_631] {strides = array<i32>} : memref<2x80x128xi32, #tpu.memory_space<vmem>>, vector<16xi32>,
      %parallel_loop3A_633 = vector.bitcast %parallel_loop3A_632 : vector<16xi32> to vector<32xbf16>
      %parallel_loop3A_634 = arith.constant 0 : i32
      %parallel_loop3A_635 = arith.index_cast %parallel_loop3A_634 : i32 to index
      %parallel_loop3A_636 = arith.index_cast %parallel_loop3A_614 : i32 to index
      %parallel_loop3A_637 = arith.constant 16 : index
      %parallel_loop3A_638 = tpu.vector_load %arg11[%parallel_loop3A_635, %parallel_loop3A_636, %parallel_loop3A_637] {strides = array<i32>} : memref<2x80x128xi32, #tpu.memory_space<vmem>>, vector<16xi32>,
      %parallel_loop3A_639 = vector.bitcast %parallel_loop3A_638 : vector<16xi32> to vector<32xbf16>
      %parallel_loop3A_640 = arith.mulf %parallel_loop3A_633, %parallel_loop3A_639 : vector<32xbf16>
      %parallel_loop3A_641 = arith.addf %parallel_loop3A_627, %parallel_loop3A_640 : vector<32xbf16>
      %parallel_loop3A_642 = arith.constant 0 : i32
      %parallel_loop3A_643 = arith.index_cast %parallel_loop3A_642 : i32 to index
      %parallel_loop3A_644 = arith.index_cast %parallel_loop3A_614 : i32 to index
      %parallel_loop3A_645 = arith.constant 32 : index
      %parallel_loop3A_646 = tpu.vector_load %arg10[%parallel_loop3A_643, %parallel_loop3A_644, %parallel_loop3A_645] {strides = array<i32>} : memref<2x80x128xi32, #tpu.memory_space<vmem>>, vector<16xi32>,
      %parallel_loop3A_647 = vector.bitcast %parallel_loop3A_646 : vector<16xi32> to vector<32xbf16>
      %parallel_loop3A_648 = arith.constant 0 : i32
      %parallel_loop3A_649 = arith.index_cast %parallel_loop3A_648 : i32 to index
      %parallel_loop3A_650 = arith.index_cast %parallel_loop3A_614 : i32 to index
      %parallel_loop3A_651 = arith.constant 32 : index
      %parallel_loop3A_652 = tpu.vector_load %arg11[%parallel_loop3A_649, %parallel_loop3A_650, %parallel_loop3A_651] {strides = array<i32>} : memref<2x80x128xi32, #tpu.memory_space<vmem>>, vector<16xi32>,
      %parallel_loop3A_653 = vector.bitcast %parallel_loop3A_652 : vector<16xi32> to vector<32xbf16>
      %parallel_loop3A_654 = arith.mulf %parallel_loop3A_647, %parallel_loop3A_653 : vector<32xbf16>
      %parallel_loop3A_655 = arith.addf %parallel_loop3A_641, %parallel_loop3A_654 : vector<32xbf16>
      %parallel_loop3A_656 = arith.constant 0 : i32
      %parallel_loop3A_657 = arith.index_cast %parallel_loop3A_656 : i32 to index
      %parallel_loop3A_658 = arith.index_cast %parallel_loop3A_614 : i32 to index
      %parallel_loop3A_659 = arith.constant 48 : index
      %parallel_loop3A_660 = tpu.vector_load %arg10[%parallel_loop3A_657, %parallel_loop3A_658, %parallel_loop3A_659] {strides = array<i32>} : memref<2x80x128xi32, #tpu.memory_space<vmem>>, vector<16xi32>,
      %parallel_loop3A_661 = vector.bitcast %parallel_loop3A_660 : vector<16xi32> to vector<32xbf16>
      %parallel_loop3A_662 = arith.constant 0 : i32
      %parallel_loop3A_663 = arith.index_cast %parallel_loop3A_662 : i32 to index
      %parallel_loop3A_664 = arith.index_cast %parallel_loop3A_614 : i32 to index
      %parallel_loop3A_665 = arith.constant 48 : index
      %parallel_loop3A_666 = tpu.vector_load %arg11[%parallel_loop3A_663, %parallel_loop3A_664, %parallel_loop3A_665] {strides = array<i32>} : memref<2x80x128xi32, #tpu.memory_space<vmem>>, vector<16xi32>,
      %parallel_loop3A_667 = vector.bitcast %parallel_loop3A_666 : vector<16xi32> to vector<32xbf16>
      %parallel_loop3A_668 = arith.mulf %parallel_loop3A_661, %parallel_loop3A_667 : vector<32xbf16>
      %parallel_loop3A_669 = arith.addf %parallel_loop3A_655, %parallel_loop3A_668 : vector<32xbf16>
      %parallel_loop3A_670 = tpu.unpack_subelements %parallel_loop3A_669, 0 {pack_format = #tpu.pack_format<interleaved>} : vector<32xbf16> -> vector<16xf32>
      %parallel_loop3A_671 = tpu.unpack_subelements %parallel_loop3A_669, 1 {pack_format = #tpu.pack_format<interleaved>} : vector<32xbf16> -> vector<16xf32>
      %parallel_loop3A_672 = arith.constant 8 : i32
      %parallel_loop3A_673 = vector.broadcast %parallel_loop3A_672 : i32 to vector<16xi32>
      %parallel_loop3A_674 = arith.addi %parallel_loop3A_90, %parallel_loop3A_673 : vector<16xi32>
      %parallel_loop3A_675 = arith.addf %parallel_loop3A_670, %parallel_loop3A_671 : vector<16xf32>
      tpu.vector_store_idx %arg12[%parallel_loop3A_674], %parallel_loop3A_675 {add = true} : memref<10000xf32, #tpu.memory_space<vmem>>[vector<16xi32>], vector<16xf32>,
      %parallel_loop3A_676 = arith.constant 16 : i32
      %parallel_loop3A_677 = arith.muli %parallel_loop3A_82, %parallel_loop3A_676 : i32
      %parallel_loop3A_678 = arith.constant 9 : i32
      %parallel_loop3A_679 = arith.addi %parallel_loop3A_677, %parallel_loop3A_678 : i32
      %parallel_loop3A_680 = arith.constant 0 : i32
      %parallel_loop3A_681 = arith.index_cast %parallel_loop3A_680 : i32 to index
      %parallel_loop3A_682 = arith.index_cast %parallel_loop3A_679 : i32 to index
      %parallel_loop3A_683 = arith.constant 0 : index
      %parallel_loop3A_684 = tpu.vector_load %arg10[%parallel_loop3A_681, %parallel_loop3A_682, %parallel_loop3A_683] {strides = array<i32>} : memref<2x80x128xi32, #tpu.memory_space<vmem>>, vector<16xi32>,
      %parallel_loop3A_685 = vector.bitcast %parallel_loop3A_684 : vector<16xi32> to vector<32xbf16>
      %parallel_loop3A_686 = arith.constant 0 : i32
      %parallel_loop3A_687 = arith.index_cast %parallel_loop3A_686 : i32 to index
      %parallel_loop3A_688 = arith.index_cast %parallel_loop3A_679 : i32 to index
      %parallel_loop3A_689 = arith.constant 0 : index
      %parallel_loop3A_690 = tpu.vector_load %arg11[%parallel_loop3A_687, %parallel_loop3A_688, %parallel_loop3A_689] {strides = array<i32>} : memref<2x80x128xi32, #tpu.memory_space<vmem>>, vector<16xi32>,
      %parallel_loop3A_691 = vector.bitcast %parallel_loop3A_690 : vector<16xi32> to vector<32xbf16>
      %parallel_loop3A_692 = arith.mulf %parallel_loop3A_685, %parallel_loop3A_691 : vector<32xbf16>
      %parallel_loop3A_693 = arith.constant 0 : i32
      %parallel_loop3A_694 = arith.index_cast %parallel_loop3A_693 : i32 to index
      %parallel_loop3A_695 = arith.index_cast %parallel_loop3A_679 : i32 to index
      %parallel_loop3A_696 = arith.constant 16 : index
      %parallel_loop3A_697 = tpu.vector_load %arg10[%parallel_loop3A_694, %parallel_loop3A_695, %parallel_loop3A_696] {strides = array<i32>} : memref<2x80x128xi32, #tpu.memory_space<vmem>>, vector<16xi32>,
      %parallel_loop3A_698 = vector.bitcast %parallel_loop3A_697 : vector<16xi32> to vector<32xbf16>
      %parallel_loop3A_699 = arith.constant 0 : i32
      %parallel_loop3A_700 = arith.index_cast %parallel_loop3A_699 : i32 to index
      %parallel_loop3A_701 = arith.index_cast %parallel_loop3A_679 : i32 to index
      %parallel_loop3A_702 = arith.constant 16 : index
      %parallel_loop3A_703 = tpu.vector_load %arg11[%parallel_loop3A_700, %parallel_loop3A_701, %parallel_loop3A_702] {strides = array<i32>} : memref<2x80x128xi32, #tpu.memory_space<vmem>>, vector<16xi32>,
      %parallel_loop3A_704 = vector.bitcast %parallel_loop3A_703 : vector<16xi32> to vector<32xbf16>
      %parallel_loop3A_705 = arith.mulf %parallel_loop3A_698, %parallel_loop3A_704 : vector<32xbf16>
      %parallel_loop3A_706 = arith.addf %parallel_loop3A_692, %parallel_loop3A_705 : vector<32xbf16>
      %parallel_loop3A_707 = arith.constant 0 : i32
      %parallel_loop3A_708 = arith.index_cast %parallel_loop3A_707 : i32 to index
      %parallel_loop3A_709 = arith.index_cast %parallel_loop3A_679 : i32 to index
      %parallel_loop3A_710 = arith.constant 32 : index
      %parallel_loop3A_711 = tpu.vector_load %arg10[%parallel_loop3A_708, %parallel_loop3A_709, %parallel_loop3A_710] {strides = array<i32>} : memref<2x80x128xi32, #tpu.memory_space<vmem>>, vector<16xi32>,
      %parallel_loop3A_712 = vector.bitcast %parallel_loop3A_711 : vector<16xi32> to vector<32xbf16>
      %parallel_loop3A_713 = arith.constant 0 : i32
      %parallel_loop3A_714 = arith.index_cast %parallel_loop3A_713 : i32 to index
      %parallel_loop3A_715 = arith.index_cast %parallel_loop3A_679 : i32 to index
      %parallel_loop3A_716 = arith.constant 32 : index
      %parallel_loop3A_717 = tpu.vector_load %arg11[%parallel_loop3A_714, %parallel_loop3A_715, %parallel_loop3A_716] {strides = array<i32>} : memref<2x80x128xi32, #tpu.memory_space<vmem>>, vector<16xi32>,
      %parallel_loop3A_718 = vector.bitcast %parallel_loop3A_717 : vector<16xi32> to vector<32xbf16>
      %parallel_loop3A_719 = arith.mulf %parallel_loop3A_712, %parallel_loop3A_718 : vector<32xbf16>
      %parallel_loop3A_720 = arith.addf %parallel_loop3A_706, %parallel_loop3A_719 : vector<32xbf16>
      %parallel_loop3A_721 = arith.constant 0 : i32
      %parallel_loop3A_722 = arith.index_cast %parallel_loop3A_721 : i32 to index
      %parallel_loop3A_723 = arith.index_cast %parallel_loop3A_679 : i32 to index
      %parallel_loop3A_724 = arith.constant 48 : index
      %parallel_loop3A_725 = tpu.vector_load %arg10[%parallel_loop3A_722, %parallel_loop3A_723, %parallel_loop3A_724] {strides = array<i32>} : memref<2x80x128xi32, #tpu.memory_space<vmem>>, vector<16xi32>,
      %parallel_loop3A_726 = vector.bitcast %parallel_loop3A_725 : vector<16xi32> to vector<32xbf16>
      %parallel_loop3A_727 = arith.constant 0 : i32
      %parallel_loop3A_728 = arith.index_cast %parallel_loop3A_727 : i32 to index
      %parallel_loop3A_729 = arith.index_cast %parallel_loop3A_679 : i32 to index
      %parallel_loop3A_730 = arith.constant 48 : index
      %parallel_loop3A_731 = tpu.vector_load %arg11[%parallel_loop3A_728, %parallel_loop3A_729, %parallel_loop3A_730] {strides = array<i32>} : memref<2x80x128xi32, #tpu.memory_space<vmem>>, vector<16xi32>,
      %parallel_loop3A_732 = vector.bitcast %parallel_loop3A_731 : vector<16xi32> to vector<32xbf16>
      %parallel_loop3A_733 = arith.mulf %parallel_loop3A_726, %parallel_loop3A_732 : vector<32xbf16>
      %parallel_loop3A_734 = arith.addf %parallel_loop3A_720, %parallel_loop3A_733 : vector<32xbf16>
      %parallel_loop3A_735 = tpu.unpack_subelements %parallel_loop3A_734, 0 {pack_format = #tpu.pack_format<interleaved>} : vector<32xbf16> -> vector<16xf32>
      %parallel_loop3A_736 = tpu.unpack_subelements %parallel_loop3A_734, 1 {pack_format = #tpu.pack_format<interleaved>} : vector<32xbf16> -> vector<16xf32>
      %parallel_loop3A_737 = arith.constant 9 : i32
      %parallel_loop3A_738 = vector.broadcast %parallel_loop3A_737 : i32 to vector<16xi32>
      %parallel_loop3A_739 = arith.addi %parallel_loop3A_90, %parallel_loop3A_738 : vector<16xi32>
      %parallel_loop3A_740 = arith.addf %parallel_loop3A_735, %parallel_loop3A_736 : vector<16xf32>
      tpu.vector_store_idx %arg12[%parallel_loop3A_739], %parallel_loop3A_740 {add = true} : memref<10000xf32, #tpu.memory_space<vmem>>[vector<16xi32>], vector<16xf32>,
      %parallel_loop3A_741 = arith.constant 16 : i32
      %parallel_loop3A_742 = arith.muli %parallel_loop3A_82, %parallel_loop3A_741 : i32
      %parallel_loop3A_743 = arith.constant 10 : i32
      %parallel_loop3A_744 = arith.addi %parallel_loop3A_742, %parallel_loop3A_743 : i32
      %parallel_loop3A_745 = arith.constant 0 : i32
      %parallel_loop3A_746 = arith.index_cast %parallel_loop3A_745 : i32 to index
      %parallel_loop3A_747 = arith.index_cast %parallel_loop3A_744 : i32 to index
      %parallel_loop3A_748 = arith.constant 0 : index
      %parallel_loop3A_749 = tpu.vector_load %arg10[%parallel_loop3A_746, %parallel_loop3A_747, %parallel_loop3A_748] {strides = array<i32>} : memref<2x80x128xi32, #tpu.memory_space<vmem>>, vector<16xi32>,
      %parallel_loop3A_750 = vector.bitcast %parallel_loop3A_749 : vector<16xi32> to vector<32xbf16>
      %parallel_loop3A_751 = arith.constant 0 : i32
      %parallel_loop3A_752 = arith.index_cast %parallel_loop3A_751 : i32 to index
      %parallel_loop3A_753 = arith.index_cast %parallel_loop3A_744 : i32 to index
      %parallel_loop3A_754 = arith.constant 0 : index
      %parallel_loop3A_755 = tpu.vector_load %arg11[%parallel_loop3A_752, %parallel_loop3A_753, %parallel_loop3A_754] {strides = array<i32>} : memref<2x80x128xi32, #tpu.memory_space<vmem>>, vector<16xi32>,
      %parallel_loop3A_756 = vector.bitcast %parallel_loop3A_755 : vector<16xi32> to vector<32xbf16>
      %parallel_loop3A_757 = arith.mulf %parallel_loop3A_750, %parallel_loop3A_756 : vector<32xbf16>
      %parallel_loop3A_758 = arith.constant 0 : i32
      %parallel_loop3A_759 = arith.index_cast %parallel_loop3A_758 : i32 to index
      %parallel_loop3A_760 = arith.index_cast %parallel_loop3A_744 : i32 to index
      %parallel_loop3A_761 = arith.constant 16 : index
      %parallel_loop3A_762 = tpu.vector_load %arg10[%parallel_loop3A_759, %parallel_loop3A_760, %parallel_loop3A_761] {strides = array<i32>} : memref<2x80x128xi32, #tpu.memory_space<vmem>>, vector<16xi32>,
      %parallel_loop3A_763 = vector.bitcast %parallel_loop3A_762 : vector<16xi32> to vector<32xbf16>
      %parallel_loop3A_764 = arith.constant 0 : i32
      %parallel_loop3A_765 = arith.index_cast %parallel_loop3A_764 : i32 to index
      %parallel_loop3A_766 = arith.index_cast %parallel_loop3A_744 : i32 to index
      %parallel_loop3A_767 = arith.constant 16 : index
      %parallel_loop3A_768 = tpu.vector_load %arg11[%parallel_loop3A_765, %parallel_loop3A_766, %parallel_loop3A_767] {strides = array<i32>} : memref<2x80x128xi32, #tpu.memory_space<vmem>>, vector<16xi32>,
      %parallel_loop3A_769 = vector.bitcast %parallel_loop3A_768 : vector<16xi32> to vector<32xbf16>
      %parallel_loop3A_770 = arith.mulf %parallel_loop3A_763, %parallel_loop3A_769 : vector<32xbf16>
      %parallel_loop3A_771 = arith.addf %parallel_loop3A_757, %parallel_loop3A_770 : vector<32xbf16>
      %parallel_loop3A_772 = arith.constant 0 : i32
      %parallel_loop3A_773 = arith.index_cast %parallel_loop3A_772 : i32 to index
      %parallel_loop3A_774 = arith.index_cast %parallel_loop3A_744 : i32 to index
      %parallel_loop3A_775 = arith.constant 32 : index
      %parallel_loop3A_776 = tpu.vector_load %arg10[%parallel_loop3A_773, %parallel_loop3A_774, %parallel_loop3A_775] {strides = array<i32>} : memref<2x80x128xi32, #tpu.memory_space<vmem>>, vector<16xi32>,
      %parallel_loop3A_777 = vector.bitcast %parallel_loop3A_776 : vector<16xi32> to vector<32xbf16>
      %parallel_loop3A_778 = arith.constant 0 : i32
      %parallel_loop3A_779 = arith.index_cast %parallel_loop3A_778 : i32 to index
      %parallel_loop3A_780 = arith.index_cast %parallel_loop3A_744 : i32 to index
      %parallel_loop3A_781 = arith.constant 32 : index
      %parallel_loop3A_782 = tpu.vector_load %arg11[%parallel_loop3A_779, %parallel_loop3A_780, %parallel_loop3A_781] {strides = array<i32>} : memref<2x80x128xi32, #tpu.memory_space<vmem>>, vector<16xi32>,
      %parallel_loop3A_783 = vector.bitcast %parallel_loop3A_782 : vector<16xi32> to vector<32xbf16>
      %parallel_loop3A_784 = arith.mulf %parallel_loop3A_777, %parallel_loop3A_783 : vector<32xbf16>
      %parallel_loop3A_785 = arith.addf %parallel_loop3A_771, %parallel_loop3A_784 : vector<32xbf16>
      %parallel_loop3A_786 = arith.constant 0 : i32
      %parallel_loop3A_787 = arith.index_cast %parallel_loop3A_786 : i32 to index
      %parallel_loop3A_788 = arith.index_cast %parallel_loop3A_744 : i32 to index
      %parallel_loop3A_789 = arith.constant 48 : index
      %parallel_loop3A_790 = tpu.vector_load %arg10[%parallel_loop3A_787, %parallel_loop3A_788, %parallel_loop3A_789] {strides = array<i32>} : memref<2x80x128xi32, #tpu.memory_space<vmem>>, vector<16xi32>,
      %parallel_loop3A_791 = vector.bitcast %parallel_loop3A_790 : vector<16xi32> to vector<32xbf16>
      %parallel_loop3A_792 = arith.constant 0 : i32
      %parallel_loop3A_793 = arith.index_cast %parallel_loop3A_792 : i32 to index
      %parallel_loop3A_794 = arith.index_cast %parallel_loop3A_744 : i32 to index
      %parallel_loop3A_795 = arith.constant 48 : index
      %parallel_loop3A_796 = tpu.vector_load %arg11[%parallel_loop3A_793, %parallel_loop3A_794, %parallel_loop3A_795] {strides = array<i32>} : memref<2x80x128xi32, #tpu.memory_space<vmem>>, vector<16xi32>,
      %parallel_loop3A_797 = vector.bitcast %parallel_loop3A_796 : vector<16xi32> to vector<32xbf16>
      %parallel_loop3A_798 = arith.mulf %parallel_loop3A_791, %parallel_loop3A_797 : vector<32xbf16>
      %parallel_loop3A_799 = arith.addf %parallel_loop3A_785, %parallel_loop3A_798 : vector<32xbf16>
      %parallel_loop3A_800 = tpu.unpack_subelements %parallel_loop3A_799, 0 {pack_format = #tpu.pack_format<interleaved>} : vector<32xbf16> -> vector<16xf32>
      %parallel_loop3A_801 = tpu.unpack_subelements %parallel_loop3A_799, 1 {pack_format = #tpu.pack_format<interleaved>} : vector<32xbf16> -> vector<16xf32>
      %parallel_loop3A_802 = arith.constant 10 : i32
      %parallel_loop3A_803 = vector.broadcast %parallel_loop3A_802 : i32 to vector<16xi32>
      %parallel_loop3A_804 = arith.addi %parallel_loop3A_90, %parallel_loop3A_803 : vector<16xi32>
      %parallel_loop3A_805 = arith.addf %parallel_loop3A_800, %parallel_loop3A_801 : vector<16xf32>
      tpu.vector_store_idx %arg12[%parallel_loop3A_804], %parallel_loop3A_805 {add = true} : memref<10000xf32, #tpu.memory_space<vmem>>[vector<16xi32>], vector<16xf32>,
      %parallel_loop3A_806 = arith.constant 16 : i32
      %parallel_loop3A_807 = arith.muli %parallel_loop3A_82, %parallel_loop3A_806 : i32
      %parallel_loop3A_808 = arith.constant 11 : i32
      %parallel_loop3A_809 = arith.addi %parallel_loop3A_807, %parallel_loop3A_808 : i32
      %parallel_loop3A_810 = arith.constant 0 : i32
      %parallel_loop3A_811 = arith.index_cast %parallel_loop3A_810 : i32 to index
      %parallel_loop3A_812 = arith.index_cast %parallel_loop3A_809 : i32 to index
      %parallel_loop3A_813 = arith.constant 0 : index
      %parallel_loop3A_814 = tpu.vector_load %arg10[%parallel_loop3A_811, %parallel_loop3A_812, %parallel_loop3A_813] {strides = array<i32>} : memref<2x80x128xi32, #tpu.memory_space<vmem>>, vector<16xi32>,
      %parallel_loop3A_815 = vector.bitcast %parallel_loop3A_814 : vector<16xi32> to vector<32xbf16>
      %parallel_loop3A_816 = arith.constant 0 : i32
      %parallel_loop3A_817 = arith.index_cast %parallel_loop3A_816 : i32 to index
      %parallel_loop3A_818 = arith.index_cast %parallel_loop3A_809 : i32 to index
      %parallel_loop3A_819 = arith.constant 0 : index
      %parallel_loop3A_820 = tpu.vector_load %arg11[%parallel_loop3A_817, %parallel_loop3A_818, %parallel_loop3A_819] {strides = array<i32>} : memref<2x80x128xi32, #tpu.memory_space<vmem>>, vector<16xi32>,
      %parallel_loop3A_821 = vector.bitcast %parallel_loop3A_820 : vector<16xi32> to vector<32xbf16>
      %parallel_loop3A_822 = arith.mulf %parallel_loop3A_815, %parallel_loop3A_821 : vector<32xbf16>
      %parallel_loop3A_823 = arith.constant 0 : i32
      %parallel_loop3A_824 = arith.index_cast %parallel_loop3A_823 : i32 to index
      %parallel_loop3A_825 = arith.index_cast %parallel_loop3A_809 : i32 to index
      %parallel_loop3A_826 = arith.constant 16 : index
      %parallel_loop3A_827 = tpu.vector_load %arg10[%parallel_loop3A_824, %parallel_loop3A_825, %parallel_loop3A_826] {strides = array<i32>} : memref<2x80x128xi32, #tpu.memory_space<vmem>>, vector<16xi32>,
      %parallel_loop3A_828 = vector.bitcast %parallel_loop3A_827 : vector<16xi32> to vector<32xbf16>
      %parallel_loop3A_829 = arith.constant 0 : i32
      %parallel_loop3A_830 = arith.index_cast %parallel_loop3A_829 : i32 to index
      %parallel_loop3A_831 = arith.index_cast %parallel_loop3A_809 : i32 to index
      %parallel_loop3A_832 = arith.constant 16 : index
      %parallel_loop3A_833 = tpu.vector_load %arg11[%parallel_loop3A_830, %parallel_loop3A_831, %parallel_loop3A_832] {strides = array<i32>} : memref<2x80x128xi32, #tpu.memory_space<vmem>>, vector<16xi32>,
      %parallel_loop3A_834 = vector.bitcast %parallel_loop3A_833 : vector<16xi32> to vector<32xbf16>
      %parallel_loop3A_835 = arith.mulf %parallel_loop3A_828, %parallel_loop3A_834 : vector<32xbf16>
      %parallel_loop3A_836 = arith.addf %parallel_loop3A_822, %parallel_loop3A_835 : vector<32xbf16>
      %parallel_loop3A_837 = arith.constant 0 : i32
      %parallel_loop3A_838 = arith.index_cast %parallel_loop3A_837 : i32 to index
      %parallel_loop3A_839 = arith.index_cast %parallel_loop3A_809 : i32 to index
      %parallel_loop3A_840 = arith.constant 32 : index
      %parallel_loop3A_841 = tpu.vector_load %arg10[%parallel_loop3A_838, %parallel_loop3A_839, %parallel_loop3A_840] {strides = array<i32>} : memref<2x80x128xi32, #tpu.memory_space<vmem>>, vector<16xi32>,
      %parallel_loop3A_842 = vector.bitcast %parallel_loop3A_841 : vector<16xi32> to vector<32xbf16>
      %parallel_loop3A_843 = arith.constant 0 : i32
      %parallel_loop3A_844 = arith.index_cast %parallel_loop3A_843 : i32 to index
      %parallel_loop3A_845 = arith.index_cast %parallel_loop3A_809 : i32 to index
      %parallel_loop3A_846 = arith.constant 32 : index
      %parallel_loop3A_847 = tpu.vector_load %arg11[%parallel_loop3A_844, %parallel_loop3A_845, %parallel_loop3A_846] {strides = array<i32>} : memref<2x80x128xi32, #tpu.memory_space<vmem>>, vector<16xi32>,
      %parallel_loop3A_848 = vector.bitcast %parallel_loop3A_847 : vector<16xi32> to vector<32xbf16>
      %parallel_loop3A_849 = arith.mulf %parallel_loop3A_842, %parallel_loop3A_848 : vector<32xbf16>
      %parallel_loop3A_850 = arith.addf %parallel_loop3A_836, %parallel_loop3A_849 : vector<32xbf16>
      %parallel_loop3A_851 = arith.constant 0 : i32
      %parallel_loop3A_852 = arith.index_cast %parallel_loop3A_851 : i32 to index
      %parallel_loop3A_853 = arith.index_cast %parallel_loop3A_809 : i32 to index
      %parallel_loop3A_854 = arith.constant 48 : index
      %parallel_loop3A_855 = tpu.vector_load %arg10[%parallel_loop3A_852, %parallel_loop3A_853, %parallel_loop3A_854] {strides = array<i32>} : memref<2x80x128xi32, #tpu.memory_space<vmem>>, vector<16xi32>,
      %parallel_loop3A_856 = vector.bitcast %parallel_loop3A_855 : vector<16xi32> to vector<32xbf16>
      %parallel_loop3A_857 = arith.constant 0 : i32
      %parallel_loop3A_858 = arith.index_cast %parallel_loop3A_857 : i32 to index
      %parallel_loop3A_859 = arith.index_cast %parallel_loop3A_809 : i32 to index
      %parallel_loop3A_860 = arith.constant 48 : index
      %parallel_loop3A_861 = tpu.vector_load %arg11[%parallel_loop3A_858, %parallel_loop3A_859, %parallel_loop3A_860] {strides = array<i32>} : memref<2x80x128xi32, #tpu.memory_space<vmem>>, vector<16xi32>,
      %parallel_loop3A_862 = vector.bitcast %parallel_loop3A_861 : vector<16xi32> to vector<32xbf16>
      %parallel_loop3A_863 = arith.mulf %parallel_loop3A_856, %parallel_loop3A_862 : vector<32xbf16>
      %parallel_loop3A_864 = arith.addf %parallel_loop3A_850, %parallel_loop3A_863 : vector<32xbf16>
      %parallel_loop3A_865 = tpu.unpack_subelements %parallel_loop3A_864, 0 {pack_format = #tpu.pack_format<interleaved>} : vector<32xbf16> -> vector<16xf32>
      %parallel_loop3A_866 = tpu.unpack_subelements %parallel_loop3A_864, 1 {pack_format = #tpu.pack_format<interleaved>} : vector<32xbf16> -> vector<16xf32>
      %parallel_loop3A_867 = arith.constant 11 : i32
      %parallel_loop3A_868 = vector.broadcast %parallel_loop3A_867 : i32 to vector<16xi32>
      %parallel_loop3A_869 = arith.addi %parallel_loop3A_90, %parallel_loop3A_868 : vector<16xi32>
      %parallel_loop3A_870 = arith.addf %parallel_loop3A_865, %parallel_loop3A_866 : vector<16xf32>
      tpu.vector_store_idx %arg12[%parallel_loop3A_869], %parallel_loop3A_870 {add = true} : memref<10000xf32, #tpu.memory_space<vmem>>[vector<16xi32>], vector<16xf32>,
      %parallel_loop3A_871 = arith.constant 16 : i32
      %parallel_loop3A_872 = arith.muli %parallel_loop3A_82, %parallel_loop3A_871 : i32
      %parallel_loop3A_873 = arith.constant 12 : i32
      %parallel_loop3A_874 = arith.addi %parallel_loop3A_872, %parallel_loop3A_873 : i32
      %parallel_loop3A_875 = arith.constant 0 : i32
      %parallel_loop3A_876 = arith.index_cast %parallel_loop3A_875 : i32 to index
      %parallel_loop3A_877 = arith.index_cast %parallel_loop3A_874 : i32 to index
      %parallel_loop3A_878 = arith.constant 0 : index
      %parallel_loop3A_879 = tpu.vector_load %arg10[%parallel_loop3A_876, %parallel_loop3A_877, %parallel_loop3A_878] {strides = array<i32>} : memref<2x80x128xi32, #tpu.memory_space<vmem>>, vector<16xi32>,
      %parallel_loop3A_880 = vector.bitcast %parallel_loop3A_879 : vector<16xi32> to vector<32xbf16>
      %parallel_loop3A_881 = arith.constant 0 : i32
      %parallel_loop3A_882 = arith.index_cast %parallel_loop3A_881 : i32 to index
      %parallel_loop3A_883 = arith.index_cast %parallel_loop3A_874 : i32 to index
      %parallel_loop3A_884 = arith.constant 0 : index
      %parallel_loop3A_885 = tpu.vector_load %arg11[%parallel_loop3A_882, %parallel_loop3A_883, %parallel_loop3A_884] {strides = array<i32>} : memref<2x80x128xi32, #tpu.memory_space<vmem>>, vector<16xi32>,
      %parallel_loop3A_886 = vector.bitcast %parallel_loop3A_885 : vector<16xi32> to vector<32xbf16>
      %parallel_loop3A_887 = arith.mulf %parallel_loop3A_880, %parallel_loop3A_886 : vector<32xbf16>
      %parallel_loop3A_888 = arith.constant 0 : i32
      %parallel_loop3A_889 = arith.index_cast %parallel_loop3A_888 : i32 to index
      %parallel_loop3A_890 = arith.index_cast %parallel_loop3A_874 : i32 to index
      %parallel_loop3A_891 = arith.constant 16 : index
      %parallel_loop3A_892 = tpu.vector_load %arg10[%parallel_loop3A_889, %parallel_loop3A_890, %parallel_loop3A_891] {strides = array<i32>} : memref<2x80x128xi32, #tpu.memory_space<vmem>>, vector<16xi32>,
      %parallel_loop3A_893 = vector.bitcast %parallel_loop3A_892 : vector<16xi32> to vector<32xbf16>
      %parallel_loop3A_894 = arith.constant 0 : i32
      %parallel_loop3A_895 = arith.index_cast %parallel_loop3A_894 : i32 to index
      %parallel_loop3A_896 = arith.index_cast %parallel_loop3A_874 : i32 to index
      %parallel_loop3A_897 = arith.constant 16 : index
      %parallel_loop3A_898 = tpu.vector_load %arg11[%parallel_loop3A_895, %parallel_loop3A_896, %parallel_loop3A_897] {strides = array<i32>} : memref<2x80x128xi32, #tpu.memory_space<vmem>>, vector<16xi32>,
      %parallel_loop3A_899 = vector.bitcast %parallel_loop3A_898 : vector<16xi32> to vector<32xbf16>
      %parallel_loop3A_900 = arith.mulf %parallel_loop3A_893, %parallel_loop3A_899 : vector<32xbf16>
      %parallel_loop3A_901 = arith.addf %parallel_loop3A_887, %parallel_loop3A_900 : vector<32xbf16>
      %parallel_loop3A_902 = arith.constant 0 : i32
      %parallel_loop3A_903 = arith.index_cast %parallel_loop3A_902 : i32 to index
      %parallel_loop3A_904 = arith.index_cast %parallel_loop3A_874 : i32 to index
      %parallel_loop3A_905 = arith.constant 32 : index
      %parallel_loop3A_906 = tpu.vector_load %arg10[%parallel_loop3A_903, %parallel_loop3A_904, %parallel_loop3A_905] {strides = array<i32>} : memref<2x80x128xi32, #tpu.memory_space<vmem>>, vector<16xi32>,
      %parallel_loop3A_907 = vector.bitcast %parallel_loop3A_906 : vector<16xi32> to vector<32xbf16>
      %parallel_loop3A_908 = arith.constant 0 : i32
      %parallel_loop3A_909 = arith.index_cast %parallel_loop3A_908 : i32 to index
      %parallel_loop3A_910 = arith.index_cast %parallel_loop3A_874 : i32 to index
      %parallel_loop3A_911 = arith.constant 32 : index
      %parallel_loop3A_912 = tpu.vector_load %arg11[%parallel_loop3A_909, %parallel_loop3A_910, %parallel_loop3A_911] {strides = array<i32>} : memref<2x80x128xi32, #tpu.memory_space<vmem>>, vector<16xi32>,
      %parallel_loop3A_913 = vector.bitcast %parallel_loop3A_912 : vector<16xi32> to vector<32xbf16>
      %parallel_loop3A_914 = arith.mulf %parallel_loop3A_907, %parallel_loop3A_913 : vector<32xbf16>
      %parallel_loop3A_915 = arith.addf %parallel_loop3A_901, %parallel_loop3A_914 : vector<32xbf16>
      %parallel_loop3A_916 = arith.constant 0 : i32
      %parallel_loop3A_917 = arith.index_cast %parallel_loop3A_916 : i32 to index
      %parallel_loop3A_918 = arith.index_cast %parallel_loop3A_874 : i32 to index
      %parallel_loop3A_919 = arith.constant 48 : index
      %parallel_loop3A_920 = tpu.vector_load %arg10[%parallel_loop3A_917, %parallel_loop3A_918, %parallel_loop3A_919] {strides = array<i32>} : memref<2x80x128xi32, #tpu.memory_space<vmem>>, vector<16xi32>,
      %parallel_loop3A_921 = vector.bitcast %parallel_loop3A_920 : vector<16xi32> to vector<32xbf16>
      %parallel_loop3A_922 = arith.constant 0 : i32
      %parallel_loop3A_923 = arith.index_cast %parallel_loop3A_922 : i32 to index
      %parallel_loop3A_924 = arith.index_cast %parallel_loop3A_874 : i32 to index
      %parallel_loop3A_925 = arith.constant 48 : index
      %parallel_loop3A_926 = tpu.vector_load %arg11[%parallel_loop3A_923, %parallel_loop3A_924, %parallel_loop3A_925] {strides = array<i32>} : memref<2x80x128xi32, #tpu.memory_space<vmem>>, vector<16xi32>,
      %parallel_loop3A_927 = vector.bitcast %parallel_loop3A_926 : vector<16xi32> to vector<32xbf16>
      %parallel_loop3A_928 = arith.mulf %parallel_loop3A_921, %parallel_loop3A_927 : vector<32xbf16>
      %parallel_loop3A_929 = arith.addf %parallel_loop3A_915, %parallel_loop3A_928 : vector<32xbf16>
      %parallel_loop3A_930 = tpu.unpack_subelements %parallel_loop3A_929, 0 {pack_format = #tpu.pack_format<interleaved>} : vector<32xbf16> -> vector<16xf32>
      %parallel_loop3A_931 = tpu.unpack_subelements %parallel_loop3A_929, 1 {pack_format = #tpu.pack_format<interleaved>} : vector<32xbf16> -> vector<16xf32>
      %parallel_loop3A_932 = arith.constant 12 : i32
      %parallel_loop3A_933 = vector.broadcast %parallel_loop3A_932 : i32 to vector<16xi32>
      %parallel_loop3A_934 = arith.addi %parallel_loop3A_90, %parallel_loop3A_933 : vector<16xi32>
      %parallel_loop3A_935 = arith.addf %parallel_loop3A_930, %parallel_loop3A_931 : vector<16xf32>
      tpu.vector_store_idx %arg12[%parallel_loop3A_934], %parallel_loop3A_935 {add = true} : memref<10000xf32, #tpu.memory_space<vmem>>[vector<16xi32>], vector<16xf32>,
      %parallel_loop3A_936 = arith.constant 16 : i32
      %parallel_loop3A_937 = arith.muli %parallel_loop3A_82, %parallel_loop3A_936 : i32
      %parallel_loop3A_938 = arith.constant 13 : i32
      %parallel_loop3A_939 = arith.addi %parallel_loop3A_937, %parallel_loop3A_938 : i32
      %parallel_loop3A_940 = arith.constant 0 : i32
      %parallel_loop3A_941 = arith.index_cast %parallel_loop3A_940 : i32 to index
      %parallel_loop3A_942 = arith.index_cast %parallel_loop3A_939 : i32 to index
      %parallel_loop3A_943 = arith.constant 0 : index
      %parallel_loop3A_944 = tpu.vector_load %arg10[%parallel_loop3A_941, %parallel_loop3A_942, %parallel_loop3A_943] {strides = array<i32>} : memref<2x80x128xi32, #tpu.memory_space<vmem>>, vector<16xi32>,
      %parallel_loop3A_945 = vector.bitcast %parallel_loop3A_944 : vector<16xi32> to vector<32xbf16>
      %parallel_loop3A_946 = arith.constant 0 : i32
      %parallel_loop3A_947 = arith.index_cast %parallel_loop3A_946 : i32 to index
      %parallel_loop3A_948 = arith.index_cast %parallel_loop3A_939 : i32 to index
      %parallel_loop3A_949 = arith.constant 0 : index
      %parallel_loop3A_950 = tpu.vector_load %arg11[%parallel_loop3A_947, %parallel_loop3A_948, %parallel_loop3A_949] {strides = array<i32>} : memref<2x80x128xi32, #tpu.memory_space<vmem>>, vector<16xi32>,
      %parallel_loop3A_951 = vector.bitcast %parallel_loop3A_950 : vector<16xi32> to vector<32xbf16>
      %parallel_loop3A_952 = arith.mulf %parallel_loop3A_945, %parallel_loop3A_951 : vector<32xbf16>
      %parallel_loop3A_953 = arith.constant 0 : i32
      %parallel_loop3A_954 = arith.index_cast %parallel_loop3A_953 : i32 to index
      %parallel_loop3A_955 = arith.index_cast %parallel_loop3A_939 : i32 to index
      %parallel_loop3A_956 = arith.constant 16 : index
      %parallel_loop3A_957 = tpu.vector_load %arg10[%parallel_loop3A_954, %parallel_loop3A_955, %parallel_loop3A_956] {strides = array<i32>} : memref<2x80x128xi32, #tpu.memory_space<vmem>>, vector<16xi32>,
      %parallel_loop3A_958 = vector.bitcast %parallel_loop3A_957 : vector<16xi32> to vector<32xbf16>
      %parallel_loop3A_959 = arith.constant 0 : i32
      %parallel_loop3A_960 = arith.index_cast %parallel_loop3A_959 : i32 to index
      %parallel_loop3A_961 = arith.index_cast %parallel_loop3A_939 : i32 to index
      %parallel_loop3A_962 = arith.constant 16 : index
      %parallel_loop3A_963 = tpu.vector_load %arg11[%parallel_loop3A_960, %parallel_loop3A_961, %parallel_loop3A_962] {strides = array<i32>} : memref<2x80x128xi32, #tpu.memory_space<vmem>>, vector<16xi32>,
      %parallel_loop3A_964 = vector.bitcast %parallel_loop3A_963 : vector<16xi32> to vector<32xbf16>
      %parallel_loop3A_965 = arith.mulf %parallel_loop3A_958, %parallel_loop3A_964 : vector<32xbf16>
      %parallel_loop3A_966 = arith.addf %parallel_loop3A_952, %parallel_loop3A_965 : vector<32xbf16>
      %parallel_loop3A_967 = arith.constant 0 : i32
      %parallel_loop3A_968 = arith.index_cast %parallel_loop3A_967 : i32 to index
      %parallel_loop3A_969 = arith.index_cast %parallel_loop3A_939 : i32 to index
      %parallel_loop3A_970 = arith.constant 32 : index
      %parallel_loop3A_971 = tpu.vector_load %arg10[%parallel_loop3A_968, %parallel_loop3A_969, %parallel_loop3A_970] {strides = array<i32>} : memref<2x80x128xi32, #tpu.memory_space<vmem>>, vector<16xi32>,
      %parallel_loop3A_972 = vector.bitcast %parallel_loop3A_971 : vector<16xi32> to vector<32xbf16>
      %parallel_loop3A_973 = arith.constant 0 : i32
      %parallel_loop3A_974 = arith.index_cast %parallel_loop3A_973 : i32 to index
      %parallel_loop3A_975 = arith.index_cast %parallel_loop3A_939 : i32 to index
      %parallel_loop3A_976 = arith.constant 32 : index
      %parallel_loop3A_977 = tpu.vector_load %arg11[%parallel_loop3A_974, %parallel_loop3A_975, %parallel_loop3A_976] {strides = array<i32>} : memref<2x80x128xi32, #tpu.memory_space<vmem>>, vector<16xi32>,
      %parallel_loop3A_978 = vector.bitcast %parallel_loop3A_977 : vector<16xi32> to vector<32xbf16>
      %parallel_loop3A_979 = arith.mulf %parallel_loop3A_972, %parallel_loop3A_978 : vector<32xbf16>
      %parallel_loop3A_980 = arith.addf %parallel_loop3A_966, %parallel_loop3A_979 : vector<32xbf16>
      %parallel_loop3A_981 = arith.constant 0 : i32
      %parallel_loop3A_982 = arith.index_cast %parallel_loop3A_981 : i32 to index
      %parallel_loop3A_983 = arith.index_cast %parallel_loop3A_939 : i32 to index
      %parallel_loop3A_984 = arith.constant 48 : index
      %parallel_loop3A_985 = tpu.vector_load %arg10[%parallel_loop3A_982, %parallel_loop3A_983, %parallel_loop3A_984] {strides = array<i32>} : memref<2x80x128xi32, #tpu.memory_space<vmem>>, vector<16xi32>,
      %parallel_loop3A_986 = vector.bitcast %parallel_loop3A_985 : vector<16xi32> to vector<32xbf16>
      %parallel_loop3A_987 = arith.constant 0 : i32
      %parallel_loop3A_988 = arith.index_cast %parallel_loop3A_987 : i32 to index
      %parallel_loop3A_989 = arith.index_cast %parallel_loop3A_939 : i32 to index
      %parallel_loop3A_990 = arith.constant 48 : index
      %parallel_loop3A_991 = tpu.vector_load %arg11[%parallel_loop3A_988, %parallel_loop3A_989, %parallel_loop3A_990] {strides = array<i32>} : memref<2x80x128xi32, #tpu.memory_space<vmem>>, vector<16xi32>,
      %parallel_loop3A_992 = vector.bitcast %parallel_loop3A_991 : vector<16xi32> to vector<32xbf16>
      %parallel_loop3A_993 = arith.mulf %parallel_loop3A_986, %parallel_loop3A_992 : vector<32xbf16>
      %parallel_loop3A_994 = arith.addf %parallel_loop3A_980, %parallel_loop3A_993 : vector<32xbf16>
      %parallel_loop3A_995 = tpu.unpack_subelements %parallel_loop3A_994, 0 {pack_format = #tpu.pack_format<interleaved>} : vector<32xbf16> -> vector<16xf32>
      %parallel_loop3A_996 = tpu.unpack_subelements %parallel_loop3A_994, 1 {pack_format = #tpu.pack_format<interleaved>} : vector<32xbf16> -> vector<16xf32>
      %parallel_loop3A_997 = arith.constant 13 : i32
      %parallel_loop3A_998 = vector.broadcast %parallel_loop3A_997 : i32 to vector<16xi32>
      %parallel_loop3A_999 = arith.addi %parallel_loop3A_90, %parallel_loop3A_998 : vector<16xi32>
      %parallel_loop3A_1000 = arith.addf %parallel_loop3A_995, %parallel_loop3A_996 : vector<16xf32>
      tpu.vector_store_idx %arg12[%parallel_loop3A_999], %parallel_loop3A_1000 {add = true} : memref<10000xf32, #tpu.memory_space<vmem>>[vector<16xi32>], vector<16xf32>,
      %parallel_loop3A_1001 = arith.constant 16 : i32
      %parallel_loop3A_1002 = arith.muli %parallel_loop3A_82, %parallel_loop3A_1001 : i32
      %parallel_loop3A_1003 = arith.constant 14 : i32
      %parallel_loop3A_1004 = arith.addi %parallel_loop3A_1002, %parallel_loop3A_1003 : i32
      %parallel_loop3A_1005 = arith.constant 0 : i32
      %parallel_loop3A_1006 = arith.index_cast %parallel_loop3A_1005 : i32 to index
      %parallel_loop3A_1007 = arith.index_cast %parallel_loop3A_1004 : i32 to index
      %parallel_loop3A_1008 = arith.constant 0 : index
      %parallel_loop3A_1009 = tpu.vector_load %arg10[%parallel_loop3A_1006, %parallel_loop3A_1007, %parallel_loop3A_1008] {strides = array<i32>} : memref<2x80x128xi32, #tpu.memory_space<vmem>>, vector<16xi32>,
      %parallel_loop3A_1010 = vector.bitcast %parallel_loop3A_1009 : vector<16xi32> to vector<32xbf16>
      %parallel_loop3A_1011 = arith.constant 0 : i32
      %parallel_loop3A_1012 = arith.index_cast %parallel_loop3A_1011 : i32 to index
      %parallel_loop3A_1013 = arith.index_cast %parallel_loop3A_1004 : i32 to index
      %parallel_loop3A_1014 = arith.constant 0 : index
      %parallel_loop3A_1015 = tpu.vector_load %arg11[%parallel_loop3A_1012, %parallel_loop3A_1013, %parallel_loop3A_1014] {strides = array<i32>} : memref<2x80x128xi32, #tpu.memory_space<vmem>>, vector<16xi32>,
      %parallel_loop3A_1016 = vector.bitcast %parallel_loop3A_1015 : vector<16xi32> to vector<32xbf16>
      %parallel_loop3A_1017 = arith.mulf %parallel_loop3A_1010, %parallel_loop3A_1016 : vector<32xbf16>
      %parallel_loop3A_1018 = arith.constant 0 : i32
      %parallel_loop3A_1019 = arith.index_cast %parallel_loop3A_1018 : i32 to index
      %parallel_loop3A_1020 = arith.index_cast %parallel_loop3A_1004 : i32 to index
      %parallel_loop3A_1021 = arith.constant 16 : index
      %parallel_loop3A_1022 = tpu.vector_load %arg10[%parallel_loop3A_1019, %parallel_loop3A_1020, %parallel_loop3A_1021] {strides = array<i32>} : memref<2x80x128xi32, #tpu.memory_space<vmem>>, vector<16xi32>,
      %parallel_loop3A_1023 = vector.bitcast %parallel_loop3A_1022 : vector<16xi32> to vector<32xbf16>
      %parallel_loop3A_1024 = arith.constant 0 : i32
      %parallel_loop3A_1025 = arith.index_cast %parallel_loop3A_1024 : i32 to index
      %parallel_loop3A_1026 = arith.index_cast %parallel_loop3A_1004 : i32 to index
      %parallel_loop3A_1027 = arith.constant 16 : index
      %parallel_loop3A_1028 = tpu.vector_load %arg11[%parallel_loop3A_1025, %parallel_loop3A_1026, %parallel_loop3A_1027] {strides = array<i32>} : memref<2x80x128xi32, #tpu.memory_space<vmem>>, vector<16xi32>,
      %parallel_loop3A_1029 = vector.bitcast %parallel_loop3A_1028 : vector<16xi32> to vector<32xbf16>
      %parallel_loop3A_1030 = arith.mulf %parallel_loop3A_1023, %parallel_loop3A_1029 : vector<32xbf16>
      %parallel_loop3A_1031 = arith.addf %parallel_loop3A_1017, %parallel_loop3A_1030 : vector<32xbf16>
      %parallel_loop3A_1032 = arith.constant 0 : i32
      %parallel_loop3A_1033 = arith.index_cast %parallel_loop3A_1032 : i32 to index
      %parallel_loop3A_1034 = arith.index_cast %parallel_loop3A_1004 : i32 to index
      %parallel_loop3A_1035 = arith.constant 32 : index
      %parallel_loop3A_1036 = tpu.vector_load %arg10[%parallel_loop3A_1033, %parallel_loop3A_1034, %parallel_loop3A_1035] {strides = array<i32>} : memref<2x80x128xi32, #tpu.memory_space<vmem>>, vector<16xi32>,
      %parallel_loop3A_1037 = vector.bitcast %parallel_loop3A_1036 : vector<16xi32> to vector<32xbf16>
      %parallel_loop3A_1038 = arith.constant 0 : i32
      %parallel_loop3A_1039 = arith.index_cast %parallel_loop3A_1038 : i32 to index
      %parallel_loop3A_1040 = arith.index_cast %parallel_loop3A_1004 : i32 to index
      %parallel_loop3A_1041 = arith.constant 32 : index
      %parallel_loop3A_1042 = tpu.vector_load %arg11[%parallel_loop3A_1039, %parallel_loop3A_1040, %parallel_loop3A_1041] {strides = array<i32>} : memref<2x80x128xi32, #tpu.memory_space<vmem>>, vector<16xi32>,
      %parallel_loop3A_1043 = vector.bitcast %parallel_loop3A_1042 : vector<16xi32> to vector<32xbf16>
      %parallel_loop3A_1044 = arith.mulf %parallel_loop3A_1037, %parallel_loop3A_1043 : vector<32xbf16>
      %parallel_loop3A_1045 = arith.addf %parallel_loop3A_1031, %parallel_loop3A_1044 : vector<32xbf16>
      %parallel_loop3A_1046 = arith.constant 0 : i32
      %parallel_loop3A_1047 = arith.index_cast %parallel_loop3A_1046 : i32 to index
      %parallel_loop3A_1048 = arith.index_cast %parallel_loop3A_1004 : i32 to index
      %parallel_loop3A_1049 = arith.constant 48 : index
      %parallel_loop3A_1050 = tpu.vector_load %arg10[%parallel_loop3A_1047, %parallel_loop3A_1048, %parallel_loop3A_1049] {strides = array<i32>} : memref<2x80x128xi32, #tpu.memory_space<vmem>>, vector<16xi32>,
      %parallel_loop3A_1051 = vector.bitcast %parallel_loop3A_1050 : vector<16xi32> to vector<32xbf16>
      %parallel_loop3A_1052 = arith.constant 0 : i32
      %parallel_loop3A_1053 = arith.index_cast %parallel_loop3A_1052 : i32 to index
      %parallel_loop3A_1054 = arith.index_cast %parallel_loop3A_1004 : i32 to index
      %parallel_loop3A_1055 = arith.constant 48 : index
      %parallel_loop3A_1056 = tpu.vector_load %arg11[%parallel_loop3A_1053, %parallel_loop3A_1054, %parallel_loop3A_1055] {strides = array<i32>} : memref<2x80x128xi32, #tpu.memory_space<vmem>>, vector<16xi32>,
      %parallel_loop3A_1057 = vector.bitcast %parallel_loop3A_1056 : vector<16xi32> to vector<32xbf16>
      %parallel_loop3A_1058 = arith.mulf %parallel_loop3A_1051, %parallel_loop3A_1057 : vector<32xbf16>
      %parallel_loop3A_1059 = arith.addf %parallel_loop3A_1045, %parallel_loop3A_1058 : vector<32xbf16>
      %parallel_loop3A_1060 = tpu.unpack_subelements %parallel_loop3A_1059, 0 {pack_format = #tpu.pack_format<interleaved>} : vector<32xbf16> -> vector<16xf32>
      %parallel_loop3A_1061 = tpu.unpack_subelements %parallel_loop3A_1059, 1 {pack_format = #tpu.pack_format<interleaved>} : vector<32xbf16> -> vector<16xf32>
      %parallel_loop3A_1062 = arith.constant 14 : i32
      %parallel_loop3A_1063 = vector.broadcast %parallel_loop3A_1062 : i32 to vector<16xi32>
      %parallel_loop3A_1064 = arith.addi %parallel_loop3A_90, %parallel_loop3A_1063 : vector<16xi32>
      %parallel_loop3A_1065 = arith.addf %parallel_loop3A_1060, %parallel_loop3A_1061 : vector<16xf32>
      tpu.vector_store_idx %arg12[%parallel_loop3A_1064], %parallel_loop3A_1065 {add = true} : memref<10000xf32, #tpu.memory_space<vmem>>[vector<16xi32>], vector<16xf32>,
      %parallel_loop3A_1066 = arith.constant 16 : i32
      %parallel_loop3A_1067 = arith.muli %parallel_loop3A_82, %parallel_loop3A_1066 : i32
      %parallel_loop3A_1068 = arith.constant 15 : i32
      %parallel_loop3A_1069 = arith.addi %parallel_loop3A_1067, %parallel_loop3A_1068 : i32
      %parallel_loop3A_1070 = arith.constant 0 : i32
      %parallel_loop3A_1071 = arith.index_cast %parallel_loop3A_1070 : i32 to index
      %parallel_loop3A_1072 = arith.index_cast %parallel_loop3A_1069 : i32 to index
      %parallel_loop3A_1073 = arith.constant 0 : index
      %parallel_loop3A_1074 = tpu.vector_load %arg10[%parallel_loop3A_1071, %parallel_loop3A_1072, %parallel_loop3A_1073] {strides = array<i32>} : memref<2x80x128xi32, #tpu.memory_space<vmem>>, vector<16xi32>,
      %parallel_loop3A_1075 = vector.bitcast %parallel_loop3A_1074 : vector<16xi32> to vector<32xbf16>
      %parallel_loop3A_1076 = arith.constant 0 : i32
      %parallel_loop3A_1077 = arith.index_cast %parallel_loop3A_1076 : i32 to index
      %parallel_loop3A_1078 = arith.index_cast %parallel_loop3A_1069 : i32 to index
      %parallel_loop3A_1079 = arith.constant 0 : index
      %parallel_loop3A_1080 = tpu.vector_load %arg11[%parallel_loop3A_1077, %parallel_loop3A_1078, %parallel_loop3A_1079] {strides = array<i32>} : memref<2x80x128xi32, #tpu.memory_space<vmem>>, vector<16xi32>,
      %parallel_loop3A_1081 = vector.bitcast %parallel_loop3A_1080 : vector<16xi32> to vector<32xbf16>
      %parallel_loop3A_1082 = arith.mulf %parallel_loop3A_1075, %parallel_loop3A_1081 : vector<32xbf16>
      %parallel_loop3A_1083 = arith.constant 0 : i32
      %parallel_loop3A_1084 = arith.index_cast %parallel_loop3A_1083 : i32 to index
      %parallel_loop3A_1085 = arith.index_cast %parallel_loop3A_1069 : i32 to index
      %parallel_loop3A_1086 = arith.constant 16 : index
      %parallel_loop3A_1087 = tpu.vector_load %arg10[%parallel_loop3A_1084, %parallel_loop3A_1085, %parallel_loop3A_1086] {strides = array<i32>} : memref<2x80x128xi32, #tpu.memory_space<vmem>>, vector<16xi32>,
      %parallel_loop3A_1088 = vector.bitcast %parallel_loop3A_1087 : vector<16xi32> to vector<32xbf16>
      %parallel_loop3A_1089 = arith.constant 0 : i32
      %parallel_loop3A_1090 = arith.index_cast %parallel_loop3A_1089 : i32 to index
      %parallel_loop3A_1091 = arith.index_cast %parallel_loop3A_1069 : i32 to index
      %parallel_loop3A_1092 = arith.constant 16 : index
      %parallel_loop3A_1093 = tpu.vector_load %arg11[%parallel_loop3A_1090, %parallel_loop3A_1091, %parallel_loop3A_1092] {strides = array<i32>} : memref<2x80x128xi32, #tpu.memory_space<vmem>>, vector<16xi32>,
      %parallel_loop3A_1094 = vector.bitcast %parallel_loop3A_1093 : vector<16xi32> to vector<32xbf16>
      %parallel_loop3A_1095 = arith.mulf %parallel_loop3A_1088, %parallel_loop3A_1094 : vector<32xbf16>
      %parallel_loop3A_1096 = arith.addf %parallel_loop3A_1082, %parallel_loop3A_1095 : vector<32xbf16>
      %parallel_loop3A_1097 = arith.constant 0 : i32
      %parallel_loop3A_1098 = arith.index_cast %parallel_loop3A_1097 : i32 to index
      %parallel_loop3A_1099 = arith.index_cast %parallel_loop3A_1069 : i32 to index
      %parallel_loop3A_1100 = arith.constant 32 : index
      %parallel_loop3A_1101 = tpu.vector_load %arg10[%parallel_loop3A_1098, %parallel_loop3A_1099, %parallel_loop3A_1100] {strides = array<i32>} : memref<2x80x128xi32, #tpu.memory_space<vmem>>, vector<16xi32>,
      %parallel_loop3A_1102 = vector.bitcast %parallel_loop3A_1101 : vector<16xi32> to vector<32xbf16>
      %parallel_loop3A_1103 = arith.constant 0 : i32
      %parallel_loop3A_1104 = arith.index_cast %parallel_loop3A_1103 : i32 to index
      %parallel_loop3A_1105 = arith.index_cast %parallel_loop3A_1069 : i32 to index
      %parallel_loop3A_1106 = arith.constant 32 : index
      %parallel_loop3A_1107 = tpu.vector_load %arg11[%parallel_loop3A_1104, %parallel_loop3A_1105, %parallel_loop3A_1106] {strides = array<i32>} : memref<2x80x128xi32, #tpu.memory_space<vmem>>, vector<16xi32>,
      %parallel_loop3A_1108 = vector.bitcast %parallel_loop3A_1107 : vector<16xi32> to vector<32xbf16>
      %parallel_loop3A_1109 = arith.mulf %parallel_loop3A_1102, %parallel_loop3A_1108 : vector<32xbf16>
      %parallel_loop3A_1110 = arith.addf %parallel_loop3A_1096, %parallel_loop3A_1109 : vector<32xbf16>
      %parallel_loop3A_1111 = arith.constant 0 : i32
      %parallel_loop3A_1112 = arith.index_cast %parallel_loop3A_1111 : i32 to index
      %parallel_loop3A_1113 = arith.index_cast %parallel_loop3A_1069 : i32 to index
      %parallel_loop3A_1114 = arith.constant 48 : index
      %parallel_loop3A_1115 = tpu.vector_load %arg10[%parallel_loop3A_1112, %parallel_loop3A_1113, %parallel_loop3A_1114] {strides = array<i32>} : memref<2x80x128xi32, #tpu.memory_space<vmem>>, vector<16xi32>,
      %parallel_loop3A_1116 = vector.bitcast %parallel_loop3A_1115 : vector<16xi32> to vector<32xbf16>
      %parallel_loop3A_1117 = arith.constant 0 : i32
      %parallel_loop3A_1118 = arith.index_cast %parallel_loop3A_1117 : i32 to index
      %parallel_loop3A_1119 = arith.index_cast %parallel_loop3A_1069 : i32 to index
      %parallel_loop3A_1120 = arith.constant 48 : index
      %parallel_loop3A_1121 = tpu.vector_load %arg11[%parallel_loop3A_1118, %parallel_loop3A_1119, %parallel_loop3A_1120] {strides = array<i32>} : memref<2x80x128xi32, #tpu.memory_space<vmem>>, vector<16xi32>,
      %parallel_loop3A_1122 = vector.bitcast %parallel_loop3A_1121 : vector<16xi32> to vector<32xbf16>
      %parallel_loop3A_1123 = arith.mulf %parallel_loop3A_1116, %parallel_loop3A_1122 : vector<32xbf16>
      %parallel_loop3A_1124 = arith.addf %parallel_loop3A_1110, %parallel_loop3A_1123 : vector<32xbf16>
      %parallel_loop3A_1125 = tpu.unpack_subelements %parallel_loop3A_1124, 0 {pack_format = #tpu.pack_format<interleaved>} : vector<32xbf16> -> vector<16xf32>
      %parallel_loop3A_1126 = tpu.unpack_subelements %parallel_loop3A_1124, 1 {pack_format = #tpu.pack_format<interleaved>} : vector<32xbf16> -> vector<16xf32>
      %parallel_loop3A_1127 = arith.constant 15 : i32
      %parallel_loop3A_1128 = vector.broadcast %parallel_loop3A_1127 : i32 to vector<16xi32>
      %parallel_loop3A_1129 = arith.addi %parallel_loop3A_90, %parallel_loop3A_1128 : vector<16xi32>
      %parallel_loop3A_1130 = arith.addf %parallel_loop3A_1125, %parallel_loop3A_1126 : vector<16xf32>
      tpu.vector_store_idx %arg12[%parallel_loop3A_1129], %parallel_loop3A_1130 {add = true} : memref<10000xf32, #tpu.memory_space<vmem>>[vector<16xi32>], vector<16xf32>,
    } {sc.loop_unroll_factor = 1 : i64, sc.parallel_access}
    %parallel_loop3A_79 = arith.constant 0 : i32
    %parallel_loop3A_80 = arith.constant 625 : i32
    %parallel_loop3A_81 = arith.constant 1 : i32
    scf.for %parallel_loop3A_82 = %parallel_loop3A_79 to %parallel_loop3A_80 step %parallel_loop3A_81  : i32 {
      %parallel_loop3A_83 = arith.constant 16 : i32
      %parallel_loop3A_84 = arith.muli %parallel_loop3A_82, %parallel_loop3A_83 : i32
      %parallel_loop3A_85 = arith.index_cast %parallel_loop3A_84 : i32 to index
      %parallel_loop3A_86 = tpu.vector_load %arg12[%parallel_loop3A_85] {strides = array<i32>} : memref<10000xf32, #tpu.memory_space<vmem>>, vector<16xf32>,
      %parallel_loop3A_87 = arith.constant 0.000000e+00 : f32
      %parallel_loop3A_88 = vector.broadcast %parallel_loop3A_87 : f32 to vector<16xf32>
      %parallel_loop3A_89 = arith.subf %parallel_loop3A_88, %parallel_loop3A_86 : vector<16xf32>
      %parallel_loop3A_90 = math.exp %parallel_loop3A_89 : vector<16xf32>
      %parallel_loop3A_91 = arith.constant 1.000000e+00 : f32
      %parallel_loop3A_92 = vector.broadcast %parallel_loop3A_91 : f32 to vector<16xf32>
      %parallel_loop3A_93 = arith.addf %parallel_loop3A_92, %parallel_loop3A_90 : vector<16xf32>
      %parallel_loop3A_94 = arith.constant 1.000000e+00 : f32
      %parallel_loop3A_95 = vector.broadcast %parallel_loop3A_94 : f32 to vector<16xf32>
      %parallel_loop3A_96 = arith.divf %parallel_loop3A_95, %parallel_loop3A_93 : vector<16xf32>
      %parallel_loop3A_97 = arith.constant 16 : i32
      %parallel_loop3A_98 = arith.muli %parallel_loop3A_82, %parallel_loop3A_97 : i32
      %parallel_loop3A_99 = arith.index_cast %parallel_loop3A_98 : i32 to index
      %parallel_loop3A_100 = tpu.vector_load %arg12[%parallel_loop3A_99] {strides = array<i32>} : memref<10000xf32, #tpu.memory_space<vmem>>, vector<16xf32>,
      tpu.vector_store %arg12[%parallel_loop3A_99], %parallel_loop3A_96 {strides = array<i32>} : memref<10000xf32, #tpu.memory_space<vmem>>, vector<16xf32>,
    } {sc.loop_unroll_factor = 1 : i64, sc.parallel_access}
    "tpu.region"() ({
      %run_scoped3A = tpu.sem_alloc : memref<!tpu.dma_semaphore, #tpu.memory_space<semaphore_mem>>
      %dma_start3A_82 = tpu.memref_slice %arg6[%mul3A_2] : memref<320000xf32, #tpu.memory_space<hbm>> -> memref<10000xf32, #tpu.memory_space<hbm>>
      %dma_start3A_83 = tpu.memref_slice %arg6[%mul3A_2] : memref<320000xf32, #tpu.memory_space<hbm>> -> memref<10000xf32, #tpu.memory_space<hbm>>
      tpu.enqueue_dma source(%arg12 : memref<10000xf32, #tpu.memory_space<vmem>>) target(%dma_start3A_83 : memref<10000xf32, #tpu.memory_space<hbm>>) target_semaphore(%run_scoped3A : memref<!tpu.dma_semaphore, #tpu.memory_space<semaphore_mem>>)
      %dma_wait3A_84 = tpu.memref_slice %arg6[%mul3A_2] : memref<320000xf32, #tpu.memory_space<hbm>> -> memref<10000xf32, #tpu.memory_space<hbm>>
      %dma_wait3A_85 = tpu.memref_slice %arg6[%mul3A_2] : memref<320000xf32, #tpu.memory_space<hbm>> -> memref<10000xf32, #tpu.memory_space<hbm>>
      tpu.wait_dma2 semaphore(%run_scoped3A : memref<!tpu.dma_semaphore, #tpu.memory_space<semaphore_mem>>) src(%arg12 : memref<10000xf32, #tpu.memory_space<vmem>>) dst(%dma_wait3A_85 : memref<10000xf32, #tpu.memory_space<hbm>>)
      tpu.yield
    }) : () -> ()
    return
  }
}

module attributes {stable_mosaic.version = 14 : i64} {
  func.func @_tc_premul_body(%arg0: i32, %arg1: i32, %arg2: memref<2000x128xf32, #tpu.memory_space<vmem>>, %arg3: memref<9x128xf32, #tpu.memory_space<vmem>>, %arg4: memref<2000x128xi32, #tpu.memory_space<vmem>>) attributes {dimension_semantics = [#tpu.dimension_semantics<arbitrary>, #tpu.dimension_semantics<arbitrary>], iteration_bounds = array<i64: 9, 5>, scalar_prefetch = 0 : i64, scratch_operands = 0 : i64, tpu.core_type = #tpu.core_type<tc>, window_params = [{transform_indices = @transform_0, window_bounds = array<i64: 2000, 128>}, {pipeline_mode = #tpu.pipeline_mode<synchronous>, transform_indices = @transform_1, window_bounds = array<i64: 9, 128>}, {transform_indices = @transform_2, window_bounds = array<i64: 2000, 128>}]} {
    %get3A = arith.constant 0 : index
    %get3A_0 = arith.constant 0 : index
    %get3A_1 = vector.load %arg2[%get3A, %get3A_0] : memref<2000x128xf32, #tpu.memory_space<vmem>>, vector<2000x128xf32>
    %get3A_2 = arith.index_cast %arg0 : i32 to index
    %get3A_3 = arith.constant 0 : index
    %get3A_4 = vector.load %arg3[%get3A_2, %get3A_3] : memref<9x128xf32, #tpu.memory_space<vmem>>, vector<1x128xf32>
    %mul3A = vector.broadcast %get3A_4 : vector<1x128xf32> to vector<2000x128xf32>
    %mul3A_5 = arith.mulf %get3A_1, %mul3A : vector<2000x128xf32>
    %bitcast_convert_type3A = tpu.bitcast %mul3A_5 : vector<2000x128xf32> -> vector<2000x128xi32>
    %add3A = arith.constant 32767 : i32
    %add3A_6 = vector.broadcast %add3A : i32 to vector<2000x128xi32>
    %add3A_7 = arith.addi %bitcast_convert_type3A, %add3A_6 : vector<2000x128xi32>
    %shift_right_logical3A = arith.constant 16 : i32
    %shift_right_logical3A_8 = vector.broadcast %shift_right_logical3A : i32 to vector<2000x128xi32>
    %shift_right_logical3A_9 = arith.shrui %bitcast_convert_type3A, %shift_right_logical3A_8 : vector<2000x128xi32>
    %and3A = arith.constant 1 : i32
    %and3A_10 = vector.broadcast %and3A : i32 to vector<2000x128xi32>
    %and3A_11 = arith.andi %shift_right_logical3A_9, %and3A_10 : vector<2000x128xi32>
    %add3A_12 = arith.addi %add3A_7, %and3A_11 : vector<2000x128xi32>
    %shift_right_logical3A_13 = arith.constant 16 : i32
    %shift_right_logical3A_14 = vector.broadcast %shift_right_logical3A_13 : i32 to vector<2000x128xi32>
    %shift_right_logical3A_15 = arith.shrui %add3A_12, %shift_right_logical3A_14 : vector<2000x128xi32>
    %slice3A = vector.extract_strided_slice %shift_right_logical3A_15 {offsets = [0, 0], sizes = [2000, 64], strides = [1, 1]} : vector<2000x128xi32> to vector<2000x64xi32>
    %slice3A_16 = vector.extract_strided_slice %shift_right_logical3A_15 {offsets = [0, 64], sizes = [2000, 64], strides = [1, 1]} : vector<2000x128xi32> to vector<2000x64xi32>
    %shift_left3A = arith.constant 16 : i32
    %shift_left3A_17 = vector.broadcast %shift_left3A : i32 to vector<2000x64xi32>
    %shift_left3A_18 = arith.shli %slice3A_16, %shift_left3A_17 : vector<2000x64xi32>
    %or3A = arith.ori %slice3A, %shift_left3A_18 : vector<2000x64xi32>
    %bitcast_convert_type3A_19 = tpu.bitcast %or3A : vector<2000x64xi32> -> vector<2000x64xi32>
    %broadcast_in_dim3A = arith.constant 0 : i32
    %broadcast_in_dim3A_20 = vector.broadcast %broadcast_in_dim3A : i32 to vector<2000x64xi32>
    %concatenate3A = tpu.concatenate %bitcast_convert_type3A_19, %broadcast_in_dim3A_20 in 1 : vector<2000x64xi32>, vector<2000x64xi32> -> vector<2000x128xi32>
    %swap3A = arith.constant 0 : index
    %swap3A_21 = arith.constant 0 : index
    %swap3A_22 = vector.load %arg4[%swap3A, %swap3A_21] : memref<2000x128xi32, #tpu.memory_space<vmem>>, vector<2000x128xi32>
    tpu.vector_store %arg4[%swap3A, %swap3A_21], %concatenate3A {strides = array<i32>} : memref<2000x128xi32, #tpu.memory_space<vmem>>, vector<2000x128xi32>,
    return
  }
  func.func @transform_0(%arg0: i32, %arg1: i32) -> (i32, i32) {
    %c0_i32 = arith.constant 0 : i32
    %c0_i32_0 = arith.constant 0 : i32
    return %arg1, %c0_i32 : i32, i32
  }
  func.func @transform_1(%arg0: i32, %arg1: i32) -> (i32, i32) {
    %c0_i32 = arith.constant 0 : i32
    %c0_i32_0 = arith.constant 0 : i32
    %c0_i32_1 = arith.constant 0 : i32
    return %c0_i32, %c0_i32_0 : i32, i32
  }
  func.func @transform_2(%arg0: i32, %arg1: i32) -> (i32, i32) {
    %mul3A = arith.constant 5 : i32
    %mul3A_0 = arith.muli %arg0, %mul3A : i32
    %add3A = arith.addi %mul3A_0, %arg1 : i32
    %c0_i32 = arith.constant 0 : i32
    %c0_i32_1 = arith.constant 0 : i32
    return %add3A, %c0_i32 : i32, i32
  }
}

</mosaic_0001>

<sc_bundles>
// kernel: _dist_mul_sc.4.cloned.1.call-start
scs
__scs_entry_jumppad:
0x0: {  	(pc) =	sbr.rel $0x88, $3  }
0x1: {  	(tag) =	ssettag $0x0;
	lr =	simm.s32 $0x1  }
0x2: {  	[smem:$0x3F9C] =	sst lr;
	_ =	strace $0xD0000000  }
0x3: {  	_ = 	snop  }
0x4: {  	_ = 	snop  }
0x5: {  	_ = 	snop  }
0x6: {  	_ = 	snop  }
0x7: {  	_ = 	snop  }
__scs_overlays_trampoline_lowered:
0x8: {  	[smem:$0x3FAB] =	sst s0  }
0x9: {  	[smem:$0x3FAC] =	sst s1  }
0xa: {  	[smem:$0x3FAD] =	sst s2  }
0xb: {  	[smem:$0x3FAE] =	sst s3  }
0xc: {  	[smem:$0x3FAF] =	sst s4  }
0xd: {  	[smem:$0x3FB0] =	sst s5  }
0xe: {  	[smem:$0x3FB1] =	sst s6  }
0xf: {  	[smem:$0x3FB2] =	sst s7  }
0x10: {  	[smem:$0x3FB3] =	sst s8  }
0x11: {  	[smem:$0x3FB4] =	sst s9;
	s0 =	simm.s32 @!p0 $0x0  }
0x12: {  	s1 =	sld [smem:$0x3F9A];
	s0 =	simm.s32 @p0 $0x1  }
0x13: {  	[smem:$0x3FB5] =	sst s0;
	s0 =	simm.s32 @!p1 $0x0  }
0x14: {  	s2 =	sld [smem:$0x3F99];
	s0 =	simm.s32 @p1 $0x1  }
0x15: {  	[smem:$0x3FB6] =	sst s0;
	s0 =	simm.s32 @!p2 $0x0  }
0x16: {  	s3 =	sld [smem:$0x3FDB];
	s0 =	simm.s32 @p2 $0x1  }
0x17: {  	s4 =	simm.s32 $0x1BF5;
	[smem:$0x3FB8] =	sst s0  }
0x18: {  	s0 =	sld [smem:$0x3F9B];
	_ =	swait.ge [sflag:s4], $0x0  }
0x19: {  	s7 =	sld [smem:$0x3F9C]  }
0x1a: {  	s8 =	sadd.s32 $0xFFFFE003, lr  }
0x1b: {  	s9 =	sadd.s32 $0xFFFFFEF7, lr;
	s5 =	simm.s32 $0xFFFFFFFF;
	p2 =	slt.u32 s8, $0xFFFFF086  }
0x1c: {  	p1 =	slt.u32 s9, $0xF7A;
	s5 =	simm.s32 @!p2 $0x0  }
0x1d: {  	s5 =	simm.s32 @p1 $0x1;
	p0 =	seq.s32 s7, s2  }
0x1e: {  	s7 =	smul.u32 @!p0 $0xF7A, s2;
	p2 =	seq.s32 @!p0 s5, $0x0  }
0x1f: {  	s9 =	smul.u32 $0xF7A, s1;
	s8 =	simm.s32 @!p0 $0x1BF5;
	p2 =	por !p2, p0  }
0x20: {  	[sflag:s8] =	ssyncset.s32 @!p0 $0xFFFFF086;
	s6 =	sadd.s32 @!p0 s3, s7;
	s7 =	simm.s32 @!p0 $0x108  }
0x21: {  	s3 =	sadd.s32 s3, s9;
	s6 =	sadd.s32 @!p0 $0x88, s6;
	s7 =	simm.s32 @p2 $0x1082  }
0x22: {  	[simem:s7], [sflag:s8] =	dma.local @!p0 [hbm:s6], $0xF7A  }
0x23: {  	s9 =	sor.u32 $0xD0000000, s2;
	s6 =	simm.s32 $0x108;
	_ =	swait.ge @!p0 [sflag:s8], $0x0  }
0x24: {  	s3 =	sadd.s32 $0x88, s3;
	s6 =	simm.s32 @!p1 $0x1082;
	[sflag:s4] =	ssyncset.s32 $0xFFFFF086  }
0x25: {  	[simem:s6], [sflag:s4] =	dma.local [hbm:s3], $0xF7A  }
0x26: {  	[smem:$0x3F9C] =	sst s1;
	(tag) =	ssettag s2;
	_ =	strace s9  }
0x27: {  	s1 =	sld [smem:$0x3FAC]  }
0x28: {  	s2 =	sld [smem:$0x3FAD]  }
0x29: {  	s4 =	sld [smem:$0x3FAF]  }
0x2a: {  	p0 =	seq.s32 s5, $0x0;
	s5 =	sld [smem:$0x3FB0]  }
0x2b: {  	s6 =	sld [smem:$0x3FB1]  }
0x2c: {  	s7 =	sld [smem:$0x3FB2]  }
0x2d: {  	s3 =	simm.s32 $0x108;
	s8 =	sld [smem:$0x3FB3]  }
0x2e: {  	s3 =	simm.s32 @!p0 $0x1082;
	s9 =	sld [smem:$0x3FB4]  }
0x2f: {  	lr =	sadd.s32 s0, s3;
	s0 =	sld [smem:$0x3FAB]  }
0x30: {  	s3 =	sld [smem:$0x3FAE]  }
0x31: {  	[smem:$0x3FB7] =	sst s10  }
0x32: {  	s10 =	sld [smem:$0x3FB5];
	_ =	sdelay $0x3  }
0x33: {  	p0 =	seq.s32 s10, $0x1;
	s10 =	sld [smem:$0x3FB7];
	_ =	sdelay $0x3  }
0x34: {  	[smem:$0x3FB7] =	sst s10  }
0x35: {  	s10 =	sld [smem:$0x3FB6];
	_ =	sdelay $0x3  }
0x36: {  	p1 =	seq.s32 s10, $0x1;
	s10 =	sld [smem:$0x3FB7];
	_ =	sdelay $0x3  }
0x37: {  	[smem:$0x3FB7] =	sst s10  }
0x38: {  	s10 =	sld [smem:$0x3FB8]  }
0x39: {  	_ = 	snop;
	(pc) =	sbr.ind lr, $3  }
0x3a: {  	_ = 	snop  }
0x3b: {  	_ = 	snop  }
0x3c: {  	p2 =	seq.s32 s10, $0x1;
	s10 =	sld [smem:$0x3FB7]  }
0x3d: {  	_ =	shalt  }
0x3e: {  	_ =	shalt  }
0x3f: {  	_ =	shalt  }
0x40: {  	_ =	shalt  }
0x41: {  	_ =	shalt  }
0x42: {  	_ =	shalt  }
0x43: {  	_ =	shalt  }
0x44: {  	_ =	shalt  }
0x45: {  	_ =	shalt  }
0x46: {  	_ =	shalt  }
0x47: {  	_ =	shalt  }
0x48: {  	_ =	shalt  }
0x49: {  	_ =	shalt  }
0x4a: {  	_ =	shalt  }
0x4b: {  	_ =	shalt  }
0x4c: {  	_ =	shalt  }
0x4d: {  	_ =	shalt  }
0x4e: {  	_ =	shalt  }
0x4f: {  	_ =	shalt  }
0x50: {  	_ =	shalt  }
0x51: {  	_ =	shalt  }
0x52: {  	_ =	shalt  }
0x53: {  	_ =	shalt  }
0x54: {  	_ =	shalt  }
0x55: {  	_ =	shalt  }
0x56: {  	_ =	shalt  }
0x57: {  	_ =	shalt  }
0x58: {  	_ =	shalt  }
0x59: {  	_ =	shalt  }
0x5a: {  	_ =	shalt  }
0x5b: {  	_ =	shalt  }
0x5c: {  	_ =	shalt  }
0x5d: {  	_ =	shalt  }
0x5e: {  	_ =	shalt  }
0x5f: {  	_ =	shalt  }
0x60: {  	_ =	shalt  }
0x61: {  	_ =	shalt  }
0x62: {  	_ =	shalt  }
0x63: {  	_ =	shalt  }
0x64: {  	_ =	shalt  }
0x65: {  	_ =	shalt  }
0x66: {  	_ =	shalt  }
0x67: {  	_ =	shalt  }
0x68: {  	_ =	shalt  }
0x69: {  	_ =	shalt  }
0x6a: {  	_ =	shalt  }
0x6b: {  	_ =	shalt  }
0x6c: {  	_ =	shalt  }
0x6d: {  	_ =	shalt  }
0x6e: {  	_ =	shalt  }
0x6f: {  	_ =	shalt  }
0x70: {  	_ =	shalt  }
0x71: {  	_ =	shalt  }
0x72: {  	_ =	shalt  }
0x73: {  	_ =	shalt  }
0x74: {  	_ =	shalt  }
0x75: {  	_ =	shalt  }
0x76: {  	_ =	shalt  }
0x77: {  	_ =	shalt  }
0x78: {  	_ =	shalt  }
0x79: {  	_ =	shalt  }
0x7a: {  	_ =	shalt  }
0x7b: {  	_ =	shalt  }
0x7c: {  	_ =	shalt  }
0x7d: {  	_ =	shalt  }
0x7e: {  	_ =	shalt  }
0x7f: {  	_ =	shalt  }
0x80: {  	_ =	shalt  }
0x81: {  	_ =	shalt  }
0x82: {  	_ =	shalt  }
0x83: {  	_ =	shalt  }
0x84: {  	_ =	shalt  }
0x85: {  	_ =	shalt  }
0x86: {  	_ =	shalt  }
0x87: {  	_ =	shalt  }
.Lfunc_end0:
.L_simem_size_0:
called_computation_lowered:
.L_overlay_start_0:
0x88: {  	s2 =	sld [smem:$0x3FD9]  }
0x89: {  	s3 =	sld [smem:$0x3FFE];
	_ =	sdelay $0x1  }
0x8a: {  	s1 =	srdreg.scid  }
0x8b: {  	s0 =	sand.u32 $0x1, s1  }
0x8c: {  	s17 =	sshll.u32 s0, $0xA;
	s2 =	sadd.s32 s3, s2  }
0x8d: {  	s2 =	sadd.s32 s2, s17  }
0x8e: {  	[smem:$0x3FC3] =	sst s2  }
0x8f: {  	_ = 	snop  }
0x90: {  	s2 =	sld [smem:$0x3FC8]  }
0x91: {  	s18 =	sld [smem:$0x3FC7]  }
0x92: {  	s4 =	sld [smem:$0x3FC6]  }
0x93: {  	s5 =	sld [smem:$0x3FD0];
	(tm) =	ssettm $0x1  }
0x94: {  	s6 =	sld [smem:$0x3FFB];
	_ =	sdelay $0x3  }
0x95: {  	_ =	strace s6  }
0x96: {  	s6 =	sld [smem:$0x3FFC];
	_ =	sdelay $0x3  }
0x97: {  	_ =	strace s6  }
0x98: {  	s6 =	sld [smem:$0x3FFD];
	_ =	sdelay $0x3  }
0x99: {  	_ =	strace s6  }
0x9a: {  	_ =	strace $0x8FFFFFFF  }
0x9b: {  	s19 =	sld [smem:$0x3FDB];
	_ =	sdelay $0x1  }
0x9c: {  	s7 =	simm.s32 $_scs_section_size  }
0x9d: {  	s8 =	simm.s32 $_size__tile_overlayer_lowered;
	s9 =	simm.s32 $_tile_overlayer_lowered  }
0x9e: {  	s22 =	simm.s32 $0x1BFF;
	s21 =	sshll.u32 s9, $0x1;
	s6 =	sadd.s32 s7, s19  }
0x9f: {  	s10 =	simm.s32 $0x0;
	s20 =	sshll.u32 s8, $0x1;
	s8 =	sadd.s32 s21, s6  }
0xa0: {  	[timem:s10], [sflag:s22] =	dma.local [hbm:s8], s20  }
0xa1: {  	_ =	swait.ge [sflag:s22], s20  }
0xa2: {  	s7 =	ssub.s32 $0x0, s20;
	[sflag:s22] =	ssyncset.done $0x0  }
0xa3: {  	[sflag:s22] =	ssyncadd.s32 s7;
	_ =	sdelay $0x1  }
0xa4: {  	s23 =	simm.s32 $0x1B8B  }
0xa5: {  	_ =	swait.ge [sflag:s23], $0x1  }
0xa6: {  	[sflag:s23] =	ssyncset.done $0x0  }
0xa7: {  	s25 =	simm.s32 $0x1B8E;
	s24 =	sld [smem:$0x3FFE];
	[sflag:s23] =	ssyncadd.s32 $0xFFFFFFFF  }
0xa8: {  	s26 =	simm.s32 $execute0_lowered;
	[smem:$0x3FD2] =	sst s25  }
0xa9: {  	s8 =	sshll.u32 s26, $0x1;
	_ =	strace $0x80000046;
	[dreg:$0x1] =	wrdreg $0xFFFFFFFF  }
0xaa: {  	s28 =	simm.s32 $_size_execute0_lowered;
	s6 =	sadd.s32 s6, s8;
	[dreg:$0x0] =	wrdreg $0x0  }
0xab: {  	s8 =	sshll.u32 s28, $0x1;
	[dreg:$0x2] =	wrdreg s6  }
0xac: {  	[dreg:$0x3] =	wrdreg s8  }
0xad: {  	[dreg:$0x4] =	wrdreg $0xC0  }
0xae: {  	_ =	task [dreg:s10], $0x5FFFF  }
0xaf: {  	[dreg:$0x1] =	wrdreg $0xFFFFFFFF  }
0xb0: {  	[dreg:$0x0] =	wrdreg $0x60  }
0xb1: {  	[dreg:$0x2] =	wrdreg s24  }
0xb2: {  	[dreg:$0x3] =	wrdreg s2  }
0xb3: {  	[dreg:$0x4] =	wrdreg s18  }
0xb4: {  	[dreg:$0x5] =	wrdreg s4  }
0xb5: {  	[dreg:$0x6] =	wrdreg s5  }
0xb6: {  	[dreg:$0x7] =	wrdreg $0x9  }
0xb7: {  	_ =	task.clear_ibuf [dreg:s10], $0x8FFFF;
	_ =	strace $0x90000046  }
0xb8: {  	s29 =	simm.s32 $0x9;
	_ =	strace $0x80000048  }
0xb9: {  	_ =	swait.ge [sflag:s29], $0x1  }
0xba: {  	[sflag:s29] =	ssyncadd.s32 $0xFFFFFFFF  }
0xbb: {  	_ =	strace $0x90000048  }
0xbc: {  	_ =	sfence  }
0xbd: {  	s30 =	sld [smem:$0x0];
	_ =	sdelay $0x2  }
0xbe: {  	s31 =	sshll.u32 s1, $0xD;
	s1 =	sshrl.u32 s1, $0x2  }
0xbf: {  	s3 =	sand.u32 $0x4000, s31;
	s1 =	sadd.s32 s1, s30  }
0xc0: {  	s0 =	sor.u32 s3, s0;
	s1 =	sshll.u32 s1, $0x11  }
0xc1: {  	s0 =	sor.u32 s1, s0  }
0xc2: {  	s0 =	sadd.s32 $0x8F2B, s0  }
0xc3: {  	[sflag:s0] =	ssyncadd.remote.s32 $0x1  }
0xc4: {  	_ =	sfence.sel $0xFFFF  }
0xc5: {  	[dreg:$0x0] =	wrdreg $0xFFFFFFFF;
	(pc) =	sbr.abs _section_cstart, $3  }
0xc6: {  	[dreg:$0x1] =	wrdreg $0xFFFFFFFF  }
0xc7: {  	_ =	task.clear_ibuf [dreg:s10], $0x2FFFF;
	_ =	strace $0x9FFFFFFF  }
0xc8: {  	(tm) =	ssettm $0x7FFFFFFF  }
0xc9: {  	_ =	shalt  }
tec
execute0_lowered:
.L_overlay_start_1:
0x0: {  	(tag) =	ssettag $0x1  }
0x1: {  	s0 =	rddreg [dreg:$0x0]  }
0x2: {  	s1 =	rddreg [dreg:$0x1]  }
0x3: {  	s5 =	rddreg [dreg:$0x2]  }
0x4: {  	s6 =	rddreg [dreg:$0x3]  }
0x5: {  	s2 =	srdreg.scid;
	s4 =	stileid.u32  }
0x6: {  	s7 =	rddreg [dreg:$0x4];
	s11 =	simm.s32 $0x2780;
	s12 =	simm.s32 $0x7680  }
0x7: {  	s13 =	simm.s32 $0xC680;
	s14 =	simm.s32 $0x1;
	s15 =	simm.s32 $0x3  }
0x8: {  	s16 =	simm.s32 $0x50;
	s17 =	simm.s32 $0x9E80;
	s18 =	simm.s32 $0xEE80  }
0x9: {  	s19 =	simm.s32 $0x11680;
	s20 =	simm.s32 $0x2;
	s21 =	simm.s32 $0x4  }
0xa: {  	s22 =	simm.s32 $0x0;
	s3 =	sand.u32 $0x1, s2;
	s4 =	sshll.u32 s4, $0x1  }
0xb: {  	s2 =	simm.s32 $0x0;
	s4 =	sor.u32 s3, s4;
	s8 =	ssub.s32 $0x2, s3  }
0xc: {  	[smem:$0x7FF] =	sst s2;
	s9 =	smul.u32 $0x4E2, s4;
	s30 =	sshrl.u32 s8, $0x1  }
0xd: {  	s3 =	sadd.s32 $0x600, s0;
	_ =	strace $0x80000047;
	s31 =	ssub.s32 s8, s30  }
0xe: {  	s4 =	sadd.s32 s1, s9;
	s5 =	sadd.s32 s5, s9;
	s6 =	sadd.s32 s6, s9  }
0xf: {  	v0 =	vimm.f32 $0.0e+00;
	s7 =	sadd.s32 s7, s9;
	s8 =	smax.u32 s31, $0x1;
	s9 =	simm.s32 $0x5  }
.LBB2_1:
0x10: {  	[tilespmem:s2], [sflag:$0x5] =	stream.linear.gather [hbm4b:s4+s2], $0x2710, $0x38;
	[tilespmem:$0x13E00] =	vst v63  }
0x11: {  	_ =	swait.ge [sflag:s9], $0x2710  }
0x12: {  	[sflag:s9] =	ssyncset.done $0x0  }
0x13: {  	[sflag:s9] =	ssyncadd.s32 $0xFFFFD8F0  }
0x14: {  	[tilespmem:s11], [sflag:$0x5] =	stream.linear.gather [hbm4b:s5+s2], $0x2710, $0x38;
	[tilespmem:$0x13E00] =	vst v63  }
0x15: {  	_ =	swait.ge [sflag:s9], $0x2710  }
0x16: {  	[sflag:s9] =	ssyncset.done $0x0  }
0x17: {  	s0 =	simm.s32 $0x4F00;
	[sflag:s9] =	ssyncadd.s32 $0xFFFFD8F0  }
0x18: {  	[tilespmem:s0], [sflag:$0x5] =	stream.linear.gather [hbm4b:s6+s2], $0x2710, $0x38;
	[tilespmem:$0x13E00] =	vst v63  }
0x19: {  	_ =	swait.ge [sflag:s9], $0x2710  }
0x1a: {  	[sflag:s9] =	ssyncset.done $0x0  }
0x1b: {  	s0 =	simm.s32 $0x0;
	[sflag:s9] =	ssyncadd.s32 $0xFFFFD8F0  }
0x1c: {  	v1 =	vld [tilespmem:s0+$0x4F00];
	_ =	sdelay $0x1  }
0x1d: {  	v3 =	vld [tilespmem:s0+$0x0]  }
0x1e: {  	v2 =	vld [tilespmem:s0+$0x2780];
	_ =	sdelay $0x1  }
0x1f: {  	v4 =	vmul.u32 $0x2710, v1  }
0x20: {  	s1 =	simm.s32 $0x10  }
0x21: {  	s10 =	simm.s32 $0x80;
	v1 =	vld [tilespmem:s1+$0x4F00];
	v3 =	vadd.s32 v3, v4  }
.LBB2_2:
0x22: {  	p0 =	sne.s32 s10, $0x9C00;
	[tilespmem:s0+$0x0] =	vst v3;
	v2 =	vadd.s32 $0x13880, v2  }
0x23: {  	v3 =	vld [tilespmem:s1+$0x0];
	[tilespmem:s0+$0x2780] =	vst v2;
	s0 =	smov.u32 s1  }
.Ltmp0:
0x24: {  	v2 =	vld [tilespmem:s0+$0x2780];
	(pc) =	sbr.rel @p0 .LBB2_2-.Ltmp0, $4  }
0x25: {  	_ = 	snop  }
0x26: {  	v4 =	vmul.u32 $0x2710, v1  }
0x27: {  	s1 =	sshra.s32 s10, $0x2  }
0x28: {  	s10 =	sadd.s32 $0x40, s10;
	v1 =	vld [tilespmem:s1+$0x4F00];
	v3 =	vadd.s32 v3, v4  }
0x29: {  	[tilespmem:s0+$0x0] =	vst v3;
	v2 =	vadd.s32 $0x13880, v2  }
0x2a: {  	v3 =	vld [tilespmem:s1+$0x0];
	[tilespmem:s0+$0x2780] =	vst v2  }
0x2b: {  	v2 =	vld [tilespmem:s1+$0x2780];
	_ =	sdelay $0x1  }
0x2c: {  	v1 =	vmul.u32 $0x2710, v1;
	_ =	sdelay $0x1  }
0x2d: {  	v1 =	vadd.s32 v3, v1  }
0x2e: {  	[tilespmem:s1+$0x0] =	vst v1;
	v1 =	vadd.s32 $0x13880, v2  }
0x2f: {  	s23 =	simm.s32 $0x50;
	s24 =	simm.s32 $0x0;
	[tilespmem:s1+$0x2780] =	vst v1  }
0x30: {  	[tilespmem:s12], [sflag:$0x1] =	stream.indirect.gather [hbm4b:s3+s23], $0x80, s24, s23, $0xb8;
	[tilespmem:$0x13E00] =	vst v63  }
0x31: {  	s25 =	simm.s32 $0x11680;
	s26 =	simm.s32 $0x116D0;
	s28 =	simm.s32 $0x0  }
0x32: {  	[tilespmem:s13], [sflag:$0x3] =	stream.indirect.gather [hbm4b:s3+s23], $0x80, s11, s23, $0xb8;
	[tilespmem:$0x13E00] =	vst v63  }
.LBB2_4:
0x33: {  	_ =	swait.ge [sflag:s14], $0x2800  }
0x34: {  	[sflag:s14] =	ssyncset.done $0x0  }
0x35: {  	[sflag:s14] =	ssyncadd.s32 $0xFFFFD800  }
0x36: {  	s29 =	smul.u32 $0xA0, s28;
	_ =	swait.ge [sflag:s15], $0x2800  }
0x37: {  	[sflag:s15] =	ssyncset.done $0x0  }
0x38: {  	s0 =	sadd.s32 $0x50, s29;
	[sflag:s15] =	ssyncadd.s32 $0xFFFFD800  }
0x39: {  	[tilespmem:s17], [sflag:$0x2] =	stream.indirect.gather [hbm4b:s3+s16], $0x80, s0, s16, $0xb8;
	[tilespmem:$0x13E00] =	vst v63  }
0x3a: {  	s11 =	sadd.s32 $0x27D0, s29  }
0x3b: {  	[tilespmem:s18], [sflag:$0x4] =	stream.indirect.gather [hbm4b:s3+s16], $0x80, s11, s16, $0xb8;
	[tilespmem:$0x13E00] =	vst v63  }
0x3c: {  	s30 =	simm.s32 $0x7B0;
	[tilespmem:s25+$0x0] =	vst v0  }
0x3d: {  	v1 =	vld [tilespmem:s30+$0x6ED0]  }
0x3e: {  	v2 =	vld [tilespmem:s30+$0xBED0]  }
0x3f: {  	v3 =	vld [tilespmem:s30+$0x6EE0]  }
0x40: {  	v4 =	vld [tilespmem:s30+$0xBEE0]  }
0x41: {  	v5 =	vld [tilespmem:s30+$0x6EF0]  }
0x42: {  	v6 =	vld [tilespmem:s30+$0xBEF0]  }
0x43: {  	v7 =	vld [tilespmem:s30+$0x6F00]  }
0x44: {  	v8 =	vld [tilespmem:s30+$0xBF00]  }
0x45: {  	v1 =	vmul.bf16 v2, v1;
	v2 =	vmul.bf16 v4, v3;
	_ =	sdelay $0x1  }
0x46: {  	v1 =	vadd.bf16 v2, v1;
	v2 =	vmul.bf16 v6, v5;
	_ =	sdelay $0x1  }
0x47: {  	v3 =	vmul.bf16 v8, v7;
	v2 =	vadd.bf16 v2, v1;
	_ =	sdelay $0x1  }
0x48: {  	v1 =	vmov s24;
	v2 =	vadd.bf16 v3, v2;
	_ =	sdelay $0x1  }
0x49: {  	v3 =	vunpack.i.u.bf16.f32 v2;
	v2 =	vunpack.i.l.bf16.f32 v2  }
0x4a: {  	v2 =	vadd.f32 v2, v3;
	_ =	sdelay $0x1  }
0x4b: {  	[tilespmem:v1+s19+$0x0] =	vst.idx.add.f32.msk $0xffff, v2  }
0x4c: {  	v2 =	vld [tilespmem:s30+$0x6F50]  }
0x4d: {  	v3 =	vld [tilespmem:s30+$0xBF50]  }
0x4e: {  	v4 =	vld [tilespmem:s30+$0x6F60]  }
0x4f: {  	v5 =	vld [tilespmem:s30+$0xBF60]  }
0x50: {  	v6 =	vld [tilespmem:s30+$0x6F70]  }
0x51: {  	v7 =	vld [tilespmem:s30+$0xBF70]  }
0x52: {  	v8 =	vld [tilespmem:s30+$0x6F80]  }
0x53: {  	v9 =	vld [tilespmem:s30+$0xBF80]  }
0x54: {  	v2 =	vmul.bf16 v3, v2;
	v3 =	vmul.bf16 v5, v4;
	_ =	sdelay $0x1  }
0x55: {  	v4 =	vmul.bf16 v7, v6;
	v2 =	vadd.bf16 v3, v2;
	_ =	sdelay $0x1  }
0x56: {  	v3 =	vmul.bf16 v9, v8;
	v2 =	vadd.bf16 v4, v2;
	_ =	sdelay $0x1  }
0x57: {  	v4 =	vor.u32 $0x1, v1;
	v2 =	vadd.bf16 v3, v2;
	_ =	sdelay $0x1  }
0x58: {  	v3 =	vunpack.i.u.bf16.f32 v2;
	v2 =	vunpack.i.l.bf16.f32 v2  }
0x59: {  	v2 =	vadd.f32 v2, v3;
	_ =	sdelay $0x1  }
0x5a: {  	[tilespmem:v4+s19+$0x0] =	vst.idx.add.f32.msk $0xffff, v2  }
0x5b: {  	v2 =	vld [tilespmem:s30+$0x6FD0]  }
0x5c: {  	v3 =	vld [tilespmem:s30+$0xBFD0]  }
0x5d: {  	v4 =	vld [tilespmem:s30+$0x6FE0]  }
0x5e: {  	v5 =	vld [tilespmem:s30+$0xBFE0]  }
0x5f: {  	v6 =	vld [tilespmem:s30+$0x6FF0]  }
0x60: {  	v7 =	vld [tilespmem:s30+$0xBFF0]  }
0x61: {  	v8 =	vld [tilespmem:s30+$0x7000]  }
0x62: {  	v9 =	vld [tilespmem:s30+$0xC000]  }
0x63: {  	v2 =	vmul.bf16 v3, v2;
	v3 =	vmul.bf16 v5, v4;
	_ =	sdelay $0x1  }
0x64: {  	v2 =	vadd.bf16 v3, v2;
	v3 =	vmul.bf16 v7, v6;
	_ =	sdelay $0x1  }
0x65: {  	v2 =	vadd.bf16 v3, v2;
	v3 =	vmul.bf16 v9, v8;
	_ =	sdelay $0x1  }
0x66: {  	v2 =	vadd.bf16 v3, v2;
	v3 =	vor.u32 $0x2, v1;
	_ =	sdelay $0x1  }
0x67: {  	v4 =	vunpack.i.u.bf16.f32 v2;
	v2 =	vunpack.i.l.bf16.f32 v2  }
0x68: {  	v2 =	vadd.f32 v2, v4;
	_ =	sdelay $0x1  }
0x69: {  	[tilespmem:v3+s19+$0x0] =	vst.idx.add.f32.msk $0xffff, v2  }
0x6a: {  	v2 =	vld [tilespmem:s30+$0x7050]  }
0x6b: {  	v3 =	vld [tilespmem:s30+$0xC050]  }
0x6c: {  	v4 =	vld [tilespmem:s30+$0x7060]  }
0x6d: {  	v5 =	vld [tilespmem:s30+$0xC060]  }
0x6e: {  	v6 =	vld [tilespmem:s30+$0x7070]  }
0x6f: {  	v7 =	vld [tilespmem:s30+$0xC070]  }
0x70: {  	v8 =	vld [tilespmem:s30+$0x7080]  }
0x71: {  	v9 =	vld [tilespmem:s30+$0xC080]  }
0x72: {  	v2 =	vmul.bf16 v3, v2;
	v3 =	vmul.bf16 v5, v4;
	_ =	sdelay $0x1  }
0x73: {  	v2 =	vadd.bf16 v3, v2;
	v3 =	vmul.bf16 v7, v6;
	_ =	sdelay $0x1  }
0x74: {  	v2 =	vadd.bf16 v3, v2;
	v3 =	vmul.bf16 v9, v8;
	_ =	sdelay $0x1  }
0x75: {  	v2 =	vadd.bf16 v3, v2;
	v3 =	vor.u32 $0x3, v1;
	_ =	sdelay $0x1  }
0x76: {  	v4 =	vunpack.i.u.bf16.f32 v2;
	v2 =	vunpack.i.l.bf16.f32 v2  }
0x77: {  	v2 =	vadd.f32 v2, v4;
	_ =	sdelay $0x1  }
0x78: {  	[tilespmem:v3+s19+$0x0] =	vst.idx.add.f32.msk $0xffff, v2  }
0x79: {  	v2 =	vld [tilespmem:s30+$0x70D0]  }
0x7a: {  	v3 =	vld [tilespmem:s30+$0xC0D0]  }
0x7b: {  	v4 =	vld [tilespmem:s30+$0x70E0]  }
0x7c: {  	v5 =	vld [tilespmem:s30+$0xC0E0]  }
0x7d: {  	v6 =	vld [tilespmem:s30+$0x70F0]  }
0x7e: {  	v7 =	vld [tilespmem:s30+$0xC0F0]  }
0x7f: {  	v8 =	vld [tilespmem:s30+$0x7100]  }
0x80: {  	v9 =	vld [tilespmem:s30+$0xC100]  }
0x81: {  	v2 =	vmul.bf16 v3, v2;
	v3 =	vmul.bf16 v5, v4;
	_ =	sdelay $0x1  }
0x82: {  	v2 =	vadd.bf16 v3, v2;
	v3 =	vmul.bf16 v7, v6;
	_ =	sdelay $0x1  }
0x83: {  	v2 =	vadd.bf16 v3, v2;
	v3 =	vmul.bf16 v9, v8;
	_ =	sdelay $0x1  }
0x84: {  	v2 =	vadd.bf16 v3, v2;
	v3 =	vor.u32 $0x4, v1;
	_ =	sdelay $0x1  }
0x85: {  	v4 =	vunpack.i.u.bf16.f32 v2;
	v2 =	vunpack.i.l.bf16.f32 v2  }
0x86: {  	v2 =	vadd.f32 v2, v4;
	_ =	sdelay $0x1  }
0x87: {  	[tilespmem:v3+s19+$0x0] =	vst.idx.add.f32.msk $0xffff, v2  }
0x88: {  	v2 =	vld [tilespmem:s30+$0x7150]  }
0x89: {  	v3 =	vld [tilespmem:s30+$0xC150]  }
0x8a: {  	v4 =	vld [tilespmem:s30+$0x7160]  }
0x8b: {  	v5 =	vld [tilespmem:s30+$0xC160]  }
0x8c: {  	v6 =	vld [tilespmem:s30+$0x7170]  }
0x8d: {  	v7 =	vld [tilespmem:s30+$0xC170]  }
0x8e: {  	v8 =	vld [tilespmem:s30+$0x7180]  }
0x8f: {  	v9 =	vld [tilespmem:s30+$0xC180]  }
0x90: {  	v2 =	vmul.bf16 v3, v2;
	v3 =	vmul.bf16 v5, v4;
	_ =	sdelay $0x1  }
0x91: {  	v2 =	vadd.bf16 v3, v2;
	v3 =	vmul.bf16 v7, v6;
	_ =	sdelay $0x1  }
0x92: {  	v2 =	vadd.bf16 v3, v2;
	v3 =	vmul.bf16 v9, v8;
	_ =	sdelay $0x1  }
0x93: {  	v2 =	vadd.bf16 v3, v2;
	v3 =	vor.u32 $0x5, v1;
	_ =	sdelay $0x1  }
0x94: {  	v4 =	vunpack.i.u.bf16.f32 v2;
	v2 =	vunpack.i.l.bf16.f32 v2  }
0x95: {  	v2 =	vadd.f32 v2, v4;
	_ =	sdelay $0x1  }
0x96: {  	[tilespmem:v3+s19+$0x0] =	vst.idx.add.f32.msk $0xffff, v2  }
0x97: {  	v2 =	vld [tilespmem:s30+$0x71D0]  }
0x98: {  	v3 =	vld [tilespmem:s30+$0xC1D0]  }
0x99: {  	v4 =	vld [tilespmem:s30+$0x71E0]  }
0x9a: {  	v5 =	vld [tilespmem:s30+$0xC1E0]  }
0x9b: {  	v6 =	vld [tilespmem:s30+$0x71F0]  }
0x9c: {  	v7 =	vld [tilespmem:s30+$0xC1F0]  }
0x9d: {  	v8 =	vld [tilespmem:s30+$0x7200]  }
0x9e: {  	v9 =	vld [tilespmem:s30+$0xC200]  }
0x9f: {  	s1 =	sadd.s32 $0x10, s25;
	v2 =	vmul.bf16 v3, v2;
	v3 =	vmul.bf16 v5, v4  }
0xa0: {  	s31 =	simm.s32 $0xFB0;
	[tilespmem:s1+$0x0] =	vst v0  }
0xa1: {  	v4 =	vld [tilespmem:s31+$0x6ED0];
	v2 =	vadd.bf16 v3, v2;
	v3 =	vmul.bf16 v7, v6  }
0xa2: {  	v5 =	vld [tilespmem:s31+$0xBED0]  }
0xa3: {  	v6 =	vld [tilespmem:s31+$0x6EE0];
	v2 =	vadd.bf16 v3, v2;
	v3 =	vmul.bf16 v9, v8  }
0xa4: {  	v7 =	vld [tilespmem:s31+$0xBEE0]  }
0xa5: {  	v8 =	vld [tilespmem:s31+$0x6EF0];
	v2 =	vadd.bf16 v3, v2;
	v3 =	vor.u32 $0x6, v1  }
0xa6: {  	v9 =	vld [tilespmem:s31+$0xBEF0]  }
0xa7: {  	v10 =	vld [tilespmem:s31+$0x6F00];
	v11 =	vunpack.i.u.bf16.f32 v2;
	v2 =	vunpack.i.l.bf16.f32 v2  }
0xa8: {  	v12 =	vld [tilespmem:s31+$0xBF00];
	v2 =	vadd.f32 v2, v11  }
0xa9: {  	v4 =	vmul.bf16 v5, v4;
	v5 =	vmul.bf16 v7, v6  }
0xaa: {  	[tilespmem:v3+s19+$0x0] =	vst.idx.add.f32.msk $0xffff, v2  }
0xab: {  	v2 =	vadd.bf16 v5, v4;
	v4 =	vmul.bf16 v9, v8;
	v3 =	vld [tilespmem:s30+$0x7250]  }
0xac: {  	v5 =	vld [tilespmem:s30+$0xC250]  }
0xad: {  	v7 =	vmul.bf16 v12, v10;
	v6 =	vld [tilespmem:s30+$0x7260];
	v4 =	vadd.bf16 v4, v2  }
0xae: {  	s0 =	sadd.s32 $0x10, s24;
	v8 =	vld [tilespmem:s30+$0xC260]  }
0xaf: {  	v9 =	vld [tilespmem:s30+$0x7270];
	v2 =	vmov s0;
	v4 =	vadd.bf16 v7, v4  }
0xb0: {  	v7 =	vld [tilespmem:s30+$0xC270]  }
0xb1: {  	v10 =	vld [tilespmem:s30+$0x7280];
	v11 =	vunpack.i.u.bf16.f32 v4;
	v4 =	vunpack.i.l.bf16.f32 v4  }
0xb2: {  	v58 =	vld [tilespmem:s30+$0xC280];
	v4 =	vadd.f32 v4, v11  }
0xb3: {  	v3 =	vmul.bf16 v5, v3;
	v5 =	vmul.bf16 v8, v6  }
0xb4: {  	[tilespmem:v2+s19+$0x0] =	vst.idx.add.f32.msk $0xffff, v4  }
0xb5: {  	v3 =	vadd.bf16 v5, v3;
	v4 =	vmul.bf16 v7, v9;
	v5 =	vld [tilespmem:s31+$0x6F50]  }
0xb6: {  	v6 =	vld [tilespmem:s31+$0xBF50]  }
0xb7: {  	v7 =	vld [tilespmem:s31+$0x6F60];
	v3 =	vadd.bf16 v4, v3;
	v4 =	vmul.bf16 v58, v10  }
0xb8: {  	v8 =	vld [tilespmem:s31+$0xBF60]  }
0xb9: {  	v9 =	vld [tilespmem:s31+$0x6F70];
	v3 =	vadd.bf16 v4, v3;
	v4 =	vor.u32 $0x7, v1  }
0xba: {  	v10 =	vld [tilespmem:s31+$0xBF70]  }
0xbb: {  	v11 =	vld [tilespmem:s31+$0x6F80];
	v59 =	vunpack.i.u.bf16.f32 v3;
	v3 =	vunpack.i.l.bf16.f32 v3  }
0xbc: {  	v13 =	vld [tilespmem:s31+$0xBF80];
	v3 =	vadd.f32 v3, v59  }
0xbd: {  	v5 =	vmul.bf16 v6, v5;
	v6 =	vmul.bf16 v8, v7  }
0xbe: {  	[tilespmem:v4+s19+$0x0] =	vst.idx.add.f32.msk $0xffff, v3  }
0xbf: {  	v3 =	vmul.bf16 v10, v9;
	v4 =	vadd.bf16 v6, v5;
	v5 =	vld [tilespmem:s30+$0x72D0]  }
0xc0: {  	v6 =	vld [tilespmem:s30+$0xC2D0]  }
0xc1: {  	v7 =	vmul.bf16 v13, v11;
	v8 =	vld [tilespmem:s30+$0xC2E0];
	v3 =	vadd.bf16 v3, v4  }
0xc2: {  	v4 =	vld [tilespmem:s30+$0x72E0]  }
0xc3: {  	v10 =	vld [tilespmem:s30+$0xC2F0];
	v3 =	vadd.bf16 v7, v3  }
0xc4: {  	v9 =	vor.u32 $0x1, v2;
	v7 =	vld [tilespmem:s30+$0x72F0]  }
0xc5: {  	v60 =	vld [tilespmem:s30+$0x7300];
	v11 =	vunpack.i.u.bf16.f32 v3;
	v3 =	vunpack.i.l.bf16.f32 v3  }
0xc6: {  	v3 =	vadd.f32 v3, v11;
	v11 =	vld [tilespmem:s30+$0xC300]  }
0xc7: {  	v5 =	vmul.bf16 v6, v5;
	v4 =	vmul.bf16 v8, v4;
	_ =	sdelay $0x1  }
0xc8: {  	[tilespmem:v9+s19+$0x0] =	vst.idx.add.f32.msk $0xffff, v3;
	v4 =	vadd.bf16 v4, v5;
	v5 =	vmul.bf16 v10, v7  }
0xc9: {  	v3 =	vld [tilespmem:s31+$0x6FD0]  }
0xca: {  	v6 =	vld [tilespmem:s31+$0xBFD0];
	v4 =	vadd.bf16 v5, v4;
	v5 =	vmul.bf16 v11, v60  }
0xcb: {  	v7 =	vld [tilespmem:s31+$0x6FE0]  }
0xcc: {  	v8 =	vld [tilespmem:s31+$0xBFE0];
	v4 =	vadd.bf16 v5, v4;
	v5 =	vor.u32 $0x8, v1  }
0xcd: {  	v9 =	vld [tilespmem:s31+$0x6FF0]  }
0xce: {  	v10 =	vld [tilespmem:s31+$0xBFF0];
	v11 =	vunpack.i.u.bf16.f32 v4;
	v4 =	vunpack.i.l.bf16.f32 v4  }
0xcf: {  	v61 =	vld [tilespmem:s31+$0x7000];
	v4 =	vadd.f32 v4, v11  }
0xd0: {  	v11 =	vld [tilespmem:s31+$0xC000]  }
0xd1: {  	v3 =	vmul.bf16 v6, v3;
	v6 =	vmul.bf16 v8, v7;
	[tilespmem:v5+s19+$0x0] =	vst.idx.add.f32.msk $0xffff, v4  }
0xd2: {  	v4 =	vld [tilespmem:s30+$0x7350]  }
0xd3: {  	v3 =	vadd.bf16 v6, v3;
	v5 =	vmul.bf16 v10, v9;
	v6 =	vld [tilespmem:s30+$0xC350]  }
0xd4: {  	v7 =	vld [tilespmem:s30+$0x7360]  }
0xd5: {  	v8 =	vld [tilespmem:s30+$0xC360];
	v3 =	vadd.bf16 v5, v3;
	v5 =	vmul.bf16 v11, v61  }
0xd6: {  	v9 =	vld [tilespmem:s30+$0x7370]  }
0xd7: {  	v10 =	vld [tilespmem:s30+$0xC370];
	v3 =	vadd.bf16 v5, v3;
	v5 =	vor.u32 $0x2, v2  }
0xd8: {  	v63 =	vld [tilespmem:s30+$0xC380]  }
0xd9: {  	v11 =	vld [tilespmem:s30+$0x7380];
	v62 =	vunpack.i.u.bf16.f32 v3;
	v3 =	vunpack.i.l.bf16.f32 v3  }
0xda: {  	v4 =	vmul.bf16 v6, v4;
	v6 =	vmul.bf16 v8, v7;
	v3 =	vadd.f32 v3, v62;
	_ =	sdelay $0x1  }
0xdb: {  	[tilespmem:v5+s19+$0x0] =	vst.idx.add.f32.msk $0xffff, v3;
	v3 =	vadd.bf16 v6, v4;
	v4 =	vmul.bf16 v10, v9  }
0xdc: {  	v5 =	vld [tilespmem:s31+$0x7050]  }
0xdd: {  	v6 =	vld [tilespmem:s31+$0xC050];
	v3 =	vadd.bf16 v4, v3;
	v4 =	vmul.bf16 v63, v11  }
0xde: {  	v7 =	vld [tilespmem:s31+$0x7060]  }
0xdf: {  	v9 =	vld [tilespmem:s31+$0xC060];
	v4 =	vadd.bf16 v4, v3;
	v3 =	vor.u32 $0x9, v1  }
0xe0: {  	s11 =	simm.s32 $0x5EC0;
	v8 =	vld [tilespmem:s31+$0x7070]  }
.LBB2_5:
0xe1: {  	p0 =	sne.s32 s11, $0x9EC0;
	v10 =	vld [tilespmem:s31+$0xC070];
	v11 =	vunpack.i.u.bf16.f32 v4;
	v4 =	vunpack.i.l.bf16.f32 v4  }
0xe2: {  	v12 =	vld [tilespmem:s31+$0x7080];
	v4 =	vadd.f32 v4, v11  }
0xe3: {  	v11 =	vld [tilespmem:s31+$0xC080]  }
0xe4: {  	v5 =	vmul.bf16 v6, v5;
	v6 =	vmul.bf16 v9, v7;
	[tilespmem:v3+s19+$0x0] =	vst.idx.add.f32.msk $0xffff, v4  }
0xe5: {  	v4 =	vld [tilespmem:s30+$0x73D0]  }
0xe6: {  	v3 =	vadd.bf16 v6, v5;
	v5 =	vmul.bf16 v10, v8;
	v6 =	vld [tilespmem:s30+$0xC3D0]  }
0xe7: {  	v7 =	vld [tilespmem:s30+$0x73E0]  }
0xe8: {  	v3 =	vadd.bf16 v5, v3;
	v5 =	vmul.bf16 v11, v12;
	v8 =	vld [tilespmem:s30+$0xC3E0]  }
0xe9: {  	v9 =	vld [tilespmem:s30+$0x73F0]  }
0xea: {  	v3 =	vadd.bf16 v5, v3;
	v5 =	vor.u32 $0x3, v2;
	v10 =	vld [tilespmem:s30+$0xC3F0]  }
0xeb: {  	s1 =	sadd.s32 $0x10, s1;
	v11 =	vld [tilespmem:s30+$0x7400]  }
0xec: {  	s10 =	sshra.s32 s11, $0x2;
	[tilespmem:s1+$0x0] =	vst v0;
	v12 =	vunpack.i.u.bf16.f32 v3;
	v13 =	vunpack.i.l.bf16.f32 v3;
	v14 =	vld [tilespmem:s30+$0xC400]  }
0xed: {  	v6 =	vmul.bf16 v6, v4;
	v3 =	vld [tilespmem:s10+$0x6F00];
	v12 =	vadd.f32 v13, v12;
	v7 =	vmul.bf16 v8, v7  }
0xee: {  	v4 =	vld [tilespmem:s10+$0xBF00]  }
0xef: {  	[tilespmem:v5+s19+$0x0] =	vst.idx.add.f32.msk $0xffff, v12;
	v5 =	vadd.bf16 v7, v6;
	v6 =	vmul.bf16 v10, v9  }
0xf0: {  	v7 =	vld [tilespmem:s31+$0x70D0]  }
0xf1: {  	v8 =	vld [tilespmem:s31+$0xC0D0];
	v5 =	vadd.bf16 v6, v5;
	v6 =	vmul.bf16 v14, v11  }
0xf2: {  	v9 =	vld [tilespmem:s31+$0x70E0]  }
0xf3: {  	v10 =	vld [tilespmem:s31+$0xC0E0];
	v5 =	vadd.bf16 v6, v5;
	v6 =	vor.u32 $0xA, v1  }
0xf4: {  	v11 =	vld [tilespmem:s31+$0x70F0]  }
0xf5: {  	v12 =	vld [tilespmem:s31+$0xC0F0];
	v13 =	vunpack.i.u.bf16.f32 v5;
	v5 =	vunpack.i.l.bf16.f32 v5  }
0xf6: {  	v14 =	vld [tilespmem:s31+$0x7100];
	v5 =	vadd.f32 v5, v13  }
0xf7: {  	v13 =	vld [tilespmem:s31+$0xC100]  }
0xf8: {  	v7 =	vmul.bf16 v8, v7;
	v8 =	vmul.bf16 v10, v9;
	[tilespmem:v6+s19+$0x0] =	vst.idx.add.f32.msk $0xffff, v5  }
0xf9: {  	v6 =	vld [tilespmem:s30+$0x7450]  }
0xfa: {  	v5 =	vadd.bf16 v8, v7;
	v7 =	vmul.bf16 v12, v11;
	v8 =	vld [tilespmem:s30+$0xC450]  }
0xfb: {  	v9 =	vld [tilespmem:s30+$0x7460]  }
0xfc: {  	v5 =	vadd.bf16 v7, v5;
	v7 =	vmul.bf16 v13, v14;
	v10 =	vld [tilespmem:s30+$0xC460]  }
0xfd: {  	v11 =	vld [tilespmem:s30+$0x7470]  }
0xfe: {  	v5 =	vadd.bf16 v7, v5;
	v7 =	vor.u32 $0x4, v2;
	v12 =	vld [tilespmem:s30+$0xC470]  }
0xff: {  	v13 =	vld [tilespmem:s30+$0x7480]  }
0x100: {  	v14 =	vunpack.i.u.bf16.f32 v5;
	v15 =	vunpack.i.l.bf16.f32 v5;
	v16 =	vld [tilespmem:s30+$0xC480]  }
0x101: {  	v8 =	vmul.bf16 v8, v6;
	v5 =	vld [tilespmem:s10+$0x6EF0];
	v14 =	vadd.f32 v15, v14;
	v9 =	vmul.bf16 v10, v9  }
0x102: {  	v6 =	vld [tilespmem:s10+$0xBEF0]  }
0x103: {  	[tilespmem:v7+s19+$0x0] =	vst.idx.add.f32.msk $0xffff, v14;
	v7 =	vadd.bf16 v9, v8;
	v8 =	vmul.bf16 v12, v11  }
0x104: {  	v9 =	vld [tilespmem:s31+$0x7150]  }
0x105: {  	v10 =	vld [tilespmem:s31+$0xC150];
	v7 =	vadd.bf16 v8, v7;
	v8 =	vmul.bf16 v16, v13  }
0x106: {  	v11 =	vld [tilespmem:s31+$0x7160]  }
0x107: {  	v12 =	vld [tilespmem:s31+$0xC160];
	v7 =	vadd.bf16 v8, v7;
	v8 =	vor.u32 $0xB, v1  }
0x108: {  	v13 =	vld [tilespmem:s31+$0x7170]  }
0x109: {  	v14 =	vld [tilespmem:s31+$0xC170];
	v15 =	vunpack.i.u.bf16.f32 v7;
	v7 =	vunpack.i.l.bf16.f32 v7  }
0x10a: {  	v16 =	vld [tilespmem:s31+$0x7180];
	v7 =	vadd.f32 v7, v15  }
0x10b: {  	v15 =	vld [tilespmem:s31+$0xC180]  }
0x10c: {  	v9 =	vmul.bf16 v10, v9;
	v10 =	vmul.bf16 v12, v11;
	[tilespmem:v8+s19+$0x0] =	vst.idx.add.f32.msk $0xffff, v7  }
0x10d: {  	v7 =	vld [tilespmem:s30+$0x74D0]  }
0x10e: {  	v8 =	vadd.bf16 v10, v9;
	v9 =	vmul.bf16 v14, v13;
	v10 =	vld [tilespmem:s30+$0xC4D0]  }
0x10f: {  	v11 =	vld [tilespmem:s30+$0x74E0]  }
0x110: {  	v8 =	vadd.bf16 v9, v8;
	v9 =	vmul.bf16 v15, v16;
	v12 =	vld [tilespmem:s30+$0xC4E0]  }
0x111: {  	v13 =	vld [tilespmem:s30+$0x74F0]  }
0x112: {  	v8 =	vadd.bf16 v9, v8;
	v9 =	vor.u32 $0x5, v2;
	v14 =	vld [tilespmem:s30+$0xC4F0]  }
0x113: {  	v15 =	vld [tilespmem:s30+$0x7500]  }
0x114: {  	v16 =	vunpack.i.u.bf16.f32 v8;
	v8 =	vunpack.i.l.bf16.f32 v8;
	v17 =	vld [tilespmem:s30+$0xC500]  }
0x115: {  	v7 =	vmul.bf16 v10, v7;
	v18 =	vld [tilespmem:s10+$0x6ED0];
	v8 =	vadd.f32 v8, v16;
	v10 =	vmul.bf16 v12, v11  }
0x116: {  	v11 =	vld [tilespmem:s10+$0xBED0]  }
0x117: {  	[tilespmem:v9+s19+$0x0] =	vst.idx.add.f32.msk $0xffff, v8;
	v7 =	vadd.bf16 v10, v7;
	v8 =	vmul.bf16 v14, v13  }
0x118: {  	v9 =	vld [tilespmem:s31+$0x71D0]  }
0x119: {  	v10 =	vld [tilespmem:s31+$0xC1D0];
	v7 =	vadd.bf16 v8, v7;
	v8 =	vmul.bf16 v17, v15  }
0x11a: {  	v12 =	vld [tilespmem:s31+$0x71E0]  }
0x11b: {  	v13 =	vld [tilespmem:s31+$0xC1E0];
	v7 =	vadd.bf16 v8, v7;
	v8 =	vor.u32 $0xC, v1  }
0x11c: {  	v14 =	vld [tilespmem:s31+$0x71F0]  }
0x11d: {  	v15 =	vld [tilespmem:s31+$0xC1F0];
	v16 =	vunpack.i.u.bf16.f32 v7;
	v7 =	vunpack.i.l.bf16.f32 v7  }
0x11e: {  	v17 =	vld [tilespmem:s31+$0x7200];
	v7 =	vadd.f32 v7, v16  }
0x11f: {  	v16 =	vld [tilespmem:s31+$0xC200]  }
0x120: {  	v9 =	vmul.bf16 v10, v9;
	v10 =	vmul.bf16 v13, v12;
	[tilespmem:v8+s19+$0x0] =	vst.idx.add.f32.msk $0xffff, v7  }
0x121: {  	v7 =	vld [tilespmem:s30+$0x7550]  }
0x122: {  	v8 =	vadd.bf16 v10, v9;
	v9 =	vmul.bf16 v15, v14;
	v10 =	vld [tilespmem:s30+$0xC550]  }
0x123: {  	v12 =	vld [tilespmem:s30+$0x7560]  }
0x124: {  	v8 =	vadd.bf16 v9, v8;
	v9 =	vmul.bf16 v16, v17;
	v13 =	vld [tilespmem:s30+$0xC560]  }
0x125: {  	v14 =	vld [tilespmem:s30+$0x7570]  }
0x126: {  	v8 =	vadd.bf16 v9, v8;
	v9 =	vor.u32 $0x6, v2;
	v15 =	vld [tilespmem:s30+$0xC570]  }
0x127: {  	v16 =	vld [tilespmem:s30+$0x7580]  }
0x128: {  	v17 =	vunpack.i.u.bf16.f32 v8;
	v8 =	vunpack.i.l.bf16.f32 v8;
	v19 =	vld [tilespmem:s30+$0xC580]  }
0x129: {  	v7 =	vmul.bf16 v10, v7;
	v20 =	vld [tilespmem:s10+$0x6EE0];
	v8 =	vadd.f32 v8, v17;
	v10 =	vmul.bf16 v13, v12  }
0x12a: {  	v12 =	vld [tilespmem:s10+$0xBEE0]  }
0x12b: {  	[tilespmem:v9+s19+$0x0] =	vst.idx.add.f32.msk $0xffff, v8;
	v7 =	vadd.bf16 v10, v7;
	v8 =	vmul.bf16 v15, v14  }
0x12c: {  	v9 =	vld [tilespmem:s31+$0x7280]  }
0x12d: {  	v10 =	vld [tilespmem:s31+$0xC280];
	v7 =	vadd.bf16 v8, v7;
	v8 =	vmul.bf16 v19, v16  }
0x12e: {  	v13 =	vld [tilespmem:s31+$0x7270]  }
0x12f: {  	v14 =	vld [tilespmem:s31+$0xC270];
	v7 =	vadd.bf16 v8, v7;
	v8 =	vor.u32 $0xD, v1  }
0x130: {  	v15 =	vld [tilespmem:s31+$0x7250]  }
0x131: {  	v16 =	vld [tilespmem:s31+$0xC250];
	v17 =	vunpack.i.u.bf16.f32 v7;
	v7 =	vunpack.i.l.bf16.f32 v7  }
0x132: {  	v19 =	vld [tilespmem:s31+$0x7260];
	v7 =	vadd.f32 v7, v17  }
0x133: {  	v11 =	vmul.bf16 v11, v18;
	v12 =	vmul.bf16 v12, v20;
	v17 =	vld [tilespmem:s31+$0xC260]  }
0x134: {  	[tilespmem:v8+s19+$0x0] =	vst.idx.add.f32.msk $0xffff, v7  }
0x135: {  	v5 =	vmul.bf16 v6, v5;
	v7 =	vadd.bf16 v12, v11;
	v6 =	vld [tilespmem:s30+$0x75D0]  }
0x136: {  	v8 =	vld [tilespmem:s30+$0xC5D0]  }
0x137: {  	v3 =	vmul.bf16 v4, v3;
	v5 =	vadd.bf16 v5, v7;
	v4 =	vld [tilespmem:s30+$0x75E0]  }
0x138: {  	s0 =	sadd.s32 $0x10, s0;
	v7 =	vld [tilespmem:s30+$0xC5E0]  }
0x139: {  	v11 =	vmov s0;
	v3 =	vadd.bf16 v3, v5;
	v5 =	vld [tilespmem:s30+$0x75F0]  }
0x13a: {  	v12 =	vld [tilespmem:s30+$0xC5F0]  }
0x13b: {  	v18 =	vunpack.i.u.bf16.f32 v3;
	v3 =	vunpack.i.l.bf16.f32 v3;
	v20 =	vld [tilespmem:s30+$0x7600]  }
0x13c: {  	v15 =	vmul.bf16 v16, v15;
	v16 =	vmul.bf16 v17, v19;
	v3 =	vadd.f32 v3, v18;
	v17 =	vld [tilespmem:s30+$0xC600]  }
0x13d: {  	v6 =	vmul.bf16 v8, v6;
	v4 =	vmul.bf16 v7, v4  }
0x13e: {  	v7 =	vmul.bf16 v14, v13;
	[tilespmem:v11+s19+$0x0] =	vst.idx.add.f32.msk $0xffff, v3;
	v3 =	vadd.bf16 v16, v15  }
0x13f: {  	v8 =	vld [tilespmem:s10+$0x6F80];
	v4 =	vadd.bf16 v4, v6;
	v5 =	vmul.bf16 v12, v5  }
0x140: {  	v6 =	vld [tilespmem:s10+$0xBF80];
	v3 =	vadd.bf16 v7, v3;
	v7 =	vmul.bf16 v10, v9  }
0x141: {  	v9 =	vld [tilespmem:s10+$0x6F70];
	v4 =	vadd.bf16 v5, v4;
	v5 =	vmul.bf16 v17, v20  }
0x142: {  	v10 =	vld [tilespmem:s10+$0xBF70];
	v3 =	vadd.bf16 v7, v3;
	v7 =	vor.u32 $0x7, v2  }
0x143: {  	v12 =	vld [tilespmem:s10+$0x6F50];
	v4 =	vadd.bf16 v5, v4;
	v5 =	vor.u32 $0xE, v1  }
0x144: {  	v13 =	vld [tilespmem:s10+$0xBF50];
	v14 =	vunpack.i.u.bf16.f32 v3;
	v3 =	vunpack.i.l.bf16.f32 v3  }
0x145: {  	v15 =	vld [tilespmem:s10+$0x6F60];
	v3 =	vadd.f32 v3, v14;
	v14 =	vunpack.i.u.bf16.f32 v4;
	v4 =	vunpack.i.l.bf16.f32 v4  }
0x146: {  	v16 =	vld [tilespmem:s10+$0xBF60];
	v4 =	vadd.f32 v4, v14  }
0x147: {  	[tilespmem:v7+s19+$0x0] =	vst.idx.add.f32.msk $0xffff, v3  }
0x148: {  	[tilespmem:v5+s19+$0x0] =	vst.idx.add.f32.msk $0xffff, v4  }
0x149: {  	v3 =	vld [tilespmem:s30+$0x7650]  }
0x14a: {  	v4 =	vld [tilespmem:s30+$0xC650]  }
0x14b: {  	v5 =	vld [tilespmem:s30+$0x7660]  }
0x14c: {  	v7 =	vld [tilespmem:s30+$0xC660]  }
0x14d: {  	v14 =	vld [tilespmem:s30+$0x7670]  }
0x14e: {  	v17 =	vld [tilespmem:s30+$0xC670]  }
0x14f: {  	v12 =	vmul.bf16 v13, v12;
	v13 =	vmul.bf16 v16, v15;
	v15 =	vld [tilespmem:s30+$0x7680]  }
0x150: {  	v9 =	vmul.bf16 v10, v9;
	v10 =	vld [tilespmem:s30+$0xC680];
	s30 =	smov.u32 s31;
	s31 =	smov.u32 s10  }
0x151: {  	v12 =	vadd.bf16 v13, v12;
	v3 =	vmul.bf16 v4, v3;
	v13 =	vld [tilespmem:s30+$0x72D0];
	v4 =	vmul.bf16 v7, v5  }
0x152: {  	v5 =	vmul.bf16 v6, v8;
	v6 =	vld [tilespmem:s30+$0xC2D0]  }
0x153: {  	v7 =	vadd.bf16 v9, v12;
	v8 =	vld [tilespmem:s30+$0x72E0];
	v3 =	vadd.bf16 v4, v3;
	v4 =	vmul.bf16 v17, v14  }
0x154: {  	v9 =	vor.u32 $0x1, v11;
	v12 =	vld [tilespmem:s30+$0xC2E0]  }
0x155: {  	v5 =	vadd.bf16 v5, v7;
	v7 =	vld [tilespmem:s30+$0x72F0];
	v3 =	vadd.bf16 v4, v3;
	v4 =	vmul.bf16 v10, v15  }
0x156: {  	v14 =	vor.u32 $0xF, v1;
	v1 =	vmov v2;
	v2 =	vmov v11;
	v10 =	vld [tilespmem:s30+$0xC2F0]  }
0x157: {  	v11 =	vunpack.i.u.bf16.f32 v5;
	v5 =	vunpack.i.l.bf16.f32 v5;
	v15 =	vld [tilespmem:s30+$0x7300];
	v3 =	vadd.bf16 v4, v3  }
0x158: {  	v4 =	vadd.f32 v5, v11;
	v5 =	vmul.bf16 v6, v13;
	v6 =	vld [tilespmem:s30+$0xC300]  }
0x159: {  	v8 =	vmul.bf16 v12, v8;
	v11 =	vunpack.i.u.bf16.f32 v3;
	v3 =	vunpack.i.l.bf16.f32 v3  }
0x15a: {  	[tilespmem:v9+s19+$0x0] =	vst.idx.add.f32.msk $0xffff, v4;
	v3 =	vadd.f32 v3, v11  }
0x15b: {  	v4 =	vld [tilespmem:s31+$0x6FD0];
	v5 =	vadd.bf16 v8, v5;
	v7 =	vmul.bf16 v10, v7  }
0x15c: {  	[tilespmem:v14+s19+$0x0] =	vst.idx.add.f32.msk $0xffff, v3  }
0x15d: {  	v3 =	vld [tilespmem:s31+$0xBFD0];
	v5 =	vadd.bf16 v7, v5;
	v6 =	vmul.bf16 v6, v15  }
0x15e: {  	v7 =	vld [tilespmem:s31+$0x6FE0]  }
0x15f: {  	v8 =	vld [tilespmem:s31+$0xBFE0];
	v5 =	vadd.bf16 v6, v5;
	v6 =	vor.u32 $0x8, v1  }
0x160: {  	v9 =	vld [tilespmem:s31+$0x6FF0]  }
0x161: {  	v10 =	vld [tilespmem:s31+$0xBFF0];
	v11 =	vunpack.i.u.bf16.f32 v5;
	v5 =	vunpack.i.l.bf16.f32 v5  }
0x162: {  	v12 =	vld [tilespmem:s31+$0x7000];
	v5 =	vadd.f32 v5, v11  }
0x163: {  	v11 =	vld [tilespmem:s31+$0xC000]  }
0x164: {  	v3 =	vmul.bf16 v3, v4;
	v4 =	vmul.bf16 v8, v7;
	[tilespmem:v6+s19+$0x0] =	vst.idx.add.f32.msk $0xffff, v5  }
0x165: {  	v5 =	vld [tilespmem:s30+$0x7350]  }
0x166: {  	v3 =	vadd.bf16 v4, v3;
	v4 =	vmul.bf16 v10, v9;
	v6 =	vld [tilespmem:s30+$0xC350]  }
0x167: {  	v7 =	vld [tilespmem:s30+$0x7360]  }
0x168: {  	v3 =	vadd.bf16 v4, v3;
	v4 =	vmul.bf16 v11, v12;
	v8 =	vld [tilespmem:s30+$0xC360]  }
0x169: {  	v9 =	vld [tilespmem:s30+$0x7370]  }
0x16a: {  	v3 =	vadd.bf16 v4, v3;
	v4 =	vor.u32 $0x2, v2;
	v10 =	vld [tilespmem:s30+$0xC370]  }
0x16b: {  	v11 =	vld [tilespmem:s30+$0x7380]  }
0x16c: {  	v12 =	vunpack.i.u.bf16.f32 v3;
	v3 =	vunpack.i.l.bf16.f32 v3;
	v13 =	vld [tilespmem:s30+$0xC380]  }
0x16d: {  	v5 =	vmul.bf16 v6, v5;
	v3 =	vadd.f32 v3, v12;
	v6 =	vmul.bf16 v8, v7;
	_ =	sdelay $0x1  }
0x16e: {  	[tilespmem:v4+s19+$0x0] =	vst.idx.add.f32.msk $0xffff, v3;
	v3 =	vadd.bf16 v6, v5;
	v4 =	vmul.bf16 v10, v9  }
.Ltmp1:
0x16f: {  	v5 =	vld [tilespmem:s31+$0x7050];
	(pc) =	sbr.rel @p0 .LBB2_5-.Ltmp1, $4  }
0x170: {  	v6 =	vld [tilespmem:s31+$0xC050];
	v3 =	vadd.bf16 v4, v3;
	v4 =	vmul.bf16 v13, v11  }
0x171: {  	v7 =	vld [tilespmem:s31+$0x7060]  }
0x172: {  	v9 =	vld [tilespmem:s31+$0xC060];
	v4 =	vadd.bf16 v4, v3;
	v3 =	vor.u32 $0x9, v1  }
0x173: {  	s11 =	sadd.s32 $0x2000, s11;
	v8 =	vld [tilespmem:s31+$0x7070]  }
0x174: {  	v10 =	vld [tilespmem:s31+$0xC070]  }
0x175: {  	v11 =	vld [tilespmem:s31+$0x7080]  }
0x176: {  	v12 =	vld [tilespmem:s31+$0xC080]  }
0x177: {  	v5 =	vmul.bf16 v6, v5;
	v6 =	vmul.bf16 v9, v7;
	_ =	sdelay $0x1  }
0x178: {  	v5 =	vadd.bf16 v6, v5;
	v6 =	vmul.bf16 v10, v8;
	_ =	sdelay $0x1  }
0x179: {  	v5 =	vadd.bf16 v6, v5;
	v6 =	vmul.bf16 v12, v11;
	_ =	sdelay $0x1  }
0x17a: {  	v5 =	vadd.bf16 v6, v5;
	v6 =	vor.u32 $0x3, v2;
	_ =	sdelay $0x1  }
0x17b: {  	v7 =	vunpack.i.u.bf16.f32 v5;
	v5 =	vunpack.i.l.bf16.f32 v5  }
0x17c: {  	v5 =	vadd.f32 v5, v7;
	_ =	sdelay $0x1  }
0x17d: {  	[tilespmem:v6+s19+$0x0] =	vst.idx.add.f32.msk $0xffff, v5  }
0x17e: {  	v5 =	vld [tilespmem:s31+$0x70D0]  }
0x17f: {  	v6 =	vld [tilespmem:s31+$0xC0D0]  }
0x180: {  	v7 =	vld [tilespmem:s31+$0x70E0]  }
0x181: {  	v8 =	vld [tilespmem:s31+$0xC0E0]  }
0x182: {  	v9 =	vld [tilespmem:s31+$0x70F0]  }
0x183: {  	v10 =	vld [tilespmem:s31+$0xC0F0]  }
0x184: {  	v11 =	vld [tilespmem:s31+$0x7100]  }
0x185: {  	v33 =	vld [tilespmem:s31+$0xC100]  }
0x186: {  	v5 =	vmul.bf16 v6, v5;
	v6 =	vmul.bf16 v8, v7;
	_ =	sdelay $0x1  }
0x187: {  	v5 =	vadd.bf16 v6, v5;
	v6 =	vmul.bf16 v10, v9;
	_ =	sdelay $0x1  }
0x188: {  	v5 =	vadd.bf16 v6, v5;
	v6 =	vmul.bf16 v33, v11;
	_ =	sdelay $0x1  }
0x189: {  	v5 =	vadd.bf16 v6, v5;
	v6 =	vor.u32 $0x4, v2;
	_ =	sdelay $0x1  }
0x18a: {  	v7 =	vunpack.i.u.bf16.f32 v5;
	v5 =	vunpack.i.l.bf16.f32 v5  }
0x18b: {  	v5 =	vadd.f32 v5, v7;
	_ =	sdelay $0x1  }
0x18c: {  	[tilespmem:v6+s19+$0x0] =	vst.idx.add.f32.msk $0xffff, v5  }
0x18d: {  	v5 =	vld [tilespmem:s31+$0x7150]  }
0x18e: {  	v6 =	vld [tilespmem:s31+$0xC150]  }
0x18f: {  	v7 =	vld [tilespmem:s31+$0x7160]  }
0x190: {  	v8 =	vld [tilespmem:s31+$0xC160]  }
0x191: {  	v9 =	vld [tilespmem:s31+$0x7170]  }
0x192: {  	v10 =	vld [tilespmem:s31+$0xC170]  }
0x193: {  	v11 =	vld [tilespmem:s31+$0x7180]  }
0x194: {  	v34 =	vld [tilespmem:s31+$0xC180]  }
0x195: {  	v5 =	vmul.bf16 v6, v5;
	v6 =	vmul.bf16 v8, v7;
	_ =	sdelay $0x1  }
0x196: {  	v5 =	vadd.bf16 v6, v5;
	v6 =	vmul.bf16 v10, v9;
	_ =	sdelay $0x1  }
0x197: {  	v5 =	vadd.bf16 v6, v5;
	v6 =	vmul.bf16 v34, v11;
	_ =	sdelay $0x1  }
0x198: {  	v5 =	vadd.bf16 v6, v5;
	v6 =	vor.u32 $0x5, v2;
	_ =	sdelay $0x1  }
0x199: {  	v7 =	vunpack.i.u.bf16.f32 v5;
	v5 =	vunpack.i.l.bf16.f32 v5  }
0x19a: {  	v5 =	vadd.f32 v5, v7;
	_ =	sdelay $0x1  }
0x19b: {  	[tilespmem:v6+s19+$0x0] =	vst.idx.add.f32.msk $0xffff, v5  }
0x19c: {  	v5 =	vld [tilespmem:s31+$0x71D0]  }
0x19d: {  	v6 =	vld [tilespmem:s31+$0xC1D0]  }
0x19e: {  	v7 =	vld [tilespmem:s31+$0x71E0]  }
0x19f: {  	v8 =	vld [tilespmem:s31+$0xC1E0]  }
0x1a0: {  	v9 =	vld [tilespmem:s31+$0x71F0]  }
0x1a1: {  	v10 =	vld [tilespmem:s31+$0xC1F0]  }
0x1a2: {  	v11 =	vld [tilespmem:s31+$0x7200]  }
0x1a3: {  	v35 =	vld [tilespmem:s31+$0xC200]  }
0x1a4: {  	v5 =	vmul.bf16 v6, v5;
	v6 =	vmul.bf16 v8, v7;
	_ =	sdelay $0x1  }
0x1a5: {  	v5 =	vadd.bf16 v6, v5;
	v6 =	vmul.bf16 v10, v9;
	_ =	sdelay $0x1  }
0x1a6: {  	v5 =	vadd.bf16 v6, v5;
	v6 =	vmul.bf16 v35, v11;
	_ =	sdelay $0x1  }
0x1a7: {  	v5 =	vadd.bf16 v6, v5;
	v6 =	vor.u32 $0x6, v2;
	_ =	sdelay $0x1  }
0x1a8: {  	v7 =	vunpack.i.u.bf16.f32 v5;
	v5 =	vunpack.i.l.bf16.f32 v5  }
0x1a9: {  	v5 =	vadd.f32 v5, v7;
	_ =	sdelay $0x1  }
0x1aa: {  	[tilespmem:v6+s19+$0x0] =	vst.idx.add.f32.msk $0xffff, v5  }
0x1ab: {  	v5 =	vld [tilespmem:s31+$0x7250]  }
0x1ac: {  	v6 =	vld [tilespmem:s31+$0xC250]  }
0x1ad: {  	v7 =	vld [tilespmem:s31+$0x7260]  }
0x1ae: {  	v8 =	vld [tilespmem:s31+$0xC260]  }
0x1af: {  	v9 =	vld [tilespmem:s31+$0x7270]  }
0x1b0: {  	v10 =	vld [tilespmem:s31+$0xC270]  }
0x1b1: {  	v11 =	vld [tilespmem:s31+$0x7280]  }
0x1b2: {  	v36 =	vld [tilespmem:s31+$0xC280]  }
0x1b3: {  	v5 =	vmul.bf16 v6, v5;
	v6 =	vmul.bf16 v8, v7;
	_ =	sdelay $0x1  }
0x1b4: {  	v5 =	vadd.bf16 v6, v5;
	v6 =	vmul.bf16 v10, v9;
	_ =	sdelay $0x1  }
0x1b5: {  	v5 =	vadd.bf16 v6, v5;
	v6 =	vmul.bf16 v36, v11;
	_ =	sdelay $0x1  }
0x1b6: {  	v5 =	vadd.bf16 v6, v5;
	v6 =	vor.u32 $0x7, v2;
	_ =	sdelay $0x1  }
0x1b7: {  	v7 =	vunpack.i.u.bf16.f32 v5;
	v5 =	vunpack.i.l.bf16.f32 v5  }
0x1b8: {  	v5 =	vadd.f32 v5, v7;
	_ =	sdelay $0x1  }
0x1b9: {  	[tilespmem:v6+s19+$0x0] =	vst.idx.add.f32.msk $0xffff, v5  }
0x1ba: {  	v5 =	vld [tilespmem:s31+$0x72D0]  }
0x1bb: {  	v6 =	vld [tilespmem:s31+$0xC2D0]  }
0x1bc: {  	v7 =	vld [tilespmem:s31+$0x72E0]  }
0x1bd: {  	v8 =	vld [tilespmem:s31+$0xC2E0]  }
0x1be: {  	v9 =	vld [tilespmem:s31+$0x72F0]  }
0x1bf: {  	v10 =	vld [tilespmem:s31+$0xC2F0]  }
0x1c0: {  	v11 =	vld [tilespmem:s31+$0x7300]  }
0x1c1: {  	v37 =	vld [tilespmem:s31+$0xC300]  }
0x1c2: {  	v5 =	vmul.bf16 v6, v5;
	v6 =	vmul.bf16 v8, v7;
	_ =	sdelay $0x1  }
0x1c3: {  	v5 =	vadd.bf16 v6, v5;
	v6 =	vmul.bf16 v10, v9;
	_ =	sdelay $0x1  }
0x1c4: {  	v5 =	vadd.bf16 v6, v5;
	v6 =	vmul.bf16 v37, v11;
	_ =	sdelay $0x1  }
0x1c5: {  	v5 =	vadd.bf16 v6, v5;
	v6 =	vor.u32 $0x8, v2;
	_ =	sdelay $0x1  }
0x1c6: {  	v7 =	vunpack.i.u.bf16.f32 v5;
	v5 =	vunpack.i.l.bf16.f32 v5  }
0x1c7: {  	v5 =	vadd.f32 v5, v7;
	_ =	sdelay $0x1  }
0x1c8: {  	[tilespmem:v6+s19+$0x0] =	vst.idx.add.f32.msk $0xffff, v5  }
0x1c9: {  	v5 =	vld [tilespmem:s31+$0x7350]  }
0x1ca: {  	v6 =	vld [tilespmem:s31+$0xC350]  }
0x1cb: {  	v7 =	vld [tilespmem:s31+$0x7360]  }
0x1cc: {  	v8 =	vld [tilespmem:s31+$0xC360]  }
0x1cd: {  	v9 =	vld [tilespmem:s31+$0x7370]  }
0x1ce: {  	v10 =	vld [tilespmem:s31+$0xC370]  }
0x1cf: {  	v11 =	vld [tilespmem:s31+$0x7380]  }
0x1d0: {  	v38 =	vunpack.i.u.bf16.f32 v4;
	v4 =	vunpack.i.l.bf16.f32 v4;
	v13 =	vld [tilespmem:s31+$0xC380]  }
0x1d1: {  	v4 =	vadd.f32 v4, v38;
	v5 =	vmul.bf16 v6, v5;
	v6 =	vmul.bf16 v8, v7;
	_ =	sdelay $0x1  }
0x1d2: {  	[tilespmem:v3+s19+$0x0] =	vst.idx.add.f32.msk $0xffff, v4;
	v4 =	vmul.bf16 v10, v9;
	v3 =	vadd.bf16 v6, v5  }
0x1d3: {  	v7 =	vld [tilespmem:s30+$0x73E0]  }
0x1d4: {  	v8 =	vld [tilespmem:s30+$0xC3E0];
	v3 =	vadd.bf16 v4, v3;
	v4 =	vmul.bf16 v13, v11  }
0x1d5: {  	v5 =	vld [tilespmem:s30+$0x73D0]  }
0x1d6: {  	v6 =	vld [tilespmem:s30+$0xC3D0];
	v3 =	vadd.bf16 v4, v3;
	v4 =	vor.u32 $0x9, v2  }
0x1d7: {  	v9 =	vld [tilespmem:s30+$0x73F0]  }
0x1d8: {  	v10 =	vld [tilespmem:s30+$0xC3F0];
	v11 =	vunpack.i.u.bf16.f32 v3;
	v3 =	vunpack.i.l.bf16.f32 v3  }
0x1d9: {  	v39 =	vld [tilespmem:s30+$0x7400];
	v3 =	vadd.f32 v3, v11  }
0x1da: {  	v11 =	vld [tilespmem:s30+$0xC400]  }
0x1db: {  	v5 =	vmul.bf16 v6, v5;
	v6 =	vmul.bf16 v8, v7;
	[tilespmem:v4+s19+$0x0] =	vst.idx.add.f32.msk $0xffff, v3  }
0x1dc: {  	v3 =	vld [tilespmem:s31+$0x73D0]  }
0x1dd: {  	v4 =	vadd.bf16 v6, v5;
	v5 =	vmul.bf16 v10, v9;
	v6 =	vld [tilespmem:s31+$0xC3D0]  }
0x1de: {  	v7 =	vld [tilespmem:s31+$0x73E0]  }
0x1df: {  	v8 =	vld [tilespmem:s31+$0xC3E0];
	v4 =	vadd.bf16 v5, v4;
	v5 =	vmul.bf16 v11, v39  }
0x1e0: {  	v9 =	vld [tilespmem:s31+$0x73F0]  }
0x1e1: {  	v10 =	vld [tilespmem:s31+$0xC3F0];
	v4 =	vadd.bf16 v5, v4;
	v5 =	vor.u32 $0xA, v1  }
0x1e2: {  	v41 =	vld [tilespmem:s31+$0xC400]  }
0x1e3: {  	v11 =	vld [tilespmem:s31+$0x7400];
	v40 =	vunpack.i.u.bf16.f32 v4;
	v4 =	vunpack.i.l.bf16.f32 v4  }
0x1e4: {  	v3 =	vmul.bf16 v6, v3;
	v6 =	vmul.bf16 v8, v7;
	v4 =	vadd.f32 v4, v40;
	_ =	sdelay $0x1  }
0x1e5: {  	v3 =	vadd.bf16 v6, v3;
	[tilespmem:v5+s19+$0x0] =	vst.idx.add.f32.msk $0xffff, v4;
	v4 =	vmul.bf16 v10, v9  }
0x1e6: {  	v5 =	vld [tilespmem:s30+$0x7450]  }
0x1e7: {  	v6 =	vld [tilespmem:s30+$0xC450];
	v3 =	vadd.bf16 v4, v3;
	v4 =	vmul.bf16 v41, v11  }
0x1e8: {  	v7 =	vld [tilespmem:s30+$0x7460]  }
0x1e9: {  	v8 =	vld [tilespmem:s30+$0xC460];
	v3 =	vadd.bf16 v4, v3;
	v4 =	vor.u32 $0xA, v2  }
0x1ea: {  	v9 =	vld [tilespmem:s30+$0x7470]  }
0x1eb: {  	v10 =	vld [tilespmem:s30+$0xC470];
	v11 =	vunpack.i.u.bf16.f32 v3;
	v3 =	vunpack.i.l.bf16.f32 v3  }
0x1ec: {  	v42 =	vld [tilespmem:s30+$0x7480];
	v3 =	vadd.f32 v3, v11  }
0x1ed: {  	v11 =	vld [tilespmem:s30+$0xC480]  }
0x1ee: {  	v5 =	vmul.bf16 v6, v5;
	v6 =	vmul.bf16 v8, v7;
	[tilespmem:v4+s19+$0x0] =	vst.idx.add.f32.msk $0xffff, v3  }
0x1ef: {  	v3 =	vld [tilespmem:s31+$0x7450]  }
0x1f0: {  	v4 =	vadd.bf16 v6, v5;
	v5 =	vmul.bf16 v10, v9;
	v6 =	vld [tilespmem:s31+$0xC450]  }
0x1f1: {  	v7 =	vld [tilespmem:s31+$0x7460]  }
0x1f2: {  	v8 =	vld [tilespmem:s31+$0xC460];
	v4 =	vadd.bf16 v5, v4;
	v5 =	vmul.bf16 v11, v42  }
0x1f3: {  	v9 =	vld [tilespmem:s31+$0x7470]  }
0x1f4: {  	v10 =	vld [tilespmem:s31+$0xC470];
	v4 =	vadd.bf16 v5, v4;
	v5 =	vor.u32 $0xB, v1  }
0x1f5: {  	v44 =	vld [tilespmem:s31+$0xC480]  }
0x1f6: {  	v11 =	vld [tilespmem:s31+$0x7480];
	v43 =	vunpack.i.u.bf16.f32 v4;
	v4 =	vunpack.i.l.bf16.f32 v4  }
0x1f7: {  	v3 =	vmul.bf16 v6, v3;
	v6 =	vmul.bf16 v8, v7;
	v4 =	vadd.f32 v4, v43;
	_ =	sdelay $0x1  }
0x1f8: {  	v3 =	vadd.bf16 v6, v3;
	[tilespmem:v5+s19+$0x0] =	vst.idx.add.f32.msk $0xffff, v4;
	v4 =	vmul.bf16 v10, v9  }
0x1f9: {  	v5 =	vld [tilespmem:s30+$0x74D0]  }
0x1fa: {  	v6 =	vld [tilespmem:s30+$0xC4D0];
	v3 =	vadd.bf16 v4, v3;
	v4 =	vmul.bf16 v44, v11  }
0x1fb: {  	v7 =	vld [tilespmem:s30+$0x74E0]  }
0x1fc: {  	v8 =	vld [tilespmem:s30+$0xC4E0];
	v3 =	vadd.bf16 v4, v3;
	v4 =	vor.u32 $0xB, v2  }
0x1fd: {  	v9 =	vld [tilespmem:s30+$0x74F0]  }
0x1fe: {  	v10 =	vld [tilespmem:s30+$0xC4F0];
	v11 =	vunpack.i.u.bf16.f32 v3;
	v3 =	vunpack.i.l.bf16.f32 v3  }
0x1ff: {  	v45 =	vld [tilespmem:s30+$0x7500];
	v3 =	vadd.f32 v3, v11  }
0x200: {  	v11 =	vld [tilespmem:s30+$0xC500]  }
0x201: {  	v5 =	vmul.bf16 v6, v5;
	v6 =	vmul.bf16 v8, v7;
	[tilespmem:v4+s19+$0x0] =	vst.idx.add.f32.msk $0xffff, v3  }
0x202: {  	v3 =	vld [tilespmem:s31+$0x74D0]  }
0x203: {  	v4 =	vadd.bf16 v6, v5;
	v5 =	vmul.bf16 v10, v9;
	v6 =	vld [tilespmem:s31+$0xC4D0]  }
0x204: {  	v7 =	vld [tilespmem:s31+$0x74E0]  }
0x205: {  	v8 =	vld [tilespmem:s31+$0xC4E0];
	v4 =	vadd.bf16 v5, v4;
	v5 =	vmul.bf16 v11, v45  }
0x206: {  	v9 =	vld [tilespmem:s31+$0x74F0]  }
0x207: {  	v10 =	vld [tilespmem:s31+$0xC4F0];
	v4 =	vadd.bf16 v5, v4;
	v5 =	vor.u32 $0xC, v1  }
0x208: {  	v47 =	vld [tilespmem:s31+$0xC500]  }
0x209: {  	v11 =	vld [tilespmem:s31+$0x7500];
	v46 =	vunpack.i.u.bf16.f32 v4;
	v4 =	vunpack.i.l.bf16.f32 v4  }
0x20a: {  	v3 =	vmul.bf16 v6, v3;
	v6 =	vmul.bf16 v8, v7;
	v4 =	vadd.f32 v4, v46;
	_ =	sdelay $0x1  }
0x20b: {  	v3 =	vadd.bf16 v6, v3;
	[tilespmem:v5+s19+$0x0] =	vst.idx.add.f32.msk $0xffff, v4;
	v4 =	vmul.bf16 v10, v9  }
0x20c: {  	v5 =	vld [tilespmem:s30+$0x7550]  }
0x20d: {  	v6 =	vld [tilespmem:s30+$0xC550];
	v3 =	vadd.bf16 v4, v3;
	v4 =	vmul.bf16 v47, v11  }
0x20e: {  	v7 =	vld [tilespmem:s30+$0x7560]  }
0x20f: {  	v8 =	vld [tilespmem:s30+$0xC560];
	v3 =	vadd.bf16 v4, v3;
	v4 =	vor.u32 $0xC, v2  }
0x210: {  	v9 =	vld [tilespmem:s30+$0x7570]  }
0x211: {  	v10 =	vld [tilespmem:s30+$0xC570];
	v11 =	vunpack.i.u.bf16.f32 v3;
	v3 =	vunpack.i.l.bf16.f32 v3  }
0x212: {  	v48 =	vld [tilespmem:s30+$0x7580];
	v3 =	vadd.f32 v3, v11  }
0x213: {  	v11 =	vld [tilespmem:s30+$0xC580]  }
0x214: {  	v5 =	vmul.bf16 v6, v5;
	v6 =	vmul.bf16 v8, v7;
	[tilespmem:v4+s19+$0x0] =	vst.idx.add.f32.msk $0xffff, v3  }
0x215: {  	v3 =	vld [tilespmem:s31+$0x7550]  }
0x216: {  	v4 =	vadd.bf16 v6, v5;
	v5 =	vmul.bf16 v10, v9;
	v6 =	vld [tilespmem:s31+$0xC550]  }
0x217: {  	v7 =	vld [tilespmem:s31+$0x7560]  }
0x218: {  	v8 =	vld [tilespmem:s31+$0xC560];
	v4 =	vadd.bf16 v5, v4;
	v5 =	vmul.bf16 v11, v48  }
0x219: {  	v9 =	vld [tilespmem:s31+$0x7570]  }
0x21a: {  	v10 =	vld [tilespmem:s31+$0xC570];
	v4 =	vadd.bf16 v5, v4;
	v5 =	vor.u32 $0xD, v1  }
0x21b: {  	v50 =	vld [tilespmem:s31+$0xC580]  }
0x21c: {  	v11 =	vld [tilespmem:s31+$0x7580];
	v49 =	vunpack.i.u.bf16.f32 v4;
	v4 =	vunpack.i.l.bf16.f32 v4  }
0x21d: {  	v3 =	vmul.bf16 v6, v3;
	v6 =	vmul.bf16 v8, v7;
	v4 =	vadd.f32 v4, v49;
	_ =	sdelay $0x1  }
0x21e: {  	v3 =	vadd.bf16 v6, v3;
	[tilespmem:v5+s19+$0x0] =	vst.idx.add.f32.msk $0xffff, v4;
	v4 =	vmul.bf16 v10, v9  }
0x21f: {  	v5 =	vld [tilespmem:s30+$0x75D0]  }
0x220: {  	v6 =	vld [tilespmem:s30+$0xC5D0];
	v3 =	vadd.bf16 v4, v3;
	v4 =	vmul.bf16 v50, v11  }
0x221: {  	v7 =	vld [tilespmem:s30+$0x75E0]  }
0x222: {  	v8 =	vld [tilespmem:s30+$0xC5E0];
	v3 =	vadd.bf16 v4, v3;
	v4 =	vor.u32 $0xD, v2  }
0x223: {  	v9 =	vld [tilespmem:s30+$0x75F0]  }
0x224: {  	v10 =	vld [tilespmem:s30+$0xC5F0];
	v11 =	vunpack.i.u.bf16.f32 v3;
	v3 =	vunpack.i.l.bf16.f32 v3  }
0x225: {  	v51 =	vld [tilespmem:s30+$0x7600];
	v3 =	vadd.f32 v3, v11  }
0x226: {  	v11 =	vld [tilespmem:s30+$0xC600]  }
0x227: {  	v5 =	vmul.bf16 v6, v5;
	v6 =	vmul.bf16 v8, v7;
	[tilespmem:v4+s19+$0x0] =	vst.idx.add.f32.msk $0xffff, v3  }
0x228: {  	v3 =	vld [tilespmem:s31+$0x75D0]  }
0x229: {  	v4 =	vadd.bf16 v6, v5;
	v5 =	vmul.bf16 v10, v9;
	v6 =	vld [tilespmem:s31+$0xC5D0]  }
0x22a: {  	v7 =	vld [tilespmem:s31+$0x75E0]  }
0x22b: {  	v8 =	vld [tilespmem:s31+$0xC5E0];
	v4 =	vadd.bf16 v5, v4;
	v5 =	vmul.bf16 v11, v51  }
0x22c: {  	v9 =	vld [tilespmem:s31+$0x75F0]  }
0x22d: {  	v10 =	vld [tilespmem:s31+$0xC5F0];
	v4 =	vadd.bf16 v5, v4;
	v5 =	vor.u32 $0xE, v1  }
0x22e: {  	v53 =	vld [tilespmem:s31+$0xC600]  }
0x22f: {  	v11 =	vld [tilespmem:s31+$0x7600];
	v52 =	vunpack.i.u.bf16.f32 v4;
	v4 =	vunpack.i.l.bf16.f32 v4  }
0x230: {  	v3 =	vmul.bf16 v6, v3;
	v6 =	vmul.bf16 v8, v7;
	v4 =	vadd.f32 v4, v52;
	_ =	sdelay $0x1  }
0x231: {  	v3 =	vadd.bf16 v6, v3;
	[tilespmem:v5+s19+$0x0] =	vst.idx.add.f32.msk $0xffff, v4;
	v4 =	vmul.bf16 v10, v9  }
0x232: {  	v5 =	vld [tilespmem:s30+$0x7650]  }
0x233: {  	v6 =	vld [tilespmem:s30+$0xC650];
	v3 =	vadd.bf16 v4, v3;
	v4 =	vmul.bf16 v53, v11  }
0x234: {  	v7 =	vld [tilespmem:s30+$0x7660]  }
0x235: {  	v8 =	vld [tilespmem:s30+$0xC660];
	v3 =	vadd.bf16 v4, v3;
	v4 =	vor.u32 $0xE, v2  }
0x236: {  	v9 =	vld [tilespmem:s30+$0x7670]  }
0x237: {  	v10 =	vld [tilespmem:s30+$0xC670];
	v11 =	vunpack.i.u.bf16.f32 v3;
	v3 =	vunpack.i.l.bf16.f32 v3  }
0x238: {  	v54 =	vld [tilespmem:s30+$0x7680];
	v3 =	vadd.f32 v3, v11  }
0x239: {  	v11 =	vld [tilespmem:s30+$0xC680]  }
0x23a: {  	[tilespmem:v4+s19+$0x0] =	vst.idx.add.f32.msk $0xffff, v3  }
0x23b: {  	v3 =	vld [tilespmem:s31+$0x7650]  }
0x23c: {  	v4 =	vld [tilespmem:s31+$0xC650]  }
0x23d: {  	v55 =	vld [tilespmem:s31+$0x7660]  }
0x23e: {  	v14 =	vld [tilespmem:s31+$0xC660]  }
0x23f: {  	v15 =	vld [tilespmem:s31+$0x7670]  }
0x240: {  	v16 =	vld [tilespmem:s31+$0xC670]  }
0x241: {  	v17 =	vld [tilespmem:s31+$0x7680]  }
0x242: {  	v5 =	vmul.bf16 v6, v5;
	v6 =	vmul.bf16 v8, v7;
	v7 =	vld [tilespmem:s31+$0xC680]  }
0x243: {  	v3 =	vmul.bf16 v4, v3;
	v4 =	vmul.bf16 v14, v55  }
0x244: {  	v5 =	vadd.bf16 v6, v5;
	v6 =	vmul.bf16 v10, v9  }
0x245: {  	v3 =	vadd.bf16 v4, v3;
	v4 =	vmul.bf16 v16, v15  }
0x246: {  	v5 =	vadd.bf16 v6, v5;
	v6 =	vmul.bf16 v11, v54  }
0x247: {  	v3 =	vadd.bf16 v4, v3;
	v4 =	vmul.bf16 v7, v17  }
0x248: {  	v1 =	vor.u32 $0xF, v1;
	v5 =	vadd.bf16 v6, v5  }
0x249: {  	v2 =	vor.u32 $0xF, v2;
	v3 =	vadd.bf16 v4, v3  }
0x24a: {  	v4 =	vunpack.i.u.bf16.f32 v5;
	v5 =	vunpack.i.l.bf16.f32 v5  }
0x24b: {  	v4 =	vadd.f32 v5, v4;
	v5 =	vunpack.i.u.bf16.f32 v3;
	v3 =	vunpack.i.l.bf16.f32 v3  }
0x24c: {  	v3 =	vadd.f32 v3, v5  }
0x24d: {  	[tilespmem:v1+s19+$0x0] =	vst.idx.add.f32.msk $0xffff, v4  }
0x24e: {  	[tilespmem:v2+s19+$0x0] =	vst.idx.add.f32.msk $0xffff, v3  }
0x24f: {  	_ =	swait.ge [sflag:s20], $0x2800  }
0x250: {  	[sflag:s20] =	ssyncset.done $0x0  }
0x251: {  	[sflag:s20] =	ssyncadd.s32 $0xFFFFD800  }
0x252: {  	_ =	swait.ge [sflag:s21], $0x2800  }
0x253: {  	[sflag:s21] =	ssyncset.done $0x0  }
0x254: {  	s0 =	sadd.s32 $0xA0, s29;
	[sflag:s21] =	ssyncadd.s32 $0xFFFFD800  }
0x255: {  	[tilespmem:s12], [sflag:$0x1] =	stream.indirect.gather [hbm4b:s3+s16], $0x80, s0, s16, $0xb8;
	[tilespmem:$0x13E00] =	vst v63  }
0x256: {  	s31 =	sadd.s32 $0x2820, s29  }
0x257: {  	[tilespmem:s13], [sflag:$0x3] =	stream.indirect.gather [hbm4b:s3+s16], $0x80, s31, s16, $0xb8;
	[tilespmem:$0x13E00] =	vst v63  }
0x258: {  	s29 =	simm.s32 $0x0;
	[tilespmem:s26+$0x0] =	vst v0  }
0x259: {  	v1 =	vld [tilespmem:s29+$0x9E80]  }
0x25a: {  	v2 =	vld [tilespmem:s29+$0xEE80]  }
0x25b: {  	v3 =	vld [tilespmem:s29+$0x9E90]  }
0x25c: {  	v4 =	vld [tilespmem:s29+$0xEE90]  }
0x25d: {  	v5 =	vld [tilespmem:s29+$0x9EA0]  }
0x25e: {  	v6 =	vld [tilespmem:s29+$0xEEA0]  }
0x25f: {  	v7 =	vld [tilespmem:s29+$0x9EB0]  }
0x260: {  	v8 =	vld [tilespmem:s29+$0xEEB0]  }
0x261: {  	v1 =	vmul.bf16 v2, v1;
	v2 =	vmul.bf16 v4, v3;
	_ =	sdelay $0x1  }
0x262: {  	v1 =	vadd.bf16 v2, v1;
	v2 =	vmul.bf16 v6, v5;
	_ =	sdelay $0x1  }
0x263: {  	v3 =	vmul.bf16 v8, v7;
	v2 =	vadd.bf16 v2, v1;
	_ =	sdelay $0x1  }
0x264: {  	v1 =	vmov s23;
	v2 =	vadd.bf16 v3, v2;
	_ =	sdelay $0x1  }
0x265: {  	v3 =	vunpack.i.u.bf16.f32 v2;
	v2 =	vunpack.i.l.bf16.f32 v2  }
0x266: {  	v2 =	vadd.f32 v2, v3;
	_ =	sdelay $0x1  }
0x267: {  	[tilespmem:v1+s19+$0x0] =	vst.idx.add.f32.msk $0xffff, v2  }
0x268: {  	v2 =	vld [tilespmem:s29+$0x9F00]  }
0x269: {  	v3 =	vld [tilespmem:s29+$0xEF00]  }
0x26a: {  	v4 =	vld [tilespmem:s29+$0x9F10]  }
0x26b: {  	v5 =	vld [tilespmem:s29+$0xEF10]  }
0x26c: {  	v6 =	vld [tilespmem:s29+$0x9F20]  }
0x26d: {  	v7 =	vld [tilespmem:s29+$0xEF20]  }
0x26e: {  	v8 =	vld [tilespmem:s29+$0x9F30]  }
0x26f: {  	v9 =	vld [tilespmem:s29+$0xEF30]  }
0x270: {  	v2 =	vmul.bf16 v3, v2;
	v3 =	vmul.bf16 v5, v4;
	_ =	sdelay $0x1  }
0x271: {  	v4 =	vmul.bf16 v7, v6;
	v2 =	vadd.bf16 v3, v2;
	_ =	sdelay $0x1  }
0x272: {  	v3 =	vmul.bf16 v9, v8;
	v2 =	vadd.bf16 v4, v2;
	_ =	sdelay $0x1  }
0x273: {  	v4 =	vor.u32 $0x1, v1;
	v2 =	vadd.bf16 v3, v2;
	_ =	sdelay $0x1  }
0x274: {  	v3 =	vunpack.i.u.bf16.f32 v2;
	v2 =	vunpack.i.l.bf16.f32 v2  }
0x275: {  	v2 =	vadd.f32 v2, v3;
	_ =	sdelay $0x1  }
0x276: {  	[tilespmem:v4+s19+$0x0] =	vst.idx.add.f32.msk $0xffff, v2  }
0x277: {  	v2 =	vld [tilespmem:s29+$0x9F80]  }
0x278: {  	v3 =	vld [tilespmem:s29+$0xEF80]  }
0x279: {  	v4 =	vld [tilespmem:s29+$0x9F90]  }
0x27a: {  	v5 =	vld [tilespmem:s29+$0xEF90]  }
0x27b: {  	v6 =	vld [tilespmem:s29+$0x9FA0]  }
0x27c: {  	v7 =	vld [tilespmem:s29+$0xEFA0]  }
0x27d: {  	v8 =	vld [tilespmem:s29+$0x9FB0]  }
0x27e: {  	v9 =	vld [tilespmem:s29+$0xEFB0]  }
0x27f: {  	v2 =	vmul.bf16 v3, v2;
	v3 =	vmul.bf16 v5, v4;
	_ =	sdelay $0x1  }
0x280: {  	v2 =	vadd.bf16 v3, v2;
	v3 =	vmul.bf16 v7, v6;
	_ =	sdelay $0x1  }
0x281: {  	v2 =	vadd.bf16 v3, v2;
	v3 =	vmul.bf16 v9, v8;
	_ =	sdelay $0x1  }
0x282: {  	v2 =	vadd.bf16 v3, v2;
	v3 =	vor.u32 $0x2, v1;
	_ =	sdelay $0x1  }
0x283: {  	v4 =	vunpack.i.u.bf16.f32 v2;
	v2 =	vunpack.i.l.bf16.f32 v2  }
0x284: {  	v2 =	vadd.f32 v2, v4;
	_ =	sdelay $0x1  }
0x285: {  	[tilespmem:v3+s19+$0x0] =	vst.idx.add.f32.msk $0xffff, v2  }
0x286: {  	v2 =	vld [tilespmem:s29+$0xA000]  }
0x287: {  	v3 =	vld [tilespmem:s29+$0xF000]  }
0x288: {  	v4 =	vld [tilespmem:s29+$0xA010]  }
0x289: {  	v5 =	vld [tilespmem:s29+$0xF010]  }
0x28a: {  	v6 =	vld [tilespmem:s29+$0xA020]  }
0x28b: {  	v7 =	vld [tilespmem:s29+$0xF020]  }
0x28c: {  	v8 =	vld [tilespmem:s29+$0xA030]  }
0x28d: {  	v9 =	vld [tilespmem:s29+$0xF030]  }
0x28e: {  	v2 =	vmul.bf16 v3, v2;
	v3 =	vmul.bf16 v5, v4;
	_ =	sdelay $0x1  }
0x28f: {  	v2 =	vadd.bf16 v3, v2;
	v3 =	vmul.bf16 v7, v6;
	_ =	sdelay $0x1  }
0x290: {  	v2 =	vadd.bf16 v3, v2;
	v3 =	vmul.bf16 v9, v8;
	_ =	sdelay $0x1  }
0x291: {  	v2 =	vadd.bf16 v3, v2;
	v3 =	vor.u32 $0x3, v1;
	_ =	sdelay $0x1  }
0x292: {  	v4 =	vunpack.i.u.bf16.f32 v2;
	v2 =	vunpack.i.l.bf16.f32 v2  }
0x293: {  	v2 =	vadd.f32 v2, v4;
	_ =	sdelay $0x1  }
0x294: {  	[tilespmem:v3+s19+$0x0] =	vst.idx.add.f32.msk $0xffff, v2  }
0x295: {  	v2 =	vld [tilespmem:s29+$0xA080]  }
0x296: {  	v3 =	vld [tilespmem:s29+$0xF080]  }
0x297: {  	v4 =	vld [tilespmem:s29+$0xA090]  }
0x298: {  	v5 =	vld [tilespmem:s29+$0xF090]  }
0x299: {  	v6 =	vld [tilespmem:s29+$0xA0A0]  }
0x29a: {  	v7 =	vld [tilespmem:s29+$0xF0A0]  }
0x29b: {  	v8 =	vld [tilespmem:s29+$0xA0B0]  }
0x29c: {  	v9 =	vld [tilespmem:s29+$0xF0B0]  }
0x29d: {  	v2 =	vmul.bf16 v3, v2;
	v3 =	vmul.bf16 v5, v4;
	_ =	sdelay $0x1  }
0x29e: {  	v2 =	vadd.bf16 v3, v2;
	v3 =	vmul.bf16 v7, v6;
	_ =	sdelay $0x1  }
0x29f: {  	v2 =	vadd.bf16 v3, v2;
	v3 =	vmul.bf16 v9, v8;
	_ =	sdelay $0x1  }
0x2a0: {  	v2 =	vadd.bf16 v3, v2;
	v3 =	vor.u32 $0x4, v1;
	_ =	sdelay $0x1  }
0x2a1: {  	v4 =	vunpack.i.u.bf16.f32 v2;
	v2 =	vunpack.i.l.bf16.f32 v2  }
0x2a2: {  	v2 =	vadd.f32 v2, v4;
	_ =	sdelay $0x1  }
0x2a3: {  	[tilespmem:v3+s19+$0x0] =	vst.idx.add.f32.msk $0xffff, v2  }
0x2a4: {  	v2 =	vld [tilespmem:s29+$0xA100]  }
0x2a5: {  	v3 =	vld [tilespmem:s29+$0xF100]  }
0x2a6: {  	v4 =	vld [tilespmem:s29+$0xA110]  }
0x2a7: {  	v5 =	vld [tilespmem:s29+$0xF110]  }
0x2a8: {  	v6 =	vld [tilespmem:s29+$0xA120]  }
0x2a9: {  	v7 =	vld [tilespmem:s29+$0xF120]  }
0x2aa: {  	v8 =	vld [tilespmem:s29+$0xA130]  }
0x2ab: {  	v9 =	vld [tilespmem:s29+$0xF130]  }
0x2ac: {  	v2 =	vmul.bf16 v3, v2;
	v3 =	vmul.bf16 v5, v4;
	_ =	sdelay $0x1  }
0x2ad: {  	v2 =	vadd.bf16 v3, v2;
	v3 =	vmul.bf16 v7, v6;
	_ =	sdelay $0x1  }
0x2ae: {  	v2 =	vadd.bf16 v3, v2;
	v3 =	vmul.bf16 v9, v8;
	_ =	sdelay $0x1  }
0x2af: {  	v2 =	vadd.bf16 v3, v2;
	v3 =	vor.u32 $0x5, v1;
	_ =	sdelay $0x1  }
0x2b0: {  	v4 =	vunpack.i.u.bf16.f32 v2;
	v2 =	vunpack.i.l.bf16.f32 v2  }
0x2b1: {  	v2 =	vadd.f32 v2, v4;
	_ =	sdelay $0x1  }
0x2b2: {  	[tilespmem:v3+s19+$0x0] =	vst.idx.add.f32.msk $0xffff, v2  }
0x2b3: {  	v2 =	vld [tilespmem:s29+$0xA180]  }
0x2b4: {  	v3 =	vld [tilespmem:s29+$0xF180]  }
0x2b5: {  	v4 =	vld [tilespmem:s29+$0xA190]  }
0x2b6: {  	v5 =	vld [tilespmem:s29+$0xF190]  }
0x2b7: {  	v6 =	vld [tilespmem:s29+$0xA1A0]  }
0x2b8: {  	v7 =	vld [tilespmem:s29+$0xF1A0]  }
0x2b9: {  	v8 =	vld [tilespmem:s29+$0xA1B0]  }
0x2ba: {  	v9 =	vld [tilespmem:s29+$0xF1B0]  }
0x2bb: {  	s1 =	sadd.s32 $0x10, s26;
	v2 =	vmul.bf16 v3, v2;
	v3 =	vmul.bf16 v5, v4  }
0x2bc: {  	s30 =	simm.s32 $0x800;
	[tilespmem:s1+$0x0] =	vst v0  }
0x2bd: {  	v4 =	vld [tilespmem:s30+$0x9E80];
	v2 =	vadd.bf16 v3, v2;
	v3 =	vmul.bf16 v7, v6  }
0x2be: {  	v5 =	vld [tilespmem:s30+$0xEE80]  }
0x2bf: {  	v6 =	vld [tilespmem:s30+$0x9E90];
	v2 =	vadd.bf16 v3, v2;
	v3 =	vmul.bf16 v9, v8  }
0x2c0: {  	v7 =	vld [tilespmem:s30+$0xEE90]  }
0x2c1: {  	v8 =	vld [tilespmem:s30+$0x9EA0];
	v2 =	vadd.bf16 v3, v2;
	v3 =	vor.u32 $0x6, v1  }
0x2c2: {  	v9 =	vld [tilespmem:s30+$0xEEA0]  }
0x2c3: {  	v10 =	vld [tilespmem:s30+$0x9EB0];
	v11 =	vunpack.i.u.bf16.f32 v2;
	v2 =	vunpack.i.l.bf16.f32 v2  }
0x2c4: {  	v56 =	vld [tilespmem:s30+$0xEEB0];
	v2 =	vadd.f32 v2, v11  }
0x2c5: {  	v4 =	vmul.bf16 v5, v4;
	v5 =	vmul.bf16 v7, v6  }
0x2c6: {  	[tilespmem:v3+s19+$0x0] =	vst.idx.add.f32.msk $0xffff, v2  }
0x2c7: {  	v2 =	vadd.bf16 v5, v4;
	v4 =	vmul.bf16 v9, v8;
	v3 =	vld [tilespmem:s29+$0xA200]  }
0x2c8: {  	v5 =	vld [tilespmem:s29+$0xF200]  }
0x2c9: {  	v7 =	vmul.bf16 v56, v10;
	v6 =	vld [tilespmem:s29+$0xA210];
	v4 =	vadd.bf16 v4, v2  }
0x2ca: {  	s0 =	sadd.s32 $0x10, s23;
	v8 =	vld [tilespmem:s29+$0xF210]  }
0x2cb: {  	v9 =	vld [tilespmem:s29+$0xA220];
	v2 =	vmov s0;
	v4 =	vadd.bf16 v7, v4  }
0x2cc: {  	v7 =	vld [tilespmem:s29+$0xF220]  }
0x2cd: {  	v10 =	vld [tilespmem:s29+$0xA230];
	v11 =	vunpack.i.u.bf16.f32 v4;
	v4 =	vunpack.i.l.bf16.f32 v4  }
0x2ce: {  	v57 =	vld [tilespmem:s29+$0xF230];
	v4 =	vadd.f32 v4, v11  }
0x2cf: {  	v3 =	vmul.bf16 v5, v3;
	v5 =	vmul.bf16 v8, v6  }
0x2d0: {  	[tilespmem:v2+s19+$0x0] =	vst.idx.add.f32.msk $0xffff, v4  }
0x2d1: {  	v3 =	vadd.bf16 v5, v3;
	v4 =	vmul.bf16 v7, v9;
	v5 =	vld [tilespmem:s30+$0x9F00]  }
0x2d2: {  	v6 =	vld [tilespmem:s30+$0xEF00]  }
0x2d3: {  	v7 =	vld [tilespmem:s30+$0x9F10];
	v3 =	vadd.bf16 v4, v3;
	v4 =	vmul.bf16 v57, v10  }
0x2d4: {  	v8 =	vld [tilespmem:s30+$0xEF10]  }
0x2d5: {  	v9 =	vld [tilespmem:s30+$0x9F20];
	v3 =	vadd.bf16 v4, v3;
	v4 =	vor.u32 $0x7, v1  }
0x2d6: {  	v10 =	vld [tilespmem:s30+$0xEF20]  }
0x2d7: {  	v11 =	vld [tilespmem:s30+$0x9F30];
	v58 =	vunpack.i.u.bf16.f32 v3;
	v3 =	vunpack.i.l.bf16.f32 v3  }
0x2d8: {  	v59 =	vld [tilespmem:s30+$0xEF30];
	v3 =	vadd.f32 v3, v58  }
0x2d9: {  	v5 =	vmul.bf16 v6, v5;
	v6 =	vmul.bf16 v8, v7  }
0x2da: {  	[tilespmem:v4+s19+$0x0] =	vst.idx.add.f32.msk $0xffff, v3  }
0x2db: {  	v3 =	vmul.bf16 v10, v9;
	v4 =	vadd.bf16 v6, v5;
	v5 =	vld [tilespmem:s29+$0xA280]  }
0x2dc: {  	v6 =	vld [tilespmem:s29+$0xF280]  }
0x2dd: {  	v7 =	vmul.bf16 v59, v11;
	v8 =	vld [tilespmem:s29+$0xF290];
	v3 =	vadd.bf16 v3, v4  }
0x2de: {  	v4 =	vld [tilespmem:s29+$0xA290]  }
0x2df: {  	v10 =	vld [tilespmem:s29+$0xF2A0];
	v3 =	vadd.bf16 v7, v3  }
0x2e0: {  	v9 =	vor.u32 $0x1, v2;
	v7 =	vld [tilespmem:s29+$0xA2A0]  }
0x2e1: {  	v60 =	vld [tilespmem:s29+$0xA2B0];
	v11 =	vunpack.i.u.bf16.f32 v3;
	v3 =	vunpack.i.l.bf16.f32 v3  }
0x2e2: {  	v3 =	vadd.f32 v3, v11;
	v11 =	vld [tilespmem:s29+$0xF2B0]  }
0x2e3: {  	v5 =	vmul.bf16 v6, v5;
	v4 =	vmul.bf16 v8, v4;
	_ =	sdelay $0x1  }
0x2e4: {  	[tilespmem:v9+s19+$0x0] =	vst.idx.add.f32.msk $0xffff, v3;
	v4 =	vadd.bf16 v4, v5;
	v5 =	vmul.bf16 v10, v7  }
0x2e5: {  	v3 =	vld [tilespmem:s30+$0x9F80]  }
0x2e6: {  	v6 =	vld [tilespmem:s30+$0xEF80];
	v4 =	vadd.bf16 v5, v4;
	v5 =	vmul.bf16 v11, v60  }
0x2e7: {  	v7 =	vld [tilespmem:s30+$0x9F90]  }
0x2e8: {  	v8 =	vld [tilespmem:s30+$0xEF90];
	v4 =	vadd.bf16 v5, v4;
	v5 =	vor.u32 $0x8, v1  }
0x2e9: {  	v9 =	vld [tilespmem:s30+$0x9FA0]  }
0x2ea: {  	v10 =	vld [tilespmem:s30+$0xEFA0];
	v11 =	vunpack.i.u.bf16.f32 v4;
	v4 =	vunpack.i.l.bf16.f32 v4  }
0x2eb: {  	v61 =	vld [tilespmem:s30+$0x9FB0];
	v4 =	vadd.f32 v4, v11  }
0x2ec: {  	v11 =	vld [tilespmem:s30+$0xEFB0]  }
0x2ed: {  	v3 =	vmul.bf16 v6, v3;
	v6 =	vmul.bf16 v8, v7;
	[tilespmem:v5+s19+$0x0] =	vst.idx.add.f32.msk $0xffff, v4  }
0x2ee: {  	v4 =	vld [tilespmem:s29+$0xA300]  }
0x2ef: {  	v3 =	vadd.bf16 v6, v3;
	v5 =	vmul.bf16 v10, v9;
	v6 =	vld [tilespmem:s29+$0xF300]  }
0x2f0: {  	v7 =	vld [tilespmem:s29+$0xA310]  }
0x2f1: {  	v8 =	vld [tilespmem:s29+$0xF310];
	v3 =	vadd.bf16 v5, v3;
	v5 =	vmul.bf16 v11, v61  }
0x2f2: {  	v9 =	vld [tilespmem:s29+$0xA320]  }
0x2f3: {  	v10 =	vld [tilespmem:s29+$0xF320];
	v3 =	vadd.bf16 v5, v3;
	v5 =	vor.u32 $0x2, v2  }
0x2f4: {  	v63 =	vld [tilespmem:s29+$0xF330]  }
0x2f5: {  	v11 =	vld [tilespmem:s29+$0xA330];
	v62 =	vunpack.i.u.bf16.f32 v3;
	v3 =	vunpack.i.l.bf16.f32 v3  }
0x2f6: {  	v4 =	vmul.bf16 v6, v4;
	v6 =	vmul.bf16 v8, v7;
	v3 =	vadd.f32 v3, v62;
	_ =	sdelay $0x1  }
0x2f7: {  	[tilespmem:v5+s19+$0x0] =	vst.idx.add.f32.msk $0xffff, v3;
	v3 =	vadd.bf16 v6, v4;
	v4 =	vmul.bf16 v10, v9  }
0x2f8: {  	v5 =	vld [tilespmem:s30+$0xA000]  }
0x2f9: {  	v6 =	vld [tilespmem:s30+$0xF000];
	v3 =	vadd.bf16 v4, v3;
	v4 =	vmul.bf16 v63, v11  }
0x2fa: {  	v7 =	vld [tilespmem:s30+$0xA010]  }
0x2fb: {  	v9 =	vld [tilespmem:s30+$0xF010];
	v4 =	vadd.bf16 v4, v3;
	v3 =	vor.u32 $0x9, v1  }
0x2fc: {  	s11 =	simm.s32 $0x4000;
	v8 =	vld [tilespmem:s30+$0xA020]  }
.LBB2_7:
0x2fd: {  	p0 =	sne.s32 s11, $0x8000;
	v10 =	vld [tilespmem:s30+$0xF020];
	v11 =	vunpack.i.u.bf16.f32 v4;
	v4 =	vunpack.i.l.bf16.f32 v4  }
0x2fe: {  	v12 =	vld [tilespmem:s30+$0xA030];
	v4 =	vadd.f32 v4, v11  }
0x2ff: {  	v11 =	vld [tilespmem:s30+$0xF030]  }
0x300: {  	v5 =	vmul.bf16 v6, v5;
	v6 =	vmul.bf16 v9, v7;
	[tilespmem:v3+s19+$0x0] =	vst.idx.add.f32.msk $0xffff, v4  }
0x301: {  	v4 =	vld [tilespmem:s29+$0xA380]  }
0x302: {  	v3 =	vadd.bf16 v6, v5;
	v5 =	vmul.bf16 v10, v8;
	v6 =	vld [tilespmem:s29+$0xF380]  }
0x303: {  	v7 =	vld [tilespmem:s29+$0xA390]  }
0x304: {  	v3 =	vadd.bf16 v5, v3;
	v5 =	vmul.bf16 v11, v12;
	v8 =	vld [tilespmem:s29+$0xF390]  }
0x305: {  	v9 =	vld [tilespmem:s29+$0xA3A0]  }
0x306: {  	v3 =	vadd.bf16 v5, v3;
	v5 =	vor.u32 $0x3, v2;
	v10 =	vld [tilespmem:s29+$0xF3A0]  }
0x307: {  	s1 =	sadd.s32 $0x10, s1;
	v11 =	vld [tilespmem:s29+$0xA3B0]  }
0x308: {  	s10 =	sshra.s32 s11, $0x2;
	[tilespmem:s1+$0x0] =	vst v0;
	v12 =	vunpack.i.u.bf16.f32 v3;
	v13 =	vunpack.i.l.bf16.f32 v3;
	v14 =	vld [tilespmem:s29+$0xF3B0]  }
0x309: {  	v6 =	vmul.bf16 v6, v4;
	v3 =	vld [tilespmem:s10+$0x9EB0];
	v12 =	vadd.f32 v13, v12;
	v7 =	vmul.bf16 v8, v7  }
0x30a: {  	v4 =	vld [tilespmem:s10+$0xEEB0]  }
0x30b: {  	[tilespmem:v5+s19+$0x0] =	vst.idx.add.f32.msk $0xffff, v12;
	v5 =	vadd.bf16 v7, v6;
	v6 =	vmul.bf16 v10, v9  }
0x30c: {  	v7 =	vld [tilespmem:s30+$0xA080]  }
0x30d: {  	v8 =	vld [tilespmem:s30+$0xF080];
	v5 =	vadd.bf16 v6, v5;
	v6 =	vmul.bf16 v14, v11  }
0x30e: {  	v9 =	vld [tilespmem:s30+$0xA090]  }
0x30f: {  	v10 =	vld [tilespmem:s30+$0xF090];
	v5 =	vadd.bf16 v6, v5;
	v6 =	vor.u32 $0xA, v1  }
0x310: {  	v11 =	vld [tilespmem:s30+$0xA0A0]  }
0x311: {  	v12 =	vld [tilespmem:s30+$0xF0A0];
	v13 =	vunpack.i.u.bf16.f32 v5;
	v5 =	vunpack.i.l.bf16.f32 v5  }
0x312: {  	v14 =	vld [tilespmem:s30+$0xA0B0];
	v5 =	vadd.f32 v5, v13  }
0x313: {  	v13 =	vld [tilespmem:s30+$0xF0B0]  }
0x314: {  	v7 =	vmul.bf16 v8, v7;
	v8 =	vmul.bf16 v10, v9;
	[tilespmem:v6+s19+$0x0] =	vst.idx.add.f32.msk $0xffff, v5  }
0x315: {  	v6 =	vld [tilespmem:s29+$0xA400]  }
0x316: {  	v5 =	vadd.bf16 v8, v7;
	v7 =	vmul.bf16 v12, v11;
	v8 =	vld [tilespmem:s29+$0xF400]  }
0x317: {  	v9 =	vld [tilespmem:s29+$0xA410]  }
0x318: {  	v5 =	vadd.bf16 v7, v5;
	v7 =	vmul.bf16 v13, v14;
	v10 =	vld [tilespmem:s29+$0xF410]  }
0x319: {  	v11 =	vld [tilespmem:s29+$0xA420]  }
0x31a: {  	v5 =	vadd.bf16 v7, v5;
	v7 =	vor.u32 $0x4, v2;
	v12 =	vld [tilespmem:s29+$0xF420]  }
0x31b: {  	v13 =	vld [tilespmem:s29+$0xA430]  }
0x31c: {  	v14 =	vunpack.i.u.bf16.f32 v5;
	v15 =	vunpack.i.l.bf16.f32 v5;
	v16 =	vld [tilespmem:s29+$0xF430]  }
0x31d: {  	v8 =	vmul.bf16 v8, v6;
	v5 =	vld [tilespmem:s10+$0x9EA0];
	v14 =	vadd.f32 v15, v14;
	v9 =	vmul.bf16 v10, v9  }
0x31e: {  	v6 =	vld [tilespmem:s10+$0xEEA0]  }
0x31f: {  	[tilespmem:v7+s19+$0x0] =	vst.idx.add.f32.msk $0xffff, v14;
	v7 =	vadd.bf16 v9, v8;
	v8 =	vmul.bf16 v12, v11  }
0x320: {  	v9 =	vld [tilespmem:s30+$0xA100]  }
0x321: {  	v10 =	vld [tilespmem:s30+$0xF100];
	v7 =	vadd.bf16 v8, v7;
	v8 =	vmul.bf16 v16, v13  }
0x322: {  	v11 =	vld [tilespmem:s30+$0xA110]  }
0x323: {  	v12 =	vld [tilespmem:s30+$0xF110];
	v7 =	vadd.bf16 v8, v7;
	v8 =	vor.u32 $0xB, v1  }
0x324: {  	v13 =	vld [tilespmem:s30+$0xA120]  }
0x325: {  	v14 =	vld [tilespmem:s30+$0xF120];
	v15 =	vunpack.i.u.bf16.f32 v7;
	v7 =	vunpack.i.l.bf16.f32 v7  }
0x326: {  	v16 =	vld [tilespmem:s30+$0xA130];
	v7 =	vadd.f32 v7, v15  }
0x327: {  	v15 =	vld [tilespmem:s30+$0xF130]  }
0x328: {  	v9 =	vmul.bf16 v10, v9;
	v10 =	vmul.bf16 v12, v11;
	[tilespmem:v8+s19+$0x0] =	vst.idx.add.f32.msk $0xffff, v7  }
0x329: {  	v7 =	vld [tilespmem:s29+$0xA480]  }
0x32a: {  	v8 =	vadd.bf16 v10, v9;
	v9 =	vmul.bf16 v14, v13;
	v10 =	vld [tilespmem:s29+$0xF480]  }
0x32b: {  	v11 =	vld [tilespmem:s29+$0xA490]  }
0x32c: {  	v8 =	vadd.bf16 v9, v8;
	v9 =	vmul.bf16 v15, v16;
	v12 =	vld [tilespmem:s29+$0xF490]  }
0x32d: {  	v13 =	vld [tilespmem:s29+$0xA4A0]  }
0x32e: {  	v8 =	vadd.bf16 v9, v8;
	v9 =	vor.u32 $0x5, v2;
	v14 =	vld [tilespmem:s29+$0xF4A0]  }
0x32f: {  	v15 =	vld [tilespmem:s29+$0xA4B0]  }
0x330: {  	v16 =	vunpack.i.u.bf16.f32 v8;
	v8 =	vunpack.i.l.bf16.f32 v8;
	v17 =	vld [tilespmem:s29+$0xF4B0]  }
0x331: {  	v7 =	vmul.bf16 v10, v7;
	v18 =	vld [tilespmem:s10+$0x9E80];
	v8 =	vadd.f32 v8, v16;
	v10 =	vmul.bf16 v12, v11  }
0x332: {  	v11 =	vld [tilespmem:s10+$0xEE80]  }
0x333: {  	[tilespmem:v9+s19+$0x0] =	vst.idx.add.f32.msk $0xffff, v8;
	v7 =	vadd.bf16 v10, v7;
	v8 =	vmul.bf16 v14, v13  }
0x334: {  	v9 =	vld [tilespmem:s30+$0xA180]  }
0x335: {  	v10 =	vld [tilespmem:s30+$0xF180];
	v7 =	vadd.bf16 v8, v7;
	v8 =	vmul.bf16 v17, v15  }
0x336: {  	v12 =	vld [tilespmem:s30+$0xA190]  }
0x337: {  	v13 =	vld [tilespmem:s30+$0xF190];
	v7 =	vadd.bf16 v8, v7;
	v8 =	vor.u32 $0xC, v1  }
0x338: {  	v14 =	vld [tilespmem:s30+$0xA1A0]  }
0x339: {  	v15 =	vld [tilespmem:s30+$0xF1A0];
	v16 =	vunpack.i.u.bf16.f32 v7;
	v7 =	vunpack.i.l.bf16.f32 v7  }
0x33a: {  	v17 =	vld [tilespmem:s30+$0xA1B0];
	v7 =	vadd.f32 v7, v16  }
0x33b: {  	v16 =	vld [tilespmem:s30+$0xF1B0]  }
0x33c: {  	v9 =	vmul.bf16 v10, v9;
	v10 =	vmul.bf16 v13, v12;
	[tilespmem:v8+s19+$0x0] =	vst.idx.add.f32.msk $0xffff, v7  }
0x33d: {  	v7 =	vld [tilespmem:s29+$0xA500]  }
0x33e: {  	v8 =	vadd.bf16 v10, v9;
	v9 =	vmul.bf16 v15, v14;
	v10 =	vld [tilespmem:s29+$0xF500]  }
0x33f: {  	v12 =	vld [tilespmem:s29+$0xA510]  }
0x340: {  	v8 =	vadd.bf16 v9, v8;
	v9 =	vmul.bf16 v16, v17;
	v13 =	vld [tilespmem:s29+$0xF510]  }
0x341: {  	v14 =	vld [tilespmem:s29+$0xA520]  }
0x342: {  	v8 =	vadd.bf16 v9, v8;
	v9 =	vor.u32 $0x6, v2;
	v15 =	vld [tilespmem:s29+$0xF520]  }
0x343: {  	v16 =	vld [tilespmem:s29+$0xA530]  }
0x344: {  	v17 =	vunpack.i.u.bf16.f32 v8;
	v8 =	vunpack.i.l.bf16.f32 v8;
	v19 =	vld [tilespmem:s29+$0xF530]  }
0x345: {  	v7 =	vmul.bf16 v10, v7;
	v20 =	vld [tilespmem:s10+$0x9E90];
	v8 =	vadd.f32 v8, v17;
	v10 =	vmul.bf16 v13, v12  }
0x346: {  	v12 =	vld [tilespmem:s10+$0xEE90]  }
0x347: {  	[tilespmem:v9+s19+$0x0] =	vst.idx.add.f32.msk $0xffff, v8;
	v7 =	vadd.bf16 v10, v7;
	v8 =	vmul.bf16 v15, v14  }
0x348: {  	v9 =	vld [tilespmem:s30+$0xA230]  }
0x349: {  	v10 =	vld [tilespmem:s30+$0xF230];
	v7 =	vadd.bf16 v8, v7;
	v8 =	vmul.bf16 v19, v16  }
0x34a: {  	v13 =	vld [tilespmem:s30+$0xA220]  }
0x34b: {  	v14 =	vld [tilespmem:s30+$0xF220];
	v7 =	vadd.bf16 v8, v7;
	v8 =	vor.u32 $0xD, v1  }
0x34c: {  	v15 =	vld [tilespmem:s30+$0xA200]  }
0x34d: {  	v16 =	vld [tilespmem:s30+$0xF200];
	v17 =	vunpack.i.u.bf16.f32 v7;
	v7 =	vunpack.i.l.bf16.f32 v7  }
0x34e: {  	v19 =	vld [tilespmem:s30+$0xA210];
	v7 =	vadd.f32 v7, v17  }
0x34f: {  	v11 =	vmul.bf16 v11, v18;
	v12 =	vmul.bf16 v12, v20;
	v17 =	vld [tilespmem:s30+$0xF210]  }
0x350: {  	[tilespmem:v8+s19+$0x0] =	vst.idx.add.f32.msk $0xffff, v7  }
0x351: {  	v5 =	vmul.bf16 v6, v5;
	v7 =	vadd.bf16 v12, v11;
	v6 =	vld [tilespmem:s29+$0xA580]  }
0x352: {  	v8 =	vld [tilespmem:s29+$0xF580]  }
0x353: {  	v3 =	vmul.bf16 v4, v3;
	v5 =	vadd.bf16 v5, v7;
	v4 =	vld [tilespmem:s29+$0xA590]  }
0x354: {  	s0 =	sadd.s32 $0x10, s0;
	v7 =	vld [tilespmem:s29+$0xF590]  }
0x355: {  	v11 =	vmov s0;
	v3 =	vadd.bf16 v3, v5;
	v5 =	vld [tilespmem:s29+$0xA5A0]  }
0x356: {  	v12 =	vld [tilespmem:s29+$0xF5A0]  }
0x357: {  	v18 =	vunpack.i.u.bf16.f32 v3;
	v3 =	vunpack.i.l.bf16.f32 v3;
	v20 =	vld [tilespmem:s29+$0xA5B0]  }
0x358: {  	v15 =	vmul.bf16 v16, v15;
	v16 =	vmul.bf16 v17, v19;
	v3 =	vadd.f32 v3, v18;
	v17 =	vld [tilespmem:s29+$0xF5B0]  }
0x359: {  	v6 =	vmul.bf16 v8, v6;
	v4 =	vmul.bf16 v7, v4  }
0x35a: {  	v7 =	vmul.bf16 v14, v13;
	[tilespmem:v11+s19+$0x0] =	vst.idx.add.f32.msk $0xffff, v3;
	v3 =	vadd.bf16 v16, v15  }
0x35b: {  	v8 =	vld [tilespmem:s10+$0x9F30];
	v4 =	vadd.bf16 v4, v6;
	v5 =	vmul.bf16 v12, v5  }
0x35c: {  	v6 =	vld [tilespmem:s10+$0xEF30];
	v3 =	vadd.bf16 v7, v3;
	v7 =	vmul.bf16 v10, v9  }
0x35d: {  	v9 =	vld [tilespmem:s10+$0x9F20];
	v4 =	vadd.bf16 v5, v4;
	v5 =	vmul.bf16 v17, v20  }
0x35e: {  	v10 =	vld [tilespmem:s10+$0xEF20];
	v3 =	vadd.bf16 v7, v3;
	v7 =	vor.u32 $0x7, v2  }
0x35f: {  	v12 =	vld [tilespmem:s10+$0x9F00];
	v4 =	vadd.bf16 v5, v4;
	v5 =	vor.u32 $0xE, v1  }
0x360: {  	v13 =	vld [tilespmem:s10+$0xEF00];
	v14 =	vunpack.i.u.bf16.f32 v3;
	v3 =	vunpack.i.l.bf16.f32 v3  }
0x361: {  	v15 =	vld [tilespmem:s10+$0x9F10];
	v3 =	vadd.f32 v3, v14;
	v14 =	vunpack.i.u.bf16.f32 v4;
	v4 =	vunpack.i.l.bf16.f32 v4  }
0x362: {  	v16 =	vld [tilespmem:s10+$0xEF10];
	v4 =	vadd.f32 v4, v14  }
0x363: {  	[tilespmem:v7+s19+$0x0] =	vst.idx.add.f32.msk $0xffff, v3  }
0x364: {  	[tilespmem:v5+s19+$0x0] =	vst.idx.add.f32.msk $0xffff, v4  }
0x365: {  	v3 =	vld [tilespmem:s29+$0xA600]  }
0x366: {  	v4 =	vld [tilespmem:s29+$0xF600]  }
0x367: {  	v5 =	vld [tilespmem:s29+$0xA610]  }
0x368: {  	v7 =	vld [tilespmem:s29+$0xF610]  }
0x369: {  	v14 =	vld [tilespmem:s29+$0xA620]  }
0x36a: {  	v17 =	vld [tilespmem:s29+$0xF620]  }
0x36b: {  	v12 =	vmul.bf16 v13, v12;
	v13 =	vmul.bf16 v16, v15;
	v15 =	vld [tilespmem:s29+$0xA630]  }
0x36c: {  	v9 =	vmul.bf16 v10, v9;
	v10 =	vld [tilespmem:s29+$0xF630];
	s29 =	smov.u32 s30;
	s30 =	smov.u32 s10  }
0x36d: {  	v12 =	vadd.bf16 v13, v12;
	v3 =	vmul.bf16 v4, v3;
	v13 =	vld [tilespmem:s29+$0xA280];
	v4 =	vmul.bf16 v7, v5  }
0x36e: {  	v5 =	vmul.bf16 v6, v8;
	v6 =	vld [tilespmem:s29+$0xF280]  }
0x36f: {  	v7 =	vadd.bf16 v9, v12;
	v8 =	vld [tilespmem:s29+$0xA290];
	v3 =	vadd.bf16 v4, v3;
	v4 =	vmul.bf16 v17, v14  }
0x370: {  	v9 =	vor.u32 $0x1, v11;
	v12 =	vld [tilespmem:s29+$0xF290]  }
0x371: {  	v5 =	vadd.bf16 v5, v7;
	v7 =	vld [tilespmem:s29+$0xA2A0];
	v3 =	vadd.bf16 v4, v3;
	v4 =	vmul.bf16 v10, v15  }
0x372: {  	v14 =	vor.u32 $0xF, v1;
	v1 =	vmov v2;
	v2 =	vmov v11;
	v10 =	vld [tilespmem:s29+$0xF2A0]  }
0x373: {  	v11 =	vunpack.i.u.bf16.f32 v5;
	v5 =	vunpack.i.l.bf16.f32 v5;
	v15 =	vld [tilespmem:s29+$0xA2B0];
	v3 =	vadd.bf16 v4, v3  }
0x374: {  	v4 =	vadd.f32 v5, v11;
	v5 =	vmul.bf16 v6, v13;
	v6 =	vld [tilespmem:s29+$0xF2B0]  }
0x375: {  	v8 =	vmul.bf16 v12, v8;
	v11 =	vunpack.i.u.bf16.f32 v3;
	v3 =	vunpack.i.l.bf16.f32 v3  }
0x376: {  	[tilespmem:v9+s19+$0x0] =	vst.idx.add.f32.msk $0xffff, v4;
	v3 =	vadd.f32 v3, v11  }
0x377: {  	v4 =	vld [tilespmem:s30+$0x9F80];
	v5 =	vadd.bf16 v8, v5;
	v7 =	vmul.bf16 v10, v7  }
0x378: {  	[tilespmem:v14+s19+$0x0] =	vst.idx.add.f32.msk $0xffff, v3  }
0x379: {  	v3 =	vld [tilespmem:s30+$0xEF80];
	v5 =	vadd.bf16 v7, v5;
	v6 =	vmul.bf16 v6, v15  }
0x37a: {  	v7 =	vld [tilespmem:s30+$0x9F90]  }
0x37b: {  	v8 =	vld [tilespmem:s30+$0xEF90];
	v5 =	vadd.bf16 v6, v5;
	v6 =	vor.u32 $0x8, v1  }
0x37c: {  	v9 =	vld [tilespmem:s30+$0x9FA0]  }
0x37d: {  	v10 =	vld [tilespmem:s30+$0xEFA0];
	v11 =	vunpack.i.u.bf16.f32 v5;
	v5 =	vunpack.i.l.bf16.f32 v5  }
0x37e: {  	v12 =	vld [tilespmem:s30+$0x9FB0];
	v5 =	vadd.f32 v5, v11  }
0x37f: {  	v11 =	vld [tilespmem:s30+$0xEFB0]  }
0x380: {  	v3 =	vmul.bf16 v3, v4;
	v4 =	vmul.bf16 v8, v7;
	[tilespmem:v6+s19+$0x0] =	vst.idx.add.f32.msk $0xffff, v5  }
0x381: {  	v5 =	vld [tilespmem:s29+$0xA300]  }
0x382: {  	v3 =	vadd.bf16 v4, v3;
	v4 =	vmul.bf16 v10, v9;
	v6 =	vld [tilespmem:s29+$0xF300]  }
0x383: {  	v7 =	vld [tilespmem:s29+$0xA310]  }
0x384: {  	v3 =	vadd.bf16 v4, v3;
	v4 =	vmul.bf16 v11, v12;
	v8 =	vld [tilespmem:s29+$0xF310]  }
0x385: {  	v9 =	vld [tilespmem:s29+$0xA320]  }
0x386: {  	v3 =	vadd.bf16 v4, v3;
	v4 =	vor.u32 $0x2, v2;
	v10 =	vld [tilespmem:s29+$0xF320]  }
0x387: {  	v11 =	vld [tilespmem:s29+$0xA330]  }
0x388: {  	v12 =	vunpack.i.u.bf16.f32 v3;
	v3 =	vunpack.i.l.bf16.f32 v3;
	v13 =	vld [tilespmem:s29+$0xF330]  }
0x389: {  	v5 =	vmul.bf16 v6, v5;
	v3 =	vadd.f32 v3, v12;
	v6 =	vmul.bf16 v8, v7;
	_ =	sdelay $0x1  }
0x38a: {  	[tilespmem:v4+s19+$0x0] =	vst.idx.add.f32.msk $0xffff, v3;
	v3 =	vadd.bf16 v6, v5;
	v4 =	vmul.bf16 v10, v9  }
.Ltmp2:
0x38b: {  	v5 =	vld [tilespmem:s30+$0xA000];
	(pc) =	sbr.rel @p0 .LBB2_7-.Ltmp2, $4  }
0x38c: {  	v6 =	vld [tilespmem:s30+$0xF000];
	v3 =	vadd.bf16 v4, v3;
	v4 =	vmul.bf16 v13, v11  }
0x38d: {  	v7 =	vld [tilespmem:s30+$0xA010]  }
0x38e: {  	v9 =	vld [tilespmem:s30+$0xF010];
	v4 =	vadd.bf16 v4, v3;
	v3 =	vor.u32 $0x9, v1  }
0x38f: {  	s11 =	sadd.s32 $0x2000, s11;
	v8 =	vld [tilespmem:s30+$0xA020]  }
0x390: {  	v10 =	vld [tilespmem:s30+$0xF020]  }
0x391: {  	v11 =	vld [tilespmem:s30+$0xA030]  }
0x392: {  	v12 =	vld [tilespmem:s30+$0xF030]  }
0x393: {  	v5 =	vmul.bf16 v6, v5;
	v42 =	vmul.bf16 v9, v7;
	_ =	sdelay $0x1  }
0x394: {  	v5 =	vadd.bf16 v42, v5;
	v43 =	vmul.bf16 v10, v8;
	_ =	sdelay $0x1  }
0x395: {  	v44 =	vmul.bf16 v12, v11;
	v5 =	vadd.bf16 v43, v5;
	_ =	sdelay $0x1  }
0x396: {  	v45 =	vor.u32 $0x3, v2;
	v5 =	vadd.bf16 v44, v5;
	_ =	sdelay $0x1  }
0x397: {  	v46 =	vunpack.i.u.bf16.f32 v5;
	v5 =	vunpack.i.l.bf16.f32 v5  }
0x398: {  	v5 =	vadd.f32 v5, v46;
	_ =	sdelay $0x1  }
0x399: {  	[tilespmem:v45+s19+$0x0] =	vst.idx.add.f32.msk $0xffff, v5  }
0x39a: {  	v5 =	vld [tilespmem:s30+$0xA080]  }
0x39b: {  	v6 =	vld [tilespmem:s30+$0xF080]  }
0x39c: {  	v47 =	vld [tilespmem:s30+$0xA090]  }
0x39d: {  	v48 =	vld [tilespmem:s30+$0xF090]  }
0x39e: {  	v49 =	vld [tilespmem:s30+$0xA0A0]  }
0x39f: {  	v50 =	vld [tilespmem:s30+$0xF0A0]  }
0x3a0: {  	v51 =	vld [tilespmem:s30+$0xA0B0]  }
0x3a1: {  	v52 =	vld [tilespmem:s30+$0xF0B0]  }
0x3a2: {  	v5 =	vmul.bf16 v6, v5;
	v53 =	vmul.bf16 v48, v47;
	_ =	sdelay $0x1  }
0x3a3: {  	v54 =	vmul.bf16 v50, v49;
	v5 =	vadd.bf16 v53, v5;
	_ =	sdelay $0x1  }
0x3a4: {  	v55 =	vmul.bf16 v52, v51;
	v5 =	vadd.bf16 v54, v5;
	_ =	sdelay $0x1  }
0x3a5: {  	v56 =	vor.u32 $0x4, v2;
	v5 =	vadd.bf16 v55, v5;
	_ =	sdelay $0x1  }
0x3a6: {  	v57 =	vunpack.i.u.bf16.f32 v5;
	v5 =	vunpack.i.l.bf16.f32 v5  }
0x3a7: {  	v5 =	vadd.f32 v5, v57;
	_ =	sdelay $0x1  }
0x3a8: {  	[tilespmem:v56+s19+$0x0] =	vst.idx.add.f32.msk $0xffff, v5  }
0x3a9: {  	v5 =	vld [tilespmem:s30+$0xA100]  }
0x3aa: {  	v6 =	vld [tilespmem:s30+$0xF100]  }
0x3ab: {  	v58 =	vld [tilespmem:s30+$0xA110]  }
0x3ac: {  	v59 =	vld [tilespmem:s30+$0xF110]  }
0x3ad: {  	v60 =	vld [tilespmem:s30+$0xA120]  }
0x3ae: {  	v61 =	vld [tilespmem:s30+$0xF120]  }
0x3af: {  	v62 =	vld [tilespmem:s30+$0xA130]  }
0x3b0: {  	v63 =	vld [tilespmem:s30+$0xF130]  }
0x3b1: {  	v5 =	vmul.bf16 v6, v5;
	v16 =	vmul.bf16 v59, v58;
	_ =	sdelay $0x1  }
0x3b2: {  	v17 =	vmul.bf16 v61, v60;
	v5 =	vadd.bf16 v16, v5;
	_ =	sdelay $0x1  }
0x3b3: {  	v18 =	vmul.bf16 v63, v62;
	v5 =	vadd.bf16 v17, v5;
	_ =	sdelay $0x1  }
0x3b4: {  	v19 =	vor.u32 $0x5, v2;
	v5 =	vadd.bf16 v18, v5;
	_ =	sdelay $0x1  }
0x3b5: {  	v20 =	vunpack.i.u.bf16.f32 v5;
	v5 =	vunpack.i.l.bf16.f32 v5  }
0x3b6: {  	v5 =	vadd.f32 v5, v20;
	_ =	sdelay $0x1  }
0x3b7: {  	[tilespmem:v19+s19+$0x0] =	vst.idx.add.f32.msk $0xffff, v5  }
0x3b8: {  	v5 =	vld [tilespmem:s30+$0xA180]  }
0x3b9: {  	v6 =	vld [tilespmem:s30+$0xF180]  }
0x3ba: {  	v21 =	vld [tilespmem:s30+$0xA190]  }
0x3bb: {  	v22 =	vld [tilespmem:s30+$0xF190]  }
0x3bc: {  	v23 =	vld [tilespmem:s30+$0xA1A0]  }
0x3bd: {  	v24 =	vld [tilespmem:s30+$0xF1A0]  }
0x3be: {  	v25 =	vld [tilespmem:s30+$0xA1B0]  }
0x3bf: {  	v26 =	vld [tilespmem:s30+$0xF1B0]  }
0x3c0: {  	v5 =	vmul.bf16 v6, v5;
	v27 =	vmul.bf16 v22, v21;
	_ =	sdelay $0x1  }
0x3c1: {  	v28 =	vmul.bf16 v24, v23;
	v5 =	vadd.bf16 v27, v5;
	_ =	sdelay $0x1  }
0x3c2: {  	v29 =	vmul.bf16 v26, v25;
	v5 =	vadd.bf16 v28, v5;
	_ =	sdelay $0x1  }
0x3c3: {  	v30 =	vor.u32 $0x6, v2;
	v5 =	vadd.bf16 v29, v5;
	_ =	sdelay $0x1  }
0x3c4: {  	v31 =	vunpack.i.u.bf16.f32 v5;
	v5 =	vunpack.i.l.bf16.f32 v5  }
0x3c5: {  	v5 =	vadd.f32 v5, v31;
	_ =	sdelay $0x1  }
0x3c6: {  	[tilespmem:v30+s19+$0x0] =	vst.idx.add.f32.msk $0xffff, v5  }
0x3c7: {  	v5 =	vld [tilespmem:s30+$0xA200]  }
0x3c8: {  	v6 =	vld [tilespmem:s30+$0xF200]  }
0x3c9: {  	v32 =	vld [tilespmem:s30+$0xA210]  }
0x3ca: {  	v33 =	vld [tilespmem:s30+$0xF210]  }
0x3cb: {  	v34 =	vld [tilespmem:s30+$0xA220]  }
0x3cc: {  	v35 =	vld [tilespmem:s30+$0xF220]  }
0x3cd: {  	v36 =	vld [tilespmem:s30+$0xA230]  }
0x3ce: {  	v37 =	vld [tilespmem:s30+$0xF230]  }
0x3cf: {  	v5 =	vmul.bf16 v6, v5;
	v38 =	vmul.bf16 v33, v32;
	_ =	sdelay $0x1  }
0x3d0: {  	v39 =	vmul.bf16 v35, v34;
	v5 =	vadd.bf16 v38, v5;
	_ =	sdelay $0x1  }
0x3d1: {  	v40 =	vmul.bf16 v37, v36;
	v5 =	vadd.bf16 v39, v5;
	_ =	sdelay $0x1  }
0x3d2: {  	v41 =	vor.u32 $0x7, v2;
	v5 =	vadd.bf16 v40, v5;
	_ =	sdelay $0x1  }
0x3d3: {  	v42 =	vunpack.i.u.bf16.f32 v5;
	v5 =	vunpack.i.l.bf16.f32 v5  }
0x3d4: {  	v5 =	vadd.f32 v5, v42;
	_ =	sdelay $0x1  }
0x3d5: {  	[tilespmem:v41+s19+$0x0] =	vst.idx.add.f32.msk $0xffff, v5  }
0x3d6: {  	v5 =	vld [tilespmem:s30+$0xA280]  }
0x3d7: {  	v6 =	vld [tilespmem:s30+$0xF280]  }
0x3d8: {  	v43 =	vld [tilespmem:s30+$0xA290]  }
0x3d9: {  	v44 =	vld [tilespmem:s30+$0xF290]  }
0x3da: {  	v45 =	vld [tilespmem:s30+$0xA2A0]  }
0x3db: {  	v46 =	vld [tilespmem:s30+$0xF2A0]  }
0x3dc: {  	v47 =	vld [tilespmem:s30+$0xA2B0]  }
0x3dd: {  	v48 =	vld [tilespmem:s30+$0xF2B0]  }
0x3de: {  	v5 =	vmul.bf16 v6, v5;
	v49 =	vmul.bf16 v44, v43;
	_ =	sdelay $0x1  }
0x3df: {  	v50 =	vmul.bf16 v46, v45;
	v5 =	vadd.bf16 v49, v5;
	_ =	sdelay $0x1  }
0x3e0: {  	v51 =	vmul.bf16 v48, v47;
	v5 =	vadd.bf16 v50, v5;
	_ =	sdelay $0x1  }
0x3e1: {  	v52 =	vor.u32 $0x8, v2;
	v5 =	vadd.bf16 v51, v5;
	_ =	sdelay $0x1  }
0x3e2: {  	v53 =	vunpack.i.u.bf16.f32 v5;
	v5 =	vunpack.i.l.bf16.f32 v5  }
0x3e3: {  	v5 =	vadd.f32 v5, v53;
	_ =	sdelay $0x1  }
0x3e4: {  	[tilespmem:v52+s19+$0x0] =	vst.idx.add.f32.msk $0xffff, v5  }
0x3e5: {  	v5 =	vld [tilespmem:s30+$0xA300]  }
0x3e6: {  	v6 =	vld [tilespmem:s30+$0xF300]  }
0x3e7: {  	v54 =	vld [tilespmem:s30+$0xA310]  }
0x3e8: {  	v55 =	vld [tilespmem:s30+$0xF310]  }
0x3e9: {  	v56 =	vld [tilespmem:s30+$0xA320]  }
0x3ea: {  	v57 =	vld [tilespmem:s30+$0xF320]  }
0x3eb: {  	v58 =	vld [tilespmem:s30+$0xA330]  }
0x3ec: {  	v59 =	vunpack.i.u.bf16.f32 v4;
	v60 =	vunpack.i.l.bf16.f32 v4;
	v13 =	vld [tilespmem:s30+$0xF330]  }
0x3ed: {  	v4 =	vadd.f32 v60, v59;
	v5 =	vmul.bf16 v6, v5;
	v61 =	vmul.bf16 v55, v54;
	_ =	sdelay $0x1  }
0x3ee: {  	[tilespmem:v3+s19+$0x0] =	vst.idx.add.f32.msk $0xffff, v4;
	v62 =	vmul.bf16 v57, v56;
	v3 =	vadd.bf16 v61, v5  }
0x3ef: {  	v63 =	vld [tilespmem:s29+$0xA380]  }
0x3f0: {  	v16 =	vld [tilespmem:s29+$0xF380];
	v17 =	vmul.bf16 v13, v58;
	v3 =	vadd.bf16 v62, v3  }
0x3f1: {  	v18 =	vld [tilespmem:s29+$0xA390]  }
0x3f2: {  	v20 =	vor.u32 $0x9, v2;
	v19 =	vld [tilespmem:s29+$0xF390];
	v3 =	vadd.bf16 v17, v3  }
0x3f3: {  	v21 =	vld [tilespmem:s29+$0xA3A0]  }
0x3f4: {  	v22 =	vld [tilespmem:s29+$0xF3A0];
	v23 =	vunpack.i.u.bf16.f32 v3;
	v3 =	vunpack.i.l.bf16.f32 v3  }
0x3f5: {  	v24 =	vld [tilespmem:s29+$0xA3B0];
	v3 =	vadd.f32 v3, v23  }
0x3f6: {  	v25 =	vld [tilespmem:s29+$0xF3B0]  }
0x3f7: {  	v26 =	vmul.bf16 v19, v18;
	v5 =	vmul.bf16 v16, v63;
	[tilespmem:v20+s19+$0x0] =	vst.idx.add.f32.msk $0xffff, v3  }
0x3f8: {  	v3 =	vld [tilespmem:s30+$0xA380]  }
0x3f9: {  	v28 =	vmul.bf16 v22, v21;
	v27 =	vadd.bf16 v26, v5;
	v29 =	vld [tilespmem:s30+$0xF380]  }
0x3fa: {  	v30 =	vld [tilespmem:s30+$0xA390]  }
0x3fb: {  	v31 =	vmul.bf16 v25, v24;
	v4 =	vadd.bf16 v28, v27;
	v32 =	vld [tilespmem:s30+$0xF390]  }
0x3fc: {  	v33 =	vld [tilespmem:s30+$0xA3A0]  }
0x3fd: {  	v34 =	vor.u32 $0xA, v1;
	v4 =	vadd.bf16 v31, v4;
	v35 =	vld [tilespmem:s30+$0xF3A0]  }
0x3fe: {  	v36 =	vld [tilespmem:s30+$0xA3B0]  }
0x3ff: {  	v37 =	vunpack.i.u.bf16.f32 v4;
	v4 =	vunpack.i.l.bf16.f32 v4;
	v38 =	vld [tilespmem:s30+$0xF3B0]  }
0x400: {  	v4 =	vadd.f32 v4, v37;
	v3 =	vmul.bf16 v29, v3;
	v39 =	vmul.bf16 v32, v30;
	_ =	sdelay $0x1  }
0x401: {  	[tilespmem:v34+s19+$0x0] =	vst.idx.add.f32.msk $0xffff, v4;
	v40 =	vmul.bf16 v35, v33;
	v3 =	vadd.bf16 v39, v3  }
0x402: {  	v5 =	vld [tilespmem:s29+$0xA400]  }
0x403: {  	v41 =	vld [tilespmem:s29+$0xF400];
	v42 =	vmul.bf16 v38, v36;
	v3 =	vadd.bf16 v40, v3  }
0x404: {  	v43 =	vld [tilespmem:s29+$0xA410]  }
0x405: {  	v45 =	vor.u32 $0xA, v2;
	v44 =	vld [tilespmem:s29+$0xF410];
	v3 =	vadd.bf16 v42, v3  }
0x406: {  	v46 =	vld [tilespmem:s29+$0xA420]  }
0x407: {  	v47 =	vld [tilespmem:s29+$0xF420];
	v48 =	vunpack.i.u.bf16.f32 v3;
	v3 =	vunpack.i.l.bf16.f32 v3  }
0x408: {  	v49 =	vld [tilespmem:s29+$0xA430];
	v3 =	vadd.f32 v3, v48  }
0x409: {  	v50 =	vld [tilespmem:s29+$0xF430]  }
0x40a: {  	v5 =	vmul.bf16 v41, v5;
	v51 =	vmul.bf16 v44, v43;
	[tilespmem:v45+s19+$0x0] =	vst.idx.add.f32.msk $0xffff, v3  }
0x40b: {  	v3 =	vld [tilespmem:s30+$0xA400]  }
0x40c: {  	v53 =	vmul.bf16 v47, v46;
	v52 =	vadd.bf16 v51, v5;
	v54 =	vld [tilespmem:s30+$0xF400]  }
0x40d: {  	v55 =	vld [tilespmem:s30+$0xA410]  }
0x40e: {  	v56 =	vmul.bf16 v50, v49;
	v4 =	vadd.bf16 v53, v52;
	v57 =	vld [tilespmem:s30+$0xF410]  }
0x40f: {  	v58 =	vld [tilespmem:s30+$0xA420]  }
0x410: {  	v59 =	vor.u32 $0xB, v1;
	v4 =	vadd.bf16 v56, v4;
	v60 =	vld [tilespmem:s30+$0xF420]  }
0x411: {  	v61 =	vld [tilespmem:s30+$0xA430]  }
0x412: {  	v62 =	vunpack.i.u.bf16.f32 v4;
	v4 =	vunpack.i.l.bf16.f32 v4;
	v63 =	vld [tilespmem:s30+$0xF430]  }
0x413: {  	v4 =	vadd.f32 v4, v62;
	v3 =	vmul.bf16 v54, v3;
	v15 =	vmul.bf16 v57, v55;
	_ =	sdelay $0x1  }
0x414: {  	[tilespmem:v59+s19+$0x0] =	vst.idx.add.f32.msk $0xffff, v4;
	v16 =	vmul.bf16 v60, v58;
	v3 =	vadd.bf16 v15, v3  }
0x415: {  	v5 =	vld [tilespmem:s29+$0xA480]  }
0x416: {  	v17 =	vld [tilespmem:s29+$0xF480];
	v18 =	vmul.bf16 v63, v61;
	v3 =	vadd.bf16 v16, v3  }
0x417: {  	v19 =	vld [tilespmem:s29+$0xA490]  }
0x418: {  	v21 =	vor.u32 $0xB, v2;
	v20 =	vld [tilespmem:s29+$0xF490];
	v3 =	vadd.bf16 v18, v3  }
0x419: {  	v22 =	vld [tilespmem:s29+$0xA4A0]  }
0x41a: {  	v23 =	vld [tilespmem:s29+$0xF4A0];
	v24 =	vunpack.i.u.bf16.f32 v3;
	v3 =	vunpack.i.l.bf16.f32 v3  }
0x41b: {  	v25 =	vld [tilespmem:s29+$0xA4B0];
	v3 =	vadd.f32 v3, v24  }
0x41c: {  	v26 =	vld [tilespmem:s29+$0xF4B0]  }
0x41d: {  	v5 =	vmul.bf16 v17, v5;
	v27 =	vmul.bf16 v20, v19;
	[tilespmem:v21+s19+$0x0] =	vst.idx.add.f32.msk $0xffff, v3  }
0x41e: {  	v3 =	vld [tilespmem:s30+$0xA480]  }
0x41f: {  	v29 =	vmul.bf16 v23, v22;
	v28 =	vadd.bf16 v27, v5;
	v30 =	vld [tilespmem:s30+$0xF480]  }
0x420: {  	v31 =	vld [tilespmem:s30+$0xA490]  }
0x421: {  	v32 =	vmul.bf16 v26, v25;
	v4 =	vadd.bf16 v29, v28;
	v33 =	vld [tilespmem:s30+$0xF490]  }
0x422: {  	v34 =	vld [tilespmem:s30+$0xA4A0]  }
0x423: {  	v35 =	vor.u32 $0xC, v1;
	v4 =	vadd.bf16 v32, v4;
	v36 =	vld [tilespmem:s30+$0xF4A0]  }
0x424: {  	v37 =	vld [tilespmem:s30+$0xA4B0]  }
0x425: {  	v38 =	vunpack.i.u.bf16.f32 v4;
	v4 =	vunpack.i.l.bf16.f32 v4;
	v39 =	vld [tilespmem:s30+$0xF4B0]  }
0x426: {  	v4 =	vadd.f32 v4, v38;
	v3 =	vmul.bf16 v30, v3;
	v40 =	vmul.bf16 v33, v31;
	_ =	sdelay $0x1  }
0x427: {  	[tilespmem:v35+s19+$0x0] =	vst.idx.add.f32.msk $0xffff, v4;
	v41 =	vmul.bf16 v36, v34;
	v3 =	vadd.bf16 v40, v3  }
0x428: {  	v5 =	vld [tilespmem:s29+$0xA500]  }
0x429: {  	v42 =	vld [tilespmem:s29+$0xF500];
	v43 =	vmul.bf16 v39, v37;
	v3 =	vadd.bf16 v41, v3  }
0x42a: {  	v44 =	vld [tilespmem:s29+$0xA510]  }
0x42b: {  	v46 =	vor.u32 $0xC, v2;
	v45 =	vld [tilespmem:s29+$0xF510];
	v3 =	vadd.bf16 v43, v3  }
0x42c: {  	v47 =	vld [tilespmem:s29+$0xA520]  }
0x42d: {  	v48 =	vld [tilespmem:s29+$0xF520];
	v49 =	vunpack.i.u.bf16.f32 v3;
	v3 =	vunpack.i.l.bf16.f32 v3  }
0x42e: {  	v50 =	vld [tilespmem:s29+$0xA530];
	v3 =	vadd.f32 v3, v49  }
0x42f: {  	v51 =	vld [tilespmem:s29+$0xF530]  }
0x430: {  	v5 =	vmul.bf16 v42, v5;
	v52 =	vmul.bf16 v45, v44;
	[tilespmem:v46+s19+$0x0] =	vst.idx.add.f32.msk $0xffff, v3  }
0x431: {  	v3 =	vld [tilespmem:s30+$0xA500]  }
0x432: {  	v54 =	vmul.bf16 v48, v47;
	v53 =	vadd.bf16 v52, v5;
	v55 =	vld [tilespmem:s30+$0xF500]  }
0x433: {  	v56 =	vld [tilespmem:s30+$0xA510]  }
0x434: {  	v57 =	vmul.bf16 v51, v50;
	v4 =	vadd.bf16 v54, v53;
	v58 =	vld [tilespmem:s30+$0xF510]  }
0x435: {  	v59 =	vld [tilespmem:s30+$0xA520]  }
0x436: {  	v60 =	vor.u32 $0xD, v1;
	v4 =	vadd.bf16 v57, v4;
	v61 =	vld [tilespmem:s30+$0xF520]  }
0x437: {  	v62 =	vld [tilespmem:s30+$0xA530]  }
0x438: {  	v63 =	vunpack.i.u.bf16.f32 v4;
	v4 =	vunpack.i.l.bf16.f32 v4;
	v16 =	vld [tilespmem:s30+$0xF530]  }
0x439: {  	v4 =	vadd.f32 v4, v63;
	v3 =	vmul.bf16 v55, v3;
	v17 =	vmul.bf16 v58, v56;
	_ =	sdelay $0x1  }
0x43a: {  	[tilespmem:v60+s19+$0x0] =	vst.idx.add.f32.msk $0xffff, v4;
	v18 =	vmul.bf16 v61, v59;
	v3 =	vadd.bf16 v17, v3  }
0x43b: {  	v5 =	vld [tilespmem:s29+$0xA580]  }
0x43c: {  	v19 =	vld [tilespmem:s29+$0xF580];
	v20 =	vmul.bf16 v16, v62;
	v3 =	vadd.bf16 v18, v3  }
0x43d: {  	v21 =	vld [tilespmem:s29+$0xA590]  }
0x43e: {  	v23 =	vor.u32 $0xD, v2;
	v22 =	vld [tilespmem:s29+$0xF590];
	v3 =	vadd.bf16 v20, v3  }
0x43f: {  	v24 =	vld [tilespmem:s29+$0xA5A0]  }
0x440: {  	v25 =	vld [tilespmem:s29+$0xF5A0];
	v26 =	vunpack.i.u.bf16.f32 v3;
	v3 =	vunpack.i.l.bf16.f32 v3  }
0x441: {  	v27 =	vld [tilespmem:s29+$0xA5B0];
	v3 =	vadd.f32 v3, v26  }
0x442: {  	v28 =	vld [tilespmem:s29+$0xF5B0]  }
0x443: {  	v5 =	vmul.bf16 v19, v5;
	v29 =	vmul.bf16 v22, v21;
	[tilespmem:v23+s19+$0x0] =	vst.idx.add.f32.msk $0xffff, v3  }
0x444: {  	v3 =	vld [tilespmem:s30+$0xA580]  }
0x445: {  	v31 =	vmul.bf16 v25, v24;
	v30 =	vadd.bf16 v29, v5;
	v32 =	vld [tilespmem:s30+$0xF580]  }
0x446: {  	v33 =	vld [tilespmem:s30+$0xA590]  }
0x447: {  	v34 =	vmul.bf16 v28, v27;
	v4 =	vadd.bf16 v31, v30;
	v35 =	vld [tilespmem:s30+$0xF590]  }
0x448: {  	v36 =	vld [tilespmem:s30+$0xA5A0]  }
0x449: {  	v37 =	vor.u32 $0xE, v1;
	v4 =	vadd.bf16 v34, v4;
	v38 =	vld [tilespmem:s30+$0xF5A0]  }
0x44a: {  	v39 =	vld [tilespmem:s30+$0xA5B0]  }
0x44b: {  	v40 =	vunpack.i.u.bf16.f32 v4;
	v4 =	vunpack.i.l.bf16.f32 v4;
	v41 =	vld [tilespmem:s30+$0xF5B0]  }
0x44c: {  	v4 =	vadd.f32 v4, v40;
	v3 =	vmul.bf16 v32, v3;
	v42 =	vmul.bf16 v35, v33;
	_ =	sdelay $0x1  }
0x44d: {  	[tilespmem:v37+s19+$0x0] =	vst.idx.add.f32.msk $0xffff, v4;
	v43 =	vmul.bf16 v38, v36;
	v3 =	vadd.bf16 v42, v3  }
0x44e: {  	v5 =	vld [tilespmem:s29+$0xA600]  }
0x44f: {  	v44 =	vld [tilespmem:s29+$0xF600];
	v45 =	vmul.bf16 v41, v39;
	v3 =	vadd.bf16 v43, v3  }
0x450: {  	v46 =	vld [tilespmem:s29+$0xA610]  }
0x451: {  	v48 =	vor.u32 $0xE, v2;
	v47 =	vld [tilespmem:s29+$0xF610];
	v3 =	vadd.bf16 v45, v3  }
0x452: {  	v49 =	vld [tilespmem:s29+$0xA620]  }
0x453: {  	v50 =	vld [tilespmem:s29+$0xF620];
	v51 =	vunpack.i.u.bf16.f32 v3;
	v3 =	vunpack.i.l.bf16.f32 v3  }
0x454: {  	v52 =	vld [tilespmem:s29+$0xA630];
	v3 =	vadd.f32 v3, v51  }
0x455: {  	v53 =	vld [tilespmem:s29+$0xF630]  }
0x456: {  	[tilespmem:v48+s19+$0x0] =	vst.idx.add.f32.msk $0xffff, v3  }
0x457: {  	v3 =	vld [tilespmem:s30+$0xA600]  }
0x458: {  	v4 =	vld [tilespmem:s30+$0xF600]  }
0x459: {  	v54 =	vld [tilespmem:s30+$0xA610]  }
0x45a: {  	v14 =	vld [tilespmem:s30+$0xF610]  }
0x45b: {  	v15 =	vld [tilespmem:s30+$0xA620]  }
0x45c: {  	v16 =	vld [tilespmem:s30+$0xF620]  }
0x45d: {  	v17 =	vld [tilespmem:s30+$0xA630]  }
0x45e: {  	v5 =	vmul.bf16 v44, v5;
	v55 =	vmul.bf16 v47, v46;
	v56 =	vld [tilespmem:s30+$0xF630]  }
0x45f: {  	v3 =	vmul.bf16 v4, v3;
	v57 =	vmul.bf16 v14, v54  }
0x460: {  	v58 =	vmul.bf16 v50, v49;
	v5 =	vadd.bf16 v55, v5  }
0x461: {  	v59 =	vmul.bf16 v16, v15;
	v3 =	vadd.bf16 v57, v3  }
0x462: {  	v60 =	vmul.bf16 v53, v52;
	v5 =	vadd.bf16 v58, v5  }
0x463: {  	v61 =	vmul.bf16 v56, v17;
	v3 =	vadd.bf16 v59, v3  }
0x464: {  	s28 =	sadd.s32 $0x1, s28;
	v1 =	vor.u32 $0xF, v1;
	v5 =	vadd.bf16 v60, v5  }
0x465: {  	p0 =	sne.s32 s28, $0x3E;
	v2 =	vor.u32 $0xF, v2;
	v3 =	vadd.bf16 v61, v3  }
.Ltmp3:
0x466: {  	v62 =	vunpack.i.u.bf16.f32 v5;
	v5 =	vunpack.i.l.bf16.f32 v5;
	(pc) =	sbr.rel @p0 .LBB2_4-.Ltmp3, $4  }
0x467: {  	v4 =	vadd.f32 v5, v62;
	v63 =	vunpack.i.u.bf16.f32 v3;
	v3 =	vunpack.i.l.bf16.f32 v3  }
0x468: {  	v3 =	vadd.f32 v3, v63  }
0x469: {  	s24 =	sadd.s32 $0xA0, s24;
	[tilespmem:v1+s19+$0x0] =	vst.idx.add.f32.msk $0xffff, v4  }
0x46a: {  	s25 =	sadd.s32 $0xA0, s25;
	s23 =	sadd.s32 $0xA0, s23;
	s26 =	sadd.s32 $0xA0, s26;
	[tilespmem:v2+s19+$0x0] =	vst.idx.add.f32.msk $0xffff, v3  }
0x46b: {  	_ =	swait.ge [sflag:s14], $0x2800  }
0x46c: {  	[sflag:s14] =	ssyncset.done $0x0  }
0x46d: {  	[sflag:s14] =	ssyncadd.s32 $0xFFFFD800  }
0x46e: {  	_ =	swait.ge [sflag:s15], $0x2800  }
0x46f: {  	[sflag:s15] =	ssyncset.done $0x0  }
0x470: {  	s0 =	simm.s32 $0x13D40;
	[sflag:s15] =	ssyncadd.s32 $0xFFFFD800  }
0x471: {  	s23 =	simm.s32 $0x7A80;
	[tilespmem:s0+$0x0] =	vst v0  }
0x472: {  	s24 =	simm.s32 $0xCA80;
	v1 =	vld [tilespmem:s23+$0xFFFFFC00]  }
0x473: {  	v2 =	vld [tilespmem:s24+$0xFFFFFC00]  }
0x474: {  	v3 =	vld [tilespmem:s23+$0xFFFFFC10]  }
0x475: {  	v4 =	vld [tilespmem:s24+$0xFFFFFC10]  }
0x476: {  	v5 =	vld [tilespmem:s23+$0xFFFFFC20]  }
0x477: {  	v6 =	vld [tilespmem:s24+$0xFFFFFC20]  }
0x478: {  	v7 =	vld [tilespmem:s23+$0xFFFFFC30]  }
0x479: {  	v8 =	vld [tilespmem:s24+$0xFFFFFC30]  }
0x47a: {  	v1 =	vmul.bf16 v2, v1;
	v2 =	vmul.bf16 v4, v3;
	_ =	sdelay $0x1  }
0x47b: {  	v1 =	vadd.bf16 v2, v1;
	v2 =	vmul.bf16 v6, v5;
	_ =	sdelay $0x1  }
0x47c: {  	v3 =	vmul.bf16 v8, v7;
	v2 =	vadd.bf16 v2, v1  }
0x47d: {  	s26 =	simm.s32 $0x26C0  }
0x47e: {  	v1 =	vmov s26;
	v2 =	vadd.bf16 v3, v2;
	_ =	sdelay $0x1  }
0x47f: {  	v3 =	vunpack.i.u.bf16.f32 v2;
	v2 =	vunpack.i.l.bf16.f32 v2  }
0x480: {  	v2 =	vadd.f32 v2, v3;
	_ =	sdelay $0x1  }
0x481: {  	[tilespmem:v1+s19+$0x0] =	vst.idx.add.f32.msk $0xffff, v2  }
0x482: {  	v2 =	vld [tilespmem:s23+$0xFFFFFC80]  }
0x483: {  	v3 =	vld [tilespmem:s24+$0xFFFFFC80]  }
0x484: {  	v4 =	vld [tilespmem:s23+$0xFFFFFC90]  }
0x485: {  	v5 =	vld [tilespmem:s24+$0xFFFFFC90]  }
0x486: {  	v6 =	vld [tilespmem:s23+$0xFFFFFCA0]  }
0x487: {  	v7 =	vld [tilespmem:s24+$0xFFFFFCA0]  }
0x488: {  	v8 =	vld [tilespmem:s23+$0xFFFFFCB0]  }
0x489: {  	v9 =	vld [tilespmem:s24+$0xFFFFFCB0]  }
0x48a: {  	v2 =	vmul.bf16 v3, v2;
	v3 =	vmul.bf16 v5, v4;
	_ =	sdelay $0x1  }
0x48b: {  	v4 =	vmul.bf16 v7, v6;
	v2 =	vadd.bf16 v3, v2;
	_ =	sdelay $0x1  }
0x48c: {  	v3 =	vmul.bf16 v9, v8;
	v2 =	vadd.bf16 v4, v2;
	_ =	sdelay $0x1  }
0x48d: {  	v4 =	vor.u32 $0x1, v1;
	v2 =	vadd.bf16 v3, v2;
	_ =	sdelay $0x1  }
0x48e: {  	v3 =	vunpack.i.u.bf16.f32 v2;
	v2 =	vunpack.i.l.bf16.f32 v2  }
0x48f: {  	v2 =	vadd.f32 v2, v3;
	_ =	sdelay $0x1  }
0x490: {  	[tilespmem:v4+s19+$0x0] =	vst.idx.add.f32.msk $0xffff, v2  }
0x491: {  	v2 =	vld [tilespmem:s23+$0xFFFFFD00]  }
0x492: {  	v3 =	vld [tilespmem:s24+$0xFFFFFD00]  }
0x493: {  	v4 =	vld [tilespmem:s23+$0xFFFFFD10]  }
0x494: {  	v5 =	vld [tilespmem:s24+$0xFFFFFD10]  }
0x495: {  	v6 =	vld [tilespmem:s23+$0xFFFFFD20]  }
0x496: {  	v7 =	vld [tilespmem:s24+$0xFFFFFD20]  }
0x497: {  	v8 =	vld [tilespmem:s23+$0xFFFFFD30]  }
0x498: {  	v9 =	vld [tilespmem:s24+$0xFFFFFD30]  }
0x499: {  	v2 =	vmul.bf16 v3, v2;
	v3 =	vmul.bf16 v5, v4;
	_ =	sdelay $0x1  }
0x49a: {  	v2 =	vadd.bf16 v3, v2;
	v3 =	vmul.bf16 v7, v6;
	_ =	sdelay $0x1  }
0x49b: {  	v2 =	vadd.bf16 v3, v2;
	v3 =	vmul.bf16 v9, v8;
	_ =	sdelay $0x1  }
0x49c: {  	v2 =	vadd.bf16 v3, v2;
	v3 =	vor.u32 $0x2, v1;
	_ =	sdelay $0x1  }
0x49d: {  	v4 =	vunpack.i.u.bf16.f32 v2;
	v2 =	vunpack.i.l.bf16.f32 v2  }
0x49e: {  	v2 =	vadd.f32 v2, v4;
	_ =	sdelay $0x1  }
0x49f: {  	[tilespmem:v3+s19+$0x0] =	vst.idx.add.f32.msk $0xffff, v2  }
0x4a0: {  	v2 =	vld [tilespmem:s23+$0xFFFFFD80]  }
0x4a1: {  	v3 =	vld [tilespmem:s24+$0xFFFFFD80]  }
0x4a2: {  	v4 =	vld [tilespmem:s23+$0xFFFFFD90]  }
0x4a3: {  	v5 =	vld [tilespmem:s24+$0xFFFFFD90]  }
0x4a4: {  	v6 =	vld [tilespmem:s23+$0xFFFFFDA0]  }
0x4a5: {  	v7 =	vld [tilespmem:s24+$0xFFFFFDA0]  }
0x4a6: {  	v8 =	vld [tilespmem:s23+$0xFFFFFDB0]  }
0x4a7: {  	v9 =	vld [tilespmem:s24+$0xFFFFFDB0]  }
0x4a8: {  	v2 =	vmul.bf16 v3, v2;
	v3 =	vmul.bf16 v5, v4;
	_ =	sdelay $0x1  }
0x4a9: {  	v2 =	vadd.bf16 v3, v2;
	v3 =	vmul.bf16 v7, v6;
	_ =	sdelay $0x1  }
0x4aa: {  	v2 =	vadd.bf16 v3, v2;
	v3 =	vmul.bf16 v9, v8;
	_ =	sdelay $0x1  }
0x4ab: {  	v2 =	vadd.bf16 v3, v2;
	v3 =	vor.u32 $0x3, v1;
	_ =	sdelay $0x1  }
0x4ac: {  	v4 =	vunpack.i.u.bf16.f32 v2;
	v2 =	vunpack.i.l.bf16.f32 v2  }
0x4ad: {  	v2 =	vadd.f32 v2, v4;
	_ =	sdelay $0x1  }
0x4ae: {  	[tilespmem:v3+s19+$0x0] =	vst.idx.add.f32.msk $0xffff, v2  }
0x4af: {  	v2 =	vld [tilespmem:s23+$0xFFFFFE00]  }
0x4b0: {  	v3 =	vld [tilespmem:s24+$0xFFFFFE00]  }
0x4b1: {  	v4 =	vld [tilespmem:s23+$0xFFFFFE10]  }
0x4b2: {  	v5 =	vld [tilespmem:s24+$0xFFFFFE10]  }
0x4b3: {  	v6 =	vld [tilespmem:s23+$0xFFFFFE20]  }
0x4b4: {  	v7 =	vld [tilespmem:s24+$0xFFFFFE20]  }
0x4b5: {  	v8 =	vld [tilespmem:s23+$0xFFFFFE30]  }
0x4b6: {  	v9 =	vld [tilespmem:s24+$0xFFFFFE30]  }
0x4b7: {  	v2 =	vmul.bf16 v3, v2;
	v3 =	vmul.bf16 v5, v4;
	_ =	sdelay $0x1  }
0x4b8: {  	v2 =	vadd.bf16 v3, v2;
	v3 =	vmul.bf16 v7, v6;
	_ =	sdelay $0x1  }
0x4b9: {  	v2 =	vadd.bf16 v3, v2;
	v3 =	vmul.bf16 v9, v8;
	_ =	sdelay $0x1  }
0x4ba: {  	v2 =	vadd.bf16 v3, v2;
	v3 =	vor.u32 $0x4, v1;
	_ =	sdelay $0x1  }
0x4bb: {  	v4 =	vunpack.i.u.bf16.f32 v2;
	v2 =	vunpack.i.l.bf16.f32 v2  }
0x4bc: {  	v2 =	vadd.f32 v2, v4;
	_ =	sdelay $0x1  }
0x4bd: {  	[tilespmem:v3+s19+$0x0] =	vst.idx.add.f32.msk $0xffff, v2  }
0x4be: {  	v2 =	vld [tilespmem:s23+$0xFFFFFE80]  }
0x4bf: {  	v3 =	vld [tilespmem:s24+$0xFFFFFE80]  }
0x4c0: {  	v4 =	vld [tilespmem:s23+$0xFFFFFE90]  }
0x4c1: {  	v5 =	vld [tilespmem:s24+$0xFFFFFE90]  }
0x4c2: {  	v6 =	vld [tilespmem:s23+$0xFFFFFEA0]  }
0x4c3: {  	v7 =	vld [tilespmem:s24+$0xFFFFFEA0]  }
0x4c4: {  	v8 =	vld [tilespmem:s23+$0xFFFFFEB0]  }
0x4c5: {  	v9 =	vld [tilespmem:s24+$0xFFFFFEB0]  }
0x4c6: {  	v2 =	vmul.bf16 v3, v2;
	v3 =	vmul.bf16 v5, v4;
	_ =	sdelay $0x1  }
0x4c7: {  	v2 =	vadd.bf16 v3, v2;
	v3 =	vmul.bf16 v7, v6;
	_ =	sdelay $0x1  }
0x4c8: {  	v2 =	vadd.bf16 v3, v2;
	v3 =	vmul.bf16 v9, v8;
	_ =	sdelay $0x1  }
0x4c9: {  	v2 =	vadd.bf16 v3, v2;
	v3 =	vor.u32 $0x5, v1;
	_ =	sdelay $0x1  }
0x4ca: {  	v4 =	vunpack.i.u.bf16.f32 v2;
	v2 =	vunpack.i.l.bf16.f32 v2  }
0x4cb: {  	v2 =	vadd.f32 v2, v4;
	_ =	sdelay $0x1  }
0x4cc: {  	[tilespmem:v3+s19+$0x0] =	vst.idx.add.f32.msk $0xffff, v2  }
0x4cd: {  	v2 =	vld [tilespmem:s23+$0xFFFFFF00]  }
0x4ce: {  	v3 =	vld [tilespmem:s24+$0xFFFFFF00]  }
0x4cf: {  	v4 =	vld [tilespmem:s23+$0xFFFFFF10]  }
0x4d0: {  	v5 =	vld [tilespmem:s24+$0xFFFFFF10]  }
0x4d1: {  	v6 =	vld [tilespmem:s23+$0xFFFFFF20]  }
0x4d2: {  	v7 =	vld [tilespmem:s24+$0xFFFFFF20]  }
0x4d3: {  	v8 =	vld [tilespmem:s23+$0xFFFFFF30]  }
0x4d4: {  	v9 =	vld [tilespmem:s24+$0xFFFFFF30]  }
0x4d5: {  	s28 =	simm.s32 $0x13D50;
	v2 =	vmul.bf16 v3, v2;
	v3 =	vmul.bf16 v5, v4  }
0x4d6: {  	s30 =	simm.s32 $0x8280;
	[tilespmem:s28+$0x0] =	vst v0  }
0x4d7: {  	s29 =	simm.s32 $0xD280;
	v4 =	vld [tilespmem:s30+$0xFFFFFC00];
	v2 =	vadd.bf16 v3, v2;
	v3 =	vmul.bf16 v7, v6  }
0x4d8: {  	v5 =	vld [tilespmem:s29+$0xFFFFFC00]  }
0x4d9: {  	v6 =	vld [tilespmem:s30+$0xFFFFFC10];
	v2 =	vadd.bf16 v3, v2;
	v3 =	vmul.bf16 v9, v8  }
0x4da: {  	v7 =	vld [tilespmem:s29+$0xFFFFFC10]  }
0x4db: {  	v8 =	vld [tilespmem:s30+$0xFFFFFC20];
	v2 =	vadd.bf16 v3, v2;
	v3 =	vor.u32 $0x6, v1  }
0x4dc: {  	v9 =	vld [tilespmem:s29+$0xFFFFFC20]  }
0x4dd: {  	v10 =	vld [tilespmem:s30+$0xFFFFFC30];
	v11 =	vunpack.i.u.bf16.f32 v2;
	v2 =	vunpack.i.l.bf16.f32 v2  }
0x4de: {  	v12 =	vld [tilespmem:s29+$0xFFFFFC30];
	v2 =	vadd.f32 v2, v11  }
0x4df: {  	v4 =	vmul.bf16 v5, v4;
	v5 =	vmul.bf16 v7, v6  }
0x4e0: {  	[tilespmem:v3+s19+$0x0] =	vst.idx.add.f32.msk $0xffff, v2  }
0x4e1: {  	v2 =	vadd.bf16 v5, v4;
	v4 =	vmul.bf16 v9, v8;
	v3 =	vld [tilespmem:s23+$0xFFFFFF80]  }
0x4e2: {  	v5 =	vld [tilespmem:s24+$0xFFFFFF80]  }
0x4e3: {  	v7 =	vmul.bf16 v12, v10;
	v6 =	vld [tilespmem:s23+$0xFFFFFF90];
	v4 =	vadd.bf16 v4, v2  }
0x4e4: {  	s31 =	simm.s32 $0x26D0;
	v8 =	vld [tilespmem:s24+$0xFFFFFF90]  }
0x4e5: {  	v9 =	vld [tilespmem:s23+$0xFFFFFFA0];
	v2 =	vmov s31;
	v4 =	vadd.bf16 v7, v4  }
0x4e6: {  	v7 =	vld [tilespmem:s24+$0xFFFFFFA0]  }
0x4e7: {  	v10 =	vld [tilespmem:s23+$0xFFFFFFB0];
	v11 =	vunpack.i.u.bf16.f32 v4;
	v4 =	vunpack.i.l.bf16.f32 v4  }
0x4e8: {  	v58 =	vld [tilespmem:s24+$0xFFFFFFB0];
	v4 =	vadd.f32 v4, v11  }
0x4e9: {  	v3 =	vmul.bf16 v5, v3;
	v5 =	vmul.bf16 v8, v6  }
0x4ea: {  	[tilespmem:v2+s19+$0x0] =	vst.idx.add.f32.msk $0xffff, v4  }
0x4eb: {  	v3 =	vadd.bf16 v5, v3;
	v4 =	vmul.bf16 v7, v9;
	v5 =	vld [tilespmem:s30+$0xFFFFFC80]  }
0x4ec: {  	v6 =	vld [tilespmem:s29+$0xFFFFFC80]  }
0x4ed: {  	v7 =	vld [tilespmem:s30+$0xFFFFFC90];
	v3 =	vadd.bf16 v4, v3;
	v4 =	vmul.bf16 v58, v10  }
0x4ee: {  	v8 =	vld [tilespmem:s29+$0xFFFFFC90]  }
0x4ef: {  	v9 =	vld [tilespmem:s30+$0xFFFFFCA0];
	v3 =	vadd.bf16 v4, v3;
	v4 =	vor.u32 $0x7, v1  }
0x4f0: {  	v10 =	vld [tilespmem:s29+$0xFFFFFCA0]  }
0x4f1: {  	v11 =	vld [tilespmem:s30+$0xFFFFFCB0];
	v59 =	vunpack.i.u.bf16.f32 v3;
	v3 =	vunpack.i.l.bf16.f32 v3  }
0x4f2: {  	v13 =	vld [tilespmem:s29+$0xFFFFFCB0];
	v3 =	vadd.f32 v3, v59  }
0x4f3: {  	v5 =	vmul.bf16 v6, v5;
	v6 =	vmul.bf16 v8, v7  }
0x4f4: {  	[tilespmem:v4+s19+$0x0] =	vst.idx.add.f32.msk $0xffff, v3  }
0x4f5: {  	v3 =	vmul.bf16 v10, v9;
	v4 =	vadd.bf16 v6, v5;
	v5 =	vld [tilespmem:s23+$0x0]  }
0x4f6: {  	v6 =	vld [tilespmem:s24+$0x0]  }
0x4f7: {  	v7 =	vmul.bf16 v13, v11;
	v8 =	vld [tilespmem:s24+$0x10];
	v3 =	vadd.bf16 v3, v4  }
0x4f8: {  	v4 =	vld [tilespmem:s23+$0x10]  }
0x4f9: {  	v10 =	vld [tilespmem:s24+$0x20];
	v3 =	vadd.bf16 v7, v3  }
0x4fa: {  	v9 =	vor.u32 $0x1, v2;
	v7 =	vld [tilespmem:s23+$0x20]  }
0x4fb: {  	v60 =	vld [tilespmem:s23+$0x30];
	v11 =	vunpack.i.u.bf16.f32 v3;
	v3 =	vunpack.i.l.bf16.f32 v3  }
0x4fc: {  	v3 =	vadd.f32 v3, v11;
	v11 =	vld [tilespmem:s24+$0x30]  }
0x4fd: {  	v5 =	vmul.bf16 v6, v5;
	v4 =	vmul.bf16 v8, v4;
	_ =	sdelay $0x1  }
0x4fe: {  	[tilespmem:v9+s19+$0x0] =	vst.idx.add.f32.msk $0xffff, v3;
	v4 =	vadd.bf16 v4, v5;
	v5 =	vmul.bf16 v10, v7  }
0x4ff: {  	v3 =	vld [tilespmem:s30+$0xFFFFFD00]  }
0x500: {  	v6 =	vld [tilespmem:s29+$0xFFFFFD00];
	v4 =	vadd.bf16 v5, v4;
	v5 =	vmul.bf16 v11, v60  }
0x501: {  	v7 =	vld [tilespmem:s30+$0xFFFFFD10]  }
0x502: {  	v8 =	vld [tilespmem:s29+$0xFFFFFD10];
	v4 =	vadd.bf16 v5, v4;
	v5 =	vor.u32 $0x8, v1  }
0x503: {  	v9 =	vld [tilespmem:s30+$0xFFFFFD20]  }
0x504: {  	v10 =	vld [tilespmem:s29+$0xFFFFFD20];
	v11 =	vunpack.i.u.bf16.f32 v4;
	v4 =	vunpack.i.l.bf16.f32 v4  }
0x505: {  	v61 =	vld [tilespmem:s30+$0xFFFFFD30];
	v4 =	vadd.f32 v4, v11  }
0x506: {  	v11 =	vld [tilespmem:s29+$0xFFFFFD30]  }
0x507: {  	v3 =	vmul.bf16 v6, v3;
	v6 =	vmul.bf16 v8, v7;
	[tilespmem:v5+s19+$0x0] =	vst.idx.add.f32.msk $0xffff, v4  }
0x508: {  	v4 =	vld [tilespmem:s23+$0x80]  }
0x509: {  	v3 =	vadd.bf16 v6, v3;
	v5 =	vmul.bf16 v10, v9;
	v6 =	vld [tilespmem:s24+$0x80]  }
0x50a: {  	v7 =	vld [tilespmem:s23+$0x90]  }
0x50b: {  	v8 =	vld [tilespmem:s24+$0x90];
	v3 =	vadd.bf16 v5, v3;
	v5 =	vmul.bf16 v11, v61  }
0x50c: {  	v9 =	vld [tilespmem:s23+$0xA0]  }
0x50d: {  	v10 =	vld [tilespmem:s24+$0xA0];
	v3 =	vadd.bf16 v5, v3;
	v5 =	vor.u32 $0x2, v2  }
0x50e: {  	v63 =	vld [tilespmem:s24+$0xB0]  }
0x50f: {  	v11 =	vld [tilespmem:s23+$0xB0];
	v62 =	vunpack.i.u.bf16.f32 v3;
	v3 =	vunpack.i.l.bf16.f32 v3  }
0x510: {  	v4 =	vmul.bf16 v6, v4;
	v6 =	vmul.bf16 v8, v7;
	v3 =	vadd.f32 v3, v62;
	_ =	sdelay $0x1  }
0x511: {  	[tilespmem:v5+s19+$0x0] =	vst.idx.add.f32.msk $0xffff, v3;
	v3 =	vadd.bf16 v6, v4;
	v4 =	vmul.bf16 v10, v9  }
0x512: {  	v5 =	vld [tilespmem:s30+$0xFFFFFD80]  }
0x513: {  	v6 =	vld [tilespmem:s29+$0xFFFFFD80];
	v3 =	vadd.bf16 v4, v3;
	v4 =	vmul.bf16 v63, v11  }
0x514: {  	v7 =	vld [tilespmem:s30+$0xFFFFFD90]  }
0x515: {  	v9 =	vld [tilespmem:s29+$0xFFFFFD90];
	v4 =	vadd.bf16 v4, v3;
	v3 =	vor.u32 $0x9, v1  }
0x516: {  	s25 =	simm.s32 $0xD280;
	s0 =	simm.s32 $0x26E0;
	s26 =	simm.s32 $0x8280;
	v8 =	vld [tilespmem:s30+$0xFFFFFDA0]  }
.LBB2_10:
0x517: {  	p0 =	sne.s32 s0, $0x2700;
	v10 =	vld [tilespmem:s29+$0xFFFFFDA0];
	v11 =	vunpack.i.u.bf16.f32 v4;
	v4 =	vunpack.i.l.bf16.f32 v4  }
0x518: {  	v12 =	vld [tilespmem:s30+$0xFFFFFDB0];
	v4 =	vadd.f32 v4, v11  }
0x519: {  	v11 =	vld [tilespmem:s29+$0xFFFFFDB0]  }
0x51a: {  	v5 =	vmul.bf16 v6, v5;
	v6 =	vmul.bf16 v9, v7;
	[tilespmem:v3+s19+$0x0] =	vst.idx.add.f32.msk $0xffff, v4  }
0x51b: {  	v4 =	vld [tilespmem:s23+$0x100]  }
0x51c: {  	v3 =	vadd.bf16 v6, v5;
	v5 =	vmul.bf16 v10, v8;
	v6 =	vld [tilespmem:s24+$0x100]  }
0x51d: {  	v7 =	vld [tilespmem:s23+$0x110]  }
0x51e: {  	v3 =	vadd.bf16 v5, v3;
	v5 =	vmul.bf16 v11, v12;
	v8 =	vld [tilespmem:s24+$0x110]  }
0x51f: {  	v9 =	vld [tilespmem:s23+$0x120]  }
0x520: {  	v3 =	vadd.bf16 v5, v3;
	v5 =	vor.u32 $0x3, v2;
	v10 =	vld [tilespmem:s24+$0x120]  }
0x521: {  	s28 =	sadd.s32 $0x10, s28;
	v11 =	vld [tilespmem:s23+$0x130]  }
0x522: {  	s30 =	sadd.s32 $0x800, s30;
	[tilespmem:s28+$0x0] =	vst v0;
	v12 =	vunpack.i.u.bf16.f32 v3;
	v13 =	vunpack.i.l.bf16.f32 v3;
	v14 =	vld [tilespmem:s24+$0x130]  }
0x523: {  	s29 =	sadd.s32 $0x800, s29;
	v6 =	vmul.bf16 v6, v4;
	v3 =	vld [tilespmem:s30+$0xFFFFFC30];
	v12 =	vadd.f32 v13, v12;
	v7 =	vmul.bf16 v8, v7  }
0x524: {  	v4 =	vld [tilespmem:s29+$0xFFFFFC30]  }
0x525: {  	[tilespmem:v5+s19+$0x0] =	vst.idx.add.f32.msk $0xffff, v12;
	v5 =	vadd.bf16 v7, v6;
	v6 =	vmul.bf16 v10, v9  }
0x526: {  	v7 =	vld [tilespmem:s26+$0xFFFFFE00]  }
0x527: {  	v8 =	vld [tilespmem:s25+$0xFFFFFE00];
	v5 =	vadd.bf16 v6, v5;
	v6 =	vmul.bf16 v14, v11  }
0x528: {  	v9 =	vld [tilespmem:s26+$0xFFFFFE10]  }
0x529: {  	v10 =	vld [tilespmem:s25+$0xFFFFFE10];
	v5 =	vadd.bf16 v6, v5;
	v6 =	vor.u32 $0xA, v1  }
0x52a: {  	v11 =	vld [tilespmem:s26+$0xFFFFFE20]  }
0x52b: {  	v12 =	vld [tilespmem:s25+$0xFFFFFE20];
	v13 =	vunpack.i.u.bf16.f32 v5;
	v5 =	vunpack.i.l.bf16.f32 v5  }
0x52c: {  	v14 =	vld [tilespmem:s26+$0xFFFFFE30];
	v5 =	vadd.f32 v5, v13  }
0x52d: {  	v13 =	vld [tilespmem:s25+$0xFFFFFE30]  }
0x52e: {  	v7 =	vmul.bf16 v8, v7;
	v8 =	vmul.bf16 v10, v9;
	[tilespmem:v6+s19+$0x0] =	vst.idx.add.f32.msk $0xffff, v5  }
0x52f: {  	v6 =	vld [tilespmem:s23+$0x180]  }
0x530: {  	v5 =	vadd.bf16 v8, v7;
	v7 =	vmul.bf16 v12, v11;
	v8 =	vld [tilespmem:s24+$0x180]  }
0x531: {  	v9 =	vld [tilespmem:s23+$0x190]  }
0x532: {  	v5 =	vadd.bf16 v7, v5;
	v7 =	vmul.bf16 v13, v14;
	v10 =	vld [tilespmem:s24+$0x190]  }
0x533: {  	v11 =	vld [tilespmem:s23+$0x1A0]  }
0x534: {  	v5 =	vadd.bf16 v7, v5;
	v7 =	vor.u32 $0x4, v2;
	v12 =	vld [tilespmem:s24+$0x1A0]  }
0x535: {  	v13 =	vld [tilespmem:s23+$0x1B0]  }
0x536: {  	v14 =	vunpack.i.u.bf16.f32 v5;
	v15 =	vunpack.i.l.bf16.f32 v5;
	v16 =	vld [tilespmem:s24+$0x1B0]  }
0x537: {  	v8 =	vmul.bf16 v8, v6;
	v5 =	vld [tilespmem:s30+$0xFFFFFC20];
	v14 =	vadd.f32 v15, v14;
	v9 =	vmul.bf16 v10, v9  }
0x538: {  	v6 =	vld [tilespmem:s29+$0xFFFFFC20]  }
0x539: {  	[tilespmem:v7+s19+$0x0] =	vst.idx.add.f32.msk $0xffff, v14;
	v7 =	vadd.bf16 v9, v8;
	v8 =	vmul.bf16 v12, v11  }
0x53a: {  	v9 =	vld [tilespmem:s26+$0xFFFFFE80]  }
0x53b: {  	v10 =	vld [tilespmem:s25+$0xFFFFFE80];
	v7 =	vadd.bf16 v8, v7;
	v8 =	vmul.bf16 v16, v13  }
0x53c: {  	v11 =	vld [tilespmem:s26+$0xFFFFFE90]  }
0x53d: {  	v12 =	vld [tilespmem:s25+$0xFFFFFE90];
	v7 =	vadd.bf16 v8, v7;
	v8 =	vor.u32 $0xB, v1  }
0x53e: {  	v13 =	vld [tilespmem:s26+$0xFFFFFEA0]  }
0x53f: {  	v14 =	vld [tilespmem:s25+$0xFFFFFEA0];
	v15 =	vunpack.i.u.bf16.f32 v7;
	v7 =	vunpack.i.l.bf16.f32 v7  }
0x540: {  	v16 =	vld [tilespmem:s26+$0xFFFFFEB0];
	v7 =	vadd.f32 v7, v15  }
0x541: {  	v15 =	vld [tilespmem:s25+$0xFFFFFEB0]  }
0x542: {  	v9 =	vmul.bf16 v10, v9;
	v10 =	vmul.bf16 v12, v11;
	[tilespmem:v8+s19+$0x0] =	vst.idx.add.f32.msk $0xffff, v7  }
0x543: {  	v7 =	vld [tilespmem:s23+$0x200]  }
0x544: {  	v8 =	vadd.bf16 v10, v9;
	v9 =	vmul.bf16 v14, v13;
	v10 =	vld [tilespmem:s24+$0x200]  }
0x545: {  	v11 =	vld [tilespmem:s23+$0x210]  }
0x546: {  	v8 =	vadd.bf16 v9, v8;
	v9 =	vmul.bf16 v15, v16;
	v12 =	vld [tilespmem:s24+$0x210]  }
0x547: {  	v13 =	vld [tilespmem:s23+$0x220]  }
0x548: {  	v8 =	vadd.bf16 v9, v8;
	v9 =	vor.u32 $0x5, v2;
	v14 =	vld [tilespmem:s24+$0x220]  }
0x549: {  	v15 =	vld [tilespmem:s23+$0x230]  }
0x54a: {  	v16 =	vunpack.i.u.bf16.f32 v8;
	v8 =	vunpack.i.l.bf16.f32 v8;
	v17 =	vld [tilespmem:s24+$0x230]  }
0x54b: {  	v7 =	vmul.bf16 v10, v7;
	v18 =	vld [tilespmem:s30+$0xFFFFFC00];
	v8 =	vadd.f32 v8, v16;
	v10 =	vmul.bf16 v12, v11  }
0x54c: {  	v11 =	vld [tilespmem:s29+$0xFFFFFC00]  }
0x54d: {  	[tilespmem:v9+s19+$0x0] =	vst.idx.add.f32.msk $0xffff, v8;
	v7 =	vadd.bf16 v10, v7;
	v8 =	vmul.bf16 v14, v13  }
0x54e: {  	v9 =	vld [tilespmem:s26+$0xFFFFFF00]  }
0x54f: {  	v10 =	vld [tilespmem:s25+$0xFFFFFF00];
	v7 =	vadd.bf16 v8, v7;
	v8 =	vmul.bf16 v17, v15  }
0x550: {  	v12 =	vld [tilespmem:s26+$0xFFFFFF10]  }
0x551: {  	v13 =	vld [tilespmem:s25+$0xFFFFFF10];
	v7 =	vadd.bf16 v8, v7;
	v8 =	vor.u32 $0xC, v1  }
0x552: {  	v14 =	vld [tilespmem:s26+$0xFFFFFF20]  }
0x553: {  	v15 =	vld [tilespmem:s25+$0xFFFFFF20];
	v16 =	vunpack.i.u.bf16.f32 v7;
	v7 =	vunpack.i.l.bf16.f32 v7  }
0x554: {  	v17 =	vld [tilespmem:s26+$0xFFFFFF30];
	v7 =	vadd.f32 v7, v16  }
0x555: {  	v16 =	vld [tilespmem:s25+$0xFFFFFF30]  }
0x556: {  	v9 =	vmul.bf16 v10, v9;
	v10 =	vmul.bf16 v13, v12;
	[tilespmem:v8+s19+$0x0] =	vst.idx.add.f32.msk $0xffff, v7  }
0x557: {  	v7 =	vld [tilespmem:s23+$0x280]  }
0x558: {  	v8 =	vadd.bf16 v10, v9;
	v9 =	vmul.bf16 v15, v14;
	v10 =	vld [tilespmem:s24+$0x280]  }
0x559: {  	v12 =	vld [tilespmem:s23+$0x290]  }
0x55a: {  	v8 =	vadd.bf16 v9, v8;
	v9 =	vmul.bf16 v16, v17;
	v13 =	vld [tilespmem:s24+$0x290]  }
0x55b: {  	v14 =	vld [tilespmem:s23+$0x2A0]  }
0x55c: {  	v8 =	vadd.bf16 v9, v8;
	v9 =	vor.u32 $0x6, v2;
	v15 =	vld [tilespmem:s24+$0x2A0]  }
0x55d: {  	v16 =	vld [tilespmem:s23+$0x2B0]  }
0x55e: {  	v17 =	vunpack.i.u.bf16.f32 v8;
	v8 =	vunpack.i.l.bf16.f32 v8;
	v19 =	vld [tilespmem:s24+$0x2B0]  }
0x55f: {  	v7 =	vmul.bf16 v10, v7;
	v20 =	vld [tilespmem:s30+$0xFFFFFC10];
	v8 =	vadd.f32 v8, v17;
	v10 =	vmul.bf16 v13, v12  }
0x560: {  	v12 =	vld [tilespmem:s29+$0xFFFFFC10]  }
0x561: {  	[tilespmem:v9+s19+$0x0] =	vst.idx.add.f32.msk $0xffff, v8;
	v7 =	vadd.bf16 v10, v7;
	v8 =	vmul.bf16 v15, v14  }
0x562: {  	v9 =	vld [tilespmem:s26+$0xFFFFFFB0]  }
0x563: {  	v10 =	vld [tilespmem:s25+$0xFFFFFFB0];
	v7 =	vadd.bf16 v8, v7;
	v8 =	vmul.bf16 v19, v16  }
0x564: {  	v13 =	vld [tilespmem:s26+$0xFFFFFFA0]  }
0x565: {  	v14 =	vld [tilespmem:s25+$0xFFFFFFA0];
	v7 =	vadd.bf16 v8, v7;
	v8 =	vor.u32 $0xD, v1  }
0x566: {  	v15 =	vld [tilespmem:s26+$0xFFFFFF80]  }
0x567: {  	v16 =	vld [tilespmem:s25+$0xFFFFFF80];
	v17 =	vunpack.i.u.bf16.f32 v7;
	v7 =	vunpack.i.l.bf16.f32 v7  }
0x568: {  	v19 =	vld [tilespmem:s26+$0xFFFFFF90];
	v7 =	vadd.f32 v7, v17  }
0x569: {  	v11 =	vmul.bf16 v11, v18;
	v12 =	vmul.bf16 v12, v20;
	v17 =	vld [tilespmem:s25+$0xFFFFFF90]  }
0x56a: {  	[tilespmem:v8+s19+$0x0] =	vst.idx.add.f32.msk $0xffff, v7  }
0x56b: {  	v5 =	vmul.bf16 v6, v5;
	v7 =	vadd.bf16 v12, v11;
	v6 =	vld [tilespmem:s23+$0x300]  }
0x56c: {  	v8 =	vld [tilespmem:s24+$0x300]  }
0x56d: {  	v3 =	vmul.bf16 v4, v3;
	v5 =	vadd.bf16 v5, v7;
	v4 =	vld [tilespmem:s23+$0x310]  }
0x56e: {  	v7 =	vld [tilespmem:s24+$0x310]  }
0x56f: {  	v11 =	vmov s0;
	v3 =	vadd.bf16 v3, v5;
	v5 =	vld [tilespmem:s23+$0x320]  }
0x570: {  	v12 =	vld [tilespmem:s24+$0x320]  }
0x571: {  	v18 =	vunpack.i.u.bf16.f32 v3;
	v3 =	vunpack.i.l.bf16.f32 v3;
	v20 =	vld [tilespmem:s23+$0x330]  }
0x572: {  	v15 =	vmul.bf16 v16, v15;
	v16 =	vmul.bf16 v17, v19;
	v3 =	vadd.f32 v3, v18;
	v17 =	vld [tilespmem:s24+$0x330]  }
0x573: {  	v6 =	vmul.bf16 v8, v6;
	v4 =	vmul.bf16 v7, v4  }
0x574: {  	v7 =	vmul.bf16 v14, v13;
	[tilespmem:v11+s19+$0x0] =	vst.idx.add.f32.msk $0xffff, v3;
	v3 =	vadd.bf16 v16, v15  }
0x575: {  	v8 =	vld [tilespmem:s30+$0xFFFFFCB0];
	v4 =	vadd.bf16 v4, v6;
	v5 =	vmul.bf16 v12, v5  }
0x576: {  	v6 =	vld [tilespmem:s29+$0xFFFFFCB0];
	v3 =	vadd.bf16 v7, v3;
	v7 =	vmul.bf16 v10, v9  }
0x577: {  	v9 =	vld [tilespmem:s30+$0xFFFFFCA0];
	v4 =	vadd.bf16 v5, v4;
	v5 =	vmul.bf16 v17, v20  }
0x578: {  	v10 =	vld [tilespmem:s29+$0xFFFFFCA0];
	v3 =	vadd.bf16 v7, v3;
	v7 =	vor.u32 $0x7, v2  }
0x579: {  	v12 =	vld [tilespmem:s30+$0xFFFFFC80];
	v4 =	vadd.bf16 v5, v4;
	v5 =	vor.u32 $0xE, v1  }
0x57a: {  	v13 =	vld [tilespmem:s29+$0xFFFFFC80];
	v14 =	vunpack.i.u.bf16.f32 v3;
	v3 =	vunpack.i.l.bf16.f32 v3  }
0x57b: {  	v15 =	vld [tilespmem:s30+$0xFFFFFC90];
	v3 =	vadd.f32 v3, v14;
	v14 =	vunpack.i.u.bf16.f32 v4;
	v4 =	vunpack.i.l.bf16.f32 v4  }
0x57c: {  	v16 =	vld [tilespmem:s29+$0xFFFFFC90];
	v4 =	vadd.f32 v4, v14  }
0x57d: {  	[tilespmem:v7+s19+$0x0] =	vst.idx.add.f32.msk $0xffff, v3  }
0x57e: {  	[tilespmem:v5+s19+$0x0] =	vst.idx.add.f32.msk $0xffff, v4  }
0x57f: {  	v3 =	vld [tilespmem:s23+$0x380]  }
0x580: {  	v4 =	vld [tilespmem:s24+$0x380]  }
0x581: {  	v5 =	vld [tilespmem:s23+$0x390]  }
0x582: {  	v7 =	vld [tilespmem:s24+$0x390]  }
0x583: {  	v14 =	vld [tilespmem:s23+$0x3A0]  }
0x584: {  	v17 =	vld [tilespmem:s24+$0x3A0]  }
0x585: {  	v12 =	vmul.bf16 v13, v12;
	v13 =	vmul.bf16 v16, v15;
	v15 =	vld [tilespmem:s23+$0x3B0];
	s23 =	smov.u32 s26;
	s26 =	smov.u32 s30  }
0x586: {  	v9 =	vmul.bf16 v10, v9;
	v10 =	vld [tilespmem:s24+$0x3B0];
	s24 =	smov.u32 s25;
	s25 =	smov.u32 s29  }
0x587: {  	v12 =	vadd.bf16 v13, v12;
	v3 =	vmul.bf16 v4, v3;
	v13 =	vld [tilespmem:s23+$0x0];
	v4 =	vmul.bf16 v7, v5  }
0x588: {  	v5 =	vmul.bf16 v6, v8;
	v6 =	vld [tilespmem:s24+$0x0]  }
0x589: {  	v7 =	vadd.bf16 v9, v12;
	v8 =	vld [tilespmem:s23+$0x10];
	v3 =	vadd.bf16 v4, v3;
	v4 =	vmul.bf16 v17, v14  }
0x58a: {  	v9 =	vor.u32 $0x1, v11;
	v12 =	vld [tilespmem:s24+$0x10]  }
0x58b: {  	v5 =	vadd.bf16 v5, v7;
	v7 =	vld [tilespmem:s23+$0x20];
	v3 =	vadd.bf16 v4, v3;
	v4 =	vmul.bf16 v10, v15  }
0x58c: {  	v14 =	vor.u32 $0xF, v1;
	v1 =	vmov v2;
	v2 =	vmov v11;
	v10 =	vld [tilespmem:s24+$0x20]  }
0x58d: {  	v11 =	vunpack.i.u.bf16.f32 v5;
	v5 =	vunpack.i.l.bf16.f32 v5;
	v15 =	vld [tilespmem:s23+$0x30];
	v3 =	vadd.bf16 v4, v3  }
0x58e: {  	v4 =	vadd.f32 v5, v11;
	v5 =	vmul.bf16 v6, v13;
	v6 =	vld [tilespmem:s24+$0x30]  }
0x58f: {  	v8 =	vmul.bf16 v12, v8;
	v11 =	vunpack.i.u.bf16.f32 v3;
	v3 =	vunpack.i.l.bf16.f32 v3  }
0x590: {  	[tilespmem:v9+s19+$0x0] =	vst.idx.add.f32.msk $0xffff, v4;
	v3 =	vadd.f32 v3, v11  }
0x591: {  	v4 =	vld [tilespmem:s30+$0xFFFFFD00];
	v5 =	vadd.bf16 v8, v5;
	v7 =	vmul.bf16 v10, v7  }
0x592: {  	[tilespmem:v14+s19+$0x0] =	vst.idx.add.f32.msk $0xffff, v3  }
0x593: {  	v3 =	vld [tilespmem:s29+$0xFFFFFD00];
	v5 =	vadd.bf16 v7, v5;
	v6 =	vmul.bf16 v6, v15  }
0x594: {  	v7 =	vld [tilespmem:s30+$0xFFFFFD10]  }
0x595: {  	v8 =	vld [tilespmem:s29+$0xFFFFFD10];
	v5 =	vadd.bf16 v6, v5;
	v6 =	vor.u32 $0x8, v1  }
0x596: {  	v9 =	vld [tilespmem:s30+$0xFFFFFD20]  }
0x597: {  	v10 =	vld [tilespmem:s29+$0xFFFFFD20];
	v11 =	vunpack.i.u.bf16.f32 v5;
	v5 =	vunpack.i.l.bf16.f32 v5  }
0x598: {  	v12 =	vld [tilespmem:s30+$0xFFFFFD30];
	v5 =	vadd.f32 v5, v11  }
0x599: {  	v11 =	vld [tilespmem:s29+$0xFFFFFD30]  }
0x59a: {  	v3 =	vmul.bf16 v3, v4;
	v4 =	vmul.bf16 v8, v7;
	[tilespmem:v6+s19+$0x0] =	vst.idx.add.f32.msk $0xffff, v5  }
0x59b: {  	v5 =	vld [tilespmem:s23+$0x80]  }
0x59c: {  	v3 =	vadd.bf16 v4, v3;
	v4 =	vmul.bf16 v10, v9;
	v6 =	vld [tilespmem:s24+$0x80]  }
0x59d: {  	v7 =	vld [tilespmem:s23+$0x90]  }
0x59e: {  	v3 =	vadd.bf16 v4, v3;
	v4 =	vmul.bf16 v11, v12;
	v8 =	vld [tilespmem:s24+$0x90]  }
0x59f: {  	v9 =	vld [tilespmem:s23+$0xA0]  }
0x5a0: {  	v3 =	vadd.bf16 v4, v3;
	v4 =	vor.u32 $0x2, v2;
	v10 =	vld [tilespmem:s24+$0xA0]  }
0x5a1: {  	v11 =	vld [tilespmem:s23+$0xB0]  }
0x5a2: {  	v12 =	vunpack.i.u.bf16.f32 v3;
	v3 =	vunpack.i.l.bf16.f32 v3;
	v13 =	vld [tilespmem:s24+$0xB0]  }
0x5a3: {  	v5 =	vmul.bf16 v6, v5;
	v3 =	vadd.f32 v3, v12;
	v6 =	vmul.bf16 v8, v7;
	_ =	sdelay $0x1  }
0x5a4: {  	[tilespmem:v4+s19+$0x0] =	vst.idx.add.f32.msk $0xffff, v3;
	v3 =	vadd.bf16 v6, v5;
	v4 =	vmul.bf16 v10, v9  }
.Ltmp4:
0x5a5: {  	v5 =	vld [tilespmem:s30+$0xFFFFFD80];
	(pc) =	sbr.rel @p0 .LBB2_10-.Ltmp4, $4  }
0x5a6: {  	v6 =	vld [tilespmem:s29+$0xFFFFFD80];
	v3 =	vadd.bf16 v4, v3;
	v4 =	vmul.bf16 v13, v11  }
0x5a7: {  	v7 =	vld [tilespmem:s30+$0xFFFFFD90]  }
0x5a8: {  	v9 =	vld [tilespmem:s29+$0xFFFFFD90];
	v4 =	vadd.bf16 v4, v3;
	v3 =	vor.u32 $0x9, v1  }
0x5a9: {  	s0 =	sadd.s32 $0x10, s0;
	v8 =	vld [tilespmem:s30+$0xFFFFFDA0]  }
0x5aa: {  	v10 =	vld [tilespmem:s29+$0xFFFFFDA0]  }
0x5ab: {  	v11 =	vld [tilespmem:s30+$0xFFFFFDB0]  }
0x5ac: {  	v12 =	vld [tilespmem:s29+$0xFFFFFDB0]  }
0x5ad: {  	v5 =	vmul.bf16 v6, v5;
	v42 =	vmul.bf16 v9, v7;
	_ =	sdelay $0x1  }
0x5ae: {  	v5 =	vadd.bf16 v42, v5;
	v43 =	vmul.bf16 v10, v8;
	_ =	sdelay $0x1  }
0x5af: {  	v44 =	vmul.bf16 v12, v11;
	v5 =	vadd.bf16 v43, v5;
	_ =	sdelay $0x1  }
0x5b0: {  	v45 =	vor.u32 $0x3, v2;
	v5 =	vadd.bf16 v44, v5;
	_ =	sdelay $0x1  }
0x5b1: {  	v46 =	vunpack.i.u.bf16.f32 v5;
	v5 =	vunpack.i.l.bf16.f32 v5  }
0x5b2: {  	v5 =	vadd.f32 v5, v46;
	_ =	sdelay $0x1  }
0x5b3: {  	[tilespmem:v45+s19+$0x0] =	vst.idx.add.f32.msk $0xffff, v5  }
0x5b4: {  	v5 =	vld [tilespmem:s26+$0xFFFFFE00]  }
0x5b5: {  	v6 =	vld [tilespmem:s25+$0xFFFFFE00]  }
0x5b6: {  	v47 =	vld [tilespmem:s26+$0xFFFFFE10]  }
0x5b7: {  	v48 =	vld [tilespmem:s25+$0xFFFFFE10]  }
0x5b8: {  	v49 =	vld [tilespmem:s26+$0xFFFFFE20]  }
0x5b9: {  	v50 =	vld [tilespmem:s25+$0xFFFFFE20]  }
0x5ba: {  	v51 =	vld [tilespmem:s26+$0xFFFFFE30]  }
0x5bb: {  	v52 =	vld [tilespmem:s25+$0xFFFFFE30]  }
0x5bc: {  	v5 =	vmul.bf16 v6, v5;
	v53 =	vmul.bf16 v48, v47;
	_ =	sdelay $0x1  }
0x5bd: {  	v54 =	vmul.bf16 v50, v49;
	v5 =	vadd.bf16 v53, v5;
	_ =	sdelay $0x1  }
0x5be: {  	v55 =	vmul.bf16 v52, v51;
	v5 =	vadd.bf16 v54, v5;
	_ =	sdelay $0x1  }
0x5bf: {  	v56 =	vor.u32 $0x4, v2;
	v5 =	vadd.bf16 v55, v5;
	_ =	sdelay $0x1  }
0x5c0: {  	v57 =	vunpack.i.u.bf16.f32 v5;
	v5 =	vunpack.i.l.bf16.f32 v5  }
0x5c1: {  	v5 =	vadd.f32 v5, v57;
	_ =	sdelay $0x1  }
0x5c2: {  	[tilespmem:v56+s19+$0x0] =	vst.idx.add.f32.msk $0xffff, v5  }
0x5c3: {  	v5 =	vld [tilespmem:s26+$0xFFFFFE80]  }
0x5c4: {  	v6 =	vld [tilespmem:s25+$0xFFFFFE80]  }
0x5c5: {  	v58 =	vld [tilespmem:s26+$0xFFFFFE90]  }
0x5c6: {  	v59 =	vld [tilespmem:s25+$0xFFFFFE90]  }
0x5c7: {  	v60 =	vld [tilespmem:s26+$0xFFFFFEA0]  }
0x5c8: {  	v61 =	vld [tilespmem:s25+$0xFFFFFEA0]  }
0x5c9: {  	v62 =	vld [tilespmem:s26+$0xFFFFFEB0]  }
0x5ca: {  	v63 =	vld [tilespmem:s25+$0xFFFFFEB0]  }
0x5cb: {  	v5 =	vmul.bf16 v6, v5;
	v16 =	vmul.bf16 v59, v58;
	_ =	sdelay $0x1  }
0x5cc: {  	v17 =	vmul.bf16 v61, v60;
	v5 =	vadd.bf16 v16, v5;
	_ =	sdelay $0x1  }
0x5cd: {  	v18 =	vmul.bf16 v63, v62;
	v5 =	vadd.bf16 v17, v5;
	_ =	sdelay $0x1  }
0x5ce: {  	v19 =	vor.u32 $0x5, v2;
	v5 =	vadd.bf16 v18, v5;
	_ =	sdelay $0x1  }
0x5cf: {  	v20 =	vunpack.i.u.bf16.f32 v5;
	v5 =	vunpack.i.l.bf16.f32 v5  }
0x5d0: {  	v5 =	vadd.f32 v5, v20;
	_ =	sdelay $0x1  }
0x5d1: {  	[tilespmem:v19+s19+$0x0] =	vst.idx.add.f32.msk $0xffff, v5  }
0x5d2: {  	v5 =	vld [tilespmem:s26+$0xFFFFFF00]  }
0x5d3: {  	v6 =	vld [tilespmem:s25+$0xFFFFFF00]  }
0x5d4: {  	v21 =	vld [tilespmem:s26+$0xFFFFFF10]  }
0x5d5: {  	v22 =	vld [tilespmem:s25+$0xFFFFFF10]  }
0x5d6: {  	v23 =	vld [tilespmem:s26+$0xFFFFFF20]  }
0x5d7: {  	v24 =	vld [tilespmem:s25+$0xFFFFFF20]  }
0x5d8: {  	v25 =	vld [tilespmem:s26+$0xFFFFFF30]  }
0x5d9: {  	v26 =	vld [tilespmem:s25+$0xFFFFFF30]  }
0x5da: {  	v5 =	vmul.bf16 v6, v5;
	v27 =	vmul.bf16 v22, v21;
	_ =	sdelay $0x1  }
0x5db: {  	v28 =	vmul.bf16 v24, v23;
	v5 =	vadd.bf16 v27, v5;
	_ =	sdelay $0x1  }
0x5dc: {  	v29 =	vmul.bf16 v26, v25;
	v5 =	vadd.bf16 v28, v5;
	_ =	sdelay $0x1  }
0x5dd: {  	v30 =	vor.u32 $0x6, v2;
	v5 =	vadd.bf16 v29, v5;
	_ =	sdelay $0x1  }
0x5de: {  	v31 =	vunpack.i.u.bf16.f32 v5;
	v5 =	vunpack.i.l.bf16.f32 v5  }
0x5df: {  	v5 =	vadd.f32 v5, v31;
	_ =	sdelay $0x1  }
0x5e0: {  	[tilespmem:v30+s19+$0x0] =	vst.idx.add.f32.msk $0xffff, v5  }
0x5e1: {  	v5 =	vld [tilespmem:s26+$0xFFFFFF80]  }
0x5e2: {  	v6 =	vld [tilespmem:s25+$0xFFFFFF80]  }
0x5e3: {  	v32 =	vld [tilespmem:s26+$0xFFFFFF90]  }
0x5e4: {  	v33 =	vld [tilespmem:s25+$0xFFFFFF90]  }
0x5e5: {  	v34 =	vld [tilespmem:s26+$0xFFFFFFA0]  }
0x5e6: {  	v35 =	vld [tilespmem:s25+$0xFFFFFFA0]  }
0x5e7: {  	v36 =	vld [tilespmem:s26+$0xFFFFFFB0]  }
0x5e8: {  	v37 =	vld [tilespmem:s25+$0xFFFFFFB0]  }
0x5e9: {  	v5 =	vmul.bf16 v6, v5;
	v38 =	vmul.bf16 v33, v32;
	_ =	sdelay $0x1  }
0x5ea: {  	v39 =	vmul.bf16 v35, v34;
	v5 =	vadd.bf16 v38, v5;
	_ =	sdelay $0x1  }
0x5eb: {  	v40 =	vmul.bf16 v37, v36;
	v5 =	vadd.bf16 v39, v5;
	_ =	sdelay $0x1  }
0x5ec: {  	v41 =	vor.u32 $0x7, v2;
	v5 =	vadd.bf16 v40, v5;
	_ =	sdelay $0x1  }
0x5ed: {  	v42 =	vunpack.i.u.bf16.f32 v5;
	v5 =	vunpack.i.l.bf16.f32 v5  }
0x5ee: {  	v5 =	vadd.f32 v5, v42;
	_ =	sdelay $0x1  }
0x5ef: {  	[tilespmem:v41+s19+$0x0] =	vst.idx.add.f32.msk $0xffff, v5  }
0x5f0: {  	v5 =	vld [tilespmem:s26+$0x0]  }
0x5f1: {  	v6 =	vld [tilespmem:s25+$0x0]  }
0x5f2: {  	v43 =	vld [tilespmem:s26+$0x10]  }
0x5f3: {  	v44 =	vld [tilespmem:s25+$0x10]  }
0x5f4: {  	v45 =	vld [tilespmem:s26+$0x20]  }
0x5f5: {  	v46 =	vld [tilespmem:s25+$0x20]  }
0x5f6: {  	v47 =	vld [tilespmem:s26+$0x30]  }
0x5f7: {  	v48 =	vld [tilespmem:s25+$0x30]  }
0x5f8: {  	v5 =	vmul.bf16 v6, v5;
	v49 =	vmul.bf16 v44, v43;
	_ =	sdelay $0x1  }
0x5f9: {  	v50 =	vmul.bf16 v46, v45;
	v5 =	vadd.bf16 v49, v5;
	_ =	sdelay $0x1  }
0x5fa: {  	v51 =	vmul.bf16 v48, v47;
	v5 =	vadd.bf16 v50, v5;
	_ =	sdelay $0x1  }
0x5fb: {  	v52 =	vor.u32 $0x8, v2;
	v5 =	vadd.bf16 v51, v5;
	_ =	sdelay $0x1  }
0x5fc: {  	v53 =	vunpack.i.u.bf16.f32 v5;
	v5 =	vunpack.i.l.bf16.f32 v5  }
0x5fd: {  	v5 =	vadd.f32 v5, v53;
	_ =	sdelay $0x1  }
0x5fe: {  	[tilespmem:v52+s19+$0x0] =	vst.idx.add.f32.msk $0xffff, v5  }
0x5ff: {  	v5 =	vld [tilespmem:s26+$0x80]  }
0x600: {  	v6 =	vld [tilespmem:s25+$0x80]  }
0x601: {  	v54 =	vld [tilespmem:s26+$0x90]  }
0x602: {  	v55 =	vld [tilespmem:s25+$0x90]  }
0x603: {  	v56 =	vld [tilespmem:s26+$0xA0]  }
0x604: {  	v57 =	vld [tilespmem:s25+$0xA0]  }
0x605: {  	v58 =	vld [tilespmem:s26+$0xB0]  }
0x606: {  	v59 =	vunpack.i.u.bf16.f32 v4;
	v60 =	vunpack.i.l.bf16.f32 v4;
	v13 =	vld [tilespmem:s25+$0xB0]  }
0x607: {  	v4 =	vadd.f32 v60, v59;
	v5 =	vmul.bf16 v6, v5;
	v61 =	vmul.bf16 v55, v54;
	_ =	sdelay $0x1  }
0x608: {  	[tilespmem:v3+s19+$0x0] =	vst.idx.add.f32.msk $0xffff, v4;
	v62 =	vmul.bf16 v57, v56;
	v3 =	vadd.bf16 v61, v5  }
0x609: {  	v63 =	vld [tilespmem:s23+$0x100]  }
0x60a: {  	v16 =	vld [tilespmem:s24+$0x100];
	v17 =	vmul.bf16 v13, v58;
	v3 =	vadd.bf16 v62, v3  }
0x60b: {  	v18 =	vld [tilespmem:s23+$0x110]  }
0x60c: {  	v20 =	vor.u32 $0x9, v2;
	v19 =	vld [tilespmem:s24+$0x110];
	v3 =	vadd.bf16 v17, v3  }
0x60d: {  	v21 =	vld [tilespmem:s23+$0x120]  }
0x60e: {  	v22 =	vld [tilespmem:s24+$0x120];
	v23 =	vunpack.i.u.bf16.f32 v3;
	v3 =	vunpack.i.l.bf16.f32 v3  }
0x60f: {  	v24 =	vld [tilespmem:s23+$0x130];
	v3 =	vadd.f32 v3, v23  }
0x610: {  	v25 =	vld [tilespmem:s24+$0x130]  }
0x611: {  	v26 =	vmul.bf16 v19, v18;
	v5 =	vmul.bf16 v16, v63;
	[tilespmem:v20+s19+$0x0] =	vst.idx.add.f32.msk $0xffff, v3  }
0x612: {  	v3 =	vld [tilespmem:s26+$0x100]  }
0x613: {  	v28 =	vmul.bf16 v22, v21;
	v27 =	vadd.bf16 v26, v5;
	v29 =	vld [tilespmem:s25+$0x100]  }
0x614: {  	v30 =	vld [tilespmem:s26+$0x110]  }
0x615: {  	v31 =	vmul.bf16 v25, v24;
	v4 =	vadd.bf16 v28, v27;
	v32 =	vld [tilespmem:s25+$0x110]  }
0x616: {  	v33 =	vld [tilespmem:s26+$0x120]  }
0x617: {  	v34 =	vor.u32 $0xA, v1;
	v4 =	vadd.bf16 v31, v4;
	v35 =	vld [tilespmem:s25+$0x120]  }
0x618: {  	v36 =	vld [tilespmem:s26+$0x130]  }
0x619: {  	v37 =	vunpack.i.u.bf16.f32 v4;
	v4 =	vunpack.i.l.bf16.f32 v4;
	v38 =	vld [tilespmem:s25+$0x130]  }
0x61a: {  	v4 =	vadd.f32 v4, v37;
	v3 =	vmul.bf16 v29, v3;
	v39 =	vmul.bf16 v32, v30;
	_ =	sdelay $0x1  }
0x61b: {  	[tilespmem:v34+s19+$0x0] =	vst.idx.add.f32.msk $0xffff, v4;
	v40 =	vmul.bf16 v35, v33;
	v3 =	vadd.bf16 v39, v3  }
0x61c: {  	v5 =	vld [tilespmem:s23+$0x180]  }
0x61d: {  	v41 =	vld [tilespmem:s24+$0x180];
	v42 =	vmul.bf16 v38, v36;
	v3 =	vadd.bf16 v40, v3  }
0x61e: {  	v43 =	vld [tilespmem:s23+$0x190]  }
0x61f: {  	v45 =	vor.u32 $0xA, v2;
	v44 =	vld [tilespmem:s24+$0x190];
	v3 =	vadd.bf16 v42, v3  }
0x620: {  	v46 =	vld [tilespmem:s23+$0x1A0]  }
0x621: {  	v47 =	vld [tilespmem:s24+$0x1A0];
	v48 =	vunpack.i.u.bf16.f32 v3;
	v3 =	vunpack.i.l.bf16.f32 v3  }
0x622: {  	v49 =	vld [tilespmem:s23+$0x1B0];
	v3 =	vadd.f32 v3, v48  }
0x623: {  	v50 =	vld [tilespmem:s24+$0x1B0]  }
0x624: {  	v5 =	vmul.bf16 v41, v5;
	v51 =	vmul.bf16 v44, v43;
	[tilespmem:v45+s19+$0x0] =	vst.idx.add.f32.msk $0xffff, v3  }
0x625: {  	v3 =	vld [tilespmem:s26+$0x180]  }
0x626: {  	v53 =	vmul.bf16 v47, v46;
	v52 =	vadd.bf16 v51, v5;
	v54 =	vld [tilespmem:s25+$0x180]  }
0x627: {  	v55 =	vld [tilespmem:s26+$0x190]  }
0x628: {  	v56 =	vmul.bf16 v50, v49;
	v4 =	vadd.bf16 v53, v52;
	v57 =	vld [tilespmem:s25+$0x190]  }
0x629: {  	v58 =	vld [tilespmem:s26+$0x1A0]  }
0x62a: {  	v59 =	vor.u32 $0xB, v1;
	v4 =	vadd.bf16 v56, v4;
	v60 =	vld [tilespmem:s25+$0x1A0]  }
0x62b: {  	v61 =	vld [tilespmem:s26+$0x1B0]  }
0x62c: {  	v62 =	vunpack.i.u.bf16.f32 v4;
	v4 =	vunpack.i.l.bf16.f32 v4;
	v63 =	vld [tilespmem:s25+$0x1B0]  }
0x62d: {  	v4 =	vadd.f32 v4, v62;
	v3 =	vmul.bf16 v54, v3;
	v15 =	vmul.bf16 v57, v55;
	_ =	sdelay $0x1  }
0x62e: {  	[tilespmem:v59+s19+$0x0] =	vst.idx.add.f32.msk $0xffff, v4;
	v16 =	vmul.bf16 v60, v58;
	v3 =	vadd.bf16 v15, v3  }
0x62f: {  	v5 =	vld [tilespmem:s23+$0x200]  }
0x630: {  	v17 =	vld [tilespmem:s24+$0x200];
	v18 =	vmul.bf16 v63, v61;
	v3 =	vadd.bf16 v16, v3  }
0x631: {  	v19 =	vld [tilespmem:s23+$0x210]  }
0x632: {  	v21 =	vor.u32 $0xB, v2;
	v20 =	vld [tilespmem:s24+$0x210];
	v3 =	vadd.bf16 v18, v3  }
0x633: {  	v22 =	vld [tilespmem:s23+$0x220]  }
0x634: {  	v23 =	vld [tilespmem:s24+$0x220];
	v24 =	vunpack.i.u.bf16.f32 v3;
	v3 =	vunpack.i.l.bf16.f32 v3  }
0x635: {  	v25 =	vld [tilespmem:s23+$0x230];
	v3 =	vadd.f32 v3, v24  }
0x636: {  	v26 =	vld [tilespmem:s24+$0x230]  }
0x637: {  	v5 =	vmul.bf16 v17, v5;
	v27 =	vmul.bf16 v20, v19;
	[tilespmem:v21+s19+$0x0] =	vst.idx.add.f32.msk $0xffff, v3  }
0x638: {  	v3 =	vld [tilespmem:s26+$0x200]  }
0x639: {  	v29 =	vmul.bf16 v23, v22;
	v28 =	vadd.bf16 v27, v5;
	v30 =	vld [tilespmem:s25+$0x200]  }
0x63a: {  	v31 =	vld [tilespmem:s26+$0x210]  }
0x63b: {  	v32 =	vmul.bf16 v26, v25;
	v4 =	vadd.bf16 v29, v28;
	v33 =	vld [tilespmem:s25+$0x210]  }
0x63c: {  	v34 =	vld [tilespmem:s26+$0x220]  }
0x63d: {  	v35 =	vor.u32 $0xC, v1;
	v4 =	vadd.bf16 v32, v4;
	v36 =	vld [tilespmem:s25+$0x220]  }
0x63e: {  	v37 =	vld [tilespmem:s26+$0x230]  }
0x63f: {  	v38 =	vunpack.i.u.bf16.f32 v4;
	v4 =	vunpack.i.l.bf16.f32 v4;
	v39 =	vld [tilespmem:s25+$0x230]  }
0x640: {  	v4 =	vadd.f32 v4, v38;
	v3 =	vmul.bf16 v30, v3;
	v40 =	vmul.bf16 v33, v31;
	_ =	sdelay $0x1  }
0x641: {  	[tilespmem:v35+s19+$0x0] =	vst.idx.add.f32.msk $0xffff, v4;
	v41 =	vmul.bf16 v36, v34;
	v3 =	vadd.bf16 v40, v3  }
0x642: {  	v5 =	vld [tilespmem:s23+$0x280]  }
0x643: {  	v42 =	vld [tilespmem:s24+$0x280];
	v43 =	vmul.bf16 v39, v37;
	v3 =	vadd.bf16 v41, v3  }
0x644: {  	v44 =	vld [tilespmem:s23+$0x290]  }
0x645: {  	v46 =	vor.u32 $0xC, v2;
	v45 =	vld [tilespmem:s24+$0x290];
	v3 =	vadd.bf16 v43, v3  }
0x646: {  	v47 =	vld [tilespmem:s23+$0x2A0]  }
0x647: {  	v48 =	vld [tilespmem:s24+$0x2A0];
	v49 =	vunpack.i.u.bf16.f32 v3;
	v3 =	vunpack.i.l.bf16.f32 v3  }
0x648: {  	v50 =	vld [tilespmem:s23+$0x2B0];
	v3 =	vadd.f32 v3, v49  }
0x649: {  	v51 =	vld [tilespmem:s24+$0x2B0]  }
0x64a: {  	v5 =	vmul.bf16 v42, v5;
	v52 =	vmul.bf16 v45, v44;
	[tilespmem:v46+s19+$0x0] =	vst.idx.add.f32.msk $0xffff, v3  }
0x64b: {  	v3 =	vld [tilespmem:s26+$0x280]  }
0x64c: {  	v54 =	vmul.bf16 v48, v47;
	v53 =	vadd.bf16 v52, v5;
	v55 =	vld [tilespmem:s25+$0x280]  }
0x64d: {  	v56 =	vld [tilespmem:s26+$0x290]  }
0x64e: {  	v57 =	vmul.bf16 v51, v50;
	v4 =	vadd.bf16 v54, v53;
	v58 =	vld [tilespmem:s25+$0x290]  }
0x64f: {  	v59 =	vld [tilespmem:s26+$0x2A0]  }
0x650: {  	v60 =	vor.u32 $0xD, v1;
	v4 =	vadd.bf16 v57, v4;
	v61 =	vld [tilespmem:s25+$0x2A0]  }
0x651: {  	v62 =	vld [tilespmem:s26+$0x2B0]  }
0x652: {  	v63 =	vunpack.i.u.bf16.f32 v4;
	v4 =	vunpack.i.l.bf16.f32 v4;
	v16 =	vld [tilespmem:s25+$0x2B0]  }
0x653: {  	v4 =	vadd.f32 v4, v63;
	v3 =	vmul.bf16 v55, v3;
	v17 =	vmul.bf16 v58, v56;
	_ =	sdelay $0x1  }
0x654: {  	[tilespmem:v60+s19+$0x0] =	vst.idx.add.f32.msk $0xffff, v4;
	v18 =	vmul.bf16 v61, v59;
	v3 =	vadd.bf16 v17, v3  }
0x655: {  	v5 =	vld [tilespmem:s23+$0x300]  }
0x656: {  	v19 =	vld [tilespmem:s24+$0x300];
	v20 =	vmul.bf16 v16, v62;
	v3 =	vadd.bf16 v18, v3  }
0x657: {  	v21 =	vld [tilespmem:s23+$0x310]  }
0x658: {  	v23 =	vor.u32 $0xD, v2;
	v22 =	vld [tilespmem:s24+$0x310];
	v3 =	vadd.bf16 v20, v3  }
0x659: {  	v24 =	vld [tilespmem:s23+$0x320]  }
0x65a: {  	v25 =	vld [tilespmem:s24+$0x320];
	v26 =	vunpack.i.u.bf16.f32 v3;
	v3 =	vunpack.i.l.bf16.f32 v3  }
0x65b: {  	v27 =	vld [tilespmem:s23+$0x330];
	v3 =	vadd.f32 v3, v26  }
0x65c: {  	v28 =	vld [tilespmem:s24+$0x330]  }
0x65d: {  	v5 =	vmul.bf16 v19, v5;
	v29 =	vmul.bf16 v22, v21;
	[tilespmem:v23+s19+$0x0] =	vst.idx.add.f32.msk $0xffff, v3  }
0x65e: {  	v3 =	vld [tilespmem:s26+$0x300]  }
0x65f: {  	v31 =	vmul.bf16 v25, v24;
	v30 =	vadd.bf16 v29, v5;
	v32 =	vld [tilespmem:s25+$0x300]  }
0x660: {  	v33 =	vld [tilespmem:s26+$0x310]  }
0x661: {  	v34 =	vmul.bf16 v28, v27;
	v4 =	vadd.bf16 v31, v30;
	v35 =	vld [tilespmem:s25+$0x310]  }
0x662: {  	v36 =	vld [tilespmem:s26+$0x320]  }
0x663: {  	v37 =	vor.u32 $0xE, v1;
	v4 =	vadd.bf16 v34, v4;
	v38 =	vld [tilespmem:s25+$0x320]  }
0x664: {  	v39 =	vld [tilespmem:s26+$0x330]  }
0x665: {  	v40 =	vunpack.i.u.bf16.f32 v4;
	v4 =	vunpack.i.l.bf16.f32 v4;
	v41 =	vld [tilespmem:s25+$0x330]  }
0x666: {  	v4 =	vadd.f32 v4, v40;
	v3 =	vmul.bf16 v32, v3;
	v42 =	vmul.bf16 v35, v33;
	_ =	sdelay $0x1  }
0x667: {  	[tilespmem:v37+s19+$0x0] =	vst.idx.add.f32.msk $0xffff, v4;
	v43 =	vmul.bf16 v38, v36;
	v3 =	vadd.bf16 v42, v3  }
0x668: {  	v5 =	vld [tilespmem:s23+$0x380]  }
0x669: {  	v44 =	vld [tilespmem:s24+$0x380];
	v45 =	vmul.bf16 v41, v39;
	v3 =	vadd.bf16 v43, v3  }
0x66a: {  	v46 =	vld [tilespmem:s23+$0x390]  }
0x66b: {  	v48 =	vor.u32 $0xE, v2;
	v47 =	vld [tilespmem:s24+$0x390];
	v3 =	vadd.bf16 v45, v3  }
0x66c: {  	v49 =	vld [tilespmem:s23+$0x3A0]  }
0x66d: {  	v50 =	vld [tilespmem:s24+$0x3A0];
	v51 =	vunpack.i.u.bf16.f32 v3;
	v3 =	vunpack.i.l.bf16.f32 v3  }
0x66e: {  	v52 =	vld [tilespmem:s23+$0x3B0];
	v3 =	vadd.f32 v3, v51  }
0x66f: {  	v53 =	vld [tilespmem:s24+$0x3B0]  }
0x670: {  	[tilespmem:v48+s19+$0x0] =	vst.idx.add.f32.msk $0xffff, v3  }
0x671: {  	v3 =	vld [tilespmem:s26+$0x380]  }
0x672: {  	v4 =	vld [tilespmem:s25+$0x380]  }
0x673: {  	v54 =	vld [tilespmem:s26+$0x390]  }
0x674: {  	v14 =	vld [tilespmem:s25+$0x390]  }
0x675: {  	v15 =	vld [tilespmem:s26+$0x3A0]  }
0x676: {  	v16 =	vld [tilespmem:s25+$0x3A0]  }
0x677: {  	v17 =	vld [tilespmem:s26+$0x3B0]  }
0x678: {  	v5 =	vmul.bf16 v44, v5;
	v55 =	vmul.bf16 v47, v46;
	v56 =	vld [tilespmem:s25+$0x3B0]  }
0x679: {  	v3 =	vmul.bf16 v4, v3;
	v57 =	vmul.bf16 v14, v54  }
0x67a: {  	v58 =	vmul.bf16 v50, v49;
	v5 =	vadd.bf16 v55, v5  }
0x67b: {  	v59 =	vmul.bf16 v16, v15;
	v3 =	vadd.bf16 v57, v3  }
0x67c: {  	v60 =	vmul.bf16 v53, v52;
	v5 =	vadd.bf16 v58, v5  }
0x67d: {  	v61 =	vmul.bf16 v56, v17;
	v3 =	vadd.bf16 v59, v3  }
0x67e: {  	v1 =	vor.u32 $0xF, v1;
	v5 =	vadd.bf16 v60, v5  }
0x67f: {  	v2 =	vor.u32 $0xF, v2;
	v3 =	vadd.bf16 v61, v3  }
0x680: {  	v62 =	vunpack.i.u.bf16.f32 v5;
	v5 =	vunpack.i.l.bf16.f32 v5  }
0x681: {  	v4 =	vadd.f32 v5, v62;
	v63 =	vunpack.i.u.bf16.f32 v3;
	v3 =	vunpack.i.l.bf16.f32 v3  }
0x682: {  	v3 =	vadd.f32 v3, v63  }
0x683: {  	[tilespmem:v1+s19+$0x0] =	vst.idx.add.f32.msk $0xffff, v4  }
0x684: {  	s0 =	simm.s32 $0x0;
	[tilespmem:v2+s19+$0x0] =	vst.idx.add.f32.msk $0xffff, v3  }
0x685: {  	v1 =	vld [tilespmem:s0+$0x11680];
	_ =	sdelay $0x1  }
0x686: {  	s1 =	simm.s32 $0x10  }
0x687: {  	v2 =	vld [tilespmem:s1+$0x11680];
	_ =	sdelay $0x1  }
0x688: {  	v1 =	vsub.f32 $0.0e+00, v1;
	_ =	sdelay $0x1  }
0x689: {  	v1 =	vmul.f32 $1.442695020e+00, v1  }
0x68a: {  	v2 =	vsub.f32 $0.0e+00, v2  }
0x68b: {  	s10 =	simm.s32 $0x20;
	(erf) = vpow2.f32 v1  }
0x68c: {  	v1 =	vmul.f32 $1.442695020e+00, v2;
	v2 =	vld [tilespmem:s10+$0x11680];
	_ =	sdelay $0x1  }
0x68d: {  	(erf) = vpow2.f32 v1  }
0x68e: {  	s11 =	simm.s32 $0x30  }
0x68f: {  	v1 =	vld [tilespmem:s11+$0x11680]  }
0x690: {  	v2 =	vsub.f32 $0.0e+00, v2;
	_ =	sdelay $0x1  }
0x691: {  	v2 =	vmul.f32 $1.442695020e+00, v2  }
0x692: {  	v3 =	vpop (erf)  }
0x693: {  	v1 =	vsub.f32 $0.0e+00, v1;
	v3 =	vadd.f32 $1.000000000e+00, v3  }
0x694: {  	(erf) = vpow2.f32 v2  }
0x695: {  	v1 =	vmul.f32 $1.442695020e+00, v1;
	v2 =	vpop (erf);
	(erf) = vrcp.f32 v3  }
0x696: {  	s23 =	simm.s32 $0x40;
	v2 =	vadd.f32 $1.000000000e+00, v2  }
0x697: {  	(erf) = vpow2.f32 v1;
	v1 =	vld [tilespmem:s23+$0x11680]  }
0x698: {  	(erf) = vrcp.f32 v2;
	_ =	sdelay $0x2  }
0x699: {  	s24 =	simm.s32 $0x140  }
.LBB2_12:
0x69a: {  	s25 =	sshra.s32 s24, $0x2;
	v2 =	vsub.f32 $0.0e+00, v1;
	p0 =	sne.s32 s24, $0x9C00  }
.Ltmp5:
0x69b: {  	s24 =	sadd.s32 $0x40, s24;
	v1 =	vld [tilespmem:s25+$0x11680];
	v3 =	vpop (erf);
	(pc) =	sbr.rel @p0 .LBB2_12-.Ltmp5, $4  }
0x69c: {  	v2 =	vmul.f32 $1.442695020e+00, v2;
	v4 =	vpop (erf)  }
0x69d: {  	v3 =	vadd.f32 $1.000000000e+00, v3;
	[tilespmem:s0+$0x11680] =	vst v4;
	s0 =	smov.u32 s1;
	s1 =	smov.u32 s10;
	s10 =	smov.u32 s11  }
0x69e: {  	s11 =	smov.u32 s23;
	s23 =	smov.u32 s25;
	(erf) = vpow2.f32 v2  }
0x69f: {  	(erf) = vrcp.f32 v3  }
0x6a0: {  	v1 =	vsub.f32 $0.0e+00, v1;
	_ =	sdelay $0x1  }
0x6a1: {  	v1 =	vmul.f32 $1.442695020e+00, v1;
	_ =	sdelay $0x1  }
0x6a2: {  	(erf) = vpow2.f32 v1;
	_ =	sdelay $0x4  }
0x6a3: {  	v1 =	vpop (erf)  }
0x6a4: {  	v2 =	vpop (erf)  }
0x6a5: {  	v3 =	vpop (erf)  }
0x6a6: {  	v1 =	vadd.f32 $1.000000000e+00, v1;
	v4 =	vpop (erf)  }
0x6a7: {  	v3 =	vadd.f32 $1.000000000e+00, v3;
	v5 =	vpop (erf)  }
0x6a8: {  	(erf) = vrcp.f32 v1;
	v1 =	vadd.f32 $1.000000000e+00, v5  }
0x6a9: {  	(erf) = vrcp.f32 v3  }
0x6aa: {  	(erf) = vrcp.f32 v1;
	_ =	sdelay $0x5  }
0x6ab: {  	[tilespmem:s0+$0x11680] =	vst v2  }
0x6ac: {  	[tilespmem:s1+$0x11680] =	vst v4;
	v1 =	vpop (erf)  }
0x6ad: {  	s22 =	sadd.s32 $0x1, s22;
	[tilespmem:s10+$0x11680] =	vst v1;
	v1 =	vpop (erf)  }
0x6ae: {  	p0 =	sne.s32 s22, s8;
	[tilespmem:s11+$0x11680] =	vst v1;
	v1 =	vpop (erf)  }
.Ltmp6:
0x6af: {  	[tilespmem:s23+$0x11680] =	vst v1;
	(pc) =	sbr.rel @p0 .LBB2_1-.Ltmp6, $4  }
0x6b0: {  	[hbm4b:s7+s2] =	stream.linear.scatter [tilespmem:s19], [sflag:$0x5], $0x2710, $0x38;
	[tilespmem:$0x13E00] =	vst v63  }
0x6b1: {  	_ =	swait.ge [sflag:s9], $0x2710  }
0x6b2: {  	[sflag:s9] =	ssyncset.done $0x0  }
0x6b3: {  	s11 =	simm.s32 $0x2780;
	[sflag:s9] =	ssyncadd.s32 $0xFFFFD8F0  }
0x6b4: {  	_ =	sfence.sel $0x180000  }
0x6b5: {  	[bflag:$0x0] =	sbarrier.arrive $0xFFFF  }
0x6b6: {  	_ =	strace $0x90000047  }
0x6b7: {  	s0 =	stileid.u32;
	[bflag:$0x2] =	sbarrier.arrive $0xFFFF  }
0x6b8: {  	p0 =	sne.s32 s0, $0x0;
	s0 =	rddreg [dreg:$0x5]  }
0x6b9: {  	s0 =	sadd.s32 @!p0 $0x100000, s0  }
0x6ba: {  	[sflag:s0] =	ssyncadd.tile.s32 @!p0 $0x1;
	_ =	shalt  }
.Lfunc_end2:
_tile_overlayer_lowered:
.L_overlay_start_2:
0x6bb: {  	(tag) =	ssettag $0x2  }
0x6bc: {  	s0 =	rddreg [dreg:$0x0];
	s2 =	stileid.u32  }
0x6bd: {  	s1 =	rddreg [dreg:$0x1];
	p0 =	sne.s32 s2, $0x0  }
0x6be: {  	s3 =	rddreg [dreg:$0x2];
	[bflag:$0x3] =	sbarrier.arrive $0xFFFF;
	s2 =	simm.s32 @!p0 $0x1C05  }
0x6bf: {  	[timem:s3], [sflag:s2] =	dma.local @!p0 [hbm:s0], s1  }
0x6c0: {  	s0 =	simm.s32 @!p0 $0x5  }
0x6c1: {  	_ =	swait.ge @!p0 [sflag:s0], s1  }
0x6c2: {  	s1 =	ssub.s32 @!p0 $0x0, s1;
	[sflag:s0] =	ssyncset.done @!p0 $0x0  }
0x6c3: {  	[sflag:s0] =	ssyncadd.s32 @!p0 s1  }
0x6c4: {  	[bflag:$0x3] =	sbarrier.arrive $0xFFFF  }
0x6c5: {  	_ =	shalt  }

</sc_bundles>
